<compile_context>
chip_gen: v7x
topology: tpu7x:2x2x1
jax: 0.10.2.dev20260603
libtpu: 0.0.44.dev20260713+nightly
codegen_flags: <defaults>
</compile_context>

<pallas_src>
import functools

import jax
import jax.numpy as jnp
from jax import lax
from jax.experimental import pallas as pl
from jax.experimental.pallas import tpu as pltpu
from jax.experimental.pallas import tpu_sc as plsc

N = 16384
D = 128
P = 32
NW = 32
IPW = N // NW
HALF = IPW // 2
NCH = HALF * P // 128
NG = HALF // 16


def _sc_body(ie_hbm, at_hbm, emb_hbm, out_hbm,
             idx_v, aw_v, buf0, buf1, out_v, sem0, sem1):
    cid = lax.axis_index("c")
    sid = lax.axis_index("s")
    wid = sid * 2 + cid

    def half_body(h, carry):
        slab = wid * 2 + h
        ibase = wid * IPW + h * HALF

        pltpu.sync_copy(ie_hbm.at[slab], idx_v)
        pltpu.sync_copy(at_hbm.at[slab], aw_v)
        pltpu.sync_copy(emb_hbm.at[pl.ds(ibase, HALF)], out_v)

        def start(c, buf, sem):
            pltpu.make_async_copy(emb_hbm.at[idx_v.at[c]], buf, sem).start()

        def wait(buf, sem):
            pltpu.make_async_copy(emb_hbm.at[idx_v.at[0]], buf, sem).wait()

        def compute(c, buf):
            def item_body(sub, c2):
                r = c * 4 + sub
                rb = sub * P
                w0 = aw_v[pl.ds(r * P, 16)]
                w1 = aw_v[pl.ds(r * P + 16, 16)]
                acc = [out_v[r, pl.ds(j * 16, 16)] for j in range(8)]
                for p in range(P):
                    wgt = w0[p] if p < 16 else w1[p - 16]
                    for j in range(8):
                        acc[j] = acc[j] + wgt * buf[rb + p, pl.ds(j * 16, 16)]
                for j in range(8):
                    out_v[r, pl.ds(j * 16, 16)] = acc[j]
                return c2
            lax.fori_loop(0, 4, item_body, 0)

        start(0, buf0, sem0)

        def c2_body(c2, carry2):
            c0 = c2 * 2
            start(c0 + 1, buf1, sem1)
            wait(buf0, sem0)
            compute(c0, buf0)

            @pl.when(c0 + 2 < NCH)
            def _():
                start(c0 + 2, buf0, sem0)
            wait(buf1, sem1)
            compute(c0 + 1, buf1)
            return carry2
        lax.fori_loop(0, NCH // 2, c2_body, 0)

        pltpu.sync_copy(out_v, out_hbm.at[pl.ds(ibase, HALF)])
        return carry
    lax.fori_loop(0, 2, half_body, 0)


def _softmax_body(x_ref, o_ref):
    x = x_ref[...]
    m = jnp.max(x, axis=1, keepdims=True)
    e = jnp.exp(x - m)
    o_ref[...] = e / jnp.sum(e, axis=1, keepdims=True)


def _softmax_tc(att):
    return pl.pallas_call(
        _softmax_body,
        out_shape=jax.ShapeDtypeStruct((N, P), jnp.float32),
        grid=(8,),
        in_specs=[pl.BlockSpec((N // 8, P), lambda i: (i, 0))],
        out_specs=pl.BlockSpec((N // 8, P), lambda i: (i, 0)),
    )(att)


@jax.jit
def kernel(item_entities, entiEmbs, att):
    ie = item_entities.reshape(NW * 2, NCH, 128)
    at = _softmax_tc(att).reshape(NW * 2, HALF * P)

    mesh = plsc.VectorSubcoreMesh(core_axis_name="c", subcore_axis_name="s")
    f = pl.kernel(
        _sc_body,
        out_type=jax.ShapeDtypeStruct((N, D), jnp.float32),
        mesh=mesh,
        scratch_types=[
            pltpu.VMEM((NCH, 128), jnp.int32),
            pltpu.VMEM((HALF * P,), jnp.float32),
            pltpu.VMEM((128, D), jnp.float32),
            pltpu.VMEM((128, D), jnp.float32),
            pltpu.VMEM((HALF, D), jnp.float32),
            pltpu.SemaphoreType.DMA,
            pltpu.SemaphoreType.DMA,
        ],
    )
    return f(ie, at, entiEmbs)

# --- scband reference (transcript-rebuilt; emitter-appended) ---
"""Pipeline reference for scband-blmlp-50225347559739 (READ-ONLY COPY).

The authoritative reference and input builder live on the scoring server;
editing this copy changes nothing except your own understanding.
"""

import jax, jax.numpy as jnp
import numpy as np

N_ITEMS = 16384
ENTITIES = 100000
LATDIM = 128
EPI = 32


def _xavier_uniform(key, shape):
    fan_in, fan_out = shape[0], shape[1]
    a = float(np.sqrt(6.0 / (fan_in + fan_out)))
    return jax.random.uniform(key, shape, dtype=jnp.float32, minval=-a, maxval=a)


def setup_inputs(seed: int = 0) -> dict:
    key = jax.random.key(seed)
    k1, k2, k3 = jax.random.split(key, 3)
    # forward-path indices: each item points to EPI knowledge-graph entities
    item_entities = jax.random.randint(k1, (N_ITEMS, EPI), 0, ENTITIES + 1, dtype=jnp.int32)
    # learned parameters (xavier_uniform init, as in the torch module)
    entiEmbs = _xavier_uniform(k2, (ENTITIES + 1, LATDIM))
    att = _xavier_uniform(k3, (N_ITEMS, EPI))
    return {"item_entities": item_entities, "entiEmbs": entiEmbs, "att": att}


def reference(item_entities, entiEmbs, att):
    # BLMLP.getItemEmbeds():
    # entity_embs = entiEmbs[item_entities]                      [N, P, D] gather
    entity_embs = jnp.take(entiEmbs, item_entities, axis=0)
    # att = softmax(att, dim=1)
    a = jax.nn.softmax(att, axis=1)
    # bmm(att.unsqueeze(1), entity_embs).squeeze() -> [N, D]
    entity_emb_weighted = jnp.einsum("np,npd->nd", a, entity_embs)
    # + entiEmbs[:n_items]
    return entity_emb_weighted + entiEmbs[:N_ITEMS]

if __name__ == "__main__":
    import jax
    _d = setup_inputs()
    print(jax.jit(kernel)(*tuple(_d.values())))

</pallas_src>

<mosaic_0001>
#map = affine_map<(d0, d1) -> (0, 0, 0)>
#map1 = affine_map<(d0, d1) -> (0, 0)>
module attributes {stable_mosaic.version = 14 : i64} {
  func.func @_sc_body(%arg0: i32, %arg1: i32, %arg2: memref<64x64x128xi32, #tpu.memory_space<hbm>>, %arg3: memref<64x8192xf32, #tpu.memory_space<hbm>>, %arg4: memref<100001x128xf32, #tpu.memory_space<hbm>>, %arg5: memref<16384x128xf32, #tpu.memory_space<hbm>>, %arg6: memref<64x128xi32, #tpu.memory_space<vmem>>, %arg7: memref<8192xf32, #tpu.memory_space<vmem>>, %arg8: memref<128x128xf32, #tpu.memory_space<vmem>>, %arg9: memref<128x128xf32, #tpu.memory_space<vmem>>, %arg10: memref<256x128xf32, #tpu.memory_space<vmem>>, %arg11: memref<!tpu.dma_semaphore, #tpu.memory_space<semaphore_mem>>, %arg12: memref<!tpu.dma_semaphore, #tpu.memory_space<semaphore_mem>>) attributes {dimension_semantics = [#tpu.dimension_semantics<core_parallel>, #tpu.dimension_semantics<subcore_parallel>], iteration_bounds = array<i64: 2, 16>, scalar_prefetch = 0 : i64, scratch_operands = 7 : i64, tpu.core_type = #tpu.core_type<sc_vector_subcore>, window_params = [{transform_indices = #map}, {transform_indices = #map1}, {transform_indices = #map1}, {transform_indices = #map1}]} {
    %mul3A = arith.constant 2 : i32
    %mul3A_0 = arith.muli %arg1, %mul3A : i32
    %add3A = arith.addi %mul3A_0, %arg0 : i32
    %scan3A = arith.constant 0 : i32
    %scan3A_1 = arith.constant 0 : i32
    %scan3A_2 = arith.constant 2 : i32
    %scan3A_3 = arith.addi %scan3A_1, %scan3A_2 : i32
    %scan3A_4 = arith.constant 1 : i32
    scf.for %scan3A_6 = %scan3A_1 to %scan3A_3 step %scan3A_4  : i32 {
      %mul3A_7 = arith.constant 2 : i32
      %mul3A_8 = arith.muli %add3A, %mul3A_7 : i32
      %add3A_9 = arith.addi %mul3A_8, %scan3A_6 : i32
      %mul3A_10 = arith.constant 512 : i32
      %mul3A_11 = arith.muli %add3A, %mul3A_10 : i32
      %mul3A_12 = arith.constant 256 : i32
      %mul3A_13 = arith.muli %scan3A_6, %mul3A_12 : i32
      %add3A_14 = arith.addi %mul3A_11, %mul3A_13 : i32
      "tpu.region"() ({
        %run_scoped3A = tpu.sem_alloc : memref<!tpu.dma_semaphore, #tpu.memory_space<semaphore_mem>>
        %dma_start3A_27 = arith.constant 0 : i32
        %dma_start3A_28 = arith.constant 0 : i32
        %dma_start3A_29 = tpu.memref_slice %arg2[%add3A_9, %dma_start3A_27, %dma_start3A_28] : memref<64x64x128xi32, #tpu.memory_space<hbm>> -> memref<1x64x128xi32, #tpu.memory_space<hbm>>
        %dma_start3A_30 = tpu.memref_squeeze %dma_start3A_29 : memref<1x64x128xi32, #tpu.memory_space<hbm>> -> memref<64x128xi32, #tpu.memory_space<hbm>>
        %dma_start3A_31 = arith.constant 0 : i32
        %dma_start3A_32 = arith.constant 0 : i32
        %dma_start3A_33 = tpu.memref_slice %arg2[%add3A_9, %dma_start3A_31, %dma_start3A_32] : memref<64x64x128xi32, #tpu.memory_space<hbm>> -> memref<1x64x128xi32, #tpu.memory_space<hbm>>
        %dma_start3A_34 = tpu.memref_squeeze %dma_start3A_33 : memref<1x64x128xi32, #tpu.memory_space<hbm>> -> memref<64x128xi32, #tpu.memory_space<hbm>>
        tpu.enqueue_dma source(%dma_start3A_34 : memref<64x128xi32, #tpu.memory_space<hbm>>) target(%arg6 : memref<64x128xi32, #tpu.memory_space<vmem>>) target_semaphore(%run_scoped3A : memref<!tpu.dma_semaphore, #tpu.memory_space<semaphore_mem>>)
        %dma_wait3A = arith.constant 0 : i32
        %dma_wait3A_35 = arith.constant 0 : i32
        %dma_wait3A_36 = tpu.memref_slice %arg2[%add3A_9, %dma_wait3A, %dma_wait3A_35] : memref<64x64x128xi32, #tpu.memory_space<hbm>> -> memref<1x64x128xi32, #tpu.memory_space<hbm>>
        %dma_wait3A_37 = tpu.memref_squeeze %dma_wait3A_36 : memref<1x64x128xi32, #tpu.memory_space<hbm>> -> memref<64x128xi32, #tpu.memory_space<hbm>>
        %dma_wait3A_38 = arith.constant 0 : i32
        %dma_wait3A_39 = arith.constant 0 : i32
        %dma_wait3A_40 = tpu.memref_slice %arg2[%add3A_9, %dma_wait3A_38, %dma_wait3A_39] : memref<64x64x128xi32, #tpu.memory_space<hbm>> -> memref<1x64x128xi32, #tpu.memory_space<hbm>>
        %dma_wait3A_41 = tpu.memref_squeeze %dma_wait3A_40 : memref<1x64x128xi32, #tpu.memory_space<hbm>> -> memref<64x128xi32, #tpu.memory_space<hbm>>
        tpu.wait_dma2 semaphore(%run_scoped3A : memref<!tpu.dma_semaphore, #tpu.memory_space<semaphore_mem>>) src(%dma_wait3A_41 : memref<64x128xi32, #tpu.memory_space<hbm>>) dst(%arg6 : memref<64x128xi32, #tpu.memory_space<vmem>>)
        tpu.yield
      }) : () -> ()
      "tpu.region"() ({
        %run_scoped3A = tpu.sem_alloc : memref<!tpu.dma_semaphore, #tpu.memory_space<semaphore_mem>>
        %dma_start3A_27 = arith.constant 0 : i32
        %dma_start3A_28 = tpu.memref_slice %arg3[%add3A_9, %dma_start3A_27] : memref<64x8192xf32, #tpu.memory_space<hbm>> -> memref<1x8192xf32, #tpu.memory_space<hbm>>
        %dma_start3A_29 = tpu.memref_squeeze %dma_start3A_28 : memref<1x8192xf32, #tpu.memory_space<hbm>> -> memref<8192xf32, #tpu.memory_space<hbm>>
        %dma_start3A_30 = arith.constant 0 : i32
        %dma_start3A_31 = tpu.memref_slice %arg3[%add3A_9, %dma_start3A_30] : memref<64x8192xf32, #tpu.memory_space<hbm>> -> memref<1x8192xf32, #tpu.memory_space<hbm>>
        %dma_start3A_32 = tpu.memref_squeeze %dma_start3A_31 : memref<1x8192xf32, #tpu.memory_space<hbm>> -> memref<8192xf32, #tpu.memory_space<hbm>>
        tpu.enqueue_dma source(%dma_start3A_32 : memref<8192xf32, #tpu.memory_space<hbm>>) target(%arg7 : memref<8192xf32, #tpu.memory_space<vmem>>) target_semaphore(%run_scoped3A : memref<!tpu.dma_semaphore, #tpu.memory_space<semaphore_mem>>)
        %dma_wait3A = arith.constant 0 : i32
        %dma_wait3A_33 = tpu.memref_slice %arg3[%add3A_9, %dma_wait3A] : memref<64x8192xf32, #tpu.memory_space<hbm>> -> memref<1x8192xf32, #tpu.memory_space<hbm>>
        %dma_wait3A_34 = tpu.memref_squeeze %dma_wait3A_33 : memref<1x8192xf32, #tpu.memory_space<hbm>> -> memref<8192xf32, #tpu.memory_space<hbm>>
        %dma_wait3A_35 = arith.constant 0 : i32
        %dma_wait3A_36 = tpu.memref_slice %arg3[%add3A_9, %dma_wait3A_35] : memref<64x8192xf32, #tpu.memory_space<hbm>> -> memref<1x8192xf32, #tpu.memory_space<hbm>>
        %dma_wait3A_37 = tpu.memref_squeeze %dma_wait3A_36 : memref<1x8192xf32, #tpu.memory_space<hbm>> -> memref<8192xf32, #tpu.memory_space<hbm>>
        tpu.wait_dma2 semaphore(%run_scoped3A : memref<!tpu.dma_semaphore, #tpu.memory_space<semaphore_mem>>) src(%dma_wait3A_37 : memref<8192xf32, #tpu.memory_space<hbm>>) dst(%arg7 : memref<8192xf32, #tpu.memory_space<vmem>>)
        tpu.yield
      }) : () -> ()
      "tpu.region"() ({
        %run_scoped3A = tpu.sem_alloc : memref<!tpu.dma_semaphore, #tpu.memory_space<semaphore_mem>>
        %dma_start3A_27 = arith.constant 0 : i32
        %dma_start3A_28 = tpu.memref_slice %arg4[%add3A_14, %dma_start3A_27] : memref<100001x128xf32, #tpu.memory_space<hbm>> -> memref<256x128xf32, #tpu.memory_space<hbm>>
        %dma_start3A_29 = arith.constant 0 : i32
        %dma_start3A_30 = tpu.memref_slice %arg4[%add3A_14, %dma_start3A_29] : memref<100001x128xf32, #tpu.memory_space<hbm>> -> memref<256x128xf32, #tpu.memory_space<hbm>>
        tpu.enqueue_dma source(%dma_start3A_30 : memref<256x128xf32, #tpu.memory_space<hbm>>) target(%arg10 : memref<256x128xf32, #tpu.memory_space<vmem>>) target_semaphore(%run_scoped3A : memref<!tpu.dma_semaphore, #tpu.memory_space<semaphore_mem>>)
        %dma_wait3A = arith.constant 0 : i32
        %dma_wait3A_31 = tpu.memref_slice %arg4[%add3A_14, %dma_wait3A] : memref<100001x128xf32, #tpu.memory_space<hbm>> -> memref<256x128xf32, #tpu.memory_space<hbm>>
        %dma_wait3A_32 = arith.constant 0 : i32
        %dma_wait3A_33 = tpu.memref_slice %arg4[%add3A_14, %dma_wait3A_32] : memref<100001x128xf32, #tpu.memory_space<hbm>> -> memref<256x128xf32, #tpu.memory_space<hbm>>
        tpu.wait_dma2 semaphore(%run_scoped3A : memref<!tpu.dma_semaphore, #tpu.memory_space<semaphore_mem>>) src(%dma_wait3A_33 : memref<256x128xf32, #tpu.memory_space<hbm>>) dst(%arg10 : memref<256x128xf32, #tpu.memory_space<vmem>>)
        tpu.yield
      }) : () -> ()
      %dma_start3A = arith.constant 0 : i32
      %dma_start3A_15 = arith.constant 0 : i32
      %dma_start3A_16 = tpu.memref_slice %arg6[%dma_start3A, %dma_start3A_15] : memref<64x128xi32, #tpu.memory_space<vmem>> -> memref<1x128xi32, #tpu.memory_space<vmem>>
      %dma_start3A_17 = tpu.memref_squeeze %dma_start3A_16 : memref<1x128xi32, #tpu.memory_space<vmem>> -> memref<128xi32, #tpu.memory_space<vmem>>
      %dma_start3A_18 = arith.constant 0 : i32
      %dma_start3A_19 = arith.constant 0 : i32
      %dma_start3A_20 = tpu.memref_slice %arg4[%dma_start3A_18, %dma_start3A_19] : memref<100001x128xf32, #tpu.memory_space<hbm>> -> memref<100001x128xf32, #tpu.memory_space<hbm>>
      tpu.enqueue_indirect_dma source(%dma_start3A_20 : memref<100001x128xf32, #tpu.memory_space<hbm>>) target(%arg8 : memref<128x128xf32, #tpu.memory_space<vmem>>) offsets(%dma_start3A_17 : memref<128xi32, #tpu.memory_space<vmem>>) semaphore(%arg11 : memref<!tpu.dma_semaphore, #tpu.memory_space<semaphore_mem>>)
      %scan3A_21 = arith.constant 0 : i32
      %scan3A_22 = arith.constant 0 : i32
      %scan3A_23 = arith.constant 32 : i32
      %scan3A_24 = arith.addi %scan3A_22, %scan3A_23 : i32
      %scan3A_25 = arith.constant 1 : i32
      scf.for %scan3A_27 = %scan3A_22 to %scan3A_24 step %scan3A_25  : i32 {
        %mul3A_28 = arith.constant 2 : i32
        %mul3A_29 = arith.muli %scan3A_27, %mul3A_28 : i32
        %add3A_30 = arith.constant 1 : i32
        %add3A_31 = arith.addi %mul3A_29, %add3A_30 : i32
        %dma_start3A_32 = arith.constant 0 : i32
        %dma_start3A_33 = tpu.memref_slice %arg6[%add3A_31, %dma_start3A_32] : memref<64x128xi32, #tpu.memory_space<vmem>> -> memref<1x128xi32, #tpu.memory_space<vmem>>
        %dma_start3A_34 = tpu.memref_squeeze %dma_start3A_33 : memref<1x128xi32, #tpu.memory_space<vmem>> -> memref<128xi32, #tpu.memory_space<vmem>>
        %dma_start3A_35 = arith.constant 0 : i32
        %dma_start3A_36 = arith.constant 0 : i32
        %dma_start3A_37 = tpu.memref_slice %arg4[%dma_start3A_35, %dma_start3A_36] : memref<100001x128xf32, #tpu.memory_space<hbm>> -> memref<100001x128xf32, #tpu.memory_space<hbm>>
        tpu.enqueue_indirect_dma source(%dma_start3A_37 : memref<100001x128xf32, #tpu.memory_space<hbm>>) target(%arg9 : memref<128x128xf32, #tpu.memory_space<vmem>>) offsets(%dma_start3A_34 : memref<128xi32, #tpu.memory_space<vmem>>) semaphore(%arg12 : memref<!tpu.dma_semaphore, #tpu.memory_space<semaphore_mem>>)
        %dma_wait3A = arith.constant 0 : i32
        %dma_wait3A_38 = arith.constant 0 : i32
        %dma_wait3A_39 = tpu.memref_slice %arg6[%dma_wait3A, %dma_wait3A_38] : memref<64x128xi32, #tpu.memory_space<vmem>> -> memref<1x128xi32, #tpu.memory_space<vmem>>
        %dma_wait3A_40 = tpu.memref_squeeze %dma_wait3A_39 : memref<1x128xi32, #tpu.memory_space<vmem>> -> memref<128xi32, #tpu.memory_space<vmem>>
        %dma_wait3A_41 = arith.constant 0 : i32
        %dma_wait3A_42 = arith.constant 0 : i32
        %dma_wait3A_43 = tpu.memref_slice %arg4[%dma_wait3A_41, %dma_wait3A_42] : memref<100001x128xf32, #tpu.memory_space<hbm>> -> memref<100001x128xf32, #tpu.memory_space<hbm>>
        tpu.wait_indirect_dma semaphore(%arg11 : memref<!tpu.dma_semaphore, #tpu.memory_space<semaphore_mem>>) src(%dma_wait3A_43 : memref<100001x128xf32, #tpu.memory_space<hbm>>) dst(%arg8 : memref<128x128xf32, #tpu.memory_space<vmem>>)
        %scan3A_44 = arith.constant 0 : i32
        %scan3A_45 = arith.constant 0 : i32
        %scan3A_46 = arith.constant 4 : i32
        %scan3A_47 = arith.addi %scan3A_45, %scan3A_46 : i32
        %scan3A_48 = arith.constant 1 : i32
        scf.for %scan3A_69 = %scan3A_45 to %scan3A_47 step %scan3A_48  : i32 {
          %mul3A_70 = arith.constant 4 : i32
          %mul3A_71 = arith.muli %mul3A_29, %mul3A_70 : i32
          %add3A_72 = arith.addi %mul3A_71, %scan3A_69 : i32
          %mul3A_73 = arith.constant 32 : i32
          %mul3A_74 = arith.muli %scan3A_69, %mul3A_73 : i32
          %mul3A_75 = arith.constant 32 : i32
          %mul3A_76 = arith.muli %add3A_72, %mul3A_75 : i32
          %get3A = arith.index_cast %mul3A_76 : i32 to index
          %get3A_77 = tpu.vector_load %arg7[%get3A] {strides = array<i32>} : memref<8192xf32, #tpu.memory_space<vmem>>, vector<16xf32>,
          %get3A_78 = vector.shape_cast %get3A_77 : vector<16xf32> to vector<16xf32>
          %mul3A_79 = arith.constant 32 : i32
          %mul3A_80 = arith.muli %add3A_72, %mul3A_79 : i32
          %add3A_81 = arith.constant 16 : i32
          %add3A_82 = arith.addi %mul3A_80, %add3A_81 : i32
          %get3A_83 = arith.index_cast %add3A_82 : i32 to index
          %get3A_84 = tpu.vector_load %arg7[%get3A_83] {strides = array<i32>} : memref<8192xf32, #tpu.memory_space<vmem>>, vector<16xf32>,
          %get3A_85 = vector.shape_cast %get3A_84 : vector<16xf32> to vector<16xf32>
          %get3A_86 = arith.index_cast %add3A_72 : i32 to index
          %get3A_87 = arith.constant 0 : index
          %get3A_88 = tpu.vector_load %arg10[%get3A_86, %get3A_87] {strides = array<i32>} : memref<256x128xf32, #tpu.memory_space<vmem>>, vector<1x16xf32>,
          %get3A_89 = vector.shape_cast %get3A_88 : vector<1x16xf32> to vector<16xf32>
          %get3A_90 = arith.index_cast %add3A_72 : i32 to index
          %get3A_91 = arith.constant 16 : index
          %get3A_92 = tpu.vector_load %arg10[%get3A_90, %get3A_91] {strides = array<i32>} : memref<256x128xf32, #tpu.memory_space<vmem>>, vector<1x16xf32>,
          %get3A_93 = vector.shape_cast %get3A_92 : vector<1x16xf32> to vector<16xf32>
          %get3A_94 = arith.index_cast %add3A_72 : i32 to index
          %get3A_95 = arith.constant 32 : index
          %get3A_96 = tpu.vector_load %arg10[%get3A_94, %get3A_95] {strides = array<i32>} : memref<256x128xf32, #tpu.memory_space<vmem>>, vector<1x16xf32>,
          %get3A_97 = vector.shape_cast %get3A_96 : vector<1x16xf32> to vector<16xf32>
          %get3A_98 = arith.index_cast %add3A_72 : i32 to index
          %get3A_99 = arith.constant 48 : index
          %get3A_100 = tpu.vector_load %arg10[%get3A_98, %get3A_99] {strides = array<i32>} : memref<256x128xf32, #tpu.memory_space<vmem>>, vector<1x16xf32>,
          %get3A_101 = vector.shape_cast %get3A_100 : vector<1x16xf32> to vector<16xf32>
          %get3A_102 = arith.index_cast %add3A_72 : i32 to index
          %get3A_103 = arith.constant 64 : index
          %get3A_104 = tpu.vector_load %arg10[%get3A_102, %get3A_103] {strides = array<i32>} : memref<256x128xf32, #tpu.memory_space<vmem>>, vector<1x16xf32>,
          %get3A_105 = vector.shape_cast %get3A_104 : vector<1x16xf32> to vector<16xf32>
          %get3A_106 = arith.index_cast %add3A_72 : i32 to index
          %get3A_107 = arith.constant 80 : index
          %get3A_108 = tpu.vector_load %arg10[%get3A_106, %get3A_107] {strides = array<i32>} : memref<256x128xf32, #tpu.memory_space<vmem>>, vector<1x16xf32>,
          %get3A_109 = vector.shape_cast %get3A_108 : vector<1x16xf32> to vector<16xf32>
          %get3A_110 = arith.index_cast %add3A_72 : i32 to index
          %get3A_111 = arith.constant 96 : index
          %get3A_112 = tpu.vector_load %arg10[%get3A_110, %get3A_111] {strides = array<i32>} : memref<256x128xf32, #tpu.memory_space<vmem>>, vector<1x16xf32>,
          %get3A_113 = vector.shape_cast %get3A_112 : vector<1x16xf32> to vector<16xf32>
          %get3A_114 = arith.index_cast %add3A_72 : i32 to index
          %get3A_115 = arith.constant 112 : index
          %get3A_116 = tpu.vector_load %arg10[%get3A_114, %get3A_115] {strides = array<i32>} : memref<256x128xf32, #tpu.memory_space<vmem>>, vector<1x16xf32>,
          %get3A_117 = vector.shape_cast %get3A_116 : vector<1x16xf32> to vector<16xf32>
          %slice3A = vector.extract_strided_slice %get3A_78 {offsets = [0], sizes = [1], strides = [1]} : vector<16xf32> to vector<1xf32>
          %squeeze3A = vector.extract %slice3A[0] : f32 from vector<1xf32>
          %add3A_118 = arith.constant 0 : i32
          %add3A_119 = arith.addi %mul3A_74, %add3A_118 : i32
          %get3A_120 = arith.index_cast %add3A_119 : i32 to index
          %get3A_121 = arith.constant 0 : index
          %get3A_122 = tpu.vector_load %arg8[%get3A_120, %get3A_121] {strides = array<i32>} : memref<128x128xf32, #tpu.memory_space<vmem>>, vector<1x16xf32>,
          %get3A_123 = vector.shape_cast %get3A_122 : vector<1x16xf32> to vector<16xf32>
          %mul3A_124 = vector.broadcast %squeeze3A : f32 to vector<16xf32>
          %mul3A_125 = arith.mulf %mul3A_124, %get3A_123 : vector<16xf32>
          %add3A_126 = arith.addf %get3A_89, %mul3A_125 : vector<16xf32>
          %add3A_127 = arith.constant 0 : i32
          %add3A_128 = arith.addi %mul3A_74, %add3A_127 : i32
          %get3A_129 = arith.index_cast %add3A_128 : i32 to index
          %get3A_130 = arith.constant 16 : index
          %get3A_131 = tpu.vector_load %arg8[%get3A_129, %get3A_130] {strides = array<i32>} : memref<128x128xf32, #tpu.memory_space<vmem>>, vector<1x16xf32>,
          %get3A_132 = vector.shape_cast %get3A_131 : vector<1x16xf32> to vector<16xf32>
          %mul3A_133 = vector.broadcast %squeeze3A : f32 to vector<16xf32>
          %mul3A_134 = arith.mulf %mul3A_133, %get3A_132 : vector<16xf32>
          %add3A_135 = arith.addf %get3A_93, %mul3A_134 : vector<16xf32>
          %add3A_136 = arith.constant 0 : i32
          %add3A_137 = arith.addi %mul3A_74, %add3A_136 : i32
          %get3A_138 = arith.index_cast %add3A_137 : i32 to index
          %get3A_139 = arith.constant 32 : index
          %get3A_140 = tpu.vector_load %arg8[%get3A_138, %get3A_139] {strides = array<i32>} : memref<128x128xf32, #tpu.memory_space<vmem>>, vector<1x16xf32>,
          %get3A_141 = vector.shape_cast %get3A_140 : vector<1x16xf32> to vector<16xf32>
          %mul3A_142 = vector.broadcast %squeeze3A : f32 to vector<16xf32>
          %mul3A_143 = arith.mulf %mul3A_142, %get3A_141 : vector<16xf32>
          %add3A_144 = arith.addf %get3A_97, %mul3A_143 : vector<16xf32>
          %add3A_145 = arith.constant 0 : i32
          %add3A_146 = arith.addi %mul3A_74, %add3A_145 : i32
          %get3A_147 = arith.index_cast %add3A_146 : i32 to index
          %get3A_148 = arith.constant 48 : index
          %get3A_149 = tpu.vector_load %arg8[%get3A_147, %get3A_148] {strides = array<i32>} : memref<128x128xf32, #tpu.memory_space<vmem>>, vector<1x16xf32>,
          %get3A_150 = vector.shape_cast %get3A_149 : vector<1x16xf32> to vector<16xf32>
          %mul3A_151 = vector.broadcast %squeeze3A : f32 to vector<16xf32>
          %mul3A_152 = arith.mulf %mul3A_151, %get3A_150 : vector<16xf32>
          %add3A_153 = arith.addf %get3A_101, %mul3A_152 : vector<16xf32>
          %add3A_154 = arith.constant 0 : i32
          %add3A_155 = arith.addi %mul3A_74, %add3A_154 : i32
          %get3A_156 = arith.index_cast %add3A_155 : i32 to index
          %get3A_157 = arith.constant 64 : index
          %get3A_158 = tpu.vector_load %arg8[%get3A_156, %get3A_157] {strides = array<i32>} : memref<128x128xf32, #tpu.memory_space<vmem>>, vector<1x16xf32>,
          %get3A_159 = vector.shape_cast %get3A_158 : vector<1x16xf32> to vector<16xf32>
          %mul3A_160 = vector.broadcast %squeeze3A : f32 to vector<16xf32>
          %mul3A_161 = arith.mulf %mul3A_160, %get3A_159 : vector<16xf32>
          %add3A_162 = arith.addf %get3A_105, %mul3A_161 : vector<16xf32>
          %add3A_163 = arith.constant 0 : i32
          %add3A_164 = arith.addi %mul3A_74, %add3A_163 : i32
          %get3A_165 = arith.index_cast %add3A_164 : i32 to index
          %get3A_166 = arith.constant 80 : index
          %get3A_167 = tpu.vector_load %arg8[%get3A_165, %get3A_166] {strides = array<i32>} : memref<128x128xf32, #tpu.memory_space<vmem>>, vector<1x16xf32>,
          %get3A_168 = vector.shape_cast %get3A_167 : vector<1x16xf32> to vector<16xf32>
          %mul3A_169 = vector.broadcast %squeeze3A : f32 to vector<16xf32>
          %mul3A_170 = arith.mulf %mul3A_169, %get3A_168 : vector<16xf32>
          %add3A_171 = arith.addf %get3A_109, %mul3A_170 : vector<16xf32>
          %add3A_172 = arith.constant 0 : i32
          %add3A_173 = arith.addi %mul3A_74, %add3A_172 : i32
          %get3A_174 = arith.index_cast %add3A_173 : i32 to index
          %get3A_175 = arith.constant 96 : index
          %get3A_176 = tpu.vector_load %arg8[%get3A_174, %get3A_175] {strides = array<i32>} : memref<128x128xf32, #tpu.memory_space<vmem>>, vector<1x16xf32>,
          %get3A_177 = vector.shape_cast %get3A_176 : vector<1x16xf32> to vector<16xf32>
          %mul3A_178 = vector.broadcast %squeeze3A : f32 to vector<16xf32>
          %mul3A_179 = arith.mulf %mul3A_178, %get3A_177 : vector<16xf32>
          %add3A_180 = arith.addf %get3A_113, %mul3A_179 : vector<16xf32>
          %add3A_181 = arith.constant 0 : i32
          %add3A_182 = arith.addi %mul3A_74, %add3A_181 : i32
          %get3A_183 = arith.index_cast %add3A_182 : i32 to index
          %get3A_184 = arith.constant 112 : index
          %get3A_185 = tpu.vector_load %arg8[%get3A_183, %get3A_184] {strides = array<i32>} : memref<128x128xf32, #tpu.memory_space<vmem>>, vector<1x16xf32>,
          %get3A_186 = vector.shape_cast %get3A_185 : vector<1x16xf32> to vector<16xf32>
          %mul3A_187 = vector.broadcast %squeeze3A : f32 to vector<16xf32>
          %mul3A_188 = arith.mulf %mul3A_187, %get3A_186 : vector<16xf32>
          %add3A_189 = arith.addf %get3A_117, %mul3A_188 : vector<16xf32>
          %slice3A_190 = vector.extract_strided_slice %get3A_78 {offsets = [1], sizes = [1], strides = [1]} : vector<16xf32> to vector<1xf32>
          %squeeze3A_191 = vector.extract %slice3A_190[0] : f32 from vector<1xf32>
          %add3A_192 = arith.constant 1 : i32
          %add3A_193 = arith.addi %mul3A_74, %add3A_192 : i32
          %get3A_194 = arith.index_cast %add3A_193 : i32 to index
          %get3A_195 = arith.constant 0 : index
          %get3A_196 = tpu.vector_load %arg8[%get3A_194, %get3A_195] {strides = array<i32>} : memref<128x128xf32, #tpu.memory_space<vmem>>, vector<1x16xf32>,
          %get3A_197 = vector.shape_cast %get3A_196 : vector<1x16xf32> to vector<16xf32>
          %mul3A_198 = vector.broadcast %squeeze3A_191 : f32 to vector<16xf32>
          %mul3A_199 = arith.mulf %mul3A_198, %get3A_197 : vector<16xf32>
          %add3A_200 = arith.addf %add3A_126, %mul3A_199 : vector<16xf32>
          %add3A_201 = arith.constant 1 : i32
          %add3A_202 = arith.addi %mul3A_74, %add3A_201 : i32
          %get3A_203 = arith.index_cast %add3A_202 : i32 to index
          %get3A_204 = arith.constant 16 : index
          %get3A_205 = tpu.vector_load %arg8[%get3A_203, %get3A_204] {strides = array<i32>} : memref<128x128xf32, #tpu.memory_space<vmem>>, vector<1x16xf32>,
          %get3A_206 = vector.shape_cast %get3A_205 : vector<1x16xf32> to vector<16xf32>
          %mul3A_207 = vector.broadcast %squeeze3A_191 : f32 to vector<16xf32>
          %mul3A_208 = arith.mulf %mul3A_207, %get3A_206 : vector<16xf32>
          %add3A_209 = arith.addf %add3A_135, %mul3A_208 : vector<16xf32>
          %add3A_210 = arith.constant 1 : i32
          %add3A_211 = arith.addi %mul3A_74, %add3A_210 : i32
          %get3A_212 = arith.index_cast %add3A_211 : i32 to index
          %get3A_213 = arith.constant 32 : index
          %get3A_214 = tpu.vector_load %arg8[%get3A_212, %get3A_213] {strides = array<i32>} : memref<128x128xf32, #tpu.memory_space<vmem>>, vector<1x16xf32>,
          %get3A_215 = vector.shape_cast %get3A_214 : vector<1x16xf32> to vector<16xf32>
          %mul3A_216 = vector.broadcast %squeeze3A_191 : f32 to vector<16xf32>
          %mul3A_217 = arith.mulf %mul3A_216, %get3A_215 : vector<16xf32>
          %add3A_218 = arith.addf %add3A_144, %mul3A_217 : vector<16xf32>
          %add3A_219 = arith.constant 1 : i32
          %add3A_220 = arith.addi %mul3A_74, %add3A_219 : i32
          %get3A_221 = arith.index_cast %add3A_220 : i32 to index
          %get3A_222 = arith.constant 48 : index
          %get3A_223 = tpu.vector_load %arg8[%get3A_221, %get3A_222] {strides = array<i32>} : memref<128x128xf32, #tpu.memory_space<vmem>>, vector<1x16xf32>,
          %get3A_224 = vector.shape_cast %get3A_223 : vector<1x16xf32> to vector<16xf32>
          %mul3A_225 = vector.broadcast %squeeze3A_191 : f32 to vector<16xf32>
          %mul3A_226 = arith.mulf %mul3A_225, %get3A_224 : vector<16xf32>
          %add3A_227 = arith.addf %add3A_153, %mul3A_226 : vector<16xf32>
          %add3A_228 = arith.constant 1 : i32
          %add3A_229 = arith.addi %mul3A_74, %add3A_228 : i32
          %get3A_230 = arith.index_cast %add3A_229 : i32 to index
          %get3A_231 = arith.constant 64 : index
          %get3A_232 = tpu.vector_load %arg8[%get3A_230, %get3A_231] {strides = array<i32>} : memref<128x128xf32, #tpu.memory_space<vmem>>, vector<1x16xf32>,
          %get3A_233 = vector.shape_cast %get3A_232 : vector<1x16xf32> to vector<16xf32>
          %mul3A_234 = vector.broadcast %squeeze3A_191 : f32 to vector<16xf32>
          %mul3A_235 = arith.mulf %mul3A_234, %get3A_233 : vector<16xf32>
          %add3A_236 = arith.addf %add3A_162, %mul3A_235 : vector<16xf32>
          %add3A_237 = arith.constant 1 : i32
          %add3A_238 = arith.addi %mul3A_74, %add3A_237 : i32
          %get3A_239 = arith.index_cast %add3A_238 : i32 to index
          %get3A_240 = arith.constant 80 : index
          %get3A_241 = tpu.vector_load %arg8[%get3A_239, %get3A_240] {strides = array<i32>} : memref<128x128xf32, #tpu.memory_space<vmem>>, vector<1x16xf32>,
          %get3A_242 = vector.shape_cast %get3A_241 : vector<1x16xf32> to vector<16xf32>
          %mul3A_243 = vector.broadcast %squeeze3A_191 : f32 to vector<16xf32>
          %mul3A_244 = arith.mulf %mul3A_243, %get3A_242 : vector<16xf32>
          %add3A_245 = arith.addf %add3A_171, %mul3A_244 : vector<16xf32>
          %add3A_246 = arith.constant 1 : i32
          %add3A_247 = arith.addi %mul3A_74, %add3A_246 : i32
          %get3A_248 = arith.index_cast %add3A_247 : i32 to index
          %get3A_249 = arith.constant 96 : index
          %get3A_250 = tpu.vector_load %arg8[%get3A_248, %get3A_249] {strides = array<i32>} : memref<128x128xf32, #tpu.memory_space<vmem>>, vector<1x16xf32>,
          %get3A_251 = vector.shape_cast %get3A_250 : vector<1x16xf32> to vector<16xf32>
          %mul3A_252 = vector.broadcast %squeeze3A_191 : f32 to vector<16xf32>
          %mul3A_253 = arith.mulf %mul3A_252, %get3A_251 : vector<16xf32>
          %add3A_254 = arith.addf %add3A_180, %mul3A_253 : vector<16xf32>
          %add3A_255 = arith.constant 1 : i32
          %add3A_256 = arith.addi %mul3A_74, %add3A_255 : i32
          %get3A_257 = arith.index_cast %add3A_256 : i32 to index
          %get3A_258 = arith.constant 112 : index
          %get3A_259 = tpu.vector_load %arg8[%get3A_257, %get3A_258] {strides = array<i32>} : memref<128x128xf32, #tpu.memory_space<vmem>>, vector<1x16xf32>,
          %get3A_260 = vector.shape_cast %get3A_259 : vector<1x16xf32> to vector<16xf32>
          %mul3A_261 = vector.broadcast %squeeze3A_191 : f32 to vector<16xf32>
          %mul3A_262 = arith.mulf %mul3A_261, %get3A_260 : vector<16xf32>
          %add3A_263 = arith.addf %add3A_189, %mul3A_262 : vector<16xf32>
          %slice3A_264 = vector.extract_strided_slice %get3A_78 {offsets = [2], sizes = [1], strides = [1]} : vector<16xf32> to vector<1xf32>
          %squeeze3A_265 = vector.extract %slice3A_264[0] : f32 from vector<1xf32>
          %add3A_266 = arith.constant 2 : i32
          %add3A_267 = arith.addi %mul3A_74, %add3A_266 : i32
          %get3A_268 = arith.index_cast %add3A_267 : i32 to index
          %get3A_269 = arith.constant 0 : index
          %get3A_270 = tpu.vector_load %arg8[%get3A_268, %get3A_269] {strides = array<i32>} : memref<128x128xf32, #tpu.memory_space<vmem>>, vector<1x16xf32>,
          %get3A_271 = vector.shape_cast %get3A_270 : vector<1x16xf32> to vector<16xf32>
          %mul3A_272 = vector.broadcast %squeeze3A_265 : f32 to vector<16xf32>
          %mul3A_273 = arith.mulf %mul3A_272, %get3A_271 : vector<16xf32>
          %add3A_274 = arith.addf %add3A_200, %mul3A_273 : vector<16xf32>
          %add3A_275 = arith.constant 2 : i32
          %add3A_276 = arith.addi %mul3A_74, %add3A_275 : i32
          %get3A_277 = arith.index_cast %add3A_276 : i32 to index
          %get3A_278 = arith.constant 16 : index
          %get3A_279 = tpu.vector_load %arg8[%get3A_277, %get3A_278] {strides = array<i32>} : memref<128x128xf32, #tpu.memory_space<vmem>>, vector<1x16xf32>,
          %get3A_280 = vector.shape_cast %get3A_279 : vector<1x16xf32> to vector<16xf32>
          %mul3A_281 = vector.broadcast %squeeze3A_265 : f32 to vector<16xf32>
          %mul3A_282 = arith.mulf %mul3A_281, %get3A_280 : vector<16xf32>
          %add3A_283 = arith.addf %add3A_209, %mul3A_282 : vector<16xf32>
          %add3A_284 = arith.constant 2 : i32
          %add3A_285 = arith.addi %mul3A_74, %add3A_284 : i32
          %get3A_286 = arith.index_cast %add3A_285 : i32 to index
          %get3A_287 = arith.constant 32 : index
          %get3A_288 = tpu.vector_load %arg8[%get3A_286, %get3A_287] {strides = array<i32>} : memref<128x128xf32, #tpu.memory_space<vmem>>, vector<1x16xf32>,
          %get3A_289 = vector.shape_cast %get3A_288 : vector<1x16xf32> to vector<16xf32>
          %mul3A_290 = vector.broadcast %squeeze3A_265 : f32 to vector<16xf32>
          %mul3A_291 = arith.mulf %mul3A_290, %get3A_289 : vector<16xf32>
          %add3A_292 = arith.addf %add3A_218, %mul3A_291 : vector<16xf32>
          %add3A_293 = arith.constant 2 : i32
          %add3A_294 = arith.addi %mul3A_74, %add3A_293 : i32
          %get3A_295 = arith.index_cast %add3A_294 : i32 to index
          %get3A_296 = arith.constant 48 : index
          %get3A_297 = tpu.vector_load %arg8[%get3A_295, %get3A_296] {strides = array<i32>} : memref<128x128xf32, #tpu.memory_space<vmem>>, vector<1x16xf32>,
          %get3A_298 = vector.shape_cast %get3A_297 : vector<1x16xf32> to vector<16xf32>
          %mul3A_299 = vector.broadcast %squeeze3A_265 : f32 to vector<16xf32>
          %mul3A_300 = arith.mulf %mul3A_299, %get3A_298 : vector<16xf32>
          %add3A_301 = arith.addf %add3A_227, %mul3A_300 : vector<16xf32>
          %add3A_302 = arith.constant 2 : i32
          %add3A_303 = arith.addi %mul3A_74, %add3A_302 : i32
          %get3A_304 = arith.index_cast %add3A_303 : i32 to index
          %get3A_305 = arith.constant 64 : index
          %get3A_306 = tpu.vector_load %arg8[%get3A_304, %get3A_305] {strides = array<i32>} : memref<128x128xf32, #tpu.memory_space<vmem>>, vector<1x16xf32>,
          %get3A_307 = vector.shape_cast %get3A_306 : vector<1x16xf32> to vector<16xf32>
          %mul3A_308 = vector.broadcast %squeeze3A_265 : f32 to vector<16xf32>
          %mul3A_309 = arith.mulf %mul3A_308, %get3A_307 : vector<16xf32>
          %add3A_310 = arith.addf %add3A_236, %mul3A_309 : vector<16xf32>
          %add3A_311 = arith.constant 2 : i32
          %add3A_312 = arith.addi %mul3A_74, %add3A_311 : i32
          %get3A_313 = arith.index_cast %add3A_312 : i32 to index
          %get3A_314 = arith.constant 80 : index
          %get3A_315 = tpu.vector_load %arg8[%get3A_313, %get3A_314] {strides = array<i32>} : memref<128x128xf32, #tpu.memory_space<vmem>>, vector<1x16xf32>,
          %get3A_316 = vector.shape_cast %get3A_315 : vector<1x16xf32> to vector<16xf32>
          %mul3A_317 = vector.broadcast %squeeze3A_265 : f32 to vector<16xf32>
          %mul3A_318 = arith.mulf %mul3A_317, %get3A_316 : vector<16xf32>
          %add3A_319 = arith.addf %add3A_245, %mul3A_318 : vector<16xf32>
          %add3A_320 = arith.constant 2 : i32
          %add3A_321 = arith.addi %mul3A_74, %add3A_320 : i32
          %get3A_322 = arith.index_cast %add3A_321 : i32 to index
          %get3A_323 = arith.constant 96 : index
          %get3A_324 = tpu.vector_load %arg8[%get3A_322, %get3A_323] {strides = array<i32>} : memref<128x128xf32, #tpu.memory_space<vmem>>, vector<1x16xf32>,
          %get3A_325 = vector.shape_cast %get3A_324 : vector<1x16xf32> to vector<16xf32>
          %mul3A_326 = vector.broadcast %squeeze3A_265 : f32 to vector<16xf32>
          %mul3A_327 = arith.mulf %mul3A_326, %get3A_325 : vector<16xf32>
          %add3A_328 = arith.addf %add3A_254, %mul3A_327 : vector<16xf32>
          %add3A_329 = arith.constant 2 : i32
          %add3A_330 = arith.addi %mul3A_74, %add3A_329 : i32
          %get3A_331 = arith.index_cast %add3A_330 : i32 to index
          %get3A_332 = arith.constant 112 : index
          %get3A_333 = tpu.vector_load %arg8[%get3A_331, %get3A_332] {strides = array<i32>} : memref<128x128xf32, #tpu.memory_space<vmem>>, vector<1x16xf32>,
          %get3A_334 = vector.shape_cast %get3A_333 : vector<1x16xf32> to vector<16xf32>
          %mul3A_335 = vector.broadcast %squeeze3A_265 : f32 to vector<16xf32>
          %mul3A_336 = arith.mulf %mul3A_335, %get3A_334 : vector<16xf32>
          %add3A_337 = arith.addf %add3A_263, %mul3A_336 : vector<16xf32>
          %slice3A_338 = vector.extract_strided_slice %get3A_78 {offsets = [3], sizes = [1], strides = [1]} : vector<16xf32> to vector<1xf32>
          %squeeze3A_339 = vector.extract %slice3A_338[0] : f32 from vector<1xf32>
          %add3A_340 = arith.constant 3 : i32
          %add3A_341 = arith.addi %mul3A_74, %add3A_340 : i32
          %get3A_342 = arith.index_cast %add3A_341 : i32 to index
          %get3A_343 = arith.constant 0 : index
          %get3A_344 = tpu.vector_load %arg8[%get3A_342, %get3A_343] {strides = array<i32>} : memref<128x128xf32, #tpu.memory_space<vmem>>, vector<1x16xf32>,
          %get3A_345 = vector.shape_cast %get3A_344 : vector<1x16xf32> to vector<16xf32>
          %mul3A_346 = vector.broadcast %squeeze3A_339 : f32 to vector<16xf32>
          %mul3A_347 = arith.mulf %mul3A_346, %get3A_345 : vector<16xf32>
          %add3A_348 = arith.addf %add3A_274, %mul3A_347 : vector<16xf32>
          %add3A_349 = arith.constant 3 : i32
          %add3A_350 = arith.addi %mul3A_74, %add3A_349 : i32
          %get3A_351 = arith.index_cast %add3A_350 : i32 to index
          %get3A_352 = arith.constant 16 : index
          %get3A_353 = tpu.vector_load %arg8[%get3A_351, %get3A_352] {strides = array<i32>} : memref<128x128xf32, #tpu.memory_space<vmem>>, vector<1x16xf32>,
          %get3A_354 = vector.shape_cast %get3A_353 : vector<1x16xf32> to vector<16xf32>
          %mul3A_355 = vector.broadcast %squeeze3A_339 : f32 to vector<16xf32>
          %mul3A_356 = arith.mulf %mul3A_355, %get3A_354 : vector<16xf32>
          %add3A_357 = arith.addf %add3A_283, %mul3A_356 : vector<16xf32>
          %add3A_358 = arith.constant 3 : i32
          %add3A_359 = arith.addi %mul3A_74, %add3A_358 : i32
          %get3A_360 = arith.index_cast %add3A_359 : i32 to index
          %get3A_361 = arith.constant 32 : index
          %get3A_362 = tpu.vector_load %arg8[%get3A_360, %get3A_361] {strides = array<i32>} : memref<128x128xf32, #tpu.memory_space<vmem>>, vector<1x16xf32>,
          %get3A_363 = vector.shape_cast %get3A_362 : vector<1x16xf32> to vector<16xf32>
          %mul3A_364 = vector.broadcast %squeeze3A_339 : f32 to vector<16xf32>
          %mul3A_365 = arith.mulf %mul3A_364, %get3A_363 : vector<16xf32>
          %add3A_366 = arith.addf %add3A_292, %mul3A_365 : vector<16xf32>
          %add3A_367 = arith.constant 3 : i32
          %add3A_368 = arith.addi %mul3A_74, %add3A_367 : i32
          %get3A_369 = arith.index_cast %add3A_368 : i32 to index
          %get3A_370 = arith.constant 48 : index
          %get3A_371 = tpu.vector_load %arg8[%get3A_369, %get3A_370] {strides = array<i32>} : memref<128x128xf32, #tpu.memory_space<vmem>>, vector<1x16xf32>,
          %get3A_372 = vector.shape_cast %get3A_371 : vector<1x16xf32> to vector<16xf32>
          %mul3A_373 = vector.broadcast %squeeze3A_339 : f32 to vector<16xf32>
          %mul3A_374 = arith.mulf %mul3A_373, %get3A_372 : vector<16xf32>
          %add3A_375 = arith.addf %add3A_301, %mul3A_374 : vector<16xf32>
          %add3A_376 = arith.constant 3 : i32
          %add3A_377 = arith.addi %mul3A_74, %add3A_376 : i32
          %get3A_378 = arith.index_cast %add3A_377 : i32 to index
          %get3A_379 = arith.constant 64 : index
          %get3A_380 = tpu.vector_load %arg8[%get3A_378, %get3A_379] {strides = array<i32>} : memref<128x128xf32, #tpu.memory_space<vmem>>, vector<1x16xf32>,
          %get3A_381 = vector.shape_cast %get3A_380 : vector<1x16xf32> to vector<16xf32>
          %mul3A_382 = vector.broadcast %squeeze3A_339 : f32 to vector<16xf32>
          %mul3A_383 = arith.mulf %mul3A_382, %get3A_381 : vector<16xf32>
          %add3A_384 = arith.addf %add3A_310, %mul3A_383 : vector<16xf32>
          %add3A_385 = arith.constant 3 : i32
          %add3A_386 = arith.addi %mul3A_74, %add3A_385 : i32
          %get3A_387 = arith.index_cast %add3A_386 : i32 to index
          %get3A_388 = arith.constant 80 : index
          %get3A_389 = tpu.vector_load %arg8[%get3A_387, %get3A_388] {strides = array<i32>} : memref<128x128xf32, #tpu.memory_space<vmem>>, vector<1x16xf32>,
          %get3A_390 = vector.shape_cast %get3A_389 : vector<1x16xf32> to vector<16xf32>
          %mul3A_391 = vector.broadcast %squeeze3A_339 : f32 to vector<16xf32>
          %mul3A_392 = arith.mulf %mul3A_391, %get3A_390 : vector<16xf32>
          %add3A_393 = arith.addf %add3A_319, %mul3A_392 : vector<16xf32>
          %add3A_394 = arith.constant 3 : i32
          %add3A_395 = arith.addi %mul3A_74, %add3A_394 : i32
          %get3A_396 = arith.index_cast %add3A_395 : i32 to index
          %get3A_397 = arith.constant 96 : index
          %get3A_398 = tpu.vector_load %arg8[%get3A_396, %get3A_397] {strides = array<i32>} : memref<128x128xf32, #tpu.memory_space<vmem>>, vector<1x16xf32>,
          %get3A_399 = vector.shape_cast %get3A_398 : vector<1x16xf32> to vector<16xf32>
          %mul3A_400 = vector.broadcast %squeeze3A_339 : f32 to vector<16xf32>
          %mul3A_401 = arith.mulf %mul3A_400, %get3A_399 : vector<16xf32>
          %add3A_402 = arith.addf %add3A_328, %mul3A_401 : vector<16xf32>
          %add3A_403 = arith.constant 3 : i32
          %add3A_404 = arith.addi %mul3A_74, %add3A_403 : i32
          %get3A_405 = arith.index_cast %add3A_404 : i32 to index
          %get3A_406 = arith.constant 112 : index
          %get3A_407 = tpu.vector_load %arg8[%get3A_405, %get3A_406] {strides = array<i32>} : memref<128x128xf32, #tpu.memory_space<vmem>>, vector<1x16xf32>,
          %get3A_408 = vector.shape_cast %get3A_407 : vector<1x16xf32> to vector<16xf32>
          %mul3A_409 = vector.broadcast %squeeze3A_339 : f32 to vector<16xf32>
          %mul3A_410 = arith.mulf %mul3A_409, %get3A_408 : vector<16xf32>
          %add3A_411 = arith.addf %add3A_337, %mul3A_410 : vector<16xf32>
          %slice3A_412 = vector.extract_strided_slice %get3A_78 {offsets = [4], sizes = [1], strides = [1]} : vector<16xf32> to vector<1xf32>
          %squeeze3A_413 = vector.extract %slice3A_412[0] : f32 from vector<1xf32>
          %add3A_414 = arith.constant 4 : i32
          %add3A_415 = arith.addi %mul3A_74, %add3A_414 : i32
          %get3A_416 = arith.index_cast %add3A_415 : i32 to index
          %get3A_417 = arith.constant 0 : index
          %get3A_418 = tpu.vector_load %arg8[%get3A_416, %get3A_417] {strides = array<i32>} : memref<128x128xf32, #tpu.memory_space<vmem>>, vector<1x16xf32>,
          %get3A_419 = vector.shape_cast %get3A_418 : vector<1x16xf32> to vector<16xf32>
          %mul3A_420 = vector.broadcast %squeeze3A_413 : f32 to vector<16xf32>
          %mul3A_421 = arith.mulf %mul3A_420, %get3A_419 : vector<16xf32>
          %add3A_422 = arith.addf %add3A_348, %mul3A_421 : vector<16xf32>
          %add3A_423 = arith.constant 4 : i32
          %add3A_424 = arith.addi %mul3A_74, %add3A_423 : i32
          %get3A_425 = arith.index_cast %add3A_424 : i32 to index
          %get3A_426 = arith.constant 16 : index
          %get3A_427 = tpu.vector_load %arg8[%get3A_425, %get3A_426] {strides = array<i32>} : memref<128x128xf32, #tpu.memory_space<vmem>>, vector<1x16xf32>,
          %get3A_428 = vector.shape_cast %get3A_427 : vector<1x16xf32> to vector<16xf32>
          %mul3A_429 = vector.broadcast %squeeze3A_413 : f32 to vector<16xf32>
          %mul3A_430 = arith.mulf %mul3A_429, %get3A_428 : vector<16xf32>
          %add3A_431 = arith.addf %add3A_357, %mul3A_430 : vector<16xf32>
          %add3A_432 = arith.constant 4 : i32
          %add3A_433 = arith.addi %mul3A_74, %add3A_432 : i32
          %get3A_434 = arith.index_cast %add3A_433 : i32 to index
          %get3A_435 = arith.constant 32 : index
          %get3A_436 = tpu.vector_load %arg8[%get3A_434, %get3A_435] {strides = array<i32>} : memref<128x128xf32, #tpu.memory_space<vmem>>, vector<1x16xf32>,
          %get3A_437 = vector.shape_cast %get3A_436 : vector<1x16xf32> to vector<16xf32>
          %mul3A_438 = vector.broadcast %squeeze3A_413 : f32 to vector<16xf32>
          %mul3A_439 = arith.mulf %mul3A_438, %get3A_437 : vector<16xf32>
          %add3A_440 = arith.addf %add3A_366, %mul3A_439 : vector<16xf32>
          %add3A_441 = arith.constant 4 : i32
          %add3A_442 = arith.addi %mul3A_74, %add3A_441 : i32
          %get3A_443 = arith.index_cast %add3A_442 : i32 to index
          %get3A_444 = arith.constant 48 : index
          %get3A_445 = tpu.vector_load %arg8[%get3A_443, %get3A_444] {strides = array<i32>} : memref<128x128xf32, #tpu.memory_space<vmem>>, vector<1x16xf32>,
          %get3A_446 = vector.shape_cast %get3A_445 : vector<1x16xf32> to vector<16xf32>
          %mul3A_447 = vector.broadcast %squeeze3A_413 : f32 to vector<16xf32>
          %mul3A_448 = arith.mulf %mul3A_447, %get3A_446 : vector<16xf32>
          %add3A_449 = arith.addf %add3A_375, %mul3A_448 : vector<16xf32>
          %add3A_450 = arith.constant 4 : i32
          %add3A_451 = arith.addi %mul3A_74, %add3A_450 : i32
          %get3A_452 = arith.index_cast %add3A_451 : i32 to index
          %get3A_453 = arith.constant 64 : index
          %get3A_454 = tpu.vector_load %arg8[%get3A_452, %get3A_453] {strides = array<i32>} : memref<128x128xf32, #tpu.memory_space<vmem>>, vector<1x16xf32>,
          %get3A_455 = vector.shape_cast %get3A_454 : vector<1x16xf32> to vector<16xf32>
          %mul3A_456 = vector.broadcast %squeeze3A_413 : f32 to vector<16xf32>
          %mul3A_457 = arith.mulf %mul3A_456, %get3A_455 : vector<16xf32>
          %add3A_458 = arith.addf %add3A_384, %mul3A_457 : vector<16xf32>
          %add3A_459 = arith.constant 4 : i32
          %add3A_460 = arith.addi %mul3A_74, %add3A_459 : i32
          %get3A_461 = arith.index_cast %add3A_460 : i32 to index
          %get3A_462 = arith.constant 80 : index
          %get3A_463 = tpu.vector_load %arg8[%get3A_461, %get3A_462] {strides = array<i32>} : memref<128x128xf32, #tpu.memory_space<vmem>>, vector<1x16xf32>,
          %get3A_464 = vector.shape_cast %get3A_463 : vector<1x16xf32> to vector<16xf32>
          %mul3A_465 = vector.broadcast %squeeze3A_413 : f32 to vector<16xf32>
          %mul3A_466 = arith.mulf %mul3A_465, %get3A_464 : vector<16xf32>
          %add3A_467 = arith.addf %add3A_393, %mul3A_466 : vector<16xf32>
          %add3A_468 = arith.constant 4 : i32
          %add3A_469 = arith.addi %mul3A_74, %add3A_468 : i32
          %get3A_470 = arith.index_cast %add3A_469 : i32 to index
          %get3A_471 = arith.constant 96 : index
          %get3A_472 = tpu.vector_load %arg8[%get3A_470, %get3A_471] {strides = array<i32>} : memref<128x128xf32, #tpu.memory_space<vmem>>, vector<1x16xf32>,
          %get3A_473 = vector.shape_cast %get3A_472 : vector<1x16xf32> to vector<16xf32>
          %mul3A_474 = vector.broadcast %squeeze3A_413 : f32 to vector<16xf32>
          %mul3A_475 = arith.mulf %mul3A_474, %get3A_473 : vector<16xf32>
          %add3A_476 = arith.addf %add3A_402, %mul3A_475 : vector<16xf32>
          %add3A_477 = arith.constant 4 : i32
          %add3A_478 = arith.addi %mul3A_74, %add3A_477 : i32
          %get3A_479 = arith.index_cast %add3A_478 : i32 to index
          %get3A_480 = arith.constant 112 : index
          %get3A_481 = tpu.vector_load %arg8[%get3A_479, %get3A_480] {strides = array<i32>} : memref<128x128xf32, #tpu.memory_space<vmem>>, vector<1x16xf32>,
          %get3A_482 = vector.shape_cast %get3A_481 : vector<1x16xf32> to vector<16xf32>
          %mul3A_483 = vector.broadcast %squeeze3A_413 : f32 to vector<16xf32>
          %mul3A_484 = arith.mulf %mul3A_483, %get3A_482 : vector<16xf32>
          %add3A_485 = arith.addf %add3A_411, %mul3A_484 : vector<16xf32>
          %slice3A_486 = vector.extract_strided_slice %get3A_78 {offsets = [5], sizes = [1], strides = [1]} : vector<16xf32> to vector<1xf32>
          %squeeze3A_487 = vector.extract %slice3A_486[0] : f32 from vector<1xf32>
          %add3A_488 = arith.constant 5 : i32
          %add3A_489 = arith.addi %mul3A_74, %add3A_488 : i32
          %get3A_490 = arith.index_cast %add3A_489 : i32 to index
          %get3A_491 = arith.constant 0 : index
          %get3A_492 = tpu.vector_load %arg8[%get3A_490, %get3A_491] {strides = array<i32>} : memref<128x128xf32, #tpu.memory_space<vmem>>, vector<1x16xf32>,
          %get3A_493 = vector.shape_cast %get3A_492 : vector<1x16xf32> to vector<16xf32>
          %mul3A_494 = vector.broadcast %squeeze3A_487 : f32 to vector<16xf32>
          %mul3A_495 = arith.mulf %mul3A_494, %get3A_493 : vector<16xf32>
          %add3A_496 = arith.addf %add3A_422, %mul3A_495 : vector<16xf32>
          %add3A_497 = arith.constant 5 : i32
          %add3A_498 = arith.addi %mul3A_74, %add3A_497 : i32
          %get3A_499 = arith.index_cast %add3A_498 : i32 to index
          %get3A_500 = arith.constant 16 : index
          %get3A_501 = tpu.vector_load %arg8[%get3A_499, %get3A_500] {strides = array<i32>} : memref<128x128xf32, #tpu.memory_space<vmem>>, vector<1x16xf32>,
          %get3A_502 = vector.shape_cast %get3A_501 : vector<1x16xf32> to vector<16xf32>
          %mul3A_503 = vector.broadcast %squeeze3A_487 : f32 to vector<16xf32>
          %mul3A_504 = arith.mulf %mul3A_503, %get3A_502 : vector<16xf32>
          %add3A_505 = arith.addf %add3A_431, %mul3A_504 : vector<16xf32>
          %add3A_506 = arith.constant 5 : i32
          %add3A_507 = arith.addi %mul3A_74, %add3A_506 : i32
          %get3A_508 = arith.index_cast %add3A_507 : i32 to index
          %get3A_509 = arith.constant 32 : index
          %get3A_510 = tpu.vector_load %arg8[%get3A_508, %get3A_509] {strides = array<i32>} : memref<128x128xf32, #tpu.memory_space<vmem>>, vector<1x16xf32>,
          %get3A_511 = vector.shape_cast %get3A_510 : vector<1x16xf32> to vector<16xf32>
          %mul3A_512 = vector.broadcast %squeeze3A_487 : f32 to vector<16xf32>
          %mul3A_513 = arith.mulf %mul3A_512, %get3A_511 : vector<16xf32>
          %add3A_514 = arith.addf %add3A_440, %mul3A_513 : vector<16xf32>
          %add3A_515 = arith.constant 5 : i32
          %add3A_516 = arith.addi %mul3A_74, %add3A_515 : i32
          %get3A_517 = arith.index_cast %add3A_516 : i32 to index
          %get3A_518 = arith.constant 48 : index
          %get3A_519 = tpu.vector_load %arg8[%get3A_517, %get3A_518] {strides = array<i32>} : memref<128x128xf32, #tpu.memory_space<vmem>>, vector<1x16xf32>,
          %get3A_520 = vector.shape_cast %get3A_519 : vector<1x16xf32> to vector<16xf32>
          %mul3A_521 = vector.broadcast %squeeze3A_487 : f32 to vector<16xf32>
          %mul3A_522 = arith.mulf %mul3A_521, %get3A_520 : vector<16xf32>
          %add3A_523 = arith.addf %add3A_449, %mul3A_522 : vector<16xf32>
          %add3A_524 = arith.constant 5 : i32
          %add3A_525 = arith.addi %mul3A_74, %add3A_524 : i32
          %get3A_526 = arith.index_cast %add3A_525 : i32 to index
          %get3A_527 = arith.constant 64 : index
          %get3A_528 = tpu.vector_load %arg8[%get3A_526, %get3A_527] {strides = array<i32>} : memref<128x128xf32, #tpu.memory_space<vmem>>, vector<1x16xf32>,
          %get3A_529 = vector.shape_cast %get3A_528 : vector<1x16xf32> to vector<16xf32>
          %mul3A_530 = vector.broadcast %squeeze3A_487 : f32 to vector<16xf32>
          %mul3A_531 = arith.mulf %mul3A_530, %get3A_529 : vector<16xf32>
          %add3A_532 = arith.addf %add3A_458, %mul3A_531 : vector<16xf32>
          %add3A_533 = arith.constant 5 : i32
          %add3A_534 = arith.addi %mul3A_74, %add3A_533 : i32
          %get3A_535 = arith.index_cast %add3A_534 : i32 to index
          %get3A_536 = arith.constant 80 : index
          %get3A_537 = tpu.vector_load %arg8[%get3A_535, %get3A_536] {strides = array<i32>} : memref<128x128xf32, #tpu.memory_space<vmem>>, vector<1x16xf32>,
          %get3A_538 = vector.shape_cast %get3A_537 : vector<1x16xf32> to vector<16xf32>
          %mul3A_539 = vector.broadcast %squeeze3A_487 : f32 to vector<16xf32>
          %mul3A_540 = arith.mulf %mul3A_539, %get3A_538 : vector<16xf32>
          %add3A_541 = arith.addf %add3A_467, %mul3A_540 : vector<16xf32>
          %add3A_542 = arith.constant 5 : i32
          %add3A_543 = arith.addi %mul3A_74, %add3A_542 : i32
          %get3A_544 = arith.index_cast %add3A_543 : i32 to index
          %get3A_545 = arith.constant 96 : index
          %get3A_546 = tpu.vector_load %arg8[%get3A_544, %get3A_545] {strides = array<i32>} : memref<128x128xf32, #tpu.memory_space<vmem>>, vector<1x16xf32>,
          %get3A_547 = vector.shape_cast %get3A_546 : vector<1x16xf32> to vector<16xf32>
          %mul3A_548 = vector.broadcast %squeeze3A_487 : f32 to vector<16xf32>
          %mul3A_549 = arith.mulf %mul3A_548, %get3A_547 : vector<16xf32>
          %add3A_550 = arith.addf %add3A_476, %mul3A_549 : vector<16xf32>
          %add3A_551 = arith.constant 5 : i32
          %add3A_552 = arith.addi %mul3A_74, %add3A_551 : i32
          %get3A_553 = arith.index_cast %add3A_552 : i32 to index
          %get3A_554 = arith.constant 112 : index
          %get3A_555 = tpu.vector_load %arg8[%get3A_553, %get3A_554] {strides = array<i32>} : memref<128x128xf32, #tpu.memory_space<vmem>>, vector<1x16xf32>,
          %get3A_556 = vector.shape_cast %get3A_555 : vector<1x16xf32> to vector<16xf32>
          %mul3A_557 = vector.broadcast %squeeze3A_487 : f32 to vector<16xf32>
          %mul3A_558 = arith.mulf %mul3A_557, %get3A_556 : vector<16xf32>
          %add3A_559 = arith.addf %add3A_485, %mul3A_558 : vector<16xf32>
          %slice3A_560 = vector.extract_strided_slice %get3A_78 {offsets = [6], sizes = [1], strides = [1]} : vector<16xf32> to vector<1xf32>
          %squeeze3A_561 = vector.extract %slice3A_560[0] : f32 from vector<1xf32>
          %add3A_562 = arith.constant 6 : i32
          %add3A_563 = arith.addi %mul3A_74, %add3A_562 : i32
          %get3A_564 = arith.index_cast %add3A_563 : i32 to index
          %get3A_565 = arith.constant 0 : index
          %get3A_566 = tpu.vector_load %arg8[%get3A_564, %get3A_565] {strides = array<i32>} : memref<128x128xf32, #tpu.memory_space<vmem>>, vector<1x16xf32>,
          %get3A_567 = vector.shape_cast %get3A_566 : vector<1x16xf32> to vector<16xf32>
          %mul3A_568 = vector.broadcast %squeeze3A_561 : f32 to vector<16xf32>
          %mul3A_569 = arith.mulf %mul3A_568, %get3A_567 : vector<16xf32>
          %add3A_570 = arith.addf %add3A_496, %mul3A_569 : vector<16xf32>
          %add3A_571 = arith.constant 6 : i32
          %add3A_572 = arith.addi %mul3A_74, %add3A_571 : i32
          %get3A_573 = arith.index_cast %add3A_572 : i32 to index
          %get3A_574 = arith.constant 16 : index
          %get3A_575 = tpu.vector_load %arg8[%get3A_573, %get3A_574] {strides = array<i32>} : memref<128x128xf32, #tpu.memory_space<vmem>>, vector<1x16xf32>,
          %get3A_576 = vector.shape_cast %get3A_575 : vector<1x16xf32> to vector<16xf32>
          %mul3A_577 = vector.broadcast %squeeze3A_561 : f32 to vector<16xf32>
          %mul3A_578 = arith.mulf %mul3A_577, %get3A_576 : vector<16xf32>
          %add3A_579 = arith.addf %add3A_505, %mul3A_578 : vector<16xf32>
          %add3A_580 = arith.constant 6 : i32
          %add3A_581 = arith.addi %mul3A_74, %add3A_580 : i32
          %get3A_582 = arith.index_cast %add3A_581 : i32 to index
          %get3A_583 = arith.constant 32 : index
          %get3A_584 = tpu.vector_load %arg8[%get3A_582, %get3A_583] {strides = array<i32>} : memref<128x128xf32, #tpu.memory_space<vmem>>, vector<1x16xf32>,
          %get3A_585 = vector.shape_cast %get3A_584 : vector<1x16xf32> to vector<16xf32>
          %mul3A_586 = vector.broadcast %squeeze3A_561 : f32 to vector<16xf32>
          %mul3A_587 = arith.mulf %mul3A_586, %get3A_585 : vector<16xf32>
          %add3A_588 = arith.addf %add3A_514, %mul3A_587 : vector<16xf32>
          %add3A_589 = arith.constant 6 : i32
          %add3A_590 = arith.addi %mul3A_74, %add3A_589 : i32
          %get3A_591 = arith.index_cast %add3A_590 : i32 to index
          %get3A_592 = arith.constant 48 : index
          %get3A_593 = tpu.vector_load %arg8[%get3A_591, %get3A_592] {strides = array<i32>} : memref<128x128xf32, #tpu.memory_space<vmem>>, vector<1x16xf32>,
          %get3A_594 = vector.shape_cast %get3A_593 : vector<1x16xf32> to vector<16xf32>
          %mul3A_595 = vector.broadcast %squeeze3A_561 : f32 to vector<16xf32>
          %mul3A_596 = arith.mulf %mul3A_595, %get3A_594 : vector<16xf32>
          %add3A_597 = arith.addf %add3A_523, %mul3A_596 : vector<16xf32>
          %add3A_598 = arith.constant 6 : i32
          %add3A_599 = arith.addi %mul3A_74, %add3A_598 : i32
          %get3A_600 = arith.index_cast %add3A_599 : i32 to index
          %get3A_601 = arith.constant 64 : index
          %get3A_602 = tpu.vector_load %arg8[%get3A_600, %get3A_601] {strides = array<i32>} : memref<128x128xf32, #tpu.memory_space<vmem>>, vector<1x16xf32>,
          %get3A_603 = vector.shape_cast %get3A_602 : vector<1x16xf32> to vector<16xf32>
          %mul3A_604 = vector.broadcast %squeeze3A_561 : f32 to vector<16xf32>
          %mul3A_605 = arith.mulf %mul3A_604, %get3A_603 : vector<16xf32>
          %add3A_606 = arith.addf %add3A_532, %mul3A_605 : vector<16xf32>
          %add3A_607 = arith.constant 6 : i32
          %add3A_608 = arith.addi %mul3A_74, %add3A_607 : i32
          %get3A_609 = arith.index_cast %add3A_608 : i32 to index
          %get3A_610 = arith.constant 80 : index
          %get3A_611 = tpu.vector_load %arg8[%get3A_609, %get3A_610] {strides = array<i32>} : memref<128x128xf32, #tpu.memory_space<vmem>>, vector<1x16xf32>,
          %get3A_612 = vector.shape_cast %get3A_611 : vector<1x16xf32> to vector<16xf32>
          %mul3A_613 = vector.broadcast %squeeze3A_561 : f32 to vector<16xf32>
          %mul3A_614 = arith.mulf %mul3A_613, %get3A_612 : vector<16xf32>
          %add3A_615 = arith.addf %add3A_541, %mul3A_614 : vector<16xf32>
          %add3A_616 = arith.constant 6 : i32
          %add3A_617 = arith.addi %mul3A_74, %add3A_616 : i32
          %get3A_618 = arith.index_cast %add3A_617 : i32 to index
          %get3A_619 = arith.constant 96 : index
          %get3A_620 = tpu.vector_load %arg8[%get3A_618, %get3A_619] {strides = array<i32>} : memref<128x128xf32, #tpu.memory_space<vmem>>, vector<1x16xf32>,
          %get3A_621 = vector.shape_cast %get3A_620 : vector<1x16xf32> to vector<16xf32>
          %mul3A_622 = vector.broadcast %squeeze3A_561 : f32 to vector<16xf32>
          %mul3A_623 = arith.mulf %mul3A_622, %get3A_621 : vector<16xf32>
          %add3A_624 = arith.addf %add3A_550, %mul3A_623 : vector<16xf32>
          %add3A_625 = arith.constant 6 : i32
          %add3A_626 = arith.addi %mul3A_74, %add3A_625 : i32
          %get3A_627 = arith.index_cast %add3A_626 : i32 to index
          %get3A_628 = arith.constant 112 : index
          %get3A_629 = tpu.vector_load %arg8[%get3A_627, %get3A_628] {strides = array<i32>} : memref<128x128xf32, #tpu.memory_space<vmem>>, vector<1x16xf32>,
          %get3A_630 = vector.shape_cast %get3A_629 : vector<1x16xf32> to vector<16xf32>
          %mul3A_631 = vector.broadcast %squeeze3A_561 : f32 to vector<16xf32>
          %mul3A_632 = arith.mulf %mul3A_631, %get3A_630 : vector<16xf32>
          %add3A_633 = arith.addf %add3A_559, %mul3A_632 : vector<16xf32>
          %slice3A_634 = vector.extract_strided_slice %get3A_78 {offsets = [7], sizes = [1], strides = [1]} : vector<16xf32> to vector<1xf32>
          %squeeze3A_635 = vector.extract %slice3A_634[0] : f32 from vector<1xf32>
          %add3A_636 = arith.constant 7 : i32
          %add3A_637 = arith.addi %mul3A_74, %add3A_636 : i32
          %get3A_638 = arith.index_cast %add3A_637 : i32 to index
          %get3A_639 = arith.constant 0 : index
          %get3A_640 = tpu.vector_load %arg8[%get3A_638, %get3A_639] {strides = array<i32>} : memref<128x128xf32, #tpu.memory_space<vmem>>, vector<1x16xf32>,
          %get3A_641 = vector.shape_cast %get3A_640 : vector<1x16xf32> to vector<16xf32>
          %mul3A_642 = vector.broadcast %squeeze3A_635 : f32 to vector<16xf32>
          %mul3A_643 = arith.mulf %mul3A_642, %get3A_641 : vector<16xf32>
          %add3A_644 = arith.addf %add3A_570, %mul3A_643 : vector<16xf32>
          %add3A_645 = arith.constant 7 : i32
          %add3A_646 = arith.addi %mul3A_74, %add3A_645 : i32
          %get3A_647 = arith.index_cast %add3A_646 : i32 to index
          %get3A_648 = arith.constant 16 : index
          %get3A_649 = tpu.vector_load %arg8[%get3A_647, %get3A_648] {strides = array<i32>} : memref<128x128xf32, #tpu.memory_space<vmem>>, vector<1x16xf32>,
          %get3A_650 = vector.shape_cast %get3A_649 : vector<1x16xf32> to vector<16xf32>
          %mul3A_651 = vector.broadcast %squeeze3A_635 : f32 to vector<16xf32>
          %mul3A_652 = arith.mulf %mul3A_651, %get3A_650 : vector<16xf32>
          %add3A_653 = arith.addf %add3A_579, %mul3A_652 : vector<16xf32>
          %add3A_654 = arith.constant 7 : i32
          %add3A_655 = arith.addi %mul3A_74, %add3A_654 : i32
          %get3A_656 = arith.index_cast %add3A_655 : i32 to index
          %get3A_657 = arith.constant 32 : index
          %get3A_658 = tpu.vector_load %arg8[%get3A_656, %get3A_657] {strides = array<i32>} : memref<128x128xf32, #tpu.memory_space<vmem>>, vector<1x16xf32>,
          %get3A_659 = vector.shape_cast %get3A_658 : vector<1x16xf32> to vector<16xf32>
          %mul3A_660 = vector.broadcast %squeeze3A_635 : f32 to vector<16xf32>
          %mul3A_661 = arith.mulf %mul3A_660, %get3A_659 : vector<16xf32>
          %add3A_662 = arith.addf %add3A_588, %mul3A_661 : vector<16xf32>
          %add3A_663 = arith.constant 7 : i32
          %add3A_664 = arith.addi %mul3A_74, %add3A_663 : i32
          %get3A_665 = arith.index_cast %add3A_664 : i32 to index
          %get3A_666 = arith.constant 48 : index
          %get3A_667 = tpu.vector_load %arg8[%get3A_665, %get3A_666] {strides = array<i32>} : memref<128x128xf32, #tpu.memory_space<vmem>>, vector<1x16xf32>,
          %get3A_668 = vector.shape_cast %get3A_667 : vector<1x16xf32> to vector<16xf32>
          %mul3A_669 = vector.broadcast %squeeze3A_635 : f32 to vector<16xf32>
          %mul3A_670 = arith.mulf %mul3A_669, %get3A_668 : vector<16xf32>
          %add3A_671 = arith.addf %add3A_597, %mul3A_670 : vector<16xf32>
          %add3A_672 = arith.constant 7 : i32
          %add3A_673 = arith.addi %mul3A_74, %add3A_672 : i32
          %get3A_674 = arith.index_cast %add3A_673 : i32 to index
          %get3A_675 = arith.constant 64 : index
          %get3A_676 = tpu.vector_load %arg8[%get3A_674, %get3A_675] {strides = array<i32>} : memref<128x128xf32, #tpu.memory_space<vmem>>, vector<1x16xf32>,
          %get3A_677 = vector.shape_cast %get3A_676 : vector<1x16xf32> to vector<16xf32>
          %mul3A_678 = vector.broadcast %squeeze3A_635 : f32 to vector<16xf32>
          %mul3A_679 = arith.mulf %mul3A_678, %get3A_677 : vector<16xf32>
          %add3A_680 = arith.addf %add3A_606, %mul3A_679 : vector<16xf32>
          %add3A_681 = arith.constant 7 : i32
          %add3A_682 = arith.addi %mul3A_74, %add3A_681 : i32
          %get3A_683 = arith.index_cast %add3A_682 : i32 to index
          %get3A_684 = arith.constant 80 : index
          %get3A_685 = tpu.vector_load %arg8[%get3A_683, %get3A_684] {strides = array<i32>} : memref<128x128xf32, #tpu.memory_space<vmem>>, vector<1x16xf32>,
          %get3A_686 = vector.shape_cast %get3A_685 : vector<1x16xf32> to vector<16xf32>
          %mul3A_687 = vector.broadcast %squeeze3A_635 : f32 to vector<16xf32>
          %mul3A_688 = arith.mulf %mul3A_687, %get3A_686 : vector<16xf32>
          %add3A_689 = arith.addf %add3A_615, %mul3A_688 : vector<16xf32>
          %add3A_690 = arith.constant 7 : i32
          %add3A_691 = arith.addi %mul3A_74, %add3A_690 : i32
          %get3A_692 = arith.index_cast %add3A_691 : i32 to index
          %get3A_693 = arith.constant 96 : index
          %get3A_694 = tpu.vector_load %arg8[%get3A_692, %get3A_693] {strides = array<i32>} : memref<128x128xf32, #tpu.memory_space<vmem>>, vector<1x16xf32>,
          %get3A_695 = vector.shape_cast %get3A_694 : vector<1x16xf32> to vector<16xf32>
          %mul3A_696 = vector.broadcast %squeeze3A_635 : f32 to vector<16xf32>
          %mul3A_697 = arith.mulf %mul3A_696, %get3A_695 : vector<16xf32>
          %add3A_698 = arith.addf %add3A_624, %mul3A_697 : vector<16xf32>
          %add3A_699 = arith.constant 7 : i32
          %add3A_700 = arith.addi %mul3A_74, %add3A_699 : i32
          %get3A_701 = arith.index_cast %add3A_700 : i32 to index
          %get3A_702 = arith.constant 112 : index
          %get3A_703 = tpu.vector_load %arg8[%get3A_701, %get3A_702] {strides = array<i32>} : memref<128x128xf32, #tpu.memory_space<vmem>>, vector<1x16xf32>,
          %get3A_704 = vector.shape_cast %get3A_703 : vector<1x16xf32> to vector<16xf32>
          %mul3A_705 = vector.broadcast %squeeze3A_635 : f32 to vector<16xf32>
          %mul3A_706 = arith.mulf %mul3A_705, %get3A_704 : vector<16xf32>
          %add3A_707 = arith.addf %add3A_633, %mul3A_706 : vector<16xf32>
          %slice3A_708 = vector.extract_strided_slice %get3A_78 {offsets = [8], sizes = [1], strides = [1]} : vector<16xf32> to vector<1xf32>
          %squeeze3A_709 = vector.extract %slice3A_708[0] : f32 from vector<1xf32>
          %add3A_710 = arith.constant 8 : i32
          %add3A_711 = arith.addi %mul3A_74, %add3A_710 : i32
          %get3A_712 = arith.index_cast %add3A_711 : i32 to index
          %get3A_713 = arith.constant 0 : index
          %get3A_714 = tpu.vector_load %arg8[%get3A_712, %get3A_713] {strides = array<i32>} : memref<128x128xf32, #tpu.memory_space<vmem>>, vector<1x16xf32>,
          %get3A_715 = vector.shape_cast %get3A_714 : vector<1x16xf32> to vector<16xf32>
          %mul3A_716 = vector.broadcast %squeeze3A_709 : f32 to vector<16xf32>
          %mul3A_717 = arith.mulf %mul3A_716, %get3A_715 : vector<16xf32>
          %add3A_718 = arith.addf %add3A_644, %mul3A_717 : vector<16xf32>
          %add3A_719 = arith.constant 8 : i32
          %add3A_720 = arith.addi %mul3A_74, %add3A_719 : i32
          %get3A_721 = arith.index_cast %add3A_720 : i32 to index
          %get3A_722 = arith.constant 16 : index
          %get3A_723 = tpu.vector_load %arg8[%get3A_721, %get3A_722] {strides = array<i32>} : memref<128x128xf32, #tpu.memory_space<vmem>>, vector<1x16xf32>,
          %get3A_724 = vector.shape_cast %get3A_723 : vector<1x16xf32> to vector<16xf32>
          %mul3A_725 = vector.broadcast %squeeze3A_709 : f32 to vector<16xf32>
          %mul3A_726 = arith.mulf %mul3A_725, %get3A_724 : vector<16xf32>
          %add3A_727 = arith.addf %add3A_653, %mul3A_726 : vector<16xf32>
          %add3A_728 = arith.constant 8 : i32
          %add3A_729 = arith.addi %mul3A_74, %add3A_728 : i32
          %get3A_730 = arith.index_cast %add3A_729 : i32 to index
          %get3A_731 = arith.constant 32 : index
          %get3A_732 = tpu.vector_load %arg8[%get3A_730, %get3A_731] {strides = array<i32>} : memref<128x128xf32, #tpu.memory_space<vmem>>, vector<1x16xf32>,
          %get3A_733 = vector.shape_cast %get3A_732 : vector<1x16xf32> to vector<16xf32>
          %mul3A_734 = vector.broadcast %squeeze3A_709 : f32 to vector<16xf32>
          %mul3A_735 = arith.mulf %mul3A_734, %get3A_733 : vector<16xf32>
          %add3A_736 = arith.addf %add3A_662, %mul3A_735 : vector<16xf32>
          %add3A_737 = arith.constant 8 : i32
          %add3A_738 = arith.addi %mul3A_74, %add3A_737 : i32
          %get3A_739 = arith.index_cast %add3A_738 : i32 to index
          %get3A_740 = arith.constant 48 : index
          %get3A_741 = tpu.vector_load %arg8[%get3A_739, %get3A_740] {strides = array<i32>} : memref<128x128xf32, #tpu.memory_space<vmem>>, vector<1x16xf32>,
          %get3A_742 = vector.shape_cast %get3A_741 : vector<1x16xf32> to vector<16xf32>
          %mul3A_743 = vector.broadcast %squeeze3A_709 : f32 to vector<16xf32>
          %mul3A_744 = arith.mulf %mul3A_743, %get3A_742 : vector<16xf32>
          %add3A_745 = arith.addf %add3A_671, %mul3A_744 : vector<16xf32>
          %add3A_746 = arith.constant 8 : i32
          %add3A_747 = arith.addi %mul3A_74, %add3A_746 : i32
          %get3A_748 = arith.index_cast %add3A_747 : i32 to index
          %get3A_749 = arith.constant 64 : index
          %get3A_750 = tpu.vector_load %arg8[%get3A_748, %get3A_749] {strides = array<i32>} : memref<128x128xf32, #tpu.memory_space<vmem>>, vector<1x16xf32>,
          %get3A_751 = vector.shape_cast %get3A_750 : vector<1x16xf32> to vector<16xf32>
          %mul3A_752 = vector.broadcast %squeeze3A_709 : f32 to vector<16xf32>
          %mul3A_753 = arith.mulf %mul3A_752, %get3A_751 : vector<16xf32>
          %add3A_754 = arith.addf %add3A_680, %mul3A_753 : vector<16xf32>
          %add3A_755 = arith.constant 8 : i32
          %add3A_756 = arith.addi %mul3A_74, %add3A_755 : i32
          %get3A_757 = arith.index_cast %add3A_756 : i32 to index
          %get3A_758 = arith.constant 80 : index
          %get3A_759 = tpu.vector_load %arg8[%get3A_757, %get3A_758] {strides = array<i32>} : memref<128x128xf32, #tpu.memory_space<vmem>>, vector<1x16xf32>,
          %get3A_760 = vector.shape_cast %get3A_759 : vector<1x16xf32> to vector<16xf32>
          %mul3A_761 = vector.broadcast %squeeze3A_709 : f32 to vector<16xf32>
          %mul3A_762 = arith.mulf %mul3A_761, %get3A_760 : vector<16xf32>
          %add3A_763 = arith.addf %add3A_689, %mul3A_762 : vector<16xf32>
          %add3A_764 = arith.constant 8 : i32
          %add3A_765 = arith.addi %mul3A_74, %add3A_764 : i32
          %get3A_766 = arith.index_cast %add3A_765 : i32 to index
          %get3A_767 = arith.constant 96 : index
          %get3A_768 = tpu.vector_load %arg8[%get3A_766, %get3A_767] {strides = array<i32>} : memref<128x128xf32, #tpu.memory_space<vmem>>, vector<1x16xf32>,
          %get3A_769 = vector.shape_cast %get3A_768 : vector<1x16xf32> to vector<16xf32>
          %mul3A_770 = vector.broadcast %squeeze3A_709 : f32 to vector<16xf32>
          %mul3A_771 = arith.mulf %mul3A_770, %get3A_769 : vector<16xf32>
          %add3A_772 = arith.addf %add3A_698, %mul3A_771 : vector<16xf32>
          %add3A_773 = arith.constant 8 : i32
          %add3A_774 = arith.addi %mul3A_74, %add3A_773 : i32
          %get3A_775 = arith.index_cast %add3A_774 : i32 to index
          %get3A_776 = arith.constant 112 : index
          %get3A_777 = tpu.vector_load %arg8[%get3A_775, %get3A_776] {strides = array<i32>} : memref<128x128xf32, #tpu.memory_space<vmem>>, vector<1x16xf32>,
          %get3A_778 = vector.shape_cast %get3A_777 : vector<1x16xf32> to vector<16xf32>
          %mul3A_779 = vector.broadcast %squeeze3A_709 : f32 to vector<16xf32>
          %mul3A_780 = arith.mulf %mul3A_779, %get3A_778 : vector<16xf32>
          %add3A_781 = arith.addf %add3A_707, %mul3A_780 : vector<16xf32>
          %slice3A_782 = vector.extract_strided_slice %get3A_78 {offsets = [9], sizes = [1], strides = [1]} : vector<16xf32> to vector<1xf32>
          %squeeze3A_783 = vector.extract %slice3A_782[0] : f32 from vector<1xf32>
          %add3A_784 = arith.constant 9 : i32
          %add3A_785 = arith.addi %mul3A_74, %add3A_784 : i32
          %get3A_786 = arith.index_cast %add3A_785 : i32 to index
          %get3A_787 = arith.constant 0 : index
          %get3A_788 = tpu.vector_load %arg8[%get3A_786, %get3A_787] {strides = array<i32>} : memref<128x128xf32, #tpu.memory_space<vmem>>, vector<1x16xf32>,
          %get3A_789 = vector.shape_cast %get3A_788 : vector<1x16xf32> to vector<16xf32>
          %mul3A_790 = vector.broadcast %squeeze3A_783 : f32 to vector<16xf32>
          %mul3A_791 = arith.mulf %mul3A_790, %get3A_789 : vector<16xf32>
          %add3A_792 = arith.addf %add3A_718, %mul3A_791 : vector<16xf32>
          %add3A_793 = arith.constant 9 : i32
          %add3A_794 = arith.addi %mul3A_74, %add3A_793 : i32
          %get3A_795 = arith.index_cast %add3A_794 : i32 to index
          %get3A_796 = arith.constant 16 : index
          %get3A_797 = tpu.vector_load %arg8[%get3A_795, %get3A_796] {strides = array<i32>} : memref<128x128xf32, #tpu.memory_space<vmem>>, vector<1x16xf32>,
          %get3A_798 = vector.shape_cast %get3A_797 : vector<1x16xf32> to vector<16xf32>
          %mul3A_799 = vector.broadcast %squeeze3A_783 : f32 to vector<16xf32>
          %mul3A_800 = arith.mulf %mul3A_799, %get3A_798 : vector<16xf32>
          %add3A_801 = arith.addf %add3A_727, %mul3A_800 : vector<16xf32>
          %add3A_802 = arith.constant 9 : i32
          %add3A_803 = arith.addi %mul3A_74, %add3A_802 : i32
          %get3A_804 = arith.index_cast %add3A_803 : i32 to index
          %get3A_805 = arith.constant 32 : index
          %get3A_806 = tpu.vector_load %arg8[%get3A_804, %get3A_805] {strides = array<i32>} : memref<128x128xf32, #tpu.memory_space<vmem>>, vector<1x16xf32>,
          %get3A_807 = vector.shape_cast %get3A_806 : vector<1x16xf32> to vector<16xf32>
          %mul3A_808 = vector.broadcast %squeeze3A_783 : f32 to vector<16xf32>
          %mul3A_809 = arith.mulf %mul3A_808, %get3A_807 : vector<16xf32>
          %add3A_810 = arith.addf %add3A_736, %mul3A_809 : vector<16xf32>
          %add3A_811 = arith.constant 9 : i32
          %add3A_812 = arith.addi %mul3A_74, %add3A_811 : i32
          %get3A_813 = arith.index_cast %add3A_812 : i32 to index
          %get3A_814 = arith.constant 48 : index
          %get3A_815 = tpu.vector_load %arg8[%get3A_813, %get3A_814] {strides = array<i32>} : memref<128x128xf32, #tpu.memory_space<vmem>>, vector<1x16xf32>,
          %get3A_816 = vector.shape_cast %get3A_815 : vector<1x16xf32> to vector<16xf32>
          %mul3A_817 = vector.broadcast %squeeze3A_783 : f32 to vector<16xf32>
          %mul3A_818 = arith.mulf %mul3A_817, %get3A_816 : vector<16xf32>
          %add3A_819 = arith.addf %add3A_745, %mul3A_818 : vector<16xf32>
          %add3A_820 = arith.constant 9 : i32
          %add3A_821 = arith.addi %mul3A_74, %add3A_820 : i32
          %get3A_822 = arith.index_cast %add3A_821 : i32 to index
          %get3A_823 = arith.constant 64 : index
          %get3A_824 = tpu.vector_load %arg8[%get3A_822, %get3A_823] {strides = array<i32>} : memref<128x128xf32, #tpu.memory_space<vmem>>, vector<1x16xf32>,
          %get3A_825 = vector.shape_cast %get3A_824 : vector<1x16xf32> to vector<16xf32>
          %mul3A_826 = vector.broadcast %squeeze3A_783 : f32 to vector<16xf32>
          %mul3A_827 = arith.mulf %mul3A_826, %get3A_825 : vector<16xf32>
          %add3A_828 = arith.addf %add3A_754, %mul3A_827 : vector<16xf32>
          %add3A_829 = arith.constant 9 : i32
          %add3A_830 = arith.addi %mul3A_74, %add3A_829 : i32
          %get3A_831 = arith.index_cast %add3A_830 : i32 to index
          %get3A_832 = arith.constant 80 : index
          %get3A_833 = tpu.vector_load %arg8[%get3A_831, %get3A_832] {strides = array<i32>} : memref<128x128xf32, #tpu.memory_space<vmem>>, vector<1x16xf32>,
          %get3A_834 = vector.shape_cast %get3A_833 : vector<1x16xf32> to vector<16xf32>
          %mul3A_835 = vector.broadcast %squeeze3A_783 : f32 to vector<16xf32>
          %mul3A_836 = arith.mulf %mul3A_835, %get3A_834 : vector<16xf32>
          %add3A_837 = arith.addf %add3A_763, %mul3A_836 : vector<16xf32>
          %add3A_838 = arith.constant 9 : i32
          %add3A_839 = arith.addi %mul3A_74, %add3A_838 : i32
          %get3A_840 = arith.index_cast %add3A_839 : i32 to index
          %get3A_841 = arith.constant 96 : index
          %get3A_842 = tpu.vector_load %arg8[%get3A_840, %get3A_841] {strides = array<i32>} : memref<128x128xf32, #tpu.memory_space<vmem>>, vector<1x16xf32>,
          %get3A_843 = vector.shape_cast %get3A_842 : vector<1x16xf32> to vector<16xf32>
          %mul3A_844 = vector.broadcast %squeeze3A_783 : f32 to vector<16xf32>
          %mul3A_845 = arith.mulf %mul3A_844, %get3A_843 : vector<16xf32>
          %add3A_846 = arith.addf %add3A_772, %mul3A_845 : vector<16xf32>
          %add3A_847 = arith.constant 9 : i32
          %add3A_848 = arith.addi %mul3A_74, %add3A_847 : i32
          %get3A_849 = arith.index_cast %add3A_848 : i32 to index
          %get3A_850 = arith.constant 112 : index
          %get3A_851 = tpu.vector_load %arg8[%get3A_849, %get3A_850] {strides = array<i32>} : memref<128x128xf32, #tpu.memory_space<vmem>>, vector<1x16xf32>,
          %get3A_852 = vector.shape_cast %get3A_851 : vector<1x16xf32> to vector<16xf32>
          %mul3A_853 = vector.broadcast %squeeze3A_783 : f32 to vector<16xf32>
          %mul3A_854 = arith.mulf %mul3A_853, %get3A_852 : vector<16xf32>
          %add3A_855 = arith.addf %add3A_781, %mul3A_854 : vector<16xf32>
          %slice3A_856 = vector.extract_strided_slice %get3A_78 {offsets = [10], sizes = [1], strides = [1]} : vector<16xf32> to vector<1xf32>
          %squeeze3A_857 = vector.extract %slice3A_856[0] : f32 from vector<1xf32>
          %add3A_858 = arith.constant 10 : i32
          %add3A_859 = arith.addi %mul3A_74, %add3A_858 : i32
          %get3A_860 = arith.index_cast %add3A_859 : i32 to index
          %get3A_861 = arith.constant 0 : index
          %get3A_862 = tpu.vector_load %arg8[%get3A_860, %get3A_861] {strides = array<i32>} : memref<128x128xf32, #tpu.memory_space<vmem>>, vector<1x16xf32>,
          %get3A_863 = vector.shape_cast %get3A_862 : vector<1x16xf32> to vector<16xf32>
          %mul3A_864 = vector.broadcast %squeeze3A_857 : f32 to vector<16xf32>
          %mul3A_865 = arith.mulf %mul3A_864, %get3A_863 : vector<16xf32>
          %add3A_866 = arith.addf %add3A_792, %mul3A_865 : vector<16xf32>
          %add3A_867 = arith.constant 10 : i32
          %add3A_868 = arith.addi %mul3A_74, %add3A_867 : i32
          %get3A_869 = arith.index_cast %add3A_868 : i32 to index
          %get3A_870 = arith.constant 16 : index
          %get3A_871 = tpu.vector_load %arg8[%get3A_869, %get3A_870] {strides = array<i32>} : memref<128x128xf32, #tpu.memory_space<vmem>>, vector<1x16xf32>,
          %get3A_872 = vector.shape_cast %get3A_871 : vector<1x16xf32> to vector<16xf32>
          %mul3A_873 = vector.broadcast %squeeze3A_857 : f32 to vector<16xf32>
          %mul3A_874 = arith.mulf %mul3A_873, %get3A_872 : vector<16xf32>
          %add3A_875 = arith.addf %add3A_801, %mul3A_874 : vector<16xf32>
          %add3A_876 = arith.constant 10 : i32
          %add3A_877 = arith.addi %mul3A_74, %add3A_876 : i32
          %get3A_878 = arith.index_cast %add3A_877 : i32 to index
          %get3A_879 = arith.constant 32 : index
          %get3A_880 = tpu.vector_load %arg8[%get3A_878, %get3A_879] {strides = array<i32>} : memref<128x128xf32, #tpu.memory_space<vmem>>, vector<1x16xf32>,
          %get3A_881 = vector.shape_cast %get3A_880 : vector<1x16xf32> to vector<16xf32>
          %mul3A_882 = vector.broadcast %squeeze3A_857 : f32 to vector<16xf32>
          %mul3A_883 = arith.mulf %mul3A_882, %get3A_881 : vector<16xf32>
          %add3A_884 = arith.addf %add3A_810, %mul3A_883 : vector<16xf32>
          %add3A_885 = arith.constant 10 : i32
          %add3A_886 = arith.addi %mul3A_74, %add3A_885 : i32
          %get3A_887 = arith.index_cast %add3A_886 : i32 to index
          %get3A_888 = arith.constant 48 : index
          %get3A_889 = tpu.vector_load %arg8[%get3A_887, %get3A_888] {strides = array<i32>} : memref<128x128xf32, #tpu.memory_space<vmem>>, vector<1x16xf32>,
          %get3A_890 = vector.shape_cast %get3A_889 : vector<1x16xf32> to vector<16xf32>
          %mul3A_891 = vector.broadcast %squeeze3A_857 : f32 to vector<16xf32>
          %mul3A_892 = arith.mulf %mul3A_891, %get3A_890 : vector<16xf32>
          %add3A_893 = arith.addf %add3A_819, %mul3A_892 : vector<16xf32>
          %add3A_894 = arith.constant 10 : i32
          %add3A_895 = arith.addi %mul3A_74, %add3A_894 : i32
          %get3A_896 = arith.index_cast %add3A_895 : i32 to index
          %get3A_897 = arith.constant 64 : index
          %get3A_898 = tpu.vector_load %arg8[%get3A_896, %get3A_897] {strides = array<i32>} : memref<128x128xf32, #tpu.memory_space<vmem>>, vector<1x16xf32>,
          %get3A_899 = vector.shape_cast %get3A_898 : vector<1x16xf32> to vector<16xf32>
          %mul3A_900 = vector.broadcast %squeeze3A_857 : f32 to vector<16xf32>
          %mul3A_901 = arith.mulf %mul3A_900, %get3A_899 : vector<16xf32>
          %add3A_902 = arith.addf %add3A_828, %mul3A_901 : vector<16xf32>
          %add3A_903 = arith.constant 10 : i32
          %add3A_904 = arith.addi %mul3A_74, %add3A_903 : i32
          %get3A_905 = arith.index_cast %add3A_904 : i32 to index
          %get3A_906 = arith.constant 80 : index
          %get3A_907 = tpu.vector_load %arg8[%get3A_905, %get3A_906] {strides = array<i32>} : memref<128x128xf32, #tpu.memory_space<vmem>>, vector<1x16xf32>,
          %get3A_908 = vector.shape_cast %get3A_907 : vector<1x16xf32> to vector<16xf32>
          %mul3A_909 = vector.broadcast %squeeze3A_857 : f32 to vector<16xf32>
          %mul3A_910 = arith.mulf %mul3A_909, %get3A_908 : vector<16xf32>
          %add3A_911 = arith.addf %add3A_837, %mul3A_910 : vector<16xf32>
          %add3A_912 = arith.constant 10 : i32
          %add3A_913 = arith.addi %mul3A_74, %add3A_912 : i32
          %get3A_914 = arith.index_cast %add3A_913 : i32 to index
          %get3A_915 = arith.constant 96 : index
          %get3A_916 = tpu.vector_load %arg8[%get3A_914, %get3A_915] {strides = array<i32>} : memref<128x128xf32, #tpu.memory_space<vmem>>, vector<1x16xf32>,
          %get3A_917 = vector.shape_cast %get3A_916 : vector<1x16xf32> to vector<16xf32>
          %mul3A_918 = vector.broadcast %squeeze3A_857 : f32 to vector<16xf32>
          %mul3A_919 = arith.mulf %mul3A_918, %get3A_917 : vector<16xf32>
          %add3A_920 = arith.addf %add3A_846, %mul3A_919 : vector<16xf32>
          %add3A_921 = arith.constant 10 : i32
          %add3A_922 = arith.addi %mul3A_74, %add3A_921 : i32
          %get3A_923 = arith.index_cast %add3A_922 : i32 to index
          %get3A_924 = arith.constant 112 : index
          %get3A_925 = tpu.vector_load %arg8[%get3A_923, %get3A_924] {strides = array<i32>} : memref<128x128xf32, #tpu.memory_space<vmem>>, vector<1x16xf32>,
          %get3A_926 = vector.shape_cast %get3A_925 : vector<1x16xf32> to vector<16xf32>
          %mul3A_927 = vector.broadcast %squeeze3A_857 : f32 to vector<16xf32>
          %mul3A_928 = arith.mulf %mul3A_927, %get3A_926 : vector<16xf32>
          %add3A_929 = arith.addf %add3A_855, %mul3A_928 : vector<16xf32>
          %slice3A_930 = vector.extract_strided_slice %get3A_78 {offsets = [11], sizes = [1], strides = [1]} : vector<16xf32> to vector<1xf32>
          %squeeze3A_931 = vector.extract %slice3A_930[0] : f32 from vector<1xf32>
          %add3A_932 = arith.constant 11 : i32
          %add3A_933 = arith.addi %mul3A_74, %add3A_932 : i32
          %get3A_934 = arith.index_cast %add3A_933 : i32 to index
          %get3A_935 = arith.constant 0 : index
          %get3A_936 = tpu.vector_load %arg8[%get3A_934, %get3A_935] {strides = array<i32>} : memref<128x128xf32, #tpu.memory_space<vmem>>, vector<1x16xf32>,
          %get3A_937 = vector.shape_cast %get3A_936 : vector<1x16xf32> to vector<16xf32>
          %mul3A_938 = vector.broadcast %squeeze3A_931 : f32 to vector<16xf32>
          %mul3A_939 = arith.mulf %mul3A_938, %get3A_937 : vector<16xf32>
          %add3A_940 = arith.addf %add3A_866, %mul3A_939 : vector<16xf32>
          %add3A_941 = arith.constant 11 : i32
          %add3A_942 = arith.addi %mul3A_74, %add3A_941 : i32
          %get3A_943 = arith.index_cast %add3A_942 : i32 to index
          %get3A_944 = arith.constant 16 : index
          %get3A_945 = tpu.vector_load %arg8[%get3A_943, %get3A_944] {strides = array<i32>} : memref<128x128xf32, #tpu.memory_space<vmem>>, vector<1x16xf32>,
          %get3A_946 = vector.shape_cast %get3A_945 : vector<1x16xf32> to vector<16xf32>
          %mul3A_947 = vector.broadcast %squeeze3A_931 : f32 to vector<16xf32>
          %mul3A_948 = arith.mulf %mul3A_947, %get3A_946 : vector<16xf32>
          %add3A_949 = arith.addf %add3A_875, %mul3A_948 : vector<16xf32>
          %add3A_950 = arith.constant 11 : i32
          %add3A_951 = arith.addi %mul3A_74, %add3A_950 : i32
          %get3A_952 = arith.index_cast %add3A_951 : i32 to index
          %get3A_953 = arith.constant 32 : index
          %get3A_954 = tpu.vector_load %arg8[%get3A_952, %get3A_953] {strides = array<i32>} : memref<128x128xf32, #tpu.memory_space<vmem>>, vector<1x16xf32>,
          %get3A_955 = vector.shape_cast %get3A_954 : vector<1x16xf32> to vector<16xf32>
          %mul3A_956 = vector.broadcast %squeeze3A_931 : f32 to vector<16xf32>
          %mul3A_957 = arith.mulf %mul3A_956, %get3A_955 : vector<16xf32>
          %add3A_958 = arith.addf %add3A_884, %mul3A_957 : vector<16xf32>
          %add3A_959 = arith.constant 11 : i32
          %add3A_960 = arith.addi %mul3A_74, %add3A_959 : i32
          %get3A_961 = arith.index_cast %add3A_960 : i32 to index
          %get3A_962 = arith.constant 48 : index
          %get3A_963 = tpu.vector_load %arg8[%get3A_961, %get3A_962] {strides = array<i32>} : memref<128x128xf32, #tpu.memory_space<vmem>>, vector<1x16xf32>,
          %get3A_964 = vector.shape_cast %get3A_963 : vector<1x16xf32> to vector<16xf32>
          %mul3A_965 = vector.broadcast %squeeze3A_931 : f32 to vector<16xf32>
          %mul3A_966 = arith.mulf %mul3A_965, %get3A_964 : vector<16xf32>
          %add3A_967 = arith.addf %add3A_893, %mul3A_966 : vector<16xf32>
          %add3A_968 = arith.constant 11 : i32
          %add3A_969 = arith.addi %mul3A_74, %add3A_968 : i32
          %get3A_970 = arith.index_cast %add3A_969 : i32 to index
          %get3A_971 = arith.constant 64 : index
          %get3A_972 = tpu.vector_load %arg8[%get3A_970, %get3A_971] {strides = array<i32>} : memref<128x128xf32, #tpu.memory_space<vmem>>, vector<1x16xf32>,
          %get3A_973 = vector.shape_cast %get3A_972 : vector<1x16xf32> to vector<16xf32>
          %mul3A_974 = vector.broadcast %squeeze3A_931 : f32 to vector<16xf32>
          %mul3A_975 = arith.mulf %mul3A_974, %get3A_973 : vector<16xf32>
          %add3A_976 = arith.addf %add3A_902, %mul3A_975 : vector<16xf32>
          %add3A_977 = arith.constant 11 : i32
          %add3A_978 = arith.addi %mul3A_74, %add3A_977 : i32
          %get3A_979 = arith.index_cast %add3A_978 : i32 to index
          %get3A_980 = arith.constant 80 : index
          %get3A_981 = tpu.vector_load %arg8[%get3A_979, %get3A_980] {strides = array<i32>} : memref<128x128xf32, #tpu.memory_space<vmem>>, vector<1x16xf32>,
          %get3A_982 = vector.shape_cast %get3A_981 : vector<1x16xf32> to vector<16xf32>
          %mul3A_983 = vector.broadcast %squeeze3A_931 : f32 to vector<16xf32>
          %mul3A_984 = arith.mulf %mul3A_983, %get3A_982 : vector<16xf32>
          %add3A_985 = arith.addf %add3A_911, %mul3A_984 : vector<16xf32>
          %add3A_986 = arith.constant 11 : i32
          %add3A_987 = arith.addi %mul3A_74, %add3A_986 : i32
          %get3A_988 = arith.index_cast %add3A_987 : i32 to index
          %get3A_989 = arith.constant 96 : index
          %get3A_990 = tpu.vector_load %arg8[%get3A_988, %get3A_989] {strides = array<i32>} : memref<128x128xf32, #tpu.memory_space<vmem>>, vector<1x16xf32>,
          %get3A_991 = vector.shape_cast %get3A_990 : vector<1x16xf32> to vector<16xf32>
          %mul3A_992 = vector.broadcast %squeeze3A_931 : f32 to vector<16xf32>
          %mul3A_993 = arith.mulf %mul3A_992, %get3A_991 : vector<16xf32>
          %add3A_994 = arith.addf %add3A_920, %mul3A_993 : vector<16xf32>
          %add3A_995 = arith.constant 11 : i32
          %add3A_996 = arith.addi %mul3A_74, %add3A_995 : i32
          %get3A_997 = arith.index_cast %add3A_996 : i32 to index
          %get3A_998 = arith.constant 112 : index
          %get3A_999 = tpu.vector_load %arg8[%get3A_997, %get3A_998] {strides = array<i32>} : memref<128x128xf32, #tpu.memory_space<vmem>>, vector<1x16xf32>,
          %get3A_1000 = vector.shape_cast %get3A_999 : vector<1x16xf32> to vector<16xf32>
          %mul3A_1001 = vector.broadcast %squeeze3A_931 : f32 to vector<16xf32>
          %mul3A_1002 = arith.mulf %mul3A_1001, %get3A_1000 : vector<16xf32>
          %add3A_1003 = arith.addf %add3A_929, %mul3A_1002 : vector<16xf32>
          %slice3A_1004 = vector.extract_strided_slice %get3A_78 {offsets = [12], sizes = [1], strides = [1]} : vector<16xf32> to vector<1xf32>
          %squeeze3A_1005 = vector.extract %slice3A_1004[0] : f32 from vector<1xf32>
          %add3A_1006 = arith.constant 12 : i32
          %add3A_1007 = arith.addi %mul3A_74, %add3A_1006 : i32
          %get3A_1008 = arith.index_cast %add3A_1007 : i32 to index
          %get3A_1009 = arith.constant 0 : index
          %get3A_1010 = tpu.vector_load %arg8[%get3A_1008, %get3A_1009] {strides = array<i32>} : memref<128x128xf32, #tpu.memory_space<vmem>>, vector<1x16xf32>,
          %get3A_1011 = vector.shape_cast %get3A_1010 : vector<1x16xf32> to vector<16xf32>
          %mul3A_1012 = vector.broadcast %squeeze3A_1005 : f32 to vector<16xf32>
          %mul3A_1013 = arith.mulf %mul3A_1012, %get3A_1011 : vector<16xf32>
          %add3A_1014 = arith.addf %add3A_940, %mul3A_1013 : vector<16xf32>
          %add3A_1015 = arith.constant 12 : i32
          %add3A_1016 = arith.addi %mul3A_74, %add3A_1015 : i32
          %get3A_1017 = arith.index_cast %add3A_1016 : i32 to index
          %get3A_1018 = arith.constant 16 : index
          %get3A_1019 = tpu.vector_load %arg8[%get3A_1017, %get3A_1018] {strides = array<i32>} : memref<128x128xf32, #tpu.memory_space<vmem>>, vector<1x16xf32>,
          %get3A_1020 = vector.shape_cast %get3A_1019 : vector<1x16xf32> to vector<16xf32>
          %mul3A_1021 = vector.broadcast %squeeze3A_1005 : f32 to vector<16xf32>
          %mul3A_1022 = arith.mulf %mul3A_1021, %get3A_1020 : vector<16xf32>
          %add3A_1023 = arith.addf %add3A_949, %mul3A_1022 : vector<16xf32>
          %add3A_1024 = arith.constant 12 : i32
          %add3A_1025 = arith.addi %mul3A_74, %add3A_1024 : i32
          %get3A_1026 = arith.index_cast %add3A_1025 : i32 to index
          %get3A_1027 = arith.constant 32 : index
          %get3A_1028 = tpu.vector_load %arg8[%get3A_1026, %get3A_1027] {strides = array<i32>} : memref<128x128xf32, #tpu.memory_space<vmem>>, vector<1x16xf32>,
          %get3A_1029 = vector.shape_cast %get3A_1028 : vector<1x16xf32> to vector<16xf32>
          %mul3A_1030 = vector.broadcast %squeeze3A_1005 : f32 to vector<16xf32>
          %mul3A_1031 = arith.mulf %mul3A_1030, %get3A_1029 : vector<16xf32>
          %add3A_1032 = arith.addf %add3A_958, %mul3A_1031 : vector<16xf32>
          %add3A_1033 = arith.constant 12 : i32
          %add3A_1034 = arith.addi %mul3A_74, %add3A_1033 : i32
          %get3A_1035 = arith.index_cast %add3A_1034 : i32 to index
          %get3A_1036 = arith.constant 48 : index
          %get3A_1037 = tpu.vector_load %arg8[%get3A_1035, %get3A_1036] {strides = array<i32>} : memref<128x128xf32, #tpu.memory_space<vmem>>, vector<1x16xf32>,
          %get3A_1038 = vector.shape_cast %get3A_1037 : vector<1x16xf32> to vector<16xf32>
          %mul3A_1039 = vector.broadcast %squeeze3A_1005 : f32 to vector<16xf32>
          %mul3A_1040 = arith.mulf %mul3A_1039, %get3A_1038 : vector<16xf32>
          %add3A_1041 = arith.addf %add3A_967, %mul3A_1040 : vector<16xf32>
          %add3A_1042 = arith.constant 12 : i32
          %add3A_1043 = arith.addi %mul3A_74, %add3A_1042 : i32
          %get3A_1044 = arith.index_cast %add3A_1043 : i32 to index
          %get3A_1045 = arith.constant 64 : index
          %get3A_1046 = tpu.vector_load %arg8[%get3A_1044, %get3A_1045] {strides = array<i32>} : memref<128x128xf32, #tpu.memory_space<vmem>>, vector<1x16xf32>,
          %get3A_1047 = vector.shape_cast %get3A_1046 : vector<1x16xf32> to vector<16xf32>
          %mul3A_1048 = vector.broadcast %squeeze3A_1005 : f32 to vector<16xf32>
          %mul3A_1049 = arith.mulf %mul3A_1048, %get3A_1047 : vector<16xf32>
          %add3A_1050 = arith.addf %add3A_976, %mul3A_1049 : vector<16xf32>
          %add3A_1051 = arith.constant 12 : i32
          %add3A_1052 = arith.addi %mul3A_74, %add3A_1051 : i32
          %get3A_1053 = arith.index_cast %add3A_1052 : i32 to index
          %get3A_1054 = arith.constant 80 : index
          %get3A_1055 = tpu.vector_load %arg8[%get3A_1053, %get3A_1054] {strides = array<i32>} : memref<128x128xf32, #tpu.memory_space<vmem>>, vector<1x16xf32>,
          %get3A_1056 = vector.shape_cast %get3A_1055 : vector<1x16xf32> to vector<16xf32>
          %mul3A_1057 = vector.broadcast %squeeze3A_1005 : f32 to vector<16xf32>
          %mul3A_1058 = arith.mulf %mul3A_1057, %get3A_1056 : vector<16xf32>
          %add3A_1059 = arith.addf %add3A_985, %mul3A_1058 : vector<16xf32>
          %add3A_1060 = arith.constant 12 : i32
          %add3A_1061 = arith.addi %mul3A_74, %add3A_1060 : i32
          %get3A_1062 = arith.index_cast %add3A_1061 : i32 to index
          %get3A_1063 = arith.constant 96 : index
          %get3A_1064 = tpu.vector_load %arg8[%get3A_1062, %get3A_1063] {strides = array<i32>} : memref<128x128xf32, #tpu.memory_space<vmem>>, vector<1x16xf32>,
          %get3A_1065 = vector.shape_cast %get3A_1064 : vector<1x16xf32> to vector<16xf32>
          %mul3A_1066 = vector.broadcast %squeeze3A_1005 : f32 to vector<16xf32>
          %mul3A_1067 = arith.mulf %mul3A_1066, %get3A_1065 : vector<16xf32>
          %add3A_1068 = arith.addf %add3A_994, %mul3A_1067 : vector<16xf32>
          %add3A_1069 = arith.constant 12 : i32
          %add3A_1070 = arith.addi %mul3A_74, %add3A_1069 : i32
          %get3A_1071 = arith.index_cast %add3A_1070 : i32 to index
          %get3A_1072 = arith.constant 112 : index
          %get3A_1073 = tpu.vector_load %arg8[%get3A_1071, %get3A_1072] {strides = array<i32>} : memref<128x128xf32, #tpu.memory_space<vmem>>, vector<1x16xf32>,
          %get3A_1074 = vector.shape_cast %get3A_1073 : vector<1x16xf32> to vector<16xf32>
          %mul3A_1075 = vector.broadcast %squeeze3A_1005 : f32 to vector<16xf32>
          %mul3A_1076 = arith.mulf %mul3A_1075, %get3A_1074 : vector<16xf32>
          %add3A_1077 = arith.addf %add3A_1003, %mul3A_1076 : vector<16xf32>
          %slice3A_1078 = vector.extract_strided_slice %get3A_78 {offsets = [13], sizes = [1], strides = [1]} : vector<16xf32> to vector<1xf32>
          %squeeze3A_1079 = vector.extract %slice3A_1078[0] : f32 from vector<1xf32>
          %add3A_1080 = arith.constant 13 : i32
          %add3A_1081 = arith.addi %mul3A_74, %add3A_1080 : i32
          %get3A_1082 = arith.index_cast %add3A_1081 : i32 to index
          %get3A_1083 = arith.constant 0 : index
          %get3A_1084 = tpu.vector_load %arg8[%get3A_1082, %get3A_1083] {strides = array<i32>} : memref<128x128xf32, #tpu.memory_space<vmem>>, vector<1x16xf32>,
          %get3A_1085 = vector.shape_cast %get3A_1084 : vector<1x16xf32> to vector<16xf32>
          %mul3A_1086 = vector.broadcast %squeeze3A_1079 : f32 to vector<16xf32>
          %mul3A_1087 = arith.mulf %mul3A_1086, %get3A_1085 : vector<16xf32>
          %add3A_1088 = arith.addf %add3A_1014, %mul3A_1087 : vector<16xf32>
          %add3A_1089 = arith.constant 13 : i32
          %add3A_1090 = arith.addi %mul3A_74, %add3A_1089 : i32
          %get3A_1091 = arith.index_cast %add3A_1090 : i32 to index
          %get3A_1092 = arith.constant 16 : index
          %get3A_1093 = tpu.vector_load %arg8[%get3A_1091, %get3A_1092] {strides = array<i32>} : memref<128x128xf32, #tpu.memory_space<vmem>>, vector<1x16xf32>,
          %get3A_1094 = vector.shape_cast %get3A_1093 : vector<1x16xf32> to vector<16xf32>
          %mul3A_1095 = vector.broadcast %squeeze3A_1079 : f32 to vector<16xf32>
          %mul3A_1096 = arith.mulf %mul3A_1095, %get3A_1094 : vector<16xf32>
          %add3A_1097 = arith.addf %add3A_1023, %mul3A_1096 : vector<16xf32>
          %add3A_1098 = arith.constant 13 : i32
          %add3A_1099 = arith.addi %mul3A_74, %add3A_1098 : i32
          %get3A_1100 = arith.index_cast %add3A_1099 : i32 to index
          %get3A_1101 = arith.constant 32 : index
          %get3A_1102 = tpu.vector_load %arg8[%get3A_1100, %get3A_1101] {strides = array<i32>} : memref<128x128xf32, #tpu.memory_space<vmem>>, vector<1x16xf32>,
          %get3A_1103 = vector.shape_cast %get3A_1102 : vector<1x16xf32> to vector<16xf32>
          %mul3A_1104 = vector.broadcast %squeeze3A_1079 : f32 to vector<16xf32>
          %mul3A_1105 = arith.mulf %mul3A_1104, %get3A_1103 : vector<16xf32>
          %add3A_1106 = arith.addf %add3A_1032, %mul3A_1105 : vector<16xf32>
          %add3A_1107 = arith.constant 13 : i32
          %add3A_1108 = arith.addi %mul3A_74, %add3A_1107 : i32
          %get3A_1109 = arith.index_cast %add3A_1108 : i32 to index
          %get3A_1110 = arith.constant 48 : index
          %get3A_1111 = tpu.vector_load %arg8[%get3A_1109, %get3A_1110] {strides = array<i32>} : memref<128x128xf32, #tpu.memory_space<vmem>>, vector<1x16xf32>,
          %get3A_1112 = vector.shape_cast %get3A_1111 : vector<1x16xf32> to vector<16xf32>
          %mul3A_1113 = vector.broadcast %squeeze3A_1079 : f32 to vector<16xf32>
          %mul3A_1114 = arith.mulf %mul3A_1113, %get3A_1112 : vector<16xf32>
          %add3A_1115 = arith.addf %add3A_1041, %mul3A_1114 : vector<16xf32>
          %add3A_1116 = arith.constant 13 : i32
          %add3A_1117 = arith.addi %mul3A_74, %add3A_1116 : i32
          %get3A_1118 = arith.index_cast %add3A_1117 : i32 to index
          %get3A_1119 = arith.constant 64 : index
          %get3A_1120 = tpu.vector_load %arg8[%get3A_1118, %get3A_1119] {strides = array<i32>} : memref<128x128xf32, #tpu.memory_space<vmem>>, vector<1x16xf32>,
          %get3A_1121 = vector.shape_cast %get3A_1120 : vector<1x16xf32> to vector<16xf32>
          %mul3A_1122 = vector.broadcast %squeeze3A_1079 : f32 to vector<16xf32>
          %mul3A_1123 = arith.mulf %mul3A_1122, %get3A_1121 : vector<16xf32>
          %add3A_1124 = arith.addf %add3A_1050, %mul3A_1123 : vector<16xf32>
          %add3A_1125 = arith.constant 13 : i32
          %add3A_1126 = arith.addi %mul3A_74, %add3A_1125 : i32
          %get3A_1127 = arith.index_cast %add3A_1126 : i32 to index
          %get3A_1128 = arith.constant 80 : index
          %get3A_1129 = tpu.vector_load %arg8[%get3A_1127, %get3A_1128] {strides = array<i32>} : memref<128x128xf32, #tpu.memory_space<vmem>>, vector<1x16xf32>,
          %get3A_1130 = vector.shape_cast %get3A_1129 : vector<1x16xf32> to vector<16xf32>
          %mul3A_1131 = vector.broadcast %squeeze3A_1079 : f32 to vector<16xf32>
          %mul3A_1132 = arith.mulf %mul3A_1131, %get3A_1130 : vector<16xf32>
          %add3A_1133 = arith.addf %add3A_1059, %mul3A_1132 : vector<16xf32>
          %add3A_1134 = arith.constant 13 : i32
          %add3A_1135 = arith.addi %mul3A_74, %add3A_1134 : i32
          %get3A_1136 = arith.index_cast %add3A_1135 : i32 to index
          %get3A_1137 = arith.constant 96 : index
          %get3A_1138 = tpu.vector_load %arg8[%get3A_1136, %get3A_1137] {strides = array<i32>} : memref<128x128xf32, #tpu.memory_space<vmem>>, vector<1x16xf32>,
          %get3A_1139 = vector.shape_cast %get3A_1138 : vector<1x16xf32> to vector<16xf32>
          %mul3A_1140 = vector.broadcast %squeeze3A_1079 : f32 to vector<16xf32>
          %mul3A_1141 = arith.mulf %mul3A_1140, %get3A_1139 : vector<16xf32>
          %add3A_1142 = arith.addf %add3A_1068, %mul3A_1141 : vector<16xf32>
          %add3A_1143 = arith.constant 13 : i32
          %add3A_1144 = arith.addi %mul3A_74, %add3A_1143 : i32
          %get3A_1145 = arith.index_cast %add3A_1144 : i32 to index
          %get3A_1146 = arith.constant 112 : index
          %get3A_1147 = tpu.vector_load %arg8[%get3A_1145, %get3A_1146] {strides = array<i32>} : memref<128x128xf32, #tpu.memory_space<vmem>>, vector<1x16xf32>,
          %get3A_1148 = vector.shape_cast %get3A_1147 : vector<1x16xf32> to vector<16xf32>
          %mul3A_1149 = vector.broadcast %squeeze3A_1079 : f32 to vector<16xf32>
          %mul3A_1150 = arith.mulf %mul3A_1149, %get3A_1148 : vector<16xf32>
          %add3A_1151 = arith.addf %add3A_1077, %mul3A_1150 : vector<16xf32>
          %slice3A_1152 = vector.extract_strided_slice %get3A_78 {offsets = [14], sizes = [1], strides = [1]} : vector<16xf32> to vector<1xf32>
          %squeeze3A_1153 = vector.extract %slice3A_1152[0] : f32 from vector<1xf32>
          %add3A_1154 = arith.constant 14 : i32
          %add3A_1155 = arith.addi %mul3A_74, %add3A_1154 : i32
          %get3A_1156 = arith.index_cast %add3A_1155 : i32 to index
          %get3A_1157 = arith.constant 0 : index
          %get3A_1158 = tpu.vector_load %arg8[%get3A_1156, %get3A_1157] {strides = array<i32>} : memref<128x128xf32, #tpu.memory_space<vmem>>, vector<1x16xf32>,
          %get3A_1159 = vector.shape_cast %get3A_1158 : vector<1x16xf32> to vector<16xf32>
          %mul3A_1160 = vector.broadcast %squeeze3A_1153 : f32 to vector<16xf32>
          %mul3A_1161 = arith.mulf %mul3A_1160, %get3A_1159 : vector<16xf32>
          %add3A_1162 = arith.addf %add3A_1088, %mul3A_1161 : vector<16xf32>
          %add3A_1163 = arith.constant 14 : i32
          %add3A_1164 = arith.addi %mul3A_74, %add3A_1163 : i32
          %get3A_1165 = arith.index_cast %add3A_1164 : i32 to index
          %get3A_1166 = arith.constant 16 : index
          %get3A_1167 = tpu.vector_load %arg8[%get3A_1165, %get3A_1166] {strides = array<i32>} : memref<128x128xf32, #tpu.memory_space<vmem>>, vector<1x16xf32>,
          %get3A_1168 = vector.shape_cast %get3A_1167 : vector<1x16xf32> to vector<16xf32>
          %mul3A_1169 = vector.broadcast %squeeze3A_1153 : f32 to vector<16xf32>
          %mul3A_1170 = arith.mulf %mul3A_1169, %get3A_1168 : vector<16xf32>
          %add3A_1171 = arith.addf %add3A_1097, %mul3A_1170 : vector<16xf32>
          %add3A_1172 = arith.constant 14 : i32
          %add3A_1173 = arith.addi %mul3A_74, %add3A_1172 : i32
          %get3A_1174 = arith.index_cast %add3A_1173 : i32 to index
          %get3A_1175 = arith.constant 32 : index
          %get3A_1176 = tpu.vector_load %arg8[%get3A_1174, %get3A_1175] {strides = array<i32>} : memref<128x128xf32, #tpu.memory_space<vmem>>, vector<1x16xf32>,
          %get3A_1177 = vector.shape_cast %get3A_1176 : vector<1x16xf32> to vector<16xf32>
          %mul3A_1178 = vector.broadcast %squeeze3A_1153 : f32 to vector<16xf32>
          %mul3A_1179 = arith.mulf %mul3A_1178, %get3A_1177 : vector<16xf32>
          %add3A_1180 = arith.addf %add3A_1106, %mul3A_1179 : vector<16xf32>
          %add3A_1181 = arith.constant 14 : i32
          %add3A_1182 = arith.addi %mul3A_74, %add3A_1181 : i32
          %get3A_1183 = arith.index_cast %add3A_1182 : i32 to index
          %get3A_1184 = arith.constant 48 : index
          %get3A_1185 = tpu.vector_load %arg8[%get3A_1183, %get3A_1184] {strides = array<i32>} : memref<128x128xf32, #tpu.memory_space<vmem>>, vector<1x16xf32>,
          %get3A_1186 = vector.shape_cast %get3A_1185 : vector<1x16xf32> to vector<16xf32>
          %mul3A_1187 = vector.broadcast %squeeze3A_1153 : f32 to vector<16xf32>
          %mul3A_1188 = arith.mulf %mul3A_1187, %get3A_1186 : vector<16xf32>
          %add3A_1189 = arith.addf %add3A_1115, %mul3A_1188 : vector<16xf32>
          %add3A_1190 = arith.constant 14 : i32
          %add3A_1191 = arith.addi %mul3A_74, %add3A_1190 : i32
          %get3A_1192 = arith.index_cast %add3A_1191 : i32 to index
          %get3A_1193 = arith.constant 64 : index
          %get3A_1194 = tpu.vector_load %arg8[%get3A_1192, %get3A_1193] {strides = array<i32>} : memref<128x128xf32, #tpu.memory_space<vmem>>, vector<1x16xf32>,
          %get3A_1195 = vector.shape_cast %get3A_1194 : vector<1x16xf32> to vector<16xf32>
          %mul3A_1196 = vector.broadcast %squeeze3A_1153 : f32 to vector<16xf32>
          %mul3A_1197 = arith.mulf %mul3A_1196, %get3A_1195 : vector<16xf32>
          %add3A_1198 = arith.addf %add3A_1124, %mul3A_1197 : vector<16xf32>
          %add3A_1199 = arith.constant 14 : i32
          %add3A_1200 = arith.addi %mul3A_74, %add3A_1199 : i32
          %get3A_1201 = arith.index_cast %add3A_1200 : i32 to index
          %get3A_1202 = arith.constant 80 : index
          %get3A_1203 = tpu.vector_load %arg8[%get3A_1201, %get3A_1202] {strides = array<i32>} : memref<128x128xf32, #tpu.memory_space<vmem>>, vector<1x16xf32>,
          %get3A_1204 = vector.shape_cast %get3A_1203 : vector<1x16xf32> to vector<16xf32>
          %mul3A_1205 = vector.broadcast %squeeze3A_1153 : f32 to vector<16xf32>
          %mul3A_1206 = arith.mulf %mul3A_1205, %get3A_1204 : vector<16xf32>
          %add3A_1207 = arith.addf %add3A_1133, %mul3A_1206 : vector<16xf32>
          %add3A_1208 = arith.constant 14 : i32
          %add3A_1209 = arith.addi %mul3A_74, %add3A_1208 : i32
          %get3A_1210 = arith.index_cast %add3A_1209 : i32 to index
          %get3A_1211 = arith.constant 96 : index
          %get3A_1212 = tpu.vector_load %arg8[%get3A_1210, %get3A_1211] {strides = array<i32>} : memref<128x128xf32, #tpu.memory_space<vmem>>, vector<1x16xf32>,
          %get3A_1213 = vector.shape_cast %get3A_1212 : vector<1x16xf32> to vector<16xf32>
          %mul3A_1214 = vector.broadcast %squeeze3A_1153 : f32 to vector<16xf32>
          %mul3A_1215 = arith.mulf %mul3A_1214, %get3A_1213 : vector<16xf32>
          %add3A_1216 = arith.addf %add3A_1142, %mul3A_1215 : vector<16xf32>
          %add3A_1217 = arith.constant 14 : i32
          %add3A_1218 = arith.addi %mul3A_74, %add3A_1217 : i32
          %get3A_1219 = arith.index_cast %add3A_1218 : i32 to index
          %get3A_1220 = arith.constant 112 : index
          %get3A_1221 = tpu.vector_load %arg8[%get3A_1219, %get3A_1220] {strides = array<i32>} : memref<128x128xf32, #tpu.memory_space<vmem>>, vector<1x16xf32>,
          %get3A_1222 = vector.shape_cast %get3A_1221 : vector<1x16xf32> to vector<16xf32>
          %mul3A_1223 = vector.broadcast %squeeze3A_1153 : f32 to vector<16xf32>
          %mul3A_1224 = arith.mulf %mul3A_1223, %get3A_1222 : vector<16xf32>
          %add3A_1225 = arith.addf %add3A_1151, %mul3A_1224 : vector<16xf32>
          %slice3A_1226 = vector.extract_strided_slice %get3A_78 {offsets = [15], sizes = [1], strides = [1]} : vector<16xf32> to vector<1xf32>
          %squeeze3A_1227 = vector.extract %slice3A_1226[0] : f32 from vector<1xf32>
          %add3A_1228 = arith.constant 15 : i32
          %add3A_1229 = arith.addi %mul3A_74, %add3A_1228 : i32
          %get3A_1230 = arith.index_cast %add3A_1229 : i32 to index
          %get3A_1231 = arith.constant 0 : index
          %get3A_1232 = tpu.vector_load %arg8[%get3A_1230, %get3A_1231] {strides = array<i32>} : memref<128x128xf32, #tpu.memory_space<vmem>>, vector<1x16xf32>,
          %get3A_1233 = vector.shape_cast %get3A_1232 : vector<1x16xf32> to vector<16xf32>
          %mul3A_1234 = vector.broadcast %squeeze3A_1227 : f32 to vector<16xf32>
          %mul3A_1235 = arith.mulf %mul3A_1234, %get3A_1233 : vector<16xf32>
          %add3A_1236 = arith.addf %add3A_1162, %mul3A_1235 : vector<16xf32>
          %add3A_1237 = arith.constant 15 : i32
          %add3A_1238 = arith.addi %mul3A_74, %add3A_1237 : i32
          %get3A_1239 = arith.index_cast %add3A_1238 : i32 to index
          %get3A_1240 = arith.constant 16 : index
          %get3A_1241 = tpu.vector_load %arg8[%get3A_1239, %get3A_1240] {strides = array<i32>} : memref<128x128xf32, #tpu.memory_space<vmem>>, vector<1x16xf32>,
          %get3A_1242 = vector.shape_cast %get3A_1241 : vector<1x16xf32> to vector<16xf32>
          %mul3A_1243 = vector.broadcast %squeeze3A_1227 : f32 to vector<16xf32>
          %mul3A_1244 = arith.mulf %mul3A_1243, %get3A_1242 : vector<16xf32>
          %add3A_1245 = arith.addf %add3A_1171, %mul3A_1244 : vector<16xf32>
          %add3A_1246 = arith.constant 15 : i32
          %add3A_1247 = arith.addi %mul3A_74, %add3A_1246 : i32
          %get3A_1248 = arith.index_cast %add3A_1247 : i32 to index
          %get3A_1249 = arith.constant 32 : index
          %get3A_1250 = tpu.vector_load %arg8[%get3A_1248, %get3A_1249] {strides = array<i32>} : memref<128x128xf32, #tpu.memory_space<vmem>>, vector<1x16xf32>,
          %get3A_1251 = vector.shape_cast %get3A_1250 : vector<1x16xf32> to vector<16xf32>
          %mul3A_1252 = vector.broadcast %squeeze3A_1227 : f32 to vector<16xf32>
          %mul3A_1253 = arith.mulf %mul3A_1252, %get3A_1251 : vector<16xf32>
          %add3A_1254 = arith.addf %add3A_1180, %mul3A_1253 : vector<16xf32>
          %add3A_1255 = arith.constant 15 : i32
          %add3A_1256 = arith.addi %mul3A_74, %add3A_1255 : i32
          %get3A_1257 = arith.index_cast %add3A_1256 : i32 to index
          %get3A_1258 = arith.constant 48 : index
          %get3A_1259 = tpu.vector_load %arg8[%get3A_1257, %get3A_1258] {strides = array<i32>} : memref<128x128xf32, #tpu.memory_space<vmem>>, vector<1x16xf32>,
          %get3A_1260 = vector.shape_cast %get3A_1259 : vector<1x16xf32> to vector<16xf32>
          %mul3A_1261 = vector.broadcast %squeeze3A_1227 : f32 to vector<16xf32>
          %mul3A_1262 = arith.mulf %mul3A_1261, %get3A_1260 : vector<16xf32>
          %add3A_1263 = arith.addf %add3A_1189, %mul3A_1262 : vector<16xf32>
          %add3A_1264 = arith.constant 15 : i32
          %add3A_1265 = arith.addi %mul3A_74, %add3A_1264 : i32
          %get3A_1266 = arith.index_cast %add3A_1265 : i32 to index
          %get3A_1267 = arith.constant 64 : index
          %get3A_1268 = tpu.vector_load %arg8[%get3A_1266, %get3A_1267] {strides = array<i32>} : memref<128x128xf32, #tpu.memory_space<vmem>>, vector<1x16xf32>,
          %get3A_1269 = vector.shape_cast %get3A_1268 : vector<1x16xf32> to vector<16xf32>
          %mul3A_1270 = vector.broadcast %squeeze3A_1227 : f32 to vector<16xf32>
          %mul3A_1271 = arith.mulf %mul3A_1270, %get3A_1269 : vector<16xf32>
          %add3A_1272 = arith.addf %add3A_1198, %mul3A_1271 : vector<16xf32>
          %add3A_1273 = arith.constant 15 : i32
          %add3A_1274 = arith.addi %mul3A_74, %add3A_1273 : i32
          %get3A_1275 = arith.index_cast %add3A_1274 : i32 to index
          %get3A_1276 = arith.constant 80 : index
          %get3A_1277 = tpu.vector_load %arg8[%get3A_1275, %get3A_1276] {strides = array<i32>} : memref<128x128xf32, #tpu.memory_space<vmem>>, vector<1x16xf32>,
          %get3A_1278 = vector.shape_cast %get3A_1277 : vector<1x16xf32> to vector<16xf32>
          %mul3A_1279 = vector.broadcast %squeeze3A_1227 : f32 to vector<16xf32>
          %mul3A_1280 = arith.mulf %mul3A_1279, %get3A_1278 : vector<16xf32>
          %add3A_1281 = arith.addf %add3A_1207, %mul3A_1280 : vector<16xf32>
          %add3A_1282 = arith.constant 15 : i32
          %add3A_1283 = arith.addi %mul3A_74, %add3A_1282 : i32
          %get3A_1284 = arith.index_cast %add3A_1283 : i32 to index
          %get3A_1285 = arith.constant 96 : index
          %get3A_1286 = tpu.vector_load %arg8[%get3A_1284, %get3A_1285] {strides = array<i32>} : memref<128x128xf32, #tpu.memory_space<vmem>>, vector<1x16xf32>,
          %get3A_1287 = vector.shape_cast %get3A_1286 : vector<1x16xf32> to vector<16xf32>
          %mul3A_1288 = vector.broadcast %squeeze3A_1227 : f32 to vector<16xf32>
          %mul3A_1289 = arith.mulf %mul3A_1288, %get3A_1287 : vector<16xf32>
          %add3A_1290 = arith.addf %add3A_1216, %mul3A_1289 : vector<16xf32>
          %add3A_1291 = arith.constant 15 : i32
          %add3A_1292 = arith.addi %mul3A_74, %add3A_1291 : i32
          %get3A_1293 = arith.index_cast %add3A_1292 : i32 to index
          %get3A_1294 = arith.constant 112 : index
          %get3A_1295 = tpu.vector_load %arg8[%get3A_1293, %get3A_1294] {strides = array<i32>} : memref<128x128xf32, #tpu.memory_space<vmem>>, vector<1x16xf32>,
          %get3A_1296 = vector.shape_cast %get3A_1295 : vector<1x16xf32> to vector<16xf32>
          %mul3A_1297 = vector.broadcast %squeeze3A_1227 : f32 to vector<16xf32>
          %mul3A_1298 = arith.mulf %mul3A_1297, %get3A_1296 : vector<16xf32>
          %add3A_1299 = arith.addf %add3A_1225, %mul3A_1298 : vector<16xf32>
          %slice3A_1300 = vector.extract_strided_slice %get3A_85 {offsets = [0], sizes = [1], strides = [1]} : vector<16xf32> to vector<1xf32>
          %squeeze3A_1301 = vector.extract %slice3A_1300[0] : f32 from vector<1xf32>
          %add3A_1302 = arith.constant 16 : i32
          %add3A_1303 = arith.addi %mul3A_74, %add3A_1302 : i32
          %get3A_1304 = arith.index_cast %add3A_1303 : i32 to index
          %get3A_1305 = arith.constant 0 : index
          %get3A_1306 = tpu.vector_load %arg8[%get3A_1304, %get3A_1305] {strides = array<i32>} : memref<128x128xf32, #tpu.memory_space<vmem>>, vector<1x16xf32>,
          %get3A_1307 = vector.shape_cast %get3A_1306 : vector<1x16xf32> to vector<16xf32>
          %mul3A_1308 = vector.broadcast %squeeze3A_1301 : f32 to vector<16xf32>
          %mul3A_1309 = arith.mulf %mul3A_1308, %get3A_1307 : vector<16xf32>
          %add3A_1310 = arith.addf %add3A_1236, %mul3A_1309 : vector<16xf32>
          %add3A_1311 = arith.constant 16 : i32
          %add3A_1312 = arith.addi %mul3A_74, %add3A_1311 : i32
          %get3A_1313 = arith.index_cast %add3A_1312 : i32 to index
          %get3A_1314 = arith.constant 16 : index
          %get3A_1315 = tpu.vector_load %arg8[%get3A_1313, %get3A_1314] {strides = array<i32>} : memref<128x128xf32, #tpu.memory_space<vmem>>, vector<1x16xf32>,
          %get3A_1316 = vector.shape_cast %get3A_1315 : vector<1x16xf32> to vector<16xf32>
          %mul3A_1317 = vector.broadcast %squeeze3A_1301 : f32 to vector<16xf32>
          %mul3A_1318 = arith.mulf %mul3A_1317, %get3A_1316 : vector<16xf32>
          %add3A_1319 = arith.addf %add3A_1245, %mul3A_1318 : vector<16xf32>
          %add3A_1320 = arith.constant 16 : i32
          %add3A_1321 = arith.addi %mul3A_74, %add3A_1320 : i32
          %get3A_1322 = arith.index_cast %add3A_1321 : i32 to index
          %get3A_1323 = arith.constant 32 : index
          %get3A_1324 = tpu.vector_load %arg8[%get3A_1322, %get3A_1323] {strides = array<i32>} : memref<128x128xf32, #tpu.memory_space<vmem>>, vector<1x16xf32>,
          %get3A_1325 = vector.shape_cast %get3A_1324 : vector<1x16xf32> to vector<16xf32>
          %mul3A_1326 = vector.broadcast %squeeze3A_1301 : f32 to vector<16xf32>
          %mul3A_1327 = arith.mulf %mul3A_1326, %get3A_1325 : vector<16xf32>
          %add3A_1328 = arith.addf %add3A_1254, %mul3A_1327 : vector<16xf32>
          %add3A_1329 = arith.constant 16 : i32
          %add3A_1330 = arith.addi %mul3A_74, %add3A_1329 : i32
          %get3A_1331 = arith.index_cast %add3A_1330 : i32 to index
          %get3A_1332 = arith.constant 48 : index
          %get3A_1333 = tpu.vector_load %arg8[%get3A_1331, %get3A_1332] {strides = array<i32>} : memref<128x128xf32, #tpu.memory_space<vmem>>, vector<1x16xf32>,
          %get3A_1334 = vector.shape_cast %get3A_1333 : vector<1x16xf32> to vector<16xf32>
          %mul3A_1335 = vector.broadcast %squeeze3A_1301 : f32 to vector<16xf32>
          %mul3A_1336 = arith.mulf %mul3A_1335, %get3A_1334 : vector<16xf32>
          %add3A_1337 = arith.addf %add3A_1263, %mul3A_1336 : vector<16xf32>
          %add3A_1338 = arith.constant 16 : i32
          %add3A_1339 = arith.addi %mul3A_74, %add3A_1338 : i32
          %get3A_1340 = arith.index_cast %add3A_1339 : i32 to index
          %get3A_1341 = arith.constant 64 : index
          %get3A_1342 = tpu.vector_load %arg8[%get3A_1340, %get3A_1341] {strides = array<i32>} : memref<128x128xf32, #tpu.memory_space<vmem>>, vector<1x16xf32>,
          %get3A_1343 = vector.shape_cast %get3A_1342 : vector<1x16xf32> to vector<16xf32>
          %mul3A_1344 = vector.broadcast %squeeze3A_1301 : f32 to vector<16xf32>
          %mul3A_1345 = arith.mulf %mul3A_1344, %get3A_1343 : vector<16xf32>
          %add3A_1346 = arith.addf %add3A_1272, %mul3A_1345 : vector<16xf32>
          %add3A_1347 = arith.constant 16 : i32
          %add3A_1348 = arith.addi %mul3A_74, %add3A_1347 : i32
          %get3A_1349 = arith.index_cast %add3A_1348 : i32 to index
          %get3A_1350 = arith.constant 80 : index
          %get3A_1351 = tpu.vector_load %arg8[%get3A_1349, %get3A_1350] {strides = array<i32>} : memref<128x128xf32, #tpu.memory_space<vmem>>, vector<1x16xf32>,
          %get3A_1352 = vector.shape_cast %get3A_1351 : vector<1x16xf32> to vector<16xf32>
          %mul3A_1353 = vector.broadcast %squeeze3A_1301 : f32 to vector<16xf32>
          %mul3A_1354 = arith.mulf %mul3A_1353, %get3A_1352 : vector<16xf32>
          %add3A_1355 = arith.addf %add3A_1281, %mul3A_1354 : vector<16xf32>
          %add3A_1356 = arith.constant 16 : i32
          %add3A_1357 = arith.addi %mul3A_74, %add3A_1356 : i32
          %get3A_1358 = arith.index_cast %add3A_1357 : i32 to index
          %get3A_1359 = arith.constant 96 : index
          %get3A_1360 = tpu.vector_load %arg8[%get3A_1358, %get3A_1359] {strides = array<i32>} : memref<128x128xf32, #tpu.memory_space<vmem>>, vector<1x16xf32>,
          %get3A_1361 = vector.shape_cast %get3A_1360 : vector<1x16xf32> to vector<16xf32>
          %mul3A_1362 = vector.broadcast %squeeze3A_1301 : f32 to vector<16xf32>
          %mul3A_1363 = arith.mulf %mul3A_1362, %get3A_1361 : vector<16xf32>
          %add3A_1364 = arith.addf %add3A_1290, %mul3A_1363 : vector<16xf32>
          %add3A_1365 = arith.constant 16 : i32
          %add3A_1366 = arith.addi %mul3A_74, %add3A_1365 : i32
          %get3A_1367 = arith.index_cast %add3A_1366 : i32 to index
          %get3A_1368 = arith.constant 112 : index
          %get3A_1369 = tpu.vector_load %arg8[%get3A_1367, %get3A_1368] {strides = array<i32>} : memref<128x128xf32, #tpu.memory_space<vmem>>, vector<1x16xf32>,
          %get3A_1370 = vector.shape_cast %get3A_1369 : vector<1x16xf32> to vector<16xf32>
          %mul3A_1371 = vector.broadcast %squeeze3A_1301 : f32 to vector<16xf32>
          %mul3A_1372 = arith.mulf %mul3A_1371, %get3A_1370 : vector<16xf32>
          %add3A_1373 = arith.addf %add3A_1299, %mul3A_1372 : vector<16xf32>
          %slice3A_1374 = vector.extract_strided_slice %get3A_85 {offsets = [1], sizes = [1], strides = [1]} : vector<16xf32> to vector<1xf32>
          %squeeze3A_1375 = vector.extract %slice3A_1374[0] : f32 from vector<1xf32>
          %add3A_1376 = arith.constant 17 : i32
          %add3A_1377 = arith.addi %mul3A_74, %add3A_1376 : i32
          %get3A_1378 = arith.index_cast %add3A_1377 : i32 to index
          %get3A_1379 = arith.constant 0 : index
          %get3A_1380 = tpu.vector_load %arg8[%get3A_1378, %get3A_1379] {strides = array<i32>} : memref<128x128xf32, #tpu.memory_space<vmem>>, vector<1x16xf32>,
          %get3A_1381 = vector.shape_cast %get3A_1380 : vector<1x16xf32> to vector<16xf32>
          %mul3A_1382 = vector.broadcast %squeeze3A_1375 : f32 to vector<16xf32>
          %mul3A_1383 = arith.mulf %mul3A_1382, %get3A_1381 : vector<16xf32>
          %add3A_1384 = arith.addf %add3A_1310, %mul3A_1383 : vector<16xf32>
          %add3A_1385 = arith.constant 17 : i32
          %add3A_1386 = arith.addi %mul3A_74, %add3A_1385 : i32
          %get3A_1387 = arith.index_cast %add3A_1386 : i32 to index
          %get3A_1388 = arith.constant 16 : index
          %get3A_1389 = tpu.vector_load %arg8[%get3A_1387, %get3A_1388] {strides = array<i32>} : memref<128x128xf32, #tpu.memory_space<vmem>>, vector<1x16xf32>,
          %get3A_1390 = vector.shape_cast %get3A_1389 : vector<1x16xf32> to vector<16xf32>
          %mul3A_1391 = vector.broadcast %squeeze3A_1375 : f32 to vector<16xf32>
          %mul3A_1392 = arith.mulf %mul3A_1391, %get3A_1390 : vector<16xf32>
          %add3A_1393 = arith.addf %add3A_1319, %mul3A_1392 : vector<16xf32>
          %add3A_1394 = arith.constant 17 : i32
          %add3A_1395 = arith.addi %mul3A_74, %add3A_1394 : i32
          %get3A_1396 = arith.index_cast %add3A_1395 : i32 to index
          %get3A_1397 = arith.constant 32 : index
          %get3A_1398 = tpu.vector_load %arg8[%get3A_1396, %get3A_1397] {strides = array<i32>} : memref<128x128xf32, #tpu.memory_space<vmem>>, vector<1x16xf32>,
          %get3A_1399 = vector.shape_cast %get3A_1398 : vector<1x16xf32> to vector<16xf32>
          %mul3A_1400 = vector.broadcast %squeeze3A_1375 : f32 to vector<16xf32>
          %mul3A_1401 = arith.mulf %mul3A_1400, %get3A_1399 : vector<16xf32>
          %add3A_1402 = arith.addf %add3A_1328, %mul3A_1401 : vector<16xf32>
          %add3A_1403 = arith.constant 17 : i32
          %add3A_1404 = arith.addi %mul3A_74, %add3A_1403 : i32
          %get3A_1405 = arith.index_cast %add3A_1404 : i32 to index
          %get3A_1406 = arith.constant 48 : index
          %get3A_1407 = tpu.vector_load %arg8[%get3A_1405, %get3A_1406] {strides = array<i32>} : memref<128x128xf32, #tpu.memory_space<vmem>>, vector<1x16xf32>,
          %get3A_1408 = vector.shape_cast %get3A_1407 : vector<1x16xf32> to vector<16xf32>
          %mul3A_1409 = vector.broadcast %squeeze3A_1375 : f32 to vector<16xf32>
          %mul3A_1410 = arith.mulf %mul3A_1409, %get3A_1408 : vector<16xf32>
          %add3A_1411 = arith.addf %add3A_1337, %mul3A_1410 : vector<16xf32>
          %add3A_1412 = arith.constant 17 : i32
          %add3A_1413 = arith.addi %mul3A_74, %add3A_1412 : i32
          %get3A_1414 = arith.index_cast %add3A_1413 : i32 to index
          %get3A_1415 = arith.constant 64 : index
          %get3A_1416 = tpu.vector_load %arg8[%get3A_1414, %get3A_1415] {strides = array<i32>} : memref<128x128xf32, #tpu.memory_space<vmem>>, vector<1x16xf32>,
          %get3A_1417 = vector.shape_cast %get3A_1416 : vector<1x16xf32> to vector<16xf32>
          %mul3A_1418 = vector.broadcast %squeeze3A_1375 : f32 to vector<16xf32>
          %mul3A_1419 = arith.mulf %mul3A_1418, %get3A_1417 : vector<16xf32>
          %add3A_1420 = arith.addf %add3A_1346, %mul3A_1419 : vector<16xf32>
          %add3A_1421 = arith.constant 17 : i32
          %add3A_1422 = arith.addi %mul3A_74, %add3A_1421 : i32
          %get3A_1423 = arith.index_cast %add3A_1422 : i32 to index
          %get3A_1424 = arith.constant 80 : index
          %get3A_1425 = tpu.vector_load %arg8[%get3A_1423, %get3A_1424] {strides = array<i32>} : memref<128x128xf32, #tpu.memory_space<vmem>>, vector<1x16xf32>,
          %get3A_1426 = vector.shape_cast %get3A_1425 : vector<1x16xf32> to vector<16xf32>
          %mul3A_1427 = vector.broadcast %squeeze3A_1375 : f32 to vector<16xf32>
          %mul3A_1428 = arith.mulf %mul3A_1427, %get3A_1426 : vector<16xf32>
          %add3A_1429 = arith.addf %add3A_1355, %mul3A_1428 : vector<16xf32>
          %add3A_1430 = arith.constant 17 : i32
          %add3A_1431 = arith.addi %mul3A_74, %add3A_1430 : i32
          %get3A_1432 = arith.index_cast %add3A_1431 : i32 to index
          %get3A_1433 = arith.constant 96 : index
          %get3A_1434 = tpu.vector_load %arg8[%get3A_1432, %get3A_1433] {strides = array<i32>} : memref<128x128xf32, #tpu.memory_space<vmem>>, vector<1x16xf32>,
          %get3A_1435 = vector.shape_cast %get3A_1434 : vector<1x16xf32> to vector<16xf32>
          %mul3A_1436 = vector.broadcast %squeeze3A_1375 : f32 to vector<16xf32>
          %mul3A_1437 = arith.mulf %mul3A_1436, %get3A_1435 : vector<16xf32>
          %add3A_1438 = arith.addf %add3A_1364, %mul3A_1437 : vector<16xf32>
          %add3A_1439 = arith.constant 17 : i32
          %add3A_1440 = arith.addi %mul3A_74, %add3A_1439 : i32
          %get3A_1441 = arith.index_cast %add3A_1440 : i32 to index
          %get3A_1442 = arith.constant 112 : index
          %get3A_1443 = tpu.vector_load %arg8[%get3A_1441, %get3A_1442] {strides = array<i32>} : memref<128x128xf32, #tpu.memory_space<vmem>>, vector<1x16xf32>,
          %get3A_1444 = vector.shape_cast %get3A_1443 : vector<1x16xf32> to vector<16xf32>
          %mul3A_1445 = vector.broadcast %squeeze3A_1375 : f32 to vector<16xf32>
          %mul3A_1446 = arith.mulf %mul3A_1445, %get3A_1444 : vector<16xf32>
          %add3A_1447 = arith.addf %add3A_1373, %mul3A_1446 : vector<16xf32>
          %slice3A_1448 = vector.extract_strided_slice %get3A_85 {offsets = [2], sizes = [1], strides = [1]} : vector<16xf32> to vector<1xf32>
          %squeeze3A_1449 = vector.extract %slice3A_1448[0] : f32 from vector<1xf32>
          %add3A_1450 = arith.constant 18 : i32
          %add3A_1451 = arith.addi %mul3A_74, %add3A_1450 : i32
          %get3A_1452 = arith.index_cast %add3A_1451 : i32 to index
          %get3A_1453 = arith.constant 0 : index
          %get3A_1454 = tpu.vector_load %arg8[%get3A_1452, %get3A_1453] {strides = array<i32>} : memref<128x128xf32, #tpu.memory_space<vmem>>, vector<1x16xf32>,
          %get3A_1455 = vector.shape_cast %get3A_1454 : vector<1x16xf32> to vector<16xf32>
          %mul3A_1456 = vector.broadcast %squeeze3A_1449 : f32 to vector<16xf32>
          %mul3A_1457 = arith.mulf %mul3A_1456, %get3A_1455 : vector<16xf32>
          %add3A_1458 = arith.addf %add3A_1384, %mul3A_1457 : vector<16xf32>
          %add3A_1459 = arith.constant 18 : i32
          %add3A_1460 = arith.addi %mul3A_74, %add3A_1459 : i32
          %get3A_1461 = arith.index_cast %add3A_1460 : i32 to index
          %get3A_1462 = arith.constant 16 : index
          %get3A_1463 = tpu.vector_load %arg8[%get3A_1461, %get3A_1462] {strides = array<i32>} : memref<128x128xf32, #tpu.memory_space<vmem>>, vector<1x16xf32>,
          %get3A_1464 = vector.shape_cast %get3A_1463 : vector<1x16xf32> to vector<16xf32>
          %mul3A_1465 = vector.broadcast %squeeze3A_1449 : f32 to vector<16xf32>
          %mul3A_1466 = arith.mulf %mul3A_1465, %get3A_1464 : vector<16xf32>
          %add3A_1467 = arith.addf %add3A_1393, %mul3A_1466 : vector<16xf32>
          %add3A_1468 = arith.constant 18 : i32
          %add3A_1469 = arith.addi %mul3A_74, %add3A_1468 : i32
          %get3A_1470 = arith.index_cast %add3A_1469 : i32 to index
          %get3A_1471 = arith.constant 32 : index
          %get3A_1472 = tpu.vector_load %arg8[%get3A_1470, %get3A_1471] {strides = array<i32>} : memref<128x128xf32, #tpu.memory_space<vmem>>, vector<1x16xf32>,
          %get3A_1473 = vector.shape_cast %get3A_1472 : vector<1x16xf32> to vector<16xf32>
          %mul3A_1474 = vector.broadcast %squeeze3A_1449 : f32 to vector<16xf32>
          %mul3A_1475 = arith.mulf %mul3A_1474, %get3A_1473 : vector<16xf32>
          %add3A_1476 = arith.addf %add3A_1402, %mul3A_1475 : vector<16xf32>
          %add3A_1477 = arith.constant 18 : i32
          %add3A_1478 = arith.addi %mul3A_74, %add3A_1477 : i32
          %get3A_1479 = arith.index_cast %add3A_1478 : i32 to index
          %get3A_1480 = arith.constant 48 : index
          %get3A_1481 = tpu.vector_load %arg8[%get3A_1479, %get3A_1480] {strides = array<i32>} : memref<128x128xf32, #tpu.memory_space<vmem>>, vector<1x16xf32>,
          %get3A_1482 = vector.shape_cast %get3A_1481 : vector<1x16xf32> to vector<16xf32>
          %mul3A_1483 = vector.broadcast %squeeze3A_1449 : f32 to vector<16xf32>
          %mul3A_1484 = arith.mulf %mul3A_1483, %get3A_1482 : vector<16xf32>
          %add3A_1485 = arith.addf %add3A_1411, %mul3A_1484 : vector<16xf32>
          %add3A_1486 = arith.constant 18 : i32
          %add3A_1487 = arith.addi %mul3A_74, %add3A_1486 : i32
          %get3A_1488 = arith.index_cast %add3A_1487 : i32 to index
          %get3A_1489 = arith.constant 64 : index
          %get3A_1490 = tpu.vector_load %arg8[%get3A_1488, %get3A_1489] {strides = array<i32>} : memref<128x128xf32, #tpu.memory_space<vmem>>, vector<1x16xf32>,
          %get3A_1491 = vector.shape_cast %get3A_1490 : vector<1x16xf32> to vector<16xf32>
          %mul3A_1492 = vector.broadcast %squeeze3A_1449 : f32 to vector<16xf32>
          %mul3A_1493 = arith.mulf %mul3A_1492, %get3A_1491 : vector<16xf32>
          %add3A_1494 = arith.addf %add3A_1420, %mul3A_1493 : vector<16xf32>
          %add3A_1495 = arith.constant 18 : i32
          %add3A_1496 = arith.addi %mul3A_74, %add3A_1495 : i32
          %get3A_1497 = arith.index_cast %add3A_1496 : i32 to index
          %get3A_1498 = arith.constant 80 : index
          %get3A_1499 = tpu.vector_load %arg8[%get3A_1497, %get3A_1498] {strides = array<i32>} : memref<128x128xf32, #tpu.memory_space<vmem>>, vector<1x16xf32>,
          %get3A_1500 = vector.shape_cast %get3A_1499 : vector<1x16xf32> to vector<16xf32>
          %mul3A_1501 = vector.broadcast %squeeze3A_1449 : f32 to vector<16xf32>
          %mul3A_1502 = arith.mulf %mul3A_1501, %get3A_1500 : vector<16xf32>
          %add3A_1503 = arith.addf %add3A_1429, %mul3A_1502 : vector<16xf32>
          %add3A_1504 = arith.constant 18 : i32
          %add3A_1505 = arith.addi %mul3A_74, %add3A_1504 : i32
          %get3A_1506 = arith.index_cast %add3A_1505 : i32 to index
          %get3A_1507 = arith.constant 96 : index
          %get3A_1508 = tpu.vector_load %arg8[%get3A_1506, %get3A_1507] {strides = array<i32>} : memref<128x128xf32, #tpu.memory_space<vmem>>, vector<1x16xf32>,
          %get3A_1509 = vector.shape_cast %get3A_1508 : vector<1x16xf32> to vector<16xf32>
          %mul3A_1510 = vector.broadcast %squeeze3A_1449 : f32 to vector<16xf32>
          %mul3A_1511 = arith.mulf %mul3A_1510, %get3A_1509 : vector<16xf32>
          %add3A_1512 = arith.addf %add3A_1438, %mul3A_1511 : vector<16xf32>
          %add3A_1513 = arith.constant 18 : i32
          %add3A_1514 = arith.addi %mul3A_74, %add3A_1513 : i32
          %get3A_1515 = arith.index_cast %add3A_1514 : i32 to index
          %get3A_1516 = arith.constant 112 : index
          %get3A_1517 = tpu.vector_load %arg8[%get3A_1515, %get3A_1516] {strides = array<i32>} : memref<128x128xf32, #tpu.memory_space<vmem>>, vector<1x16xf32>,
          %get3A_1518 = vector.shape_cast %get3A_1517 : vector<1x16xf32> to vector<16xf32>
          %mul3A_1519 = vector.broadcast %squeeze3A_1449 : f32 to vector<16xf32>
          %mul3A_1520 = arith.mulf %mul3A_1519, %get3A_1518 : vector<16xf32>
          %add3A_1521 = arith.addf %add3A_1447, %mul3A_1520 : vector<16xf32>
          %slice3A_1522 = vector.extract_strided_slice %get3A_85 {offsets = [3], sizes = [1], strides = [1]} : vector<16xf32> to vector<1xf32>
          %squeeze3A_1523 = vector.extract %slice3A_1522[0] : f32 from vector<1xf32>
          %add3A_1524 = arith.constant 19 : i32
          %add3A_1525 = arith.addi %mul3A_74, %add3A_1524 : i32
          %get3A_1526 = arith.index_cast %add3A_1525 : i32 to index
          %get3A_1527 = arith.constant 0 : index
          %get3A_1528 = tpu.vector_load %arg8[%get3A_1526, %get3A_1527] {strides = array<i32>} : memref<128x128xf32, #tpu.memory_space<vmem>>, vector<1x16xf32>,
          %get3A_1529 = vector.shape_cast %get3A_1528 : vector<1x16xf32> to vector<16xf32>
          %mul3A_1530 = vector.broadcast %squeeze3A_1523 : f32 to vector<16xf32>
          %mul3A_1531 = arith.mulf %mul3A_1530, %get3A_1529 : vector<16xf32>
          %add3A_1532 = arith.addf %add3A_1458, %mul3A_1531 : vector<16xf32>
          %add3A_1533 = arith.constant 19 : i32
          %add3A_1534 = arith.addi %mul3A_74, %add3A_1533 : i32
          %get3A_1535 = arith.index_cast %add3A_1534 : i32 to index
          %get3A_1536 = arith.constant 16 : index
          %get3A_1537 = tpu.vector_load %arg8[%get3A_1535, %get3A_1536] {strides = array<i32>} : memref<128x128xf32, #tpu.memory_space<vmem>>, vector<1x16xf32>,
          %get3A_1538 = vector.shape_cast %get3A_1537 : vector<1x16xf32> to vector<16xf32>
          %mul3A_1539 = vector.broadcast %squeeze3A_1523 : f32 to vector<16xf32>
          %mul3A_1540 = arith.mulf %mul3A_1539, %get3A_1538 : vector<16xf32>
          %add3A_1541 = arith.addf %add3A_1467, %mul3A_1540 : vector<16xf32>
          %add3A_1542 = arith.constant 19 : i32
          %add3A_1543 = arith.addi %mul3A_74, %add3A_1542 : i32
          %get3A_1544 = arith.index_cast %add3A_1543 : i32 to index
          %get3A_1545 = arith.constant 32 : index
          %get3A_1546 = tpu.vector_load %arg8[%get3A_1544, %get3A_1545] {strides = array<i32>} : memref<128x128xf32, #tpu.memory_space<vmem>>, vector<1x16xf32>,
          %get3A_1547 = vector.shape_cast %get3A_1546 : vector<1x16xf32> to vector<16xf32>
          %mul3A_1548 = vector.broadcast %squeeze3A_1523 : f32 to vector<16xf32>
          %mul3A_1549 = arith.mulf %mul3A_1548, %get3A_1547 : vector<16xf32>
          %add3A_1550 = arith.addf %add3A_1476, %mul3A_1549 : vector<16xf32>
          %add3A_1551 = arith.constant 19 : i32
          %add3A_1552 = arith.addi %mul3A_74, %add3A_1551 : i32
          %get3A_1553 = arith.index_cast %add3A_1552 : i32 to index
          %get3A_1554 = arith.constant 48 : index
          %get3A_1555 = tpu.vector_load %arg8[%get3A_1553, %get3A_1554] {strides = array<i32>} : memref<128x128xf32, #tpu.memory_space<vmem>>, vector<1x16xf32>,
          %get3A_1556 = vector.shape_cast %get3A_1555 : vector<1x16xf32> to vector<16xf32>
          %mul3A_1557 = vector.broadcast %squeeze3A_1523 : f32 to vector<16xf32>
          %mul3A_1558 = arith.mulf %mul3A_1557, %get3A_1556 : vector<16xf32>
          %add3A_1559 = arith.addf %add3A_1485, %mul3A_1558 : vector<16xf32>
          %add3A_1560 = arith.constant 19 : i32
          %add3A_1561 = arith.addi %mul3A_74, %add3A_1560 : i32
          %get3A_1562 = arith.index_cast %add3A_1561 : i32 to index
          %get3A_1563 = arith.constant 64 : index
          %get3A_1564 = tpu.vector_load %arg8[%get3A_1562, %get3A_1563] {strides = array<i32>} : memref<128x128xf32, #tpu.memory_space<vmem>>, vector<1x16xf32>,
          %get3A_1565 = vector.shape_cast %get3A_1564 : vector<1x16xf32> to vector<16xf32>
          %mul3A_1566 = vector.broadcast %squeeze3A_1523 : f32 to vector<16xf32>
          %mul3A_1567 = arith.mulf %mul3A_1566, %get3A_1565 : vector<16xf32>
          %add3A_1568 = arith.addf %add3A_1494, %mul3A_1567 : vector<16xf32>
          %add3A_1569 = arith.constant 19 : i32
          %add3A_1570 = arith.addi %mul3A_74, %add3A_1569 : i32
          %get3A_1571 = arith.index_cast %add3A_1570 : i32 to index
          %get3A_1572 = arith.constant 80 : index
          %get3A_1573 = tpu.vector_load %arg8[%get3A_1571, %get3A_1572] {strides = array<i32>} : memref<128x128xf32, #tpu.memory_space<vmem>>, vector<1x16xf32>,
          %get3A_1574 = vector.shape_cast %get3A_1573 : vector<1x16xf32> to vector<16xf32>
          %mul3A_1575 = vector.broadcast %squeeze3A_1523 : f32 to vector<16xf32>
          %mul3A_1576 = arith.mulf %mul3A_1575, %get3A_1574 : vector<16xf32>
          %add3A_1577 = arith.addf %add3A_1503, %mul3A_1576 : vector<16xf32>
          %add3A_1578 = arith.constant 19 : i32
          %add3A_1579 = arith.addi %mul3A_74, %add3A_1578 : i32
          %get3A_1580 = arith.index_cast %add3A_1579 : i32 to index
          %get3A_1581 = arith.constant 96 : index
          %get3A_1582 = tpu.vector_load %arg8[%get3A_1580, %get3A_1581] {strides = array<i32>} : memref<128x128xf32, #tpu.memory_space<vmem>>, vector<1x16xf32>,
          %get3A_1583 = vector.shape_cast %get3A_1582 : vector<1x16xf32> to vector<16xf32>
          %mul3A_1584 = vector.broadcast %squeeze3A_1523 : f32 to vector<16xf32>
          %mul3A_1585 = arith.mulf %mul3A_1584, %get3A_1583 : vector<16xf32>
          %add3A_1586 = arith.addf %add3A_1512, %mul3A_1585 : vector<16xf32>
          %add3A_1587 = arith.constant 19 : i32
          %add3A_1588 = arith.addi %mul3A_74, %add3A_1587 : i32
          %get3A_1589 = arith.index_cast %add3A_1588 : i32 to index
          %get3A_1590 = arith.constant 112 : index
          %get3A_1591 = tpu.vector_load %arg8[%get3A_1589, %get3A_1590] {strides = array<i32>} : memref<128x128xf32, #tpu.memory_space<vmem>>, vector<1x16xf32>,
          %get3A_1592 = vector.shape_cast %get3A_1591 : vector<1x16xf32> to vector<16xf32>
          %mul3A_1593 = vector.broadcast %squeeze3A_1523 : f32 to vector<16xf32>
          %mul3A_1594 = arith.mulf %mul3A_1593, %get3A_1592 : vector<16xf32>
          %add3A_1595 = arith.addf %add3A_1521, %mul3A_1594 : vector<16xf32>
          %slice3A_1596 = vector.extract_strided_slice %get3A_85 {offsets = [4], sizes = [1], strides = [1]} : vector<16xf32> to vector<1xf32>
          %squeeze3A_1597 = vector.extract %slice3A_1596[0] : f32 from vector<1xf32>
          %add3A_1598 = arith.constant 20 : i32
          %add3A_1599 = arith.addi %mul3A_74, %add3A_1598 : i32
          %get3A_1600 = arith.index_cast %add3A_1599 : i32 to index
          %get3A_1601 = arith.constant 0 : index
          %get3A_1602 = tpu.vector_load %arg8[%get3A_1600, %get3A_1601] {strides = array<i32>} : memref<128x128xf32, #tpu.memory_space<vmem>>, vector<1x16xf32>,
          %get3A_1603 = vector.shape_cast %get3A_1602 : vector<1x16xf32> to vector<16xf32>
          %mul3A_1604 = vector.broadcast %squeeze3A_1597 : f32 to vector<16xf32>
          %mul3A_1605 = arith.mulf %mul3A_1604, %get3A_1603 : vector<16xf32>
          %add3A_1606 = arith.addf %add3A_1532, %mul3A_1605 : vector<16xf32>
          %add3A_1607 = arith.constant 20 : i32
          %add3A_1608 = arith.addi %mul3A_74, %add3A_1607 : i32
          %get3A_1609 = arith.index_cast %add3A_1608 : i32 to index
          %get3A_1610 = arith.constant 16 : index
          %get3A_1611 = tpu.vector_load %arg8[%get3A_1609, %get3A_1610] {strides = array<i32>} : memref<128x128xf32, #tpu.memory_space<vmem>>, vector<1x16xf32>,
          %get3A_1612 = vector.shape_cast %get3A_1611 : vector<1x16xf32> to vector<16xf32>
          %mul3A_1613 = vector.broadcast %squeeze3A_1597 : f32 to vector<16xf32>
          %mul3A_1614 = arith.mulf %mul3A_1613, %get3A_1612 : vector<16xf32>
          %add3A_1615 = arith.addf %add3A_1541, %mul3A_1614 : vector<16xf32>
          %add3A_1616 = arith.constant 20 : i32
          %add3A_1617 = arith.addi %mul3A_74, %add3A_1616 : i32
          %get3A_1618 = arith.index_cast %add3A_1617 : i32 to index
          %get3A_1619 = arith.constant 32 : index
          %get3A_1620 = tpu.vector_load %arg8[%get3A_1618, %get3A_1619] {strides = array<i32>} : memref<128x128xf32, #tpu.memory_space<vmem>>, vector<1x16xf32>,
          %get3A_1621 = vector.shape_cast %get3A_1620 : vector<1x16xf32> to vector<16xf32>
          %mul3A_1622 = vector.broadcast %squeeze3A_1597 : f32 to vector<16xf32>
          %mul3A_1623 = arith.mulf %mul3A_1622, %get3A_1621 : vector<16xf32>
          %add3A_1624 = arith.addf %add3A_1550, %mul3A_1623 : vector<16xf32>
          %add3A_1625 = arith.constant 20 : i32
          %add3A_1626 = arith.addi %mul3A_74, %add3A_1625 : i32
          %get3A_1627 = arith.index_cast %add3A_1626 : i32 to index
          %get3A_1628 = arith.constant 48 : index
          %get3A_1629 = tpu.vector_load %arg8[%get3A_1627, %get3A_1628] {strides = array<i32>} : memref<128x128xf32, #tpu.memory_space<vmem>>, vector<1x16xf32>,
          %get3A_1630 = vector.shape_cast %get3A_1629 : vector<1x16xf32> to vector<16xf32>
          %mul3A_1631 = vector.broadcast %squeeze3A_1597 : f32 to vector<16xf32>
          %mul3A_1632 = arith.mulf %mul3A_1631, %get3A_1630 : vector<16xf32>
          %add3A_1633 = arith.addf %add3A_1559, %mul3A_1632 : vector<16xf32>
          %add3A_1634 = arith.constant 20 : i32
          %add3A_1635 = arith.addi %mul3A_74, %add3A_1634 : i32
          %get3A_1636 = arith.index_cast %add3A_1635 : i32 to index
          %get3A_1637 = arith.constant 64 : index
          %get3A_1638 = tpu.vector_load %arg8[%get3A_1636, %get3A_1637] {strides = array<i32>} : memref<128x128xf32, #tpu.memory_space<vmem>>, vector<1x16xf32>,
          %get3A_1639 = vector.shape_cast %get3A_1638 : vector<1x16xf32> to vector<16xf32>
          %mul3A_1640 = vector.broadcast %squeeze3A_1597 : f32 to vector<16xf32>
          %mul3A_1641 = arith.mulf %mul3A_1640, %get3A_1639 : vector<16xf32>
          %add3A_1642 = arith.addf %add3A_1568, %mul3A_1641 : vector<16xf32>
          %add3A_1643 = arith.constant 20 : i32
          %add3A_1644 = arith.addi %mul3A_74, %add3A_1643 : i32
          %get3A_1645 = arith.index_cast %add3A_1644 : i32 to index
          %get3A_1646 = arith.constant 80 : index
          %get3A_1647 = tpu.vector_load %arg8[%get3A_1645, %get3A_1646] {strides = array<i32>} : memref<128x128xf32, #tpu.memory_space<vmem>>, vector<1x16xf32>,
          %get3A_1648 = vector.shape_cast %get3A_1647 : vector<1x16xf32> to vector<16xf32>
          %mul3A_1649 = vector.broadcast %squeeze3A_1597 : f32 to vector<16xf32>
          %mul3A_1650 = arith.mulf %mul3A_1649, %get3A_1648 : vector<16xf32>
          %add3A_1651 = arith.addf %add3A_1577, %mul3A_1650 : vector<16xf32>
          %add3A_1652 = arith.constant 20 : i32
          %add3A_1653 = arith.addi %mul3A_74, %add3A_1652 : i32
          %get3A_1654 = arith.index_cast %add3A_1653 : i32 to index
          %get3A_1655 = arith.constant 96 : index
          %get3A_1656 = tpu.vector_load %arg8[%get3A_1654, %get3A_1655] {strides = array<i32>} : memref<128x128xf32, #tpu.memory_space<vmem>>, vector<1x16xf32>,
          %get3A_1657 = vector.shape_cast %get3A_1656 : vector<1x16xf32> to vector<16xf32>
          %mul3A_1658 = vector.broadcast %squeeze3A_1597 : f32 to vector<16xf32>
          %mul3A_1659 = arith.mulf %mul3A_1658, %get3A_1657 : vector<16xf32>
          %add3A_1660 = arith.addf %add3A_1586, %mul3A_1659 : vector<16xf32>
          %add3A_1661 = arith.constant 20 : i32
          %add3A_1662 = arith.addi %mul3A_74, %add3A_1661 : i32
          %get3A_1663 = arith.index_cast %add3A_1662 : i32 to index
          %get3A_1664 = arith.constant 112 : index
          %get3A_1665 = tpu.vector_load %arg8[%get3A_1663, %get3A_1664] {strides = array<i32>} : memref<128x128xf32, #tpu.memory_space<vmem>>, vector<1x16xf32>,
          %get3A_1666 = vector.shape_cast %get3A_1665 : vector<1x16xf32> to vector<16xf32>
          %mul3A_1667 = vector.broadcast %squeeze3A_1597 : f32 to vector<16xf32>
          %mul3A_1668 = arith.mulf %mul3A_1667, %get3A_1666 : vector<16xf32>
          %add3A_1669 = arith.addf %add3A_1595, %mul3A_1668 : vector<16xf32>
          %slice3A_1670 = vector.extract_strided_slice %get3A_85 {offsets = [5], sizes = [1], strides = [1]} : vector<16xf32> to vector<1xf32>
          %squeeze3A_1671 = vector.extract %slice3A_1670[0] : f32 from vector<1xf32>
          %add3A_1672 = arith.constant 21 : i32
          %add3A_1673 = arith.addi %mul3A_74, %add3A_1672 : i32
          %get3A_1674 = arith.index_cast %add3A_1673 : i32 to index
          %get3A_1675 = arith.constant 0 : index
          %get3A_1676 = tpu.vector_load %arg8[%get3A_1674, %get3A_1675] {strides = array<i32>} : memref<128x128xf32, #tpu.memory_space<vmem>>, vector<1x16xf32>,
          %get3A_1677 = vector.shape_cast %get3A_1676 : vector<1x16xf32> to vector<16xf32>
          %mul3A_1678 = vector.broadcast %squeeze3A_1671 : f32 to vector<16xf32>
          %mul3A_1679 = arith.mulf %mul3A_1678, %get3A_1677 : vector<16xf32>
          %add3A_1680 = arith.addf %add3A_1606, %mul3A_1679 : vector<16xf32>
          %add3A_1681 = arith.constant 21 : i32
          %add3A_1682 = arith.addi %mul3A_74, %add3A_1681 : i32
          %get3A_1683 = arith.index_cast %add3A_1682 : i32 to index
          %get3A_1684 = arith.constant 16 : index
          %get3A_1685 = tpu.vector_load %arg8[%get3A_1683, %get3A_1684] {strides = array<i32>} : memref<128x128xf32, #tpu.memory_space<vmem>>, vector<1x16xf32>,
          %get3A_1686 = vector.shape_cast %get3A_1685 : vector<1x16xf32> to vector<16xf32>
          %mul3A_1687 = vector.broadcast %squeeze3A_1671 : f32 to vector<16xf32>
          %mul3A_1688 = arith.mulf %mul3A_1687, %get3A_1686 : vector<16xf32>
          %add3A_1689 = arith.addf %add3A_1615, %mul3A_1688 : vector<16xf32>
          %add3A_1690 = arith.constant 21 : i32
          %add3A_1691 = arith.addi %mul3A_74, %add3A_1690 : i32
          %get3A_1692 = arith.index_cast %add3A_1691 : i32 to index
          %get3A_1693 = arith.constant 32 : index
          %get3A_1694 = tpu.vector_load %arg8[%get3A_1692, %get3A_1693] {strides = array<i32>} : memref<128x128xf32, #tpu.memory_space<vmem>>, vector<1x16xf32>,
          %get3A_1695 = vector.shape_cast %get3A_1694 : vector<1x16xf32> to vector<16xf32>
          %mul3A_1696 = vector.broadcast %squeeze3A_1671 : f32 to vector<16xf32>
          %mul3A_1697 = arith.mulf %mul3A_1696, %get3A_1695 : vector<16xf32>
          %add3A_1698 = arith.addf %add3A_1624, %mul3A_1697 : vector<16xf32>
          %add3A_1699 = arith.constant 21 : i32
          %add3A_1700 = arith.addi %mul3A_74, %add3A_1699 : i32
          %get3A_1701 = arith.index_cast %add3A_1700 : i32 to index
          %get3A_1702 = arith.constant 48 : index
          %get3A_1703 = tpu.vector_load %arg8[%get3A_1701, %get3A_1702] {strides = array<i32>} : memref<128x128xf32, #tpu.memory_space<vmem>>, vector<1x16xf32>,
          %get3A_1704 = vector.shape_cast %get3A_1703 : vector<1x16xf32> to vector<16xf32>
          %mul3A_1705 = vector.broadcast %squeeze3A_1671 : f32 to vector<16xf32>
          %mul3A_1706 = arith.mulf %mul3A_1705, %get3A_1704 : vector<16xf32>
          %add3A_1707 = arith.addf %add3A_1633, %mul3A_1706 : vector<16xf32>
          %add3A_1708 = arith.constant 21 : i32
          %add3A_1709 = arith.addi %mul3A_74, %add3A_1708 : i32
          %get3A_1710 = arith.index_cast %add3A_1709 : i32 to index
          %get3A_1711 = arith.constant 64 : index
          %get3A_1712 = tpu.vector_load %arg8[%get3A_1710, %get3A_1711] {strides = array<i32>} : memref<128x128xf32, #tpu.memory_space<vmem>>, vector<1x16xf32>,
          %get3A_1713 = vector.shape_cast %get3A_1712 : vector<1x16xf32> to vector<16xf32>
          %mul3A_1714 = vector.broadcast %squeeze3A_1671 : f32 to vector<16xf32>
          %mul3A_1715 = arith.mulf %mul3A_1714, %get3A_1713 : vector<16xf32>
          %add3A_1716 = arith.addf %add3A_1642, %mul3A_1715 : vector<16xf32>
          %add3A_1717 = arith.constant 21 : i32
          %add3A_1718 = arith.addi %mul3A_74, %add3A_1717 : i32
          %get3A_1719 = arith.index_cast %add3A_1718 : i32 to index
          %get3A_1720 = arith.constant 80 : index
          %get3A_1721 = tpu.vector_load %arg8[%get3A_1719, %get3A_1720] {strides = array<i32>} : memref<128x128xf32, #tpu.memory_space<vmem>>, vector<1x16xf32>,
          %get3A_1722 = vector.shape_cast %get3A_1721 : vector<1x16xf32> to vector<16xf32>
          %mul3A_1723 = vector.broadcast %squeeze3A_1671 : f32 to vector<16xf32>
          %mul3A_1724 = arith.mulf %mul3A_1723, %get3A_1722 : vector<16xf32>
          %add3A_1725 = arith.addf %add3A_1651, %mul3A_1724 : vector<16xf32>
          %add3A_1726 = arith.constant 21 : i32
          %add3A_1727 = arith.addi %mul3A_74, %add3A_1726 : i32
          %get3A_1728 = arith.index_cast %add3A_1727 : i32 to index
          %get3A_1729 = arith.constant 96 : index
          %get3A_1730 = tpu.vector_load %arg8[%get3A_1728, %get3A_1729] {strides = array<i32>} : memref<128x128xf32, #tpu.memory_space<vmem>>, vector<1x16xf32>,
          %get3A_1731 = vector.shape_cast %get3A_1730 : vector<1x16xf32> to vector<16xf32>
          %mul3A_1732 = vector.broadcast %squeeze3A_1671 : f32 to vector<16xf32>
          %mul3A_1733 = arith.mulf %mul3A_1732, %get3A_1731 : vector<16xf32>
          %add3A_1734 = arith.addf %add3A_1660, %mul3A_1733 : vector<16xf32>
          %add3A_1735 = arith.constant 21 : i32
          %add3A_1736 = arith.addi %mul3A_74, %add3A_1735 : i32
          %get3A_1737 = arith.index_cast %add3A_1736 : i32 to index
          %get3A_1738 = arith.constant 112 : index
          %get3A_1739 = tpu.vector_load %arg8[%get3A_1737, %get3A_1738] {strides = array<i32>} : memref<128x128xf32, #tpu.memory_space<vmem>>, vector<1x16xf32>,
          %get3A_1740 = vector.shape_cast %get3A_1739 : vector<1x16xf32> to vector<16xf32>
          %mul3A_1741 = vector.broadcast %squeeze3A_1671 : f32 to vector<16xf32>
          %mul3A_1742 = arith.mulf %mul3A_1741, %get3A_1740 : vector<16xf32>
          %add3A_1743 = arith.addf %add3A_1669, %mul3A_1742 : vector<16xf32>
          %slice3A_1744 = vector.extract_strided_slice %get3A_85 {offsets = [6], sizes = [1], strides = [1]} : vector<16xf32> to vector<1xf32>
          %squeeze3A_1745 = vector.extract %slice3A_1744[0] : f32 from vector<1xf32>
          %add3A_1746 = arith.constant 22 : i32
          %add3A_1747 = arith.addi %mul3A_74, %add3A_1746 : i32
          %get3A_1748 = arith.index_cast %add3A_1747 : i32 to index
          %get3A_1749 = arith.constant 0 : index
          %get3A_1750 = tpu.vector_load %arg8[%get3A_1748, %get3A_1749] {strides = array<i32>} : memref<128x128xf32, #tpu.memory_space<vmem>>, vector<1x16xf32>,
          %get3A_1751 = vector.shape_cast %get3A_1750 : vector<1x16xf32> to vector<16xf32>
          %mul3A_1752 = vector.broadcast %squeeze3A_1745 : f32 to vector<16xf32>
          %mul3A_1753 = arith.mulf %mul3A_1752, %get3A_1751 : vector<16xf32>
          %add3A_1754 = arith.addf %add3A_1680, %mul3A_1753 : vector<16xf32>
          %add3A_1755 = arith.constant 22 : i32
          %add3A_1756 = arith.addi %mul3A_74, %add3A_1755 : i32
          %get3A_1757 = arith.index_cast %add3A_1756 : i32 to index
          %get3A_1758 = arith.constant 16 : index
          %get3A_1759 = tpu.vector_load %arg8[%get3A_1757, %get3A_1758] {strides = array<i32>} : memref<128x128xf32, #tpu.memory_space<vmem>>, vector<1x16xf32>,
          %get3A_1760 = vector.shape_cast %get3A_1759 : vector<1x16xf32> to vector<16xf32>
          %mul3A_1761 = vector.broadcast %squeeze3A_1745 : f32 to vector<16xf32>
          %mul3A_1762 = arith.mulf %mul3A_1761, %get3A_1760 : vector<16xf32>
          %add3A_1763 = arith.addf %add3A_1689, %mul3A_1762 : vector<16xf32>
          %add3A_1764 = arith.constant 22 : i32
          %add3A_1765 = arith.addi %mul3A_74, %add3A_1764 : i32
          %get3A_1766 = arith.index_cast %add3A_1765 : i32 to index
          %get3A_1767 = arith.constant 32 : index
          %get3A_1768 = tpu.vector_load %arg8[%get3A_1766, %get3A_1767] {strides = array<i32>} : memref<128x128xf32, #tpu.memory_space<vmem>>, vector<1x16xf32>,
          %get3A_1769 = vector.shape_cast %get3A_1768 : vector<1x16xf32> to vector<16xf32>
          %mul3A_1770 = vector.broadcast %squeeze3A_1745 : f32 to vector<16xf32>
          %mul3A_1771 = arith.mulf %mul3A_1770, %get3A_1769 : vector<16xf32>
          %add3A_1772 = arith.addf %add3A_1698, %mul3A_1771 : vector<16xf32>
          %add3A_1773 = arith.constant 22 : i32
          %add3A_1774 = arith.addi %mul3A_74, %add3A_1773 : i32
          %get3A_1775 = arith.index_cast %add3A_1774 : i32 to index
          %get3A_1776 = arith.constant 48 : index
          %get3A_1777 = tpu.vector_load %arg8[%get3A_1775, %get3A_1776] {strides = array<i32>} : memref<128x128xf32, #tpu.memory_space<vmem>>, vector<1x16xf32>,
          %get3A_1778 = vector.shape_cast %get3A_1777 : vector<1x16xf32> to vector<16xf32>
          %mul3A_1779 = vector.broadcast %squeeze3A_1745 : f32 to vector<16xf32>
          %mul3A_1780 = arith.mulf %mul3A_1779, %get3A_1778 : vector<16xf32>
          %add3A_1781 = arith.addf %add3A_1707, %mul3A_1780 : vector<16xf32>
          %add3A_1782 = arith.constant 22 : i32
          %add3A_1783 = arith.addi %mul3A_74, %add3A_1782 : i32
          %get3A_1784 = arith.index_cast %add3A_1783 : i32 to index
          %get3A_1785 = arith.constant 64 : index
          %get3A_1786 = tpu.vector_load %arg8[%get3A_1784, %get3A_1785] {strides = array<i32>} : memref<128x128xf32, #tpu.memory_space<vmem>>, vector<1x16xf32>,
          %get3A_1787 = vector.shape_cast %get3A_1786 : vector<1x16xf32> to vector<16xf32>
          %mul3A_1788 = vector.broadcast %squeeze3A_1745 : f32 to vector<16xf32>
          %mul3A_1789 = arith.mulf %mul3A_1788, %get3A_1787 : vector<16xf32>
          %add3A_1790 = arith.addf %add3A_1716, %mul3A_1789 : vector<16xf32>
          %add3A_1791 = arith.constant 22 : i32
          %add3A_1792 = arith.addi %mul3A_74, %add3A_1791 : i32
          %get3A_1793 = arith.index_cast %add3A_1792 : i32 to index
          %get3A_1794 = arith.constant 80 : index
          %get3A_1795 = tpu.vector_load %arg8[%get3A_1793, %get3A_1794] {strides = array<i32>} : memref<128x128xf32, #tpu.memory_space<vmem>>, vector<1x16xf32>,
          %get3A_1796 = vector.shape_cast %get3A_1795 : vector<1x16xf32> to vector<16xf32>
          %mul3A_1797 = vector.broadcast %squeeze3A_1745 : f32 to vector<16xf32>
          %mul3A_1798 = arith.mulf %mul3A_1797, %get3A_1796 : vector<16xf32>
          %add3A_1799 = arith.addf %add3A_1725, %mul3A_1798 : vector<16xf32>
          %add3A_1800 = arith.constant 22 : i32
          %add3A_1801 = arith.addi %mul3A_74, %add3A_1800 : i32
          %get3A_1802 = arith.index_cast %add3A_1801 : i32 to index
          %get3A_1803 = arith.constant 96 : index
          %get3A_1804 = tpu.vector_load %arg8[%get3A_1802, %get3A_1803] {strides = array<i32>} : memref<128x128xf32, #tpu.memory_space<vmem>>, vector<1x16xf32>,
          %get3A_1805 = vector.shape_cast %get3A_1804 : vector<1x16xf32> to vector<16xf32>
          %mul3A_1806 = vector.broadcast %squeeze3A_1745 : f32 to vector<16xf32>
          %mul3A_1807 = arith.mulf %mul3A_1806, %get3A_1805 : vector<16xf32>
          %add3A_1808 = arith.addf %add3A_1734, %mul3A_1807 : vector<16xf32>
          %add3A_1809 = arith.constant 22 : i32
          %add3A_1810 = arith.addi %mul3A_74, %add3A_1809 : i32
          %get3A_1811 = arith.index_cast %add3A_1810 : i32 to index
          %get3A_1812 = arith.constant 112 : index
          %get3A_1813 = tpu.vector_load %arg8[%get3A_1811, %get3A_1812] {strides = array<i32>} : memref<128x128xf32, #tpu.memory_space<vmem>>, vector<1x16xf32>,
          %get3A_1814 = vector.shape_cast %get3A_1813 : vector<1x16xf32> to vector<16xf32>
          %mul3A_1815 = vector.broadcast %squeeze3A_1745 : f32 to vector<16xf32>
          %mul3A_1816 = arith.mulf %mul3A_1815, %get3A_1814 : vector<16xf32>
          %add3A_1817 = arith.addf %add3A_1743, %mul3A_1816 : vector<16xf32>
          %slice3A_1818 = vector.extract_strided_slice %get3A_85 {offsets = [7], sizes = [1], strides = [1]} : vector<16xf32> to vector<1xf32>
          %squeeze3A_1819 = vector.extract %slice3A_1818[0] : f32 from vector<1xf32>
          %add3A_1820 = arith.constant 23 : i32
          %add3A_1821 = arith.addi %mul3A_74, %add3A_1820 : i32
          %get3A_1822 = arith.index_cast %add3A_1821 : i32 to index
          %get3A_1823 = arith.constant 0 : index
          %get3A_1824 = tpu.vector_load %arg8[%get3A_1822, %get3A_1823] {strides = array<i32>} : memref<128x128xf32, #tpu.memory_space<vmem>>, vector<1x16xf32>,
          %get3A_1825 = vector.shape_cast %get3A_1824 : vector<1x16xf32> to vector<16xf32>
          %mul3A_1826 = vector.broadcast %squeeze3A_1819 : f32 to vector<16xf32>
          %mul3A_1827 = arith.mulf %mul3A_1826, %get3A_1825 : vector<16xf32>
          %add3A_1828 = arith.addf %add3A_1754, %mul3A_1827 : vector<16xf32>
          %add3A_1829 = arith.constant 23 : i32
          %add3A_1830 = arith.addi %mul3A_74, %add3A_1829 : i32
          %get3A_1831 = arith.index_cast %add3A_1830 : i32 to index
          %get3A_1832 = arith.constant 16 : index
          %get3A_1833 = tpu.vector_load %arg8[%get3A_1831, %get3A_1832] {strides = array<i32>} : memref<128x128xf32, #tpu.memory_space<vmem>>, vector<1x16xf32>,
          %get3A_1834 = vector.shape_cast %get3A_1833 : vector<1x16xf32> to vector<16xf32>
          %mul3A_1835 = vector.broadcast %squeeze3A_1819 : f32 to vector<16xf32>
          %mul3A_1836 = arith.mulf %mul3A_1835, %get3A_1834 : vector<16xf32>
          %add3A_1837 = arith.addf %add3A_1763, %mul3A_1836 : vector<16xf32>
          %add3A_1838 = arith.constant 23 : i32
          %add3A_1839 = arith.addi %mul3A_74, %add3A_1838 : i32
          %get3A_1840 = arith.index_cast %add3A_1839 : i32 to index
          %get3A_1841 = arith.constant 32 : index
          %get3A_1842 = tpu.vector_load %arg8[%get3A_1840, %get3A_1841] {strides = array<i32>} : memref<128x128xf32, #tpu.memory_space<vmem>>, vector<1x16xf32>,
          %get3A_1843 = vector.shape_cast %get3A_1842 : vector<1x16xf32> to vector<16xf32>
          %mul3A_1844 = vector.broadcast %squeeze3A_1819 : f32 to vector<16xf32>
          %mul3A_1845 = arith.mulf %mul3A_1844, %get3A_1843 : vector<16xf32>
          %add3A_1846 = arith.addf %add3A_1772, %mul3A_1845 : vector<16xf32>
          %add3A_1847 = arith.constant 23 : i32
          %add3A_1848 = arith.addi %mul3A_74, %add3A_1847 : i32
          %get3A_1849 = arith.index_cast %add3A_1848 : i32 to index
          %get3A_1850 = arith.constant 48 : index
          %get3A_1851 = tpu.vector_load %arg8[%get3A_1849, %get3A_1850] {strides = array<i32>} : memref<128x128xf32, #tpu.memory_space<vmem>>, vector<1x16xf32>,
          %get3A_1852 = vector.shape_cast %get3A_1851 : vector<1x16xf32> to vector<16xf32>
          %mul3A_1853 = vector.broadcast %squeeze3A_1819 : f32 to vector<16xf32>
          %mul3A_1854 = arith.mulf %mul3A_1853, %get3A_1852 : vector<16xf32>
          %add3A_1855 = arith.addf %add3A_1781, %mul3A_1854 : vector<16xf32>
          %add3A_1856 = arith.constant 23 : i32
          %add3A_1857 = arith.addi %mul3A_74, %add3A_1856 : i32
          %get3A_1858 = arith.index_cast %add3A_1857 : i32 to index
          %get3A_1859 = arith.constant 64 : index
          %get3A_1860 = tpu.vector_load %arg8[%get3A_1858, %get3A_1859] {strides = array<i32>} : memref<128x128xf32, #tpu.memory_space<vmem>>, vector<1x16xf32>,
          %get3A_1861 = vector.shape_cast %get3A_1860 : vector<1x16xf32> to vector<16xf32>
          %mul3A_1862 = vector.broadcast %squeeze3A_1819 : f32 to vector<16xf32>
          %mul3A_1863 = arith.mulf %mul3A_1862, %get3A_1861 : vector<16xf32>
          %add3A_1864 = arith.addf %add3A_1790, %mul3A_1863 : vector<16xf32>
          %add3A_1865 = arith.constant 23 : i32
          %add3A_1866 = arith.addi %mul3A_74, %add3A_1865 : i32
          %get3A_1867 = arith.index_cast %add3A_1866 : i32 to index
          %get3A_1868 = arith.constant 80 : index
          %get3A_1869 = tpu.vector_load %arg8[%get3A_1867, %get3A_1868] {strides = array<i32>} : memref<128x128xf32, #tpu.memory_space<vmem>>, vector<1x16xf32>,
          %get3A_1870 = vector.shape_cast %get3A_1869 : vector<1x16xf32> to vector<16xf32>
          %mul3A_1871 = vector.broadcast %squeeze3A_1819 : f32 to vector<16xf32>
          %mul3A_1872 = arith.mulf %mul3A_1871, %get3A_1870 : vector<16xf32>
          %add3A_1873 = arith.addf %add3A_1799, %mul3A_1872 : vector<16xf32>
          %add3A_1874 = arith.constant 23 : i32
          %add3A_1875 = arith.addi %mul3A_74, %add3A_1874 : i32
          %get3A_1876 = arith.index_cast %add3A_1875 : i32 to index
          %get3A_1877 = arith.constant 96 : index
          %get3A_1878 = tpu.vector_load %arg8[%get3A_1876, %get3A_1877] {strides = array<i32>} : memref<128x128xf32, #tpu.memory_space<vmem>>, vector<1x16xf32>,
          %get3A_1879 = vector.shape_cast %get3A_1878 : vector<1x16xf32> to vector<16xf32>
          %mul3A_1880 = vector.broadcast %squeeze3A_1819 : f32 to vector<16xf32>
          %mul3A_1881 = arith.mulf %mul3A_1880, %get3A_1879 : vector<16xf32>
          %add3A_1882 = arith.addf %add3A_1808, %mul3A_1881 : vector<16xf32>
          %add3A_1883 = arith.constant 23 : i32
          %add3A_1884 = arith.addi %mul3A_74, %add3A_1883 : i32
          %get3A_1885 = arith.index_cast %add3A_1884 : i32 to index
          %get3A_1886 = arith.constant 112 : index
          %get3A_1887 = tpu.vector_load %arg8[%get3A_1885, %get3A_1886] {strides = array<i32>} : memref<128x128xf32, #tpu.memory_space<vmem>>, vector<1x16xf32>,
          %get3A_1888 = vector.shape_cast %get3A_1887 : vector<1x16xf32> to vector<16xf32>
          %mul3A_1889 = vector.broadcast %squeeze3A_1819 : f32 to vector<16xf32>
          %mul3A_1890 = arith.mulf %mul3A_1889, %get3A_1888 : vector<16xf32>
          %add3A_1891 = arith.addf %add3A_1817, %mul3A_1890 : vector<16xf32>
          %slice3A_1892 = vector.extract_strided_slice %get3A_85 {offsets = [8], sizes = [1], strides = [1]} : vector<16xf32> to vector<1xf32>
          %squeeze3A_1893 = vector.extract %slice3A_1892[0] : f32 from vector<1xf32>
          %add3A_1894 = arith.constant 24 : i32
          %add3A_1895 = arith.addi %mul3A_74, %add3A_1894 : i32
          %get3A_1896 = arith.index_cast %add3A_1895 : i32 to index
          %get3A_1897 = arith.constant 0 : index
          %get3A_1898 = tpu.vector_load %arg8[%get3A_1896, %get3A_1897] {strides = array<i32>} : memref<128x128xf32, #tpu.memory_space<vmem>>, vector<1x16xf32>,
          %get3A_1899 = vector.shape_cast %get3A_1898 : vector<1x16xf32> to vector<16xf32>
          %mul3A_1900 = vector.broadcast %squeeze3A_1893 : f32 to vector<16xf32>
          %mul3A_1901 = arith.mulf %mul3A_1900, %get3A_1899 : vector<16xf32>
          %add3A_1902 = arith.addf %add3A_1828, %mul3A_1901 : vector<16xf32>
          %add3A_1903 = arith.constant 24 : i32
          %add3A_1904 = arith.addi %mul3A_74, %add3A_1903 : i32
          %get3A_1905 = arith.index_cast %add3A_1904 : i32 to index
          %get3A_1906 = arith.constant 16 : index
          %get3A_1907 = tpu.vector_load %arg8[%get3A_1905, %get3A_1906] {strides = array<i32>} : memref<128x128xf32, #tpu.memory_space<vmem>>, vector<1x16xf32>,
          %get3A_1908 = vector.shape_cast %get3A_1907 : vector<1x16xf32> to vector<16xf32>
          %mul3A_1909 = vector.broadcast %squeeze3A_1893 : f32 to vector<16xf32>
          %mul3A_1910 = arith.mulf %mul3A_1909, %get3A_1908 : vector<16xf32>
          %add3A_1911 = arith.addf %add3A_1837, %mul3A_1910 : vector<16xf32>
          %add3A_1912 = arith.constant 24 : i32
          %add3A_1913 = arith.addi %mul3A_74, %add3A_1912 : i32
          %get3A_1914 = arith.index_cast %add3A_1913 : i32 to index
          %get3A_1915 = arith.constant 32 : index
          %get3A_1916 = tpu.vector_load %arg8[%get3A_1914, %get3A_1915] {strides = array<i32>} : memref<128x128xf32, #tpu.memory_space<vmem>>, vector<1x16xf32>,
          %get3A_1917 = vector.shape_cast %get3A_1916 : vector<1x16xf32> to vector<16xf32>
          %mul3A_1918 = vector.broadcast %squeeze3A_1893 : f32 to vector<16xf32>
          %mul3A_1919 = arith.mulf %mul3A_1918, %get3A_1917 : vector<16xf32>
          %add3A_1920 = arith.addf %add3A_1846, %mul3A_1919 : vector<16xf32>
          %add3A_1921 = arith.constant 24 : i32
          %add3A_1922 = arith.addi %mul3A_74, %add3A_1921 : i32
          %get3A_1923 = arith.index_cast %add3A_1922 : i32 to index
          %get3A_1924 = arith.constant 48 : index
          %get3A_1925 = tpu.vector_load %arg8[%get3A_1923, %get3A_1924] {strides = array<i32>} : memref<128x128xf32, #tpu.memory_space<vmem>>, vector<1x16xf32>,
          %get3A_1926 = vector.shape_cast %get3A_1925 : vector<1x16xf32> to vector<16xf32>
          %mul3A_1927 = vector.broadcast %squeeze3A_1893 : f32 to vector<16xf32>
          %mul3A_1928 = arith.mulf %mul3A_1927, %get3A_1926 : vector<16xf32>
          %add3A_1929 = arith.addf %add3A_1855, %mul3A_1928 : vector<16xf32>
          %add3A_1930 = arith.constant 24 : i32
          %add3A_1931 = arith.addi %mul3A_74, %add3A_1930 : i32
          %get3A_1932 = arith.index_cast %add3A_1931 : i32 to index
          %get3A_1933 = arith.constant 64 : index
          %get3A_1934 = tpu.vector_load %arg8[%get3A_1932, %get3A_1933] {strides = array<i32>} : memref<128x128xf32, #tpu.memory_space<vmem>>, vector<1x16xf32>,
          %get3A_1935 = vector.shape_cast %get3A_1934 : vector<1x16xf32> to vector<16xf32>
          %mul3A_1936 = vector.broadcast %squeeze3A_1893 : f32 to vector<16xf32>
          %mul3A_1937 = arith.mulf %mul3A_1936, %get3A_1935 : vector<16xf32>
          %add3A_1938 = arith.addf %add3A_1864, %mul3A_1937 : vector<16xf32>
          %add3A_1939 = arith.constant 24 : i32
          %add3A_1940 = arith.addi %mul3A_74, %add3A_1939 : i32
          %get3A_1941 = arith.index_cast %add3A_1940 : i32 to index
          %get3A_1942 = arith.constant 80 : index
          %get3A_1943 = tpu.vector_load %arg8[%get3A_1941, %get3A_1942] {strides = array<i32>} : memref<128x128xf32, #tpu.memory_space<vmem>>, vector<1x16xf32>,
          %get3A_1944 = vector.shape_cast %get3A_1943 : vector<1x16xf32> to vector<16xf32>
          %mul3A_1945 = vector.broadcast %squeeze3A_1893 : f32 to vector<16xf32>
          %mul3A_1946 = arith.mulf %mul3A_1945, %get3A_1944 : vector<16xf32>
          %add3A_1947 = arith.addf %add3A_1873, %mul3A_1946 : vector<16xf32>
          %add3A_1948 = arith.constant 24 : i32
          %add3A_1949 = arith.addi %mul3A_74, %add3A_1948 : i32
          %get3A_1950 = arith.index_cast %add3A_1949 : i32 to index
          %get3A_1951 = arith.constant 96 : index
          %get3A_1952 = tpu.vector_load %arg8[%get3A_1950, %get3A_1951] {strides = array<i32>} : memref<128x128xf32, #tpu.memory_space<vmem>>, vector<1x16xf32>,
          %get3A_1953 = vector.shape_cast %get3A_1952 : vector<1x16xf32> to vector<16xf32>
          %mul3A_1954 = vector.broadcast %squeeze3A_1893 : f32 to vector<16xf32>
          %mul3A_1955 = arith.mulf %mul3A_1954, %get3A_1953 : vector<16xf32>
          %add3A_1956 = arith.addf %add3A_1882, %mul3A_1955 : vector<16xf32>
          %add3A_1957 = arith.constant 24 : i32
          %add3A_1958 = arith.addi %mul3A_74, %add3A_1957 : i32
          %get3A_1959 = arith.index_cast %add3A_1958 : i32 to index
          %get3A_1960 = arith.constant 112 : index
          %get3A_1961 = tpu.vector_load %arg8[%get3A_1959, %get3A_1960] {strides = array<i32>} : memref<128x128xf32, #tpu.memory_space<vmem>>, vector<1x16xf32>,
          %get3A_1962 = vector.shape_cast %get3A_1961 : vector<1x16xf32> to vector<16xf32>
          %mul3A_1963 = vector.broadcast %squeeze3A_1893 : f32 to vector<16xf32>
          %mul3A_1964 = arith.mulf %mul3A_1963, %get3A_1962 : vector<16xf32>
          %add3A_1965 = arith.addf %add3A_1891, %mul3A_1964 : vector<16xf32>
          %slice3A_1966 = vector.extract_strided_slice %get3A_85 {offsets = [9], sizes = [1], strides = [1]} : vector<16xf32> to vector<1xf32>
          %squeeze3A_1967 = vector.extract %slice3A_1966[0] : f32 from vector<1xf32>
          %add3A_1968 = arith.constant 25 : i32
          %add3A_1969 = arith.addi %mul3A_74, %add3A_1968 : i32
          %get3A_1970 = arith.index_cast %add3A_1969 : i32 to index
          %get3A_1971 = arith.constant 0 : index
          %get3A_1972 = tpu.vector_load %arg8[%get3A_1970, %get3A_1971] {strides = array<i32>} : memref<128x128xf32, #tpu.memory_space<vmem>>, vector<1x16xf32>,
          %get3A_1973 = vector.shape_cast %get3A_1972 : vector<1x16xf32> to vector<16xf32>
          %mul3A_1974 = vector.broadcast %squeeze3A_1967 : f32 to vector<16xf32>
          %mul3A_1975 = arith.mulf %mul3A_1974, %get3A_1973 : vector<16xf32>
          %add3A_1976 = arith.addf %add3A_1902, %mul3A_1975 : vector<16xf32>
          %add3A_1977 = arith.constant 25 : i32
          %add3A_1978 = arith.addi %mul3A_74, %add3A_1977 : i32
          %get3A_1979 = arith.index_cast %add3A_1978 : i32 to index
          %get3A_1980 = arith.constant 16 : index
          %get3A_1981 = tpu.vector_load %arg8[%get3A_1979, %get3A_1980] {strides = array<i32>} : memref<128x128xf32, #tpu.memory_space<vmem>>, vector<1x16xf32>,
          %get3A_1982 = vector.shape_cast %get3A_1981 : vector<1x16xf32> to vector<16xf32>
          %mul3A_1983 = vector.broadcast %squeeze3A_1967 : f32 to vector<16xf32>
          %mul3A_1984 = arith.mulf %mul3A_1983, %get3A_1982 : vector<16xf32>
          %add3A_1985 = arith.addf %add3A_1911, %mul3A_1984 : vector<16xf32>
          %add3A_1986 = arith.constant 25 : i32
          %add3A_1987 = arith.addi %mul3A_74, %add3A_1986 : i32
          %get3A_1988 = arith.index_cast %add3A_1987 : i32 to index
          %get3A_1989 = arith.constant 32 : index
          %get3A_1990 = tpu.vector_load %arg8[%get3A_1988, %get3A_1989] {strides = array<i32>} : memref<128x128xf32, #tpu.memory_space<vmem>>, vector<1x16xf32>,
          %get3A_1991 = vector.shape_cast %get3A_1990 : vector<1x16xf32> to vector<16xf32>
          %mul3A_1992 = vector.broadcast %squeeze3A_1967 : f32 to vector<16xf32>
          %mul3A_1993 = arith.mulf %mul3A_1992, %get3A_1991 : vector<16xf32>
          %add3A_1994 = arith.addf %add3A_1920, %mul3A_1993 : vector<16xf32>
          %add3A_1995 = arith.constant 25 : i32
          %add3A_1996 = arith.addi %mul3A_74, %add3A_1995 : i32
          %get3A_1997 = arith.index_cast %add3A_1996 : i32 to index
          %get3A_1998 = arith.constant 48 : index
          %get3A_1999 = tpu.vector_load %arg8[%get3A_1997, %get3A_1998] {strides = array<i32>} : memref<128x128xf32, #tpu.memory_space<vmem>>, vector<1x16xf32>,
          %get3A_2000 = vector.shape_cast %get3A_1999 : vector<1x16xf32> to vector<16xf32>
          %mul3A_2001 = vector.broadcast %squeeze3A_1967 : f32 to vector<16xf32>
          %mul3A_2002 = arith.mulf %mul3A_2001, %get3A_2000 : vector<16xf32>
          %add3A_2003 = arith.addf %add3A_1929, %mul3A_2002 : vector<16xf32>
          %add3A_2004 = arith.constant 25 : i32
          %add3A_2005 = arith.addi %mul3A_74, %add3A_2004 : i32
          %get3A_2006 = arith.index_cast %add3A_2005 : i32 to index
          %get3A_2007 = arith.constant 64 : index
          %get3A_2008 = tpu.vector_load %arg8[%get3A_2006, %get3A_2007] {strides = array<i32>} : memref<128x128xf32, #tpu.memory_space<vmem>>, vector<1x16xf32>,
          %get3A_2009 = vector.shape_cast %get3A_2008 : vector<1x16xf32> to vector<16xf32>
          %mul3A_2010 = vector.broadcast %squeeze3A_1967 : f32 to vector<16xf32>
          %mul3A_2011 = arith.mulf %mul3A_2010, %get3A_2009 : vector<16xf32>
          %add3A_2012 = arith.addf %add3A_1938, %mul3A_2011 : vector<16xf32>
          %add3A_2013 = arith.constant 25 : i32
          %add3A_2014 = arith.addi %mul3A_74, %add3A_2013 : i32
          %get3A_2015 = arith.index_cast %add3A_2014 : i32 to index
          %get3A_2016 = arith.constant 80 : index
          %get3A_2017 = tpu.vector_load %arg8[%get3A_2015, %get3A_2016] {strides = array<i32>} : memref<128x128xf32, #tpu.memory_space<vmem>>, vector<1x16xf32>,
          %get3A_2018 = vector.shape_cast %get3A_2017 : vector<1x16xf32> to vector<16xf32>
          %mul3A_2019 = vector.broadcast %squeeze3A_1967 : f32 to vector<16xf32>
          %mul3A_2020 = arith.mulf %mul3A_2019, %get3A_2018 : vector<16xf32>
          %add3A_2021 = arith.addf %add3A_1947, %mul3A_2020 : vector<16xf32>
          %add3A_2022 = arith.constant 25 : i32
          %add3A_2023 = arith.addi %mul3A_74, %add3A_2022 : i32
          %get3A_2024 = arith.index_cast %add3A_2023 : i32 to index
          %get3A_2025 = arith.constant 96 : index
          %get3A_2026 = tpu.vector_load %arg8[%get3A_2024, %get3A_2025] {strides = array<i32>} : memref<128x128xf32, #tpu.memory_space<vmem>>, vector<1x16xf32>,
          %get3A_2027 = vector.shape_cast %get3A_2026 : vector<1x16xf32> to vector<16xf32>
          %mul3A_2028 = vector.broadcast %squeeze3A_1967 : f32 to vector<16xf32>
          %mul3A_2029 = arith.mulf %mul3A_2028, %get3A_2027 : vector<16xf32>
          %add3A_2030 = arith.addf %add3A_1956, %mul3A_2029 : vector<16xf32>
          %add3A_2031 = arith.constant 25 : i32
          %add3A_2032 = arith.addi %mul3A_74, %add3A_2031 : i32
          %get3A_2033 = arith.index_cast %add3A_2032 : i32 to index
          %get3A_2034 = arith.constant 112 : index
          %get3A_2035 = tpu.vector_load %arg8[%get3A_2033, %get3A_2034] {strides = array<i32>} : memref<128x128xf32, #tpu.memory_space<vmem>>, vector<1x16xf32>,
          %get3A_2036 = vector.shape_cast %get3A_2035 : vector<1x16xf32> to vector<16xf32>
          %mul3A_2037 = vector.broadcast %squeeze3A_1967 : f32 to vector<16xf32>
          %mul3A_2038 = arith.mulf %mul3A_2037, %get3A_2036 : vector<16xf32>
          %add3A_2039 = arith.addf %add3A_1965, %mul3A_2038 : vector<16xf32>
          %slice3A_2040 = vector.extract_strided_slice %get3A_85 {offsets = [10], sizes = [1], strides = [1]} : vector<16xf32> to vector<1xf32>
          %squeeze3A_2041 = vector.extract %slice3A_2040[0] : f32 from vector<1xf32>
          %add3A_2042 = arith.constant 26 : i32
          %add3A_2043 = arith.addi %mul3A_74, %add3A_2042 : i32
          %get3A_2044 = arith.index_cast %add3A_2043 : i32 to index
          %get3A_2045 = arith.constant 0 : index
          %get3A_2046 = tpu.vector_load %arg8[%get3A_2044, %get3A_2045] {strides = array<i32>} : memref<128x128xf32, #tpu.memory_space<vmem>>, vector<1x16xf32>,
          %get3A_2047 = vector.shape_cast %get3A_2046 : vector<1x16xf32> to vector<16xf32>
          %mul3A_2048 = vector.broadcast %squeeze3A_2041 : f32 to vector<16xf32>
          %mul3A_2049 = arith.mulf %mul3A_2048, %get3A_2047 : vector<16xf32>
          %add3A_2050 = arith.addf %add3A_1976, %mul3A_2049 : vector<16xf32>
          %add3A_2051 = arith.constant 26 : i32
          %add3A_2052 = arith.addi %mul3A_74, %add3A_2051 : i32
          %get3A_2053 = arith.index_cast %add3A_2052 : i32 to index
          %get3A_2054 = arith.constant 16 : index
          %get3A_2055 = tpu.vector_load %arg8[%get3A_2053, %get3A_2054] {strides = array<i32>} : memref<128x128xf32, #tpu.memory_space<vmem>>, vector<1x16xf32>,
          %get3A_2056 = vector.shape_cast %get3A_2055 : vector<1x16xf32> to vector<16xf32>
          %mul3A_2057 = vector.broadcast %squeeze3A_2041 : f32 to vector<16xf32>
          %mul3A_2058 = arith.mulf %mul3A_2057, %get3A_2056 : vector<16xf32>
          %add3A_2059 = arith.addf %add3A_1985, %mul3A_2058 : vector<16xf32>
          %add3A_2060 = arith.constant 26 : i32
          %add3A_2061 = arith.addi %mul3A_74, %add3A_2060 : i32
          %get3A_2062 = arith.index_cast %add3A_2061 : i32 to index
          %get3A_2063 = arith.constant 32 : index
          %get3A_2064 = tpu.vector_load %arg8[%get3A_2062, %get3A_2063] {strides = array<i32>} : memref<128x128xf32, #tpu.memory_space<vmem>>, vector<1x16xf32>,
          %get3A_2065 = vector.shape_cast %get3A_2064 : vector<1x16xf32> to vector<16xf32>
          %mul3A_2066 = vector.broadcast %squeeze3A_2041 : f32 to vector<16xf32>
          %mul3A_2067 = arith.mulf %mul3A_2066, %get3A_2065 : vector<16xf32>
          %add3A_2068 = arith.addf %add3A_1994, %mul3A_2067 : vector<16xf32>
          %add3A_2069 = arith.constant 26 : i32
          %add3A_2070 = arith.addi %mul3A_74, %add3A_2069 : i32
          %get3A_2071 = arith.index_cast %add3A_2070 : i32 to index
          %get3A_2072 = arith.constant 48 : index
          %get3A_2073 = tpu.vector_load %arg8[%get3A_2071, %get3A_2072] {strides = array<i32>} : memref<128x128xf32, #tpu.memory_space<vmem>>, vector<1x16xf32>,
          %get3A_2074 = vector.shape_cast %get3A_2073 : vector<1x16xf32> to vector<16xf32>
          %mul3A_2075 = vector.broadcast %squeeze3A_2041 : f32 to vector<16xf32>
          %mul3A_2076 = arith.mulf %mul3A_2075, %get3A_2074 : vector<16xf32>
          %add3A_2077 = arith.addf %add3A_2003, %mul3A_2076 : vector<16xf32>
          %add3A_2078 = arith.constant 26 : i32
          %add3A_2079 = arith.addi %mul3A_74, %add3A_2078 : i32
          %get3A_2080 = arith.index_cast %add3A_2079 : i32 to index
          %get3A_2081 = arith.constant 64 : index
          %get3A_2082 = tpu.vector_load %arg8[%get3A_2080, %get3A_2081] {strides = array<i32>} : memref<128x128xf32, #tpu.memory_space<vmem>>, vector<1x16xf32>,
          %get3A_2083 = vector.shape_cast %get3A_2082 : vector<1x16xf32> to vector<16xf32>
          %mul3A_2084 = vector.broadcast %squeeze3A_2041 : f32 to vector<16xf32>
          %mul3A_2085 = arith.mulf %mul3A_2084, %get3A_2083 : vector<16xf32>
          %add3A_2086 = arith.addf %add3A_2012, %mul3A_2085 : vector<16xf32>
          %add3A_2087 = arith.constant 26 : i32
          %add3A_2088 = arith.addi %mul3A_74, %add3A_2087 : i32
          %get3A_2089 = arith.index_cast %add3A_2088 : i32 to index
          %get3A_2090 = arith.constant 80 : index
          %get3A_2091 = tpu.vector_load %arg8[%get3A_2089, %get3A_2090] {strides = array<i32>} : memref<128x128xf32, #tpu.memory_space<vmem>>, vector<1x16xf32>,
          %get3A_2092 = vector.shape_cast %get3A_2091 : vector<1x16xf32> to vector<16xf32>
          %mul3A_2093 = vector.broadcast %squeeze3A_2041 : f32 to vector<16xf32>
          %mul3A_2094 = arith.mulf %mul3A_2093, %get3A_2092 : vector<16xf32>
          %add3A_2095 = arith.addf %add3A_2021, %mul3A_2094 : vector<16xf32>
          %add3A_2096 = arith.constant 26 : i32
          %add3A_2097 = arith.addi %mul3A_74, %add3A_2096 : i32
          %get3A_2098 = arith.index_cast %add3A_2097 : i32 to index
          %get3A_2099 = arith.constant 96 : index
          %get3A_2100 = tpu.vector_load %arg8[%get3A_2098, %get3A_2099] {strides = array<i32>} : memref<128x128xf32, #tpu.memory_space<vmem>>, vector<1x16xf32>,
          %get3A_2101 = vector.shape_cast %get3A_2100 : vector<1x16xf32> to vector<16xf32>
          %mul3A_2102 = vector.broadcast %squeeze3A_2041 : f32 to vector<16xf32>
          %mul3A_2103 = arith.mulf %mul3A_2102, %get3A_2101 : vector<16xf32>
          %add3A_2104 = arith.addf %add3A_2030, %mul3A_2103 : vector<16xf32>
          %add3A_2105 = arith.constant 26 : i32
          %add3A_2106 = arith.addi %mul3A_74, %add3A_2105 : i32
          %get3A_2107 = arith.index_cast %add3A_2106 : i32 to index
          %get3A_2108 = arith.constant 112 : index
          %get3A_2109 = tpu.vector_load %arg8[%get3A_2107, %get3A_2108] {strides = array<i32>} : memref<128x128xf32, #tpu.memory_space<vmem>>, vector<1x16xf32>,
          %get3A_2110 = vector.shape_cast %get3A_2109 : vector<1x16xf32> to vector<16xf32>
          %mul3A_2111 = vector.broadcast %squeeze3A_2041 : f32 to vector<16xf32>
          %mul3A_2112 = arith.mulf %mul3A_2111, %get3A_2110 : vector<16xf32>
          %add3A_2113 = arith.addf %add3A_2039, %mul3A_2112 : vector<16xf32>
          %slice3A_2114 = vector.extract_strided_slice %get3A_85 {offsets = [11], sizes = [1], strides = [1]} : vector<16xf32> to vector<1xf32>
          %squeeze3A_2115 = vector.extract %slice3A_2114[0] : f32 from vector<1xf32>
          %add3A_2116 = arith.constant 27 : i32
          %add3A_2117 = arith.addi %mul3A_74, %add3A_2116 : i32
          %get3A_2118 = arith.index_cast %add3A_2117 : i32 to index
          %get3A_2119 = arith.constant 0 : index
          %get3A_2120 = tpu.vector_load %arg8[%get3A_2118, %get3A_2119] {strides = array<i32>} : memref<128x128xf32, #tpu.memory_space<vmem>>, vector<1x16xf32>,
          %get3A_2121 = vector.shape_cast %get3A_2120 : vector<1x16xf32> to vector<16xf32>
          %mul3A_2122 = vector.broadcast %squeeze3A_2115 : f32 to vector<16xf32>
          %mul3A_2123 = arith.mulf %mul3A_2122, %get3A_2121 : vector<16xf32>
          %add3A_2124 = arith.addf %add3A_2050, %mul3A_2123 : vector<16xf32>
          %add3A_2125 = arith.constant 27 : i32
          %add3A_2126 = arith.addi %mul3A_74, %add3A_2125 : i32
          %get3A_2127 = arith.index_cast %add3A_2126 : i32 to index
          %get3A_2128 = arith.constant 16 : index
          %get3A_2129 = tpu.vector_load %arg8[%get3A_2127, %get3A_2128] {strides = array<i32>} : memref<128x128xf32, #tpu.memory_space<vmem>>, vector<1x16xf32>,
          %get3A_2130 = vector.shape_cast %get3A_2129 : vector<1x16xf32> to vector<16xf32>
          %mul3A_2131 = vector.broadcast %squeeze3A_2115 : f32 to vector<16xf32>
          %mul3A_2132 = arith.mulf %mul3A_2131, %get3A_2130 : vector<16xf32>
          %add3A_2133 = arith.addf %add3A_2059, %mul3A_2132 : vector<16xf32>
          %add3A_2134 = arith.constant 27 : i32
          %add3A_2135 = arith.addi %mul3A_74, %add3A_2134 : i32
          %get3A_2136 = arith.index_cast %add3A_2135 : i32 to index
          %get3A_2137 = arith.constant 32 : index
          %get3A_2138 = tpu.vector_load %arg8[%get3A_2136, %get3A_2137] {strides = array<i32>} : memref<128x128xf32, #tpu.memory_space<vmem>>, vector<1x16xf32>,
          %get3A_2139 = vector.shape_cast %get3A_2138 : vector<1x16xf32> to vector<16xf32>
          %mul3A_2140 = vector.broadcast %squeeze3A_2115 : f32 to vector<16xf32>
          %mul3A_2141 = arith.mulf %mul3A_2140, %get3A_2139 : vector<16xf32>
          %add3A_2142 = arith.addf %add3A_2068, %mul3A_2141 : vector<16xf32>
          %add3A_2143 = arith.constant 27 : i32
          %add3A_2144 = arith.addi %mul3A_74, %add3A_2143 : i32
          %get3A_2145 = arith.index_cast %add3A_2144 : i32 to index
          %get3A_2146 = arith.constant 48 : index
          %get3A_2147 = tpu.vector_load %arg8[%get3A_2145, %get3A_2146] {strides = array<i32>} : memref<128x128xf32, #tpu.memory_space<vmem>>, vector<1x16xf32>,
          %get3A_2148 = vector.shape_cast %get3A_2147 : vector<1x16xf32> to vector<16xf32>
          %mul3A_2149 = vector.broadcast %squeeze3A_2115 : f32 to vector<16xf32>
          %mul3A_2150 = arith.mulf %mul3A_2149, %get3A_2148 : vector<16xf32>
          %add3A_2151 = arith.addf %add3A_2077, %mul3A_2150 : vector<16xf32>
          %add3A_2152 = arith.constant 27 : i32
          %add3A_2153 = arith.addi %mul3A_74, %add3A_2152 : i32
          %get3A_2154 = arith.index_cast %add3A_2153 : i32 to index
          %get3A_2155 = arith.constant 64 : index
          %get3A_2156 = tpu.vector_load %arg8[%get3A_2154, %get3A_2155] {strides = array<i32>} : memref<128x128xf32, #tpu.memory_space<vmem>>, vector<1x16xf32>,
          %get3A_2157 = vector.shape_cast %get3A_2156 : vector<1x16xf32> to vector<16xf32>
          %mul3A_2158 = vector.broadcast %squeeze3A_2115 : f32 to vector<16xf32>
          %mul3A_2159 = arith.mulf %mul3A_2158, %get3A_2157 : vector<16xf32>
          %add3A_2160 = arith.addf %add3A_2086, %mul3A_2159 : vector<16xf32>
          %add3A_2161 = arith.constant 27 : i32
          %add3A_2162 = arith.addi %mul3A_74, %add3A_2161 : i32
          %get3A_2163 = arith.index_cast %add3A_2162 : i32 to index
          %get3A_2164 = arith.constant 80 : index
          %get3A_2165 = tpu.vector_load %arg8[%get3A_2163, %get3A_2164] {strides = array<i32>} : memref<128x128xf32, #tpu.memory_space<vmem>>, vector<1x16xf32>,
          %get3A_2166 = vector.shape_cast %get3A_2165 : vector<1x16xf32> to vector<16xf32>
          %mul3A_2167 = vector.broadcast %squeeze3A_2115 : f32 to vector<16xf32>
          %mul3A_2168 = arith.mulf %mul3A_2167, %get3A_2166 : vector<16xf32>
          %add3A_2169 = arith.addf %add3A_2095, %mul3A_2168 : vector<16xf32>
          %add3A_2170 = arith.constant 27 : i32
          %add3A_2171 = arith.addi %mul3A_74, %add3A_2170 : i32
          %get3A_2172 = arith.index_cast %add3A_2171 : i32 to index
          %get3A_2173 = arith.constant 96 : index
          %get3A_2174 = tpu.vector_load %arg8[%get3A_2172, %get3A_2173] {strides = array<i32>} : memref<128x128xf32, #tpu.memory_space<vmem>>, vector<1x16xf32>,
          %get3A_2175 = vector.shape_cast %get3A_2174 : vector<1x16xf32> to vector<16xf32>
          %mul3A_2176 = vector.broadcast %squeeze3A_2115 : f32 to vector<16xf32>
          %mul3A_2177 = arith.mulf %mul3A_2176, %get3A_2175 : vector<16xf32>
          %add3A_2178 = arith.addf %add3A_2104, %mul3A_2177 : vector<16xf32>
          %add3A_2179 = arith.constant 27 : i32
          %add3A_2180 = arith.addi %mul3A_74, %add3A_2179 : i32
          %get3A_2181 = arith.index_cast %add3A_2180 : i32 to index
          %get3A_2182 = arith.constant 112 : index
          %get3A_2183 = tpu.vector_load %arg8[%get3A_2181, %get3A_2182] {strides = array<i32>} : memref<128x128xf32, #tpu.memory_space<vmem>>, vector<1x16xf32>,
          %get3A_2184 = vector.shape_cast %get3A_2183 : vector<1x16xf32> to vector<16xf32>
          %mul3A_2185 = vector.broadcast %squeeze3A_2115 : f32 to vector<16xf32>
          %mul3A_2186 = arith.mulf %mul3A_2185, %get3A_2184 : vector<16xf32>
          %add3A_2187 = arith.addf %add3A_2113, %mul3A_2186 : vector<16xf32>
          %slice3A_2188 = vector.extract_strided_slice %get3A_85 {offsets = [12], sizes = [1], strides = [1]} : vector<16xf32> to vector<1xf32>
          %squeeze3A_2189 = vector.extract %slice3A_2188[0] : f32 from vector<1xf32>
          %add3A_2190 = arith.constant 28 : i32
          %add3A_2191 = arith.addi %mul3A_74, %add3A_2190 : i32
          %get3A_2192 = arith.index_cast %add3A_2191 : i32 to index
          %get3A_2193 = arith.constant 0 : index
          %get3A_2194 = tpu.vector_load %arg8[%get3A_2192, %get3A_2193] {strides = array<i32>} : memref<128x128xf32, #tpu.memory_space<vmem>>, vector<1x16xf32>,
          %get3A_2195 = vector.shape_cast %get3A_2194 : vector<1x16xf32> to vector<16xf32>
          %mul3A_2196 = vector.broadcast %squeeze3A_2189 : f32 to vector<16xf32>
          %mul3A_2197 = arith.mulf %mul3A_2196, %get3A_2195 : vector<16xf32>
          %add3A_2198 = arith.addf %add3A_2124, %mul3A_2197 : vector<16xf32>
          %add3A_2199 = arith.constant 28 : i32
          %add3A_2200 = arith.addi %mul3A_74, %add3A_2199 : i32
          %get3A_2201 = arith.index_cast %add3A_2200 : i32 to index
          %get3A_2202 = arith.constant 16 : index
          %get3A_2203 = tpu.vector_load %arg8[%get3A_2201, %get3A_2202] {strides = array<i32>} : memref<128x128xf32, #tpu.memory_space<vmem>>, vector<1x16xf32>,
          %get3A_2204 = vector.shape_cast %get3A_2203 : vector<1x16xf32> to vector<16xf32>
          %mul3A_2205 = vector.broadcast %squeeze3A_2189 : f32 to vector<16xf32>
          %mul3A_2206 = arith.mulf %mul3A_2205, %get3A_2204 : vector<16xf32>
          %add3A_2207 = arith.addf %add3A_2133, %mul3A_2206 : vector<16xf32>
          %add3A_2208 = arith.constant 28 : i32
          %add3A_2209 = arith.addi %mul3A_74, %add3A_2208 : i32
          %get3A_2210 = arith.index_cast %add3A_2209 : i32 to index
          %get3A_2211 = arith.constant 32 : index
          %get3A_2212 = tpu.vector_load %arg8[%get3A_2210, %get3A_2211] {strides = array<i32>} : memref<128x128xf32, #tpu.memory_space<vmem>>, vector<1x16xf32>,
          %get3A_2213 = vector.shape_cast %get3A_2212 : vector<1x16xf32> to vector<16xf32>
          %mul3A_2214 = vector.broadcast %squeeze3A_2189 : f32 to vector<16xf32>
          %mul3A_2215 = arith.mulf %mul3A_2214, %get3A_2213 : vector<16xf32>
          %add3A_2216 = arith.addf %add3A_2142, %mul3A_2215 : vector<16xf32>
          %add3A_2217 = arith.constant 28 : i32
          %add3A_2218 = arith.addi %mul3A_74, %add3A_2217 : i32
          %get3A_2219 = arith.index_cast %add3A_2218 : i32 to index
          %get3A_2220 = arith.constant 48 : index
          %get3A_2221 = tpu.vector_load %arg8[%get3A_2219, %get3A_2220] {strides = array<i32>} : memref<128x128xf32, #tpu.memory_space<vmem>>, vector<1x16xf32>,
          %get3A_2222 = vector.shape_cast %get3A_2221 : vector<1x16xf32> to vector<16xf32>
          %mul3A_2223 = vector.broadcast %squeeze3A_2189 : f32 to vector<16xf32>
          %mul3A_2224 = arith.mulf %mul3A_2223, %get3A_2222 : vector<16xf32>
          %add3A_2225 = arith.addf %add3A_2151, %mul3A_2224 : vector<16xf32>
          %add3A_2226 = arith.constant 28 : i32
          %add3A_2227 = arith.addi %mul3A_74, %add3A_2226 : i32
          %get3A_2228 = arith.index_cast %add3A_2227 : i32 to index
          %get3A_2229 = arith.constant 64 : index
          %get3A_2230 = tpu.vector_load %arg8[%get3A_2228, %get3A_2229] {strides = array<i32>} : memref<128x128xf32, #tpu.memory_space<vmem>>, vector<1x16xf32>,
          %get3A_2231 = vector.shape_cast %get3A_2230 : vector<1x16xf32> to vector<16xf32>
          %mul3A_2232 = vector.broadcast %squeeze3A_2189 : f32 to vector<16xf32>
          %mul3A_2233 = arith.mulf %mul3A_2232, %get3A_2231 : vector<16xf32>
          %add3A_2234 = arith.addf %add3A_2160, %mul3A_2233 : vector<16xf32>
          %add3A_2235 = arith.constant 28 : i32
          %add3A_2236 = arith.addi %mul3A_74, %add3A_2235 : i32
          %get3A_2237 = arith.index_cast %add3A_2236 : i32 to index
          %get3A_2238 = arith.constant 80 : index
          %get3A_2239 = tpu.vector_load %arg8[%get3A_2237, %get3A_2238] {strides = array<i32>} : memref<128x128xf32, #tpu.memory_space<vmem>>, vector<1x16xf32>,
          %get3A_2240 = vector.shape_cast %get3A_2239 : vector<1x16xf32> to vector<16xf32>
          %mul3A_2241 = vector.broadcast %squeeze3A_2189 : f32 to vector<16xf32>
          %mul3A_2242 = arith.mulf %mul3A_2241, %get3A_2240 : vector<16xf32>
          %add3A_2243 = arith.addf %add3A_2169, %mul3A_2242 : vector<16xf32>
          %add3A_2244 = arith.constant 28 : i32
          %add3A_2245 = arith.addi %mul3A_74, %add3A_2244 : i32
          %get3A_2246 = arith.index_cast %add3A_2245 : i32 to index
          %get3A_2247 = arith.constant 96 : index
          %get3A_2248 = tpu.vector_load %arg8[%get3A_2246, %get3A_2247] {strides = array<i32>} : memref<128x128xf32, #tpu.memory_space<vmem>>, vector<1x16xf32>,
          %get3A_2249 = vector.shape_cast %get3A_2248 : vector<1x16xf32> to vector<16xf32>
          %mul3A_2250 = vector.broadcast %squeeze3A_2189 : f32 to vector<16xf32>
          %mul3A_2251 = arith.mulf %mul3A_2250, %get3A_2249 : vector<16xf32>
          %add3A_2252 = arith.addf %add3A_2178, %mul3A_2251 : vector<16xf32>
          %add3A_2253 = arith.constant 28 : i32
          %add3A_2254 = arith.addi %mul3A_74, %add3A_2253 : i32
          %get3A_2255 = arith.index_cast %add3A_2254 : i32 to index
          %get3A_2256 = arith.constant 112 : index
          %get3A_2257 = tpu.vector_load %arg8[%get3A_2255, %get3A_2256] {strides = array<i32>} : memref<128x128xf32, #tpu.memory_space<vmem>>, vector<1x16xf32>,
          %get3A_2258 = vector.shape_cast %get3A_2257 : vector<1x16xf32> to vector<16xf32>
          %mul3A_2259 = vector.broadcast %squeeze3A_2189 : f32 to vector<16xf32>
          %mul3A_2260 = arith.mulf %mul3A_2259, %get3A_2258 : vector<16xf32>
          %add3A_2261 = arith.addf %add3A_2187, %mul3A_2260 : vector<16xf32>
          %slice3A_2262 = vector.extract_strided_slice %get3A_85 {offsets = [13], sizes = [1], strides = [1]} : vector<16xf32> to vector<1xf32>
          %squeeze3A_2263 = vector.extract %slice3A_2262[0] : f32 from vector<1xf32>
          %add3A_2264 = arith.constant 29 : i32
          %add3A_2265 = arith.addi %mul3A_74, %add3A_2264 : i32
          %get3A_2266 = arith.index_cast %add3A_2265 : i32 to index
          %get3A_2267 = arith.constant 0 : index
          %get3A_2268 = tpu.vector_load %arg8[%get3A_2266, %get3A_2267] {strides = array<i32>} : memref<128x128xf32, #tpu.memory_space<vmem>>, vector<1x16xf32>,
          %get3A_2269 = vector.shape_cast %get3A_2268 : vector<1x16xf32> to vector<16xf32>
          %mul3A_2270 = vector.broadcast %squeeze3A_2263 : f32 to vector<16xf32>
          %mul3A_2271 = arith.mulf %mul3A_2270, %get3A_2269 : vector<16xf32>
          %add3A_2272 = arith.addf %add3A_2198, %mul3A_2271 : vector<16xf32>
          %add3A_2273 = arith.constant 29 : i32
          %add3A_2274 = arith.addi %mul3A_74, %add3A_2273 : i32
          %get3A_2275 = arith.index_cast %add3A_2274 : i32 to index
          %get3A_2276 = arith.constant 16 : index
          %get3A_2277 = tpu.vector_load %arg8[%get3A_2275, %get3A_2276] {strides = array<i32>} : memref<128x128xf32, #tpu.memory_space<vmem>>, vector<1x16xf32>,
          %get3A_2278 = vector.shape_cast %get3A_2277 : vector<1x16xf32> to vector<16xf32>
          %mul3A_2279 = vector.broadcast %squeeze3A_2263 : f32 to vector<16xf32>
          %mul3A_2280 = arith.mulf %mul3A_2279, %get3A_2278 : vector<16xf32>
          %add3A_2281 = arith.addf %add3A_2207, %mul3A_2280 : vector<16xf32>
          %add3A_2282 = arith.constant 29 : i32
          %add3A_2283 = arith.addi %mul3A_74, %add3A_2282 : i32
          %get3A_2284 = arith.index_cast %add3A_2283 : i32 to index
          %get3A_2285 = arith.constant 32 : index
          %get3A_2286 = tpu.vector_load %arg8[%get3A_2284, %get3A_2285] {strides = array<i32>} : memref<128x128xf32, #tpu.memory_space<vmem>>, vector<1x16xf32>,
          %get3A_2287 = vector.shape_cast %get3A_2286 : vector<1x16xf32> to vector<16xf32>
          %mul3A_2288 = vector.broadcast %squeeze3A_2263 : f32 to vector<16xf32>
          %mul3A_2289 = arith.mulf %mul3A_2288, %get3A_2287 : vector<16xf32>
          %add3A_2290 = arith.addf %add3A_2216, %mul3A_2289 : vector<16xf32>
          %add3A_2291 = arith.constant 29 : i32
          %add3A_2292 = arith.addi %mul3A_74, %add3A_2291 : i32
          %get3A_2293 = arith.index_cast %add3A_2292 : i32 to index
          %get3A_2294 = arith.constant 48 : index
          %get3A_2295 = tpu.vector_load %arg8[%get3A_2293, %get3A_2294] {strides = array<i32>} : memref<128x128xf32, #tpu.memory_space<vmem>>, vector<1x16xf32>,
          %get3A_2296 = vector.shape_cast %get3A_2295 : vector<1x16xf32> to vector<16xf32>
          %mul3A_2297 = vector.broadcast %squeeze3A_2263 : f32 to vector<16xf32>
          %mul3A_2298 = arith.mulf %mul3A_2297, %get3A_2296 : vector<16xf32>
          %add3A_2299 = arith.addf %add3A_2225, %mul3A_2298 : vector<16xf32>
          %add3A_2300 = arith.constant 29 : i32
          %add3A_2301 = arith.addi %mul3A_74, %add3A_2300 : i32
          %get3A_2302 = arith.index_cast %add3A_2301 : i32 to index
          %get3A_2303 = arith.constant 64 : index
          %get3A_2304 = tpu.vector_load %arg8[%get3A_2302, %get3A_2303] {strides = array<i32>} : memref<128x128xf32, #tpu.memory_space<vmem>>, vector<1x16xf32>,
          %get3A_2305 = vector.shape_cast %get3A_2304 : vector<1x16xf32> to vector<16xf32>
          %mul3A_2306 = vector.broadcast %squeeze3A_2263 : f32 to vector<16xf32>
          %mul3A_2307 = arith.mulf %mul3A_2306, %get3A_2305 : vector<16xf32>
          %add3A_2308 = arith.addf %add3A_2234, %mul3A_2307 : vector<16xf32>
          %add3A_2309 = arith.constant 29 : i32
          %add3A_2310 = arith.addi %mul3A_74, %add3A_2309 : i32
          %get3A_2311 = arith.index_cast %add3A_2310 : i32 to index
          %get3A_2312 = arith.constant 80 : index
          %get3A_2313 = tpu.vector_load %arg8[%get3A_2311, %get3A_2312] {strides = array<i32>} : memref<128x128xf32, #tpu.memory_space<vmem>>, vector<1x16xf32>,
          %get3A_2314 = vector.shape_cast %get3A_2313 : vector<1x16xf32> to vector<16xf32>
          %mul3A_2315 = vector.broadcast %squeeze3A_2263 : f32 to vector<16xf32>
          %mul3A_2316 = arith.mulf %mul3A_2315, %get3A_2314 : vector<16xf32>
          %add3A_2317 = arith.addf %add3A_2243, %mul3A_2316 : vector<16xf32>
          %add3A_2318 = arith.constant 29 : i32
          %add3A_2319 = arith.addi %mul3A_74, %add3A_2318 : i32
          %get3A_2320 = arith.index_cast %add3A_2319 : i32 to index
          %get3A_2321 = arith.constant 96 : index
          %get3A_2322 = tpu.vector_load %arg8[%get3A_2320, %get3A_2321] {strides = array<i32>} : memref<128x128xf32, #tpu.memory_space<vmem>>, vector<1x16xf32>,
          %get3A_2323 = vector.shape_cast %get3A_2322 : vector<1x16xf32> to vector<16xf32>
          %mul3A_2324 = vector.broadcast %squeeze3A_2263 : f32 to vector<16xf32>
          %mul3A_2325 = arith.mulf %mul3A_2324, %get3A_2323 : vector<16xf32>
          %add3A_2326 = arith.addf %add3A_2252, %mul3A_2325 : vector<16xf32>
          %add3A_2327 = arith.constant 29 : i32
          %add3A_2328 = arith.addi %mul3A_74, %add3A_2327 : i32
          %get3A_2329 = arith.index_cast %add3A_2328 : i32 to index
          %get3A_2330 = arith.constant 112 : index
          %get3A_2331 = tpu.vector_load %arg8[%get3A_2329, %get3A_2330] {strides = array<i32>} : memref<128x128xf32, #tpu.memory_space<vmem>>, vector<1x16xf32>,
          %get3A_2332 = vector.shape_cast %get3A_2331 : vector<1x16xf32> to vector<16xf32>
          %mul3A_2333 = vector.broadcast %squeeze3A_2263 : f32 to vector<16xf32>
          %mul3A_2334 = arith.mulf %mul3A_2333, %get3A_2332 : vector<16xf32>
          %add3A_2335 = arith.addf %add3A_2261, %mul3A_2334 : vector<16xf32>
          %slice3A_2336 = vector.extract_strided_slice %get3A_85 {offsets = [14], sizes = [1], strides = [1]} : vector<16xf32> to vector<1xf32>
          %squeeze3A_2337 = vector.extract %slice3A_2336[0] : f32 from vector<1xf32>
          %add3A_2338 = arith.constant 30 : i32
          %add3A_2339 = arith.addi %mul3A_74, %add3A_2338 : i32
          %get3A_2340 = arith.index_cast %add3A_2339 : i32 to index
          %get3A_2341 = arith.constant 0 : index
          %get3A_2342 = tpu.vector_load %arg8[%get3A_2340, %get3A_2341] {strides = array<i32>} : memref<128x128xf32, #tpu.memory_space<vmem>>, vector<1x16xf32>,
          %get3A_2343 = vector.shape_cast %get3A_2342 : vector<1x16xf32> to vector<16xf32>
          %mul3A_2344 = vector.broadcast %squeeze3A_2337 : f32 to vector<16xf32>
          %mul3A_2345 = arith.mulf %mul3A_2344, %get3A_2343 : vector<16xf32>
          %add3A_2346 = arith.addf %add3A_2272, %mul3A_2345 : vector<16xf32>
          %add3A_2347 = arith.constant 30 : i32
          %add3A_2348 = arith.addi %mul3A_74, %add3A_2347 : i32
          %get3A_2349 = arith.index_cast %add3A_2348 : i32 to index
          %get3A_2350 = arith.constant 16 : index
          %get3A_2351 = tpu.vector_load %arg8[%get3A_2349, %get3A_2350] {strides = array<i32>} : memref<128x128xf32, #tpu.memory_space<vmem>>, vector<1x16xf32>,
          %get3A_2352 = vector.shape_cast %get3A_2351 : vector<1x16xf32> to vector<16xf32>
          %mul3A_2353 = vector.broadcast %squeeze3A_2337 : f32 to vector<16xf32>
          %mul3A_2354 = arith.mulf %mul3A_2353, %get3A_2352 : vector<16xf32>
          %add3A_2355 = arith.addf %add3A_2281, %mul3A_2354 : vector<16xf32>
          %add3A_2356 = arith.constant 30 : i32
          %add3A_2357 = arith.addi %mul3A_74, %add3A_2356 : i32
          %get3A_2358 = arith.index_cast %add3A_2357 : i32 to index
          %get3A_2359 = arith.constant 32 : index
          %get3A_2360 = tpu.vector_load %arg8[%get3A_2358, %get3A_2359] {strides = array<i32>} : memref<128x128xf32, #tpu.memory_space<vmem>>, vector<1x16xf32>,
          %get3A_2361 = vector.shape_cast %get3A_2360 : vector<1x16xf32> to vector<16xf32>
          %mul3A_2362 = vector.broadcast %squeeze3A_2337 : f32 to vector<16xf32>
          %mul3A_2363 = arith.mulf %mul3A_2362, %get3A_2361 : vector<16xf32>
          %add3A_2364 = arith.addf %add3A_2290, %mul3A_2363 : vector<16xf32>
          %add3A_2365 = arith.constant 30 : i32
          %add3A_2366 = arith.addi %mul3A_74, %add3A_2365 : i32
          %get3A_2367 = arith.index_cast %add3A_2366 : i32 to index
          %get3A_2368 = arith.constant 48 : index
          %get3A_2369 = tpu.vector_load %arg8[%get3A_2367, %get3A_2368] {strides = array<i32>} : memref<128x128xf32, #tpu.memory_space<vmem>>, vector<1x16xf32>,
          %get3A_2370 = vector.shape_cast %get3A_2369 : vector<1x16xf32> to vector<16xf32>
          %mul3A_2371 = vector.broadcast %squeeze3A_2337 : f32 to vector<16xf32>
          %mul3A_2372 = arith.mulf %mul3A_2371, %get3A_2370 : vector<16xf32>
          %add3A_2373 = arith.addf %add3A_2299, %mul3A_2372 : vector<16xf32>
          %add3A_2374 = arith.constant 30 : i32
          %add3A_2375 = arith.addi %mul3A_74, %add3A_2374 : i32
          %get3A_2376 = arith.index_cast %add3A_2375 : i32 to index
          %get3A_2377 = arith.constant 64 : index
          %get3A_2378 = tpu.vector_load %arg8[%get3A_2376, %get3A_2377] {strides = array<i32>} : memref<128x128xf32, #tpu.memory_space<vmem>>, vector<1x16xf32>,
          %get3A_2379 = vector.shape_cast %get3A_2378 : vector<1x16xf32> to vector<16xf32>
          %mul3A_2380 = vector.broadcast %squeeze3A_2337 : f32 to vector<16xf32>
          %mul3A_2381 = arith.mulf %mul3A_2380, %get3A_2379 : vector<16xf32>
          %add3A_2382 = arith.addf %add3A_2308, %mul3A_2381 : vector<16xf32>
          %add3A_2383 = arith.constant 30 : i32
          %add3A_2384 = arith.addi %mul3A_74, %add3A_2383 : i32
          %get3A_2385 = arith.index_cast %add3A_2384 : i32 to index
          %get3A_2386 = arith.constant 80 : index
          %get3A_2387 = tpu.vector_load %arg8[%get3A_2385, %get3A_2386] {strides = array<i32>} : memref<128x128xf32, #tpu.memory_space<vmem>>, vector<1x16xf32>,
          %get3A_2388 = vector.shape_cast %get3A_2387 : vector<1x16xf32> to vector<16xf32>
          %mul3A_2389 = vector.broadcast %squeeze3A_2337 : f32 to vector<16xf32>
          %mul3A_2390 = arith.mulf %mul3A_2389, %get3A_2388 : vector<16xf32>
          %add3A_2391 = arith.addf %add3A_2317, %mul3A_2390 : vector<16xf32>
          %add3A_2392 = arith.constant 30 : i32
          %add3A_2393 = arith.addi %mul3A_74, %add3A_2392 : i32
          %get3A_2394 = arith.index_cast %add3A_2393 : i32 to index
          %get3A_2395 = arith.constant 96 : index
          %get3A_2396 = tpu.vector_load %arg8[%get3A_2394, %get3A_2395] {strides = array<i32>} : memref<128x128xf32, #tpu.memory_space<vmem>>, vector<1x16xf32>,
          %get3A_2397 = vector.shape_cast %get3A_2396 : vector<1x16xf32> to vector<16xf32>
          %mul3A_2398 = vector.broadcast %squeeze3A_2337 : f32 to vector<16xf32>
          %mul3A_2399 = arith.mulf %mul3A_2398, %get3A_2397 : vector<16xf32>
          %add3A_2400 = arith.addf %add3A_2326, %mul3A_2399 : vector<16xf32>
          %add3A_2401 = arith.constant 30 : i32
          %add3A_2402 = arith.addi %mul3A_74, %add3A_2401 : i32
          %get3A_2403 = arith.index_cast %add3A_2402 : i32 to index
          %get3A_2404 = arith.constant 112 : index
          %get3A_2405 = tpu.vector_load %arg8[%get3A_2403, %get3A_2404] {strides = array<i32>} : memref<128x128xf32, #tpu.memory_space<vmem>>, vector<1x16xf32>,
          %get3A_2406 = vector.shape_cast %get3A_2405 : vector<1x16xf32> to vector<16xf32>
          %mul3A_2407 = vector.broadcast %squeeze3A_2337 : f32 to vector<16xf32>
          %mul3A_2408 = arith.mulf %mul3A_2407, %get3A_2406 : vector<16xf32>
          %add3A_2409 = arith.addf %add3A_2335, %mul3A_2408 : vector<16xf32>
          %slice3A_2410 = vector.extract_strided_slice %get3A_85 {offsets = [15], sizes = [1], strides = [1]} : vector<16xf32> to vector<1xf32>
          %squeeze3A_2411 = vector.extract %slice3A_2410[0] : f32 from vector<1xf32>
          %add3A_2412 = arith.constant 31 : i32
          %add3A_2413 = arith.addi %mul3A_74, %add3A_2412 : i32
          %get3A_2414 = arith.index_cast %add3A_2413 : i32 to index
          %get3A_2415 = arith.constant 0 : index
          %get3A_2416 = tpu.vector_load %arg8[%get3A_2414, %get3A_2415] {strides = array<i32>} : memref<128x128xf32, #tpu.memory_space<vmem>>, vector<1x16xf32>,
          %get3A_2417 = vector.shape_cast %get3A_2416 : vector<1x16xf32> to vector<16xf32>
          %mul3A_2418 = vector.broadcast %squeeze3A_2411 : f32 to vector<16xf32>
          %mul3A_2419 = arith.mulf %mul3A_2418, %get3A_2417 : vector<16xf32>
          %add3A_2420 = arith.addf %add3A_2346, %mul3A_2419 : vector<16xf32>
          %add3A_2421 = arith.constant 31 : i32
          %add3A_2422 = arith.addi %mul3A_74, %add3A_2421 : i32
          %get3A_2423 = arith.index_cast %add3A_2422 : i32 to index
          %get3A_2424 = arith.constant 16 : index
          %get3A_2425 = tpu.vector_load %arg8[%get3A_2423, %get3A_2424] {strides = array<i32>} : memref<128x128xf32, #tpu.memory_space<vmem>>, vector<1x16xf32>,
          %get3A_2426 = vector.shape_cast %get3A_2425 : vector<1x16xf32> to vector<16xf32>
          %mul3A_2427 = vector.broadcast %squeeze3A_2411 : f32 to vector<16xf32>
          %mul3A_2428 = arith.mulf %mul3A_2427, %get3A_2426 : vector<16xf32>
          %add3A_2429 = arith.addf %add3A_2355, %mul3A_2428 : vector<16xf32>
          %add3A_2430 = arith.constant 31 : i32
          %add3A_2431 = arith.addi %mul3A_74, %add3A_2430 : i32
          %get3A_2432 = arith.index_cast %add3A_2431 : i32 to index
          %get3A_2433 = arith.constant 32 : index
          %get3A_2434 = tpu.vector_load %arg8[%get3A_2432, %get3A_2433] {strides = array<i32>} : memref<128x128xf32, #tpu.memory_space<vmem>>, vector<1x16xf32>,
          %get3A_2435 = vector.shape_cast %get3A_2434 : vector<1x16xf32> to vector<16xf32>
          %mul3A_2436 = vector.broadcast %squeeze3A_2411 : f32 to vector<16xf32>
          %mul3A_2437 = arith.mulf %mul3A_2436, %get3A_2435 : vector<16xf32>
          %add3A_2438 = arith.addf %add3A_2364, %mul3A_2437 : vector<16xf32>
          %add3A_2439 = arith.constant 31 : i32
          %add3A_2440 = arith.addi %mul3A_74, %add3A_2439 : i32
          %get3A_2441 = arith.index_cast %add3A_2440 : i32 to index
          %get3A_2442 = arith.constant 48 : index
          %get3A_2443 = tpu.vector_load %arg8[%get3A_2441, %get3A_2442] {strides = array<i32>} : memref<128x128xf32, #tpu.memory_space<vmem>>, vector<1x16xf32>,
          %get3A_2444 = vector.shape_cast %get3A_2443 : vector<1x16xf32> to vector<16xf32>
          %mul3A_2445 = vector.broadcast %squeeze3A_2411 : f32 to vector<16xf32>
          %mul3A_2446 = arith.mulf %mul3A_2445, %get3A_2444 : vector<16xf32>
          %add3A_2447 = arith.addf %add3A_2373, %mul3A_2446 : vector<16xf32>
          %add3A_2448 = arith.constant 31 : i32
          %add3A_2449 = arith.addi %mul3A_74, %add3A_2448 : i32
          %get3A_2450 = arith.index_cast %add3A_2449 : i32 to index
          %get3A_2451 = arith.constant 64 : index
          %get3A_2452 = tpu.vector_load %arg8[%get3A_2450, %get3A_2451] {strides = array<i32>} : memref<128x128xf32, #tpu.memory_space<vmem>>, vector<1x16xf32>,
          %get3A_2453 = vector.shape_cast %get3A_2452 : vector<1x16xf32> to vector<16xf32>
          %mul3A_2454 = vector.broadcast %squeeze3A_2411 : f32 to vector<16xf32>
          %mul3A_2455 = arith.mulf %mul3A_2454, %get3A_2453 : vector<16xf32>
          %add3A_2456 = arith.addf %add3A_2382, %mul3A_2455 : vector<16xf32>
          %add3A_2457 = arith.constant 31 : i32
          %add3A_2458 = arith.addi %mul3A_74, %add3A_2457 : i32
          %get3A_2459 = arith.index_cast %add3A_2458 : i32 to index
          %get3A_2460 = arith.constant 80 : index
          %get3A_2461 = tpu.vector_load %arg8[%get3A_2459, %get3A_2460] {strides = array<i32>} : memref<128x128xf32, #tpu.memory_space<vmem>>, vector<1x16xf32>,
          %get3A_2462 = vector.shape_cast %get3A_2461 : vector<1x16xf32> to vector<16xf32>
          %mul3A_2463 = vector.broadcast %squeeze3A_2411 : f32 to vector<16xf32>
          %mul3A_2464 = arith.mulf %mul3A_2463, %get3A_2462 : vector<16xf32>
          %add3A_2465 = arith.addf %add3A_2391, %mul3A_2464 : vector<16xf32>
          %add3A_2466 = arith.constant 31 : i32
          %add3A_2467 = arith.addi %mul3A_74, %add3A_2466 : i32
          %get3A_2468 = arith.index_cast %add3A_2467 : i32 to index
          %get3A_2469 = arith.constant 96 : index
          %get3A_2470 = tpu.vector_load %arg8[%get3A_2468, %get3A_2469] {strides = array<i32>} : memref<128x128xf32, #tpu.memory_space<vmem>>, vector<1x16xf32>,
          %get3A_2471 = vector.shape_cast %get3A_2470 : vector<1x16xf32> to vector<16xf32>
          %mul3A_2472 = vector.broadcast %squeeze3A_2411 : f32 to vector<16xf32>
          %mul3A_2473 = arith.mulf %mul3A_2472, %get3A_2471 : vector<16xf32>
          %add3A_2474 = arith.addf %add3A_2400, %mul3A_2473 : vector<16xf32>
          %add3A_2475 = arith.constant 31 : i32
          %add3A_2476 = arith.addi %mul3A_74, %add3A_2475 : i32
          %get3A_2477 = arith.index_cast %add3A_2476 : i32 to index
          %get3A_2478 = arith.constant 112 : index
          %get3A_2479 = tpu.vector_load %arg8[%get3A_2477, %get3A_2478] {strides = array<i32>} : memref<128x128xf32, #tpu.memory_space<vmem>>, vector<1x16xf32>,
          %get3A_2480 = vector.shape_cast %get3A_2479 : vector<1x16xf32> to vector<16xf32>
          %mul3A_2481 = vector.broadcast %squeeze3A_2411 : f32 to vector<16xf32>
          %mul3A_2482 = arith.mulf %mul3A_2481, %get3A_2480 : vector<16xf32>
          %add3A_2483 = arith.addf %add3A_2409, %mul3A_2482 : vector<16xf32>
          %swap3A = arith.index_cast %add3A_72 : i32 to index
          %swap3A_2484 = arith.constant 0 : index
          %swap3A_2485 = tpu.vector_load %arg10[%swap3A, %swap3A_2484] {strides = array<i32>} : memref<256x128xf32, #tpu.memory_space<vmem>>, vector<1x16xf32>,
          %swap3A_2486 = vector.shape_cast %swap3A_2485 : vector<1x16xf32> to vector<16xf32>
          %swap3A_2487 = vector.shape_cast %add3A_2420 : vector<16xf32> to vector<1x16xf32>
          tpu.vector_store %arg10[%swap3A, %swap3A_2484], %swap3A_2487 {strides = array<i32>} : memref<256x128xf32, #tpu.memory_space<vmem>>, vector<1x16xf32>,
          %swap3A_2488 = arith.index_cast %add3A_72 : i32 to index
          %swap3A_2489 = arith.constant 16 : index
          %swap3A_2490 = tpu.vector_load %arg10[%swap3A_2488, %swap3A_2489] {strides = array<i32>} : memref<256x128xf32, #tpu.memory_space<vmem>>, vector<1x16xf32>,
          %swap3A_2491 = vector.shape_cast %swap3A_2490 : vector<1x16xf32> to vector<16xf32>
          %swap3A_2492 = vector.shape_cast %add3A_2429 : vector<16xf32> to vector<1x16xf32>
          tpu.vector_store %arg10[%swap3A_2488, %swap3A_2489], %swap3A_2492 {strides = array<i32>} : memref<256x128xf32, #tpu.memory_space<vmem>>, vector<1x16xf32>,
          %swap3A_2493 = arith.index_cast %add3A_72 : i32 to index
          %swap3A_2494 = arith.constant 32 : index
          %swap3A_2495 = tpu.vector_load %arg10[%swap3A_2493, %swap3A_2494] {strides = array<i32>} : memref<256x128xf32, #tpu.memory_space<vmem>>, vector<1x16xf32>,
          %swap3A_2496 = vector.shape_cast %swap3A_2495 : vector<1x16xf32> to vector<16xf32>
          %swap3A_2497 = vector.shape_cast %add3A_2438 : vector<16xf32> to vector<1x16xf32>
          tpu.vector_store %arg10[%swap3A_2493, %swap3A_2494], %swap3A_2497 {strides = array<i32>} : memref<256x128xf32, #tpu.memory_space<vmem>>, vector<1x16xf32>,
          %swap3A_2498 = arith.index_cast %add3A_72 : i32 to index
          %swap3A_2499 = arith.constant 48 : index
          %swap3A_2500 = tpu.vector_load %arg10[%swap3A_2498, %swap3A_2499] {strides = array<i32>} : memref<256x128xf32, #tpu.memory_space<vmem>>, vector<1x16xf32>,
          %swap3A_2501 = vector.shape_cast %swap3A_2500 : vector<1x16xf32> to vector<16xf32>
          %swap3A_2502 = vector.shape_cast %add3A_2447 : vector<16xf32> to vector<1x16xf32>
          tpu.vector_store %arg10[%swap3A_2498, %swap3A_2499], %swap3A_2502 {strides = array<i32>} : memref<256x128xf32, #tpu.memory_space<vmem>>, vector<1x16xf32>,
          %swap3A_2503 = arith.index_cast %add3A_72 : i32 to index
          %swap3A_2504 = arith.constant 64 : index
          %swap3A_2505 = tpu.vector_load %arg10[%swap3A_2503, %swap3A_2504] {strides = array<i32>} : memref<256x128xf32, #tpu.memory_space<vmem>>, vector<1x16xf32>,
          %swap3A_2506 = vector.shape_cast %swap3A_2505 : vector<1x16xf32> to vector<16xf32>
          %swap3A_2507 = vector.shape_cast %add3A_2456 : vector<16xf32> to vector<1x16xf32>
          tpu.vector_store %arg10[%swap3A_2503, %swap3A_2504], %swap3A_2507 {strides = array<i32>} : memref<256x128xf32, #tpu.memory_space<vmem>>, vector<1x16xf32>,
          %swap3A_2508 = arith.index_cast %add3A_72 : i32 to index
          %swap3A_2509 = arith.constant 80 : index
          %swap3A_2510 = tpu.vector_load %arg10[%swap3A_2508, %swap3A_2509] {strides = array<i32>} : memref<256x128xf32, #tpu.memory_space<vmem>>, vector<1x16xf32>,
          %swap3A_2511 = vector.shape_cast %swap3A_2510 : vector<1x16xf32> to vector<16xf32>
          %swap3A_2512 = vector.shape_cast %add3A_2465 : vector<16xf32> to vector<1x16xf32>
          tpu.vector_store %arg10[%swap3A_2508, %swap3A_2509], %swap3A_2512 {strides = array<i32>} : memref<256x128xf32, #tpu.memory_space<vmem>>, vector<1x16xf32>,
          %swap3A_2513 = arith.index_cast %add3A_72 : i32 to index
          %swap3A_2514 = arith.constant 96 : index
          %swap3A_2515 = tpu.vector_load %arg10[%swap3A_2513, %swap3A_2514] {strides = array<i32>} : memref<256x128xf32, #tpu.memory_space<vmem>>, vector<1x16xf32>,
          %swap3A_2516 = vector.shape_cast %swap3A_2515 : vector<1x16xf32> to vector<16xf32>
          %swap3A_2517 = vector.shape_cast %add3A_2474 : vector<16xf32> to vector<1x16xf32>
          tpu.vector_store %arg10[%swap3A_2513, %swap3A_2514], %swap3A_2517 {strides = array<i32>} : memref<256x128xf32, #tpu.memory_space<vmem>>, vector<1x16xf32>,
          %swap3A_2518 = arith.index_cast %add3A_72 : i32 to index
          %swap3A_2519 = arith.constant 112 : index
          %swap3A_2520 = tpu.vector_load %arg10[%swap3A_2518, %swap3A_2519] {strides = array<i32>} : memref<256x128xf32, #tpu.memory_space<vmem>>, vector<1x16xf32>,
          %swap3A_2521 = vector.shape_cast %swap3A_2520 : vector<1x16xf32> to vector<16xf32>
          %swap3A_2522 = vector.shape_cast %add3A_2483 : vector<16xf32> to vector<1x16xf32>
          tpu.vector_store %arg10[%swap3A_2518, %swap3A_2519], %swap3A_2522 {strides = array<i32>} : memref<256x128xf32, #tpu.memory_space<vmem>>, vector<1x16xf32>,
        }
        %scan3A_49 = arith.constant 4 : i32
        %add3A_50 = arith.constant 2 : i32
        %add3A_51 = arith.addi %mul3A_29, %add3A_50 : i32
        %lt3A = arith.constant 64 : i32
        %lt3A_52 = arith.cmpi slt, %add3A_51, %lt3A : i32
        %convert_element_type3A = arith.extui %lt3A_52 : i1 to i32
        %cond3A = arith.constant 0 : i32
        %cond3A_53 = arith.cmpi ne, %convert_element_type3A, %cond3A : i32
        scf.if %cond3A_53 {
          %add3A_69 = arith.constant 2 : i32
          %add3A_70 = arith.addi %mul3A_29, %add3A_69 : i32
          %dma_start3A_71 = arith.constant 0 : i32
          %dma_start3A_72 = tpu.memref_slice %arg6[%add3A_70, %dma_start3A_71] : memref<64x128xi32, #tpu.memory_space<vmem>> -> memref<1x128xi32, #tpu.memory_space<vmem>>
          %dma_start3A_73 = tpu.memref_squeeze %dma_start3A_72 : memref<1x128xi32, #tpu.memory_space<vmem>> -> memref<128xi32, #tpu.memory_space<vmem>>
          %dma_start3A_74 = arith.constant 0 : i32
          %dma_start3A_75 = arith.constant 0 : i32
          %dma_start3A_76 = tpu.memref_slice %arg4[%dma_start3A_74, %dma_start3A_75] : memref<100001x128xf32, #tpu.memory_space<hbm>> -> memref<100001x128xf32, #tpu.memory_space<hbm>>
          tpu.enqueue_indirect_dma source(%dma_start3A_76 : memref<100001x128xf32, #tpu.memory_space<hbm>>) target(%arg8 : memref<128x128xf32, #tpu.memory_space<vmem>>) offsets(%dma_start3A_73 : memref<128xi32, #tpu.memory_space<vmem>>) semaphore(%arg11 : memref<!tpu.dma_semaphore, #tpu.memory_space<semaphore_mem>>)
        } else {
        }
        %dma_wait3A_54 = arith.constant 0 : i32
        %dma_wait3A_55 = arith.constant 0 : i32
        %dma_wait3A_56 = tpu.memref_slice %arg6[%dma_wait3A_54, %dma_wait3A_55] : memref<64x128xi32, #tpu.memory_space<vmem>> -> memref<1x128xi32, #tpu.memory_space<vmem>>
        %dma_wait3A_57 = tpu.memref_squeeze %dma_wait3A_56 : memref<1x128xi32, #tpu.memory_space<vmem>> -> memref<128xi32, #tpu.memory_space<vmem>>
        %dma_wait3A_58 = arith.constant 0 : i32
        %dma_wait3A_59 = arith.constant 0 : i32
        %dma_wait3A_60 = tpu.memref_slice %arg4[%dma_wait3A_58, %dma_wait3A_59] : memref<100001x128xf32, #tpu.memory_space<hbm>> -> memref<100001x128xf32, #tpu.memory_space<hbm>>
        tpu.wait_indirect_dma semaphore(%arg12 : memref<!tpu.dma_semaphore, #tpu.memory_space<semaphore_mem>>) src(%dma_wait3A_60 : memref<100001x128xf32, #tpu.memory_space<hbm>>) dst(%arg9 : memref<128x128xf32, #tpu.memory_space<vmem>>)
        %add3A_61 = arith.constant 1 : i32
        %add3A_62 = arith.addi %mul3A_29, %add3A_61 : i32
        %scan3A_63 = arith.constant 0 : i32
        %scan3A_64 = arith.constant 0 : i32
        %scan3A_65 = arith.constant 4 : i32
        %scan3A_66 = arith.addi %scan3A_64, %scan3A_65 : i32
        %scan3A_67 = arith.constant 1 : i32
        scf.for %scan3A_69 = %scan3A_64 to %scan3A_66 step %scan3A_67  : i32 {
          %mul3A_70 = arith.constant 4 : i32
          %mul3A_71 = arith.muli %add3A_62, %mul3A_70 : i32
          %add3A_72 = arith.addi %mul3A_71, %scan3A_69 : i32
          %mul3A_73 = arith.constant 32 : i32
          %mul3A_74 = arith.muli %scan3A_69, %mul3A_73 : i32
          %mul3A_75 = arith.constant 32 : i32
          %mul3A_76 = arith.muli %add3A_72, %mul3A_75 : i32
          %get3A = arith.index_cast %mul3A_76 : i32 to index
          %get3A_77 = tpu.vector_load %arg7[%get3A] {strides = array<i32>} : memref<8192xf32, #tpu.memory_space<vmem>>, vector<16xf32>,
          %get3A_78 = vector.shape_cast %get3A_77 : vector<16xf32> to vector<16xf32>
          %mul3A_79 = arith.constant 32 : i32
          %mul3A_80 = arith.muli %add3A_72, %mul3A_79 : i32
          %add3A_81 = arith.constant 16 : i32
          %add3A_82 = arith.addi %mul3A_80, %add3A_81 : i32
          %get3A_83 = arith.index_cast %add3A_82 : i32 to index
          %get3A_84 = tpu.vector_load %arg7[%get3A_83] {strides = array<i32>} : memref<8192xf32, #tpu.memory_space<vmem>>, vector<16xf32>,
          %get3A_85 = vector.shape_cast %get3A_84 : vector<16xf32> to vector<16xf32>
          %get3A_86 = arith.index_cast %add3A_72 : i32 to index
          %get3A_87 = arith.constant 0 : index
          %get3A_88 = tpu.vector_load %arg10[%get3A_86, %get3A_87] {strides = array<i32>} : memref<256x128xf32, #tpu.memory_space<vmem>>, vector<1x16xf32>,
          %get3A_89 = vector.shape_cast %get3A_88 : vector<1x16xf32> to vector<16xf32>
          %get3A_90 = arith.index_cast %add3A_72 : i32 to index
          %get3A_91 = arith.constant 16 : index
          %get3A_92 = tpu.vector_load %arg10[%get3A_90, %get3A_91] {strides = array<i32>} : memref<256x128xf32, #tpu.memory_space<vmem>>, vector<1x16xf32>,
          %get3A_93 = vector.shape_cast %get3A_92 : vector<1x16xf32> to vector<16xf32>
          %get3A_94 = arith.index_cast %add3A_72 : i32 to index
          %get3A_95 = arith.constant 32 : index
          %get3A_96 = tpu.vector_load %arg10[%get3A_94, %get3A_95] {strides = array<i32>} : memref<256x128xf32, #tpu.memory_space<vmem>>, vector<1x16xf32>,
          %get3A_97 = vector.shape_cast %get3A_96 : vector<1x16xf32> to vector<16xf32>
          %get3A_98 = arith.index_cast %add3A_72 : i32 to index
          %get3A_99 = arith.constant 48 : index
          %get3A_100 = tpu.vector_load %arg10[%get3A_98, %get3A_99] {strides = array<i32>} : memref<256x128xf32, #tpu.memory_space<vmem>>, vector<1x16xf32>,
          %get3A_101 = vector.shape_cast %get3A_100 : vector<1x16xf32> to vector<16xf32>
          %get3A_102 = arith.index_cast %add3A_72 : i32 to index
          %get3A_103 = arith.constant 64 : index
          %get3A_104 = tpu.vector_load %arg10[%get3A_102, %get3A_103] {strides = array<i32>} : memref<256x128xf32, #tpu.memory_space<vmem>>, vector<1x16xf32>,
          %get3A_105 = vector.shape_cast %get3A_104 : vector<1x16xf32> to vector<16xf32>
          %get3A_106 = arith.index_cast %add3A_72 : i32 to index
          %get3A_107 = arith.constant 80 : index
          %get3A_108 = tpu.vector_load %arg10[%get3A_106, %get3A_107] {strides = array<i32>} : memref<256x128xf32, #tpu.memory_space<vmem>>, vector<1x16xf32>,
          %get3A_109 = vector.shape_cast %get3A_108 : vector<1x16xf32> to vector<16xf32>
          %get3A_110 = arith.index_cast %add3A_72 : i32 to index
          %get3A_111 = arith.constant 96 : index
          %get3A_112 = tpu.vector_load %arg10[%get3A_110, %get3A_111] {strides = array<i32>} : memref<256x128xf32, #tpu.memory_space<vmem>>, vector<1x16xf32>,
          %get3A_113 = vector.shape_cast %get3A_112 : vector<1x16xf32> to vector<16xf32>
          %get3A_114 = arith.index_cast %add3A_72 : i32 to index
          %get3A_115 = arith.constant 112 : index
          %get3A_116 = tpu.vector_load %arg10[%get3A_114, %get3A_115] {strides = array<i32>} : memref<256x128xf32, #tpu.memory_space<vmem>>, vector<1x16xf32>,
          %get3A_117 = vector.shape_cast %get3A_116 : vector<1x16xf32> to vector<16xf32>
          %slice3A = vector.extract_strided_slice %get3A_78 {offsets = [0], sizes = [1], strides = [1]} : vector<16xf32> to vector<1xf32>
          %squeeze3A = vector.extract %slice3A[0] : f32 from vector<1xf32>
          %add3A_118 = arith.constant 0 : i32
          %add3A_119 = arith.addi %mul3A_74, %add3A_118 : i32
          %get3A_120 = arith.index_cast %add3A_119 : i32 to index
          %get3A_121 = arith.constant 0 : index
          %get3A_122 = tpu.vector_load %arg9[%get3A_120, %get3A_121] {strides = array<i32>} : memref<128x128xf32, #tpu.memory_space<vmem>>, vector<1x16xf32>,
          %get3A_123 = vector.shape_cast %get3A_122 : vector<1x16xf32> to vector<16xf32>
          %mul3A_124 = vector.broadcast %squeeze3A : f32 to vector<16xf32>
          %mul3A_125 = arith.mulf %mul3A_124, %get3A_123 : vector<16xf32>
          %add3A_126 = arith.addf %get3A_89, %mul3A_125 : vector<16xf32>
          %add3A_127 = arith.constant 0 : i32
          %add3A_128 = arith.addi %mul3A_74, %add3A_127 : i32
          %get3A_129 = arith.index_cast %add3A_128 : i32 to index
          %get3A_130 = arith.constant 16 : index
          %get3A_131 = tpu.vector_load %arg9[%get3A_129, %get3A_130] {strides = array<i32>} : memref<128x128xf32, #tpu.memory_space<vmem>>, vector<1x16xf32>,
          %get3A_132 = vector.shape_cast %get3A_131 : vector<1x16xf32> to vector<16xf32>
          %mul3A_133 = vector.broadcast %squeeze3A : f32 to vector<16xf32>
          %mul3A_134 = arith.mulf %mul3A_133, %get3A_132 : vector<16xf32>
          %add3A_135 = arith.addf %get3A_93, %mul3A_134 : vector<16xf32>
          %add3A_136 = arith.constant 0 : i32
          %add3A_137 = arith.addi %mul3A_74, %add3A_136 : i32
          %get3A_138 = arith.index_cast %add3A_137 : i32 to index
          %get3A_139 = arith.constant 32 : index
          %get3A_140 = tpu.vector_load %arg9[%get3A_138, %get3A_139] {strides = array<i32>} : memref<128x128xf32, #tpu.memory_space<vmem>>, vector<1x16xf32>,
          %get3A_141 = vector.shape_cast %get3A_140 : vector<1x16xf32> to vector<16xf32>
          %mul3A_142 = vector.broadcast %squeeze3A : f32 to vector<16xf32>
          %mul3A_143 = arith.mulf %mul3A_142, %get3A_141 : vector<16xf32>
          %add3A_144 = arith.addf %get3A_97, %mul3A_143 : vector<16xf32>
          %add3A_145 = arith.constant 0 : i32
          %add3A_146 = arith.addi %mul3A_74, %add3A_145 : i32
          %get3A_147 = arith.index_cast %add3A_146 : i32 to index
          %get3A_148 = arith.constant 48 : index
          %get3A_149 = tpu.vector_load %arg9[%get3A_147, %get3A_148] {strides = array<i32>} : memref<128x128xf32, #tpu.memory_space<vmem>>, vector<1x16xf32>,
          %get3A_150 = vector.shape_cast %get3A_149 : vector<1x16xf32> to vector<16xf32>
          %mul3A_151 = vector.broadcast %squeeze3A : f32 to vector<16xf32>
          %mul3A_152 = arith.mulf %mul3A_151, %get3A_150 : vector<16xf32>
          %add3A_153 = arith.addf %get3A_101, %mul3A_152 : vector<16xf32>
          %add3A_154 = arith.constant 0 : i32
          %add3A_155 = arith.addi %mul3A_74, %add3A_154 : i32
          %get3A_156 = arith.index_cast %add3A_155 : i32 to index
          %get3A_157 = arith.constant 64 : index
          %get3A_158 = tpu.vector_load %arg9[%get3A_156, %get3A_157] {strides = array<i32>} : memref<128x128xf32, #tpu.memory_space<vmem>>, vector<1x16xf32>,
          %get3A_159 = vector.shape_cast %get3A_158 : vector<1x16xf32> to vector<16xf32>
          %mul3A_160 = vector.broadcast %squeeze3A : f32 to vector<16xf32>
          %mul3A_161 = arith.mulf %mul3A_160, %get3A_159 : vector<16xf32>
          %add3A_162 = arith.addf %get3A_105, %mul3A_161 : vector<16xf32>
          %add3A_163 = arith.constant 0 : i32
          %add3A_164 = arith.addi %mul3A_74, %add3A_163 : i32
          %get3A_165 = arith.index_cast %add3A_164 : i32 to index
          %get3A_166 = arith.constant 80 : index
          %get3A_167 = tpu.vector_load %arg9[%get3A_165, %get3A_166] {strides = array<i32>} : memref<128x128xf32, #tpu.memory_space<vmem>>, vector<1x16xf32>,
          %get3A_168 = vector.shape_cast %get3A_167 : vector<1x16xf32> to vector<16xf32>
          %mul3A_169 = vector.broadcast %squeeze3A : f32 to vector<16xf32>
          %mul3A_170 = arith.mulf %mul3A_169, %get3A_168 : vector<16xf32>
          %add3A_171 = arith.addf %get3A_109, %mul3A_170 : vector<16xf32>
          %add3A_172 = arith.constant 0 : i32
          %add3A_173 = arith.addi %mul3A_74, %add3A_172 : i32
          %get3A_174 = arith.index_cast %add3A_173 : i32 to index
          %get3A_175 = arith.constant 96 : index
          %get3A_176 = tpu.vector_load %arg9[%get3A_174, %get3A_175] {strides = array<i32>} : memref<128x128xf32, #tpu.memory_space<vmem>>, vector<1x16xf32>,
          %get3A_177 = vector.shape_cast %get3A_176 : vector<1x16xf32> to vector<16xf32>
          %mul3A_178 = vector.broadcast %squeeze3A : f32 to vector<16xf32>
          %mul3A_179 = arith.mulf %mul3A_178, %get3A_177 : vector<16xf32>
          %add3A_180 = arith.addf %get3A_113, %mul3A_179 : vector<16xf32>
          %add3A_181 = arith.constant 0 : i32
          %add3A_182 = arith.addi %mul3A_74, %add3A_181 : i32
          %get3A_183 = arith.index_cast %add3A_182 : i32 to index
          %get3A_184 = arith.constant 112 : index
          %get3A_185 = tpu.vector_load %arg9[%get3A_183, %get3A_184] {strides = array<i32>} : memref<128x128xf32, #tpu.memory_space<vmem>>, vector<1x16xf32>,
          %get3A_186 = vector.shape_cast %get3A_185 : vector<1x16xf32> to vector<16xf32>
          %mul3A_187 = vector.broadcast %squeeze3A : f32 to vector<16xf32>
          %mul3A_188 = arith.mulf %mul3A_187, %get3A_186 : vector<16xf32>
          %add3A_189 = arith.addf %get3A_117, %mul3A_188 : vector<16xf32>
          %slice3A_190 = vector.extract_strided_slice %get3A_78 {offsets = [1], sizes = [1], strides = [1]} : vector<16xf32> to vector<1xf32>
          %squeeze3A_191 = vector.extract %slice3A_190[0] : f32 from vector<1xf32>
          %add3A_192 = arith.constant 1 : i32
          %add3A_193 = arith.addi %mul3A_74, %add3A_192 : i32
          %get3A_194 = arith.index_cast %add3A_193 : i32 to index
          %get3A_195 = arith.constant 0 : index
          %get3A_196 = tpu.vector_load %arg9[%get3A_194, %get3A_195] {strides = array<i32>} : memref<128x128xf32, #tpu.memory_space<vmem>>, vector<1x16xf32>,
          %get3A_197 = vector.shape_cast %get3A_196 : vector<1x16xf32> to vector<16xf32>
          %mul3A_198 = vector.broadcast %squeeze3A_191 : f32 to vector<16xf32>
          %mul3A_199 = arith.mulf %mul3A_198, %get3A_197 : vector<16xf32>
          %add3A_200 = arith.addf %add3A_126, %mul3A_199 : vector<16xf32>
          %add3A_201 = arith.constant 1 : i32
          %add3A_202 = arith.addi %mul3A_74, %add3A_201 : i32
          %get3A_203 = arith.index_cast %add3A_202 : i32 to index
          %get3A_204 = arith.constant 16 : index
          %get3A_205 = tpu.vector_load %arg9[%get3A_203, %get3A_204] {strides = array<i32>} : memref<128x128xf32, #tpu.memory_space<vmem>>, vector<1x16xf32>,
          %get3A_206 = vector.shape_cast %get3A_205 : vector<1x16xf32> to vector<16xf32>
          %mul3A_207 = vector.broadcast %squeeze3A_191 : f32 to vector<16xf32>
          %mul3A_208 = arith.mulf %mul3A_207, %get3A_206 : vector<16xf32>
          %add3A_209 = arith.addf %add3A_135, %mul3A_208 : vector<16xf32>
          %add3A_210 = arith.constant 1 : i32
          %add3A_211 = arith.addi %mul3A_74, %add3A_210 : i32
          %get3A_212 = arith.index_cast %add3A_211 : i32 to index
          %get3A_213 = arith.constant 32 : index
          %get3A_214 = tpu.vector_load %arg9[%get3A_212, %get3A_213] {strides = array<i32>} : memref<128x128xf32, #tpu.memory_space<vmem>>, vector<1x16xf32>,
          %get3A_215 = vector.shape_cast %get3A_214 : vector<1x16xf32> to vector<16xf32>
          %mul3A_216 = vector.broadcast %squeeze3A_191 : f32 to vector<16xf32>
          %mul3A_217 = arith.mulf %mul3A_216, %get3A_215 : vector<16xf32>
          %add3A_218 = arith.addf %add3A_144, %mul3A_217 : vector<16xf32>
          %add3A_219 = arith.constant 1 : i32
          %add3A_220 = arith.addi %mul3A_74, %add3A_219 : i32
          %get3A_221 = arith.index_cast %add3A_220 : i32 to index
          %get3A_222 = arith.constant 48 : index
          %get3A_223 = tpu.vector_load %arg9[%get3A_221, %get3A_222] {strides = array<i32>} : memref<128x128xf32, #tpu.memory_space<vmem>>, vector<1x16xf32>,
          %get3A_224 = vector.shape_cast %get3A_223 : vector<1x16xf32> to vector<16xf32>
          %mul3A_225 = vector.broadcast %squeeze3A_191 : f32 to vector<16xf32>
          %mul3A_226 = arith.mulf %mul3A_225, %get3A_224 : vector<16xf32>
          %add3A_227 = arith.addf %add3A_153, %mul3A_226 : vector<16xf32>
          %add3A_228 = arith.constant 1 : i32
          %add3A_229 = arith.addi %mul3A_74, %add3A_228 : i32
          %get3A_230 = arith.index_cast %add3A_229 : i32 to index
          %get3A_231 = arith.constant 64 : index
          %get3A_232 = tpu.vector_load %arg9[%get3A_230, %get3A_231] {strides = array<i32>} : memref<128x128xf32, #tpu.memory_space<vmem>>, vector<1x16xf32>,
          %get3A_233 = vector.shape_cast %get3A_232 : vector<1x16xf32> to vector<16xf32>
          %mul3A_234 = vector.broadcast %squeeze3A_191 : f32 to vector<16xf32>
          %mul3A_235 = arith.mulf %mul3A_234, %get3A_233 : vector<16xf32>
          %add3A_236 = arith.addf %add3A_162, %mul3A_235 : vector<16xf32>
          %add3A_237 = arith.constant 1 : i32
          %add3A_238 = arith.addi %mul3A_74, %add3A_237 : i32
          %get3A_239 = arith.index_cast %add3A_238 : i32 to index
          %get3A_240 = arith.constant 80 : index
          %get3A_241 = tpu.vector_load %arg9[%get3A_239, %get3A_240] {strides = array<i32>} : memref<128x128xf32, #tpu.memory_space<vmem>>, vector<1x16xf32>,
          %get3A_242 = vector.shape_cast %get3A_241 : vector<1x16xf32> to vector<16xf32>
          %mul3A_243 = vector.broadcast %squeeze3A_191 : f32 to vector<16xf32>
          %mul3A_244 = arith.mulf %mul3A_243, %get3A_242 : vector<16xf32>
          %add3A_245 = arith.addf %add3A_171, %mul3A_244 : vector<16xf32>
          %add3A_246 = arith.constant 1 : i32
          %add3A_247 = arith.addi %mul3A_74, %add3A_246 : i32
          %get3A_248 = arith.index_cast %add3A_247 : i32 to index
          %get3A_249 = arith.constant 96 : index
          %get3A_250 = tpu.vector_load %arg9[%get3A_248, %get3A_249] {strides = array<i32>} : memref<128x128xf32, #tpu.memory_space<vmem>>, vector<1x16xf32>,
          %get3A_251 = vector.shape_cast %get3A_250 : vector<1x16xf32> to vector<16xf32>
          %mul3A_252 = vector.broadcast %squeeze3A_191 : f32 to vector<16xf32>
          %mul3A_253 = arith.mulf %mul3A_252, %get3A_251 : vector<16xf32>
          %add3A_254 = arith.addf %add3A_180, %mul3A_253 : vector<16xf32>
          %add3A_255 = arith.constant 1 : i32
          %add3A_256 = arith.addi %mul3A_74, %add3A_255 : i32
          %get3A_257 = arith.index_cast %add3A_256 : i32 to index
          %get3A_258 = arith.constant 112 : index
          %get3A_259 = tpu.vector_load %arg9[%get3A_257, %get3A_258] {strides = array<i32>} : memref<128x128xf32, #tpu.memory_space<vmem>>, vector<1x16xf32>,
          %get3A_260 = vector.shape_cast %get3A_259 : vector<1x16xf32> to vector<16xf32>
          %mul3A_261 = vector.broadcast %squeeze3A_191 : f32 to vector<16xf32>
          %mul3A_262 = arith.mulf %mul3A_261, %get3A_260 : vector<16xf32>
          %add3A_263 = arith.addf %add3A_189, %mul3A_262 : vector<16xf32>
          %slice3A_264 = vector.extract_strided_slice %get3A_78 {offsets = [2], sizes = [1], strides = [1]} : vector<16xf32> to vector<1xf32>
          %squeeze3A_265 = vector.extract %slice3A_264[0] : f32 from vector<1xf32>
          %add3A_266 = arith.constant 2 : i32
          %add3A_267 = arith.addi %mul3A_74, %add3A_266 : i32
          %get3A_268 = arith.index_cast %add3A_267 : i32 to index
          %get3A_269 = arith.constant 0 : index
          %get3A_270 = tpu.vector_load %arg9[%get3A_268, %get3A_269] {strides = array<i32>} : memref<128x128xf32, #tpu.memory_space<vmem>>, vector<1x16xf32>,
          %get3A_271 = vector.shape_cast %get3A_270 : vector<1x16xf32> to vector<16xf32>
          %mul3A_272 = vector.broadcast %squeeze3A_265 : f32 to vector<16xf32>
          %mul3A_273 = arith.mulf %mul3A_272, %get3A_271 : vector<16xf32>
          %add3A_274 = arith.addf %add3A_200, %mul3A_273 : vector<16xf32>
          %add3A_275 = arith.constant 2 : i32
          %add3A_276 = arith.addi %mul3A_74, %add3A_275 : i32
          %get3A_277 = arith.index_cast %add3A_276 : i32 to index
          %get3A_278 = arith.constant 16 : index
          %get3A_279 = tpu.vector_load %arg9[%get3A_277, %get3A_278] {strides = array<i32>} : memref<128x128xf32, #tpu.memory_space<vmem>>, vector<1x16xf32>,
          %get3A_280 = vector.shape_cast %get3A_279 : vector<1x16xf32> to vector<16xf32>
          %mul3A_281 = vector.broadcast %squeeze3A_265 : f32 to vector<16xf32>
          %mul3A_282 = arith.mulf %mul3A_281, %get3A_280 : vector<16xf32>
          %add3A_283 = arith.addf %add3A_209, %mul3A_282 : vector<16xf32>
          %add3A_284 = arith.constant 2 : i32
          %add3A_285 = arith.addi %mul3A_74, %add3A_284 : i32
          %get3A_286 = arith.index_cast %add3A_285 : i32 to index
          %get3A_287 = arith.constant 32 : index
          %get3A_288 = tpu.vector_load %arg9[%get3A_286, %get3A_287] {strides = array<i32>} : memref<128x128xf32, #tpu.memory_space<vmem>>, vector<1x16xf32>,
          %get3A_289 = vector.shape_cast %get3A_288 : vector<1x16xf32> to vector<16xf32>
          %mul3A_290 = vector.broadcast %squeeze3A_265 : f32 to vector<16xf32>
          %mul3A_291 = arith.mulf %mul3A_290, %get3A_289 : vector<16xf32>
          %add3A_292 = arith.addf %add3A_218, %mul3A_291 : vector<16xf32>
          %add3A_293 = arith.constant 2 : i32
          %add3A_294 = arith.addi %mul3A_74, %add3A_293 : i32
          %get3A_295 = arith.index_cast %add3A_294 : i32 to index
          %get3A_296 = arith.constant 48 : index
          %get3A_297 = tpu.vector_load %arg9[%get3A_295, %get3A_296] {strides = array<i32>} : memref<128x128xf32, #tpu.memory_space<vmem>>, vector<1x16xf32>,
          %get3A_298 = vector.shape_cast %get3A_297 : vector<1x16xf32> to vector<16xf32>
          %mul3A_299 = vector.broadcast %squeeze3A_265 : f32 to vector<16xf32>
          %mul3A_300 = arith.mulf %mul3A_299, %get3A_298 : vector<16xf32>
          %add3A_301 = arith.addf %add3A_227, %mul3A_300 : vector<16xf32>
          %add3A_302 = arith.constant 2 : i32
          %add3A_303 = arith.addi %mul3A_74, %add3A_302 : i32
          %get3A_304 = arith.index_cast %add3A_303 : i32 to index
          %get3A_305 = arith.constant 64 : index
          %get3A_306 = tpu.vector_load %arg9[%get3A_304, %get3A_305] {strides = array<i32>} : memref<128x128xf32, #tpu.memory_space<vmem>>, vector<1x16xf32>,
          %get3A_307 = vector.shape_cast %get3A_306 : vector<1x16xf32> to vector<16xf32>
          %mul3A_308 = vector.broadcast %squeeze3A_265 : f32 to vector<16xf32>
          %mul3A_309 = arith.mulf %mul3A_308, %get3A_307 : vector<16xf32>
          %add3A_310 = arith.addf %add3A_236, %mul3A_309 : vector<16xf32>
          %add3A_311 = arith.constant 2 : i32
          %add3A_312 = arith.addi %mul3A_74, %add3A_311 : i32
          %get3A_313 = arith.index_cast %add3A_312 : i32 to index
          %get3A_314 = arith.constant 80 : index
          %get3A_315 = tpu.vector_load %arg9[%get3A_313, %get3A_314] {strides = array<i32>} : memref<128x128xf32, #tpu.memory_space<vmem>>, vector<1x16xf32>,
          %get3A_316 = vector.shape_cast %get3A_315 : vector<1x16xf32> to vector<16xf32>
          %mul3A_317 = vector.broadcast %squeeze3A_265 : f32 to vector<16xf32>
          %mul3A_318 = arith.mulf %mul3A_317, %get3A_316 : vector<16xf32>
          %add3A_319 = arith.addf %add3A_245, %mul3A_318 : vector<16xf32>
          %add3A_320 = arith.constant 2 : i32
          %add3A_321 = arith.addi %mul3A_74, %add3A_320 : i32
          %get3A_322 = arith.index_cast %add3A_321 : i32 to index
          %get3A_323 = arith.constant 96 : index
          %get3A_324 = tpu.vector_load %arg9[%get3A_322, %get3A_323] {strides = array<i32>} : memref<128x128xf32, #tpu.memory_space<vmem>>, vector<1x16xf32>,
          %get3A_325 = vector.shape_cast %get3A_324 : vector<1x16xf32> to vector<16xf32>
          %mul3A_326 = vector.broadcast %squeeze3A_265 : f32 to vector<16xf32>
          %mul3A_327 = arith.mulf %mul3A_326, %get3A_325 : vector<16xf32>
          %add3A_328 = arith.addf %add3A_254, %mul3A_327 : vector<16xf32>
          %add3A_329 = arith.constant 2 : i32
          %add3A_330 = arith.addi %mul3A_74, %add3A_329 : i32
          %get3A_331 = arith.index_cast %add3A_330 : i32 to index
          %get3A_332 = arith.constant 112 : index
          %get3A_333 = tpu.vector_load %arg9[%get3A_331, %get3A_332] {strides = array<i32>} : memref<128x128xf32, #tpu.memory_space<vmem>>, vector<1x16xf32>,
          %get3A_334 = vector.shape_cast %get3A_333 : vector<1x16xf32> to vector<16xf32>
          %mul3A_335 = vector.broadcast %squeeze3A_265 : f32 to vector<16xf32>
          %mul3A_336 = arith.mulf %mul3A_335, %get3A_334 : vector<16xf32>
          %add3A_337 = arith.addf %add3A_263, %mul3A_336 : vector<16xf32>
          %slice3A_338 = vector.extract_strided_slice %get3A_78 {offsets = [3], sizes = [1], strides = [1]} : vector<16xf32> to vector<1xf32>
          %squeeze3A_339 = vector.extract %slice3A_338[0] : f32 from vector<1xf32>
          %add3A_340 = arith.constant 3 : i32
          %add3A_341 = arith.addi %mul3A_74, %add3A_340 : i32
          %get3A_342 = arith.index_cast %add3A_341 : i32 to index
          %get3A_343 = arith.constant 0 : index
          %get3A_344 = tpu.vector_load %arg9[%get3A_342, %get3A_343] {strides = array<i32>} : memref<128x128xf32, #tpu.memory_space<vmem>>, vector<1x16xf32>,
          %get3A_345 = vector.shape_cast %get3A_344 : vector<1x16xf32> to vector<16xf32>
          %mul3A_346 = vector.broadcast %squeeze3A_339 : f32 to vector<16xf32>
          %mul3A_347 = arith.mulf %mul3A_346, %get3A_345 : vector<16xf32>
          %add3A_348 = arith.addf %add3A_274, %mul3A_347 : vector<16xf32>
          %add3A_349 = arith.constant 3 : i32
          %add3A_350 = arith.addi %mul3A_74, %add3A_349 : i32
          %get3A_351 = arith.index_cast %add3A_350 : i32 to index
          %get3A_352 = arith.constant 16 : index
          %get3A_353 = tpu.vector_load %arg9[%get3A_351, %get3A_352] {strides = array<i32>} : memref<128x128xf32, #tpu.memory_space<vmem>>, vector<1x16xf32>,
          %get3A_354 = vector.shape_cast %get3A_353 : vector<1x16xf32> to vector<16xf32>
          %mul3A_355 = vector.broadcast %squeeze3A_339 : f32 to vector<16xf32>
          %mul3A_356 = arith.mulf %mul3A_355, %get3A_354 : vector<16xf32>
          %add3A_357 = arith.addf %add3A_283, %mul3A_356 : vector<16xf32>
          %add3A_358 = arith.constant 3 : i32
          %add3A_359 = arith.addi %mul3A_74, %add3A_358 : i32
          %get3A_360 = arith.index_cast %add3A_359 : i32 to index
          %get3A_361 = arith.constant 32 : index
          %get3A_362 = tpu.vector_load %arg9[%get3A_360, %get3A_361] {strides = array<i32>} : memref<128x128xf32, #tpu.memory_space<vmem>>, vector<1x16xf32>,
          %get3A_363 = vector.shape_cast %get3A_362 : vector<1x16xf32> to vector<16xf32>
          %mul3A_364 = vector.broadcast %squeeze3A_339 : f32 to vector<16xf32>
          %mul3A_365 = arith.mulf %mul3A_364, %get3A_363 : vector<16xf32>
          %add3A_366 = arith.addf %add3A_292, %mul3A_365 : vector<16xf32>
          %add3A_367 = arith.constant 3 : i32
          %add3A_368 = arith.addi %mul3A_74, %add3A_367 : i32
          %get3A_369 = arith.index_cast %add3A_368 : i32 to index
          %get3A_370 = arith.constant 48 : index
          %get3A_371 = tpu.vector_load %arg9[%get3A_369, %get3A_370] {strides = array<i32>} : memref<128x128xf32, #tpu.memory_space<vmem>>, vector<1x16xf32>,
          %get3A_372 = vector.shape_cast %get3A_371 : vector<1x16xf32> to vector<16xf32>
          %mul3A_373 = vector.broadcast %squeeze3A_339 : f32 to vector<16xf32>
          %mul3A_374 = arith.mulf %mul3A_373, %get3A_372 : vector<16xf32>
          %add3A_375 = arith.addf %add3A_301, %mul3A_374 : vector<16xf32>
          %add3A_376 = arith.constant 3 : i32
          %add3A_377 = arith.addi %mul3A_74, %add3A_376 : i32
          %get3A_378 = arith.index_cast %add3A_377 : i32 to index
          %get3A_379 = arith.constant 64 : index
          %get3A_380 = tpu.vector_load %arg9[%get3A_378, %get3A_379] {strides = array<i32>} : memref<128x128xf32, #tpu.memory_space<vmem>>, vector<1x16xf32>,
          %get3A_381 = vector.shape_cast %get3A_380 : vector<1x16xf32> to vector<16xf32>
          %mul3A_382 = vector.broadcast %squeeze3A_339 : f32 to vector<16xf32>
          %mul3A_383 = arith.mulf %mul3A_382, %get3A_381 : vector<16xf32>
          %add3A_384 = arith.addf %add3A_310, %mul3A_383 : vector<16xf32>
          %add3A_385 = arith.constant 3 : i32
          %add3A_386 = arith.addi %mul3A_74, %add3A_385 : i32
          %get3A_387 = arith.index_cast %add3A_386 : i32 to index
          %get3A_388 = arith.constant 80 : index
          %get3A_389 = tpu.vector_load %arg9[%get3A_387, %get3A_388] {strides = array<i32>} : memref<128x128xf32, #tpu.memory_space<vmem>>, vector<1x16xf32>,
          %get3A_390 = vector.shape_cast %get3A_389 : vector<1x16xf32> to vector<16xf32>
          %mul3A_391 = vector.broadcast %squeeze3A_339 : f32 to vector<16xf32>
          %mul3A_392 = arith.mulf %mul3A_391, %get3A_390 : vector<16xf32>
          %add3A_393 = arith.addf %add3A_319, %mul3A_392 : vector<16xf32>
          %add3A_394 = arith.constant 3 : i32
          %add3A_395 = arith.addi %mul3A_74, %add3A_394 : i32
          %get3A_396 = arith.index_cast %add3A_395 : i32 to index
          %get3A_397 = arith.constant 96 : index
          %get3A_398 = tpu.vector_load %arg9[%get3A_396, %get3A_397] {strides = array<i32>} : memref<128x128xf32, #tpu.memory_space<vmem>>, vector<1x16xf32>,
          %get3A_399 = vector.shape_cast %get3A_398 : vector<1x16xf32> to vector<16xf32>
          %mul3A_400 = vector.broadcast %squeeze3A_339 : f32 to vector<16xf32>
          %mul3A_401 = arith.mulf %mul3A_400, %get3A_399 : vector<16xf32>
          %add3A_402 = arith.addf %add3A_328, %mul3A_401 : vector<16xf32>
          %add3A_403 = arith.constant 3 : i32
          %add3A_404 = arith.addi %mul3A_74, %add3A_403 : i32
          %get3A_405 = arith.index_cast %add3A_404 : i32 to index
          %get3A_406 = arith.constant 112 : index
          %get3A_407 = tpu.vector_load %arg9[%get3A_405, %get3A_406] {strides = array<i32>} : memref<128x128xf32, #tpu.memory_space<vmem>>, vector<1x16xf32>,
          %get3A_408 = vector.shape_cast %get3A_407 : vector<1x16xf32> to vector<16xf32>
          %mul3A_409 = vector.broadcast %squeeze3A_339 : f32 to vector<16xf32>
          %mul3A_410 = arith.mulf %mul3A_409, %get3A_408 : vector<16xf32>
          %add3A_411 = arith.addf %add3A_337, %mul3A_410 : vector<16xf32>
          %slice3A_412 = vector.extract_strided_slice %get3A_78 {offsets = [4], sizes = [1], strides = [1]} : vector<16xf32> to vector<1xf32>
          %squeeze3A_413 = vector.extract %slice3A_412[0] : f32 from vector<1xf32>
          %add3A_414 = arith.constant 4 : i32
          %add3A_415 = arith.addi %mul3A_74, %add3A_414 : i32
          %get3A_416 = arith.index_cast %add3A_415 : i32 to index
          %get3A_417 = arith.constant 0 : index
          %get3A_418 = tpu.vector_load %arg9[%get3A_416, %get3A_417] {strides = array<i32>} : memref<128x128xf32, #tpu.memory_space<vmem>>, vector<1x16xf32>,
          %get3A_419 = vector.shape_cast %get3A_418 : vector<1x16xf32> to vector<16xf32>
          %mul3A_420 = vector.broadcast %squeeze3A_413 : f32 to vector<16xf32>
          %mul3A_421 = arith.mulf %mul3A_420, %get3A_419 : vector<16xf32>
          %add3A_422 = arith.addf %add3A_348, %mul3A_421 : vector<16xf32>
          %add3A_423 = arith.constant 4 : i32
          %add3A_424 = arith.addi %mul3A_74, %add3A_423 : i32
          %get3A_425 = arith.index_cast %add3A_424 : i32 to index
          %get3A_426 = arith.constant 16 : index
          %get3A_427 = tpu.vector_load %arg9[%get3A_425, %get3A_426] {strides = array<i32>} : memref<128x128xf32, #tpu.memory_space<vmem>>, vector<1x16xf32>,
          %get3A_428 = vector.shape_cast %get3A_427 : vector<1x16xf32> to vector<16xf32>
          %mul3A_429 = vector.broadcast %squeeze3A_413 : f32 to vector<16xf32>
          %mul3A_430 = arith.mulf %mul3A_429, %get3A_428 : vector<16xf32>
          %add3A_431 = arith.addf %add3A_357, %mul3A_430 : vector<16xf32>
          %add3A_432 = arith.constant 4 : i32
          %add3A_433 = arith.addi %mul3A_74, %add3A_432 : i32
          %get3A_434 = arith.index_cast %add3A_433 : i32 to index
          %get3A_435 = arith.constant 32 : index
          %get3A_436 = tpu.vector_load %arg9[%get3A_434, %get3A_435] {strides = array<i32>} : memref<128x128xf32, #tpu.memory_space<vmem>>, vector<1x16xf32>,
          %get3A_437 = vector.shape_cast %get3A_436 : vector<1x16xf32> to vector<16xf32>
          %mul3A_438 = vector.broadcast %squeeze3A_413 : f32 to vector<16xf32>
          %mul3A_439 = arith.mulf %mul3A_438, %get3A_437 : vector<16xf32>
          %add3A_440 = arith.addf %add3A_366, %mul3A_439 : vector<16xf32>
          %add3A_441 = arith.constant 4 : i32
          %add3A_442 = arith.addi %mul3A_74, %add3A_441 : i32
          %get3A_443 = arith.index_cast %add3A_442 : i32 to index
          %get3A_444 = arith.constant 48 : index
          %get3A_445 = tpu.vector_load %arg9[%get3A_443, %get3A_444] {strides = array<i32>} : memref<128x128xf32, #tpu.memory_space<vmem>>, vector<1x16xf32>,
          %get3A_446 = vector.shape_cast %get3A_445 : vector<1x16xf32> to vector<16xf32>
          %mul3A_447 = vector.broadcast %squeeze3A_413 : f32 to vector<16xf32>
          %mul3A_448 = arith.mulf %mul3A_447, %get3A_446 : vector<16xf32>
          %add3A_449 = arith.addf %add3A_375, %mul3A_448 : vector<16xf32>
          %add3A_450 = arith.constant 4 : i32
          %add3A_451 = arith.addi %mul3A_74, %add3A_450 : i32
          %get3A_452 = arith.index_cast %add3A_451 : i32 to index
          %get3A_453 = arith.constant 64 : index
          %get3A_454 = tpu.vector_load %arg9[%get3A_452, %get3A_453] {strides = array<i32>} : memref<128x128xf32, #tpu.memory_space<vmem>>, vector<1x16xf32>,
          %get3A_455 = vector.shape_cast %get3A_454 : vector<1x16xf32> to vector<16xf32>
          %mul3A_456 = vector.broadcast %squeeze3A_413 : f32 to vector<16xf32>
          %mul3A_457 = arith.mulf %mul3A_456, %get3A_455 : vector<16xf32>
          %add3A_458 = arith.addf %add3A_384, %mul3A_457 : vector<16xf32>
          %add3A_459 = arith.constant 4 : i32
          %add3A_460 = arith.addi %mul3A_74, %add3A_459 : i32
          %get3A_461 = arith.index_cast %add3A_460 : i32 to index
          %get3A_462 = arith.constant 80 : index
          %get3A_463 = tpu.vector_load %arg9[%get3A_461, %get3A_462] {strides = array<i32>} : memref<128x128xf32, #tpu.memory_space<vmem>>, vector<1x16xf32>,
          %get3A_464 = vector.shape_cast %get3A_463 : vector<1x16xf32> to vector<16xf32>
          %mul3A_465 = vector.broadcast %squeeze3A_413 : f32 to vector<16xf32>
          %mul3A_466 = arith.mulf %mul3A_465, %get3A_464 : vector<16xf32>
          %add3A_467 = arith.addf %add3A_393, %mul3A_466 : vector<16xf32>
          %add3A_468 = arith.constant 4 : i32
          %add3A_469 = arith.addi %mul3A_74, %add3A_468 : i32
          %get3A_470 = arith.index_cast %add3A_469 : i32 to index
          %get3A_471 = arith.constant 96 : index
          %get3A_472 = tpu.vector_load %arg9[%get3A_470, %get3A_471] {strides = array<i32>} : memref<128x128xf32, #tpu.memory_space<vmem>>, vector<1x16xf32>,
          %get3A_473 = vector.shape_cast %get3A_472 : vector<1x16xf32> to vector<16xf32>
          %mul3A_474 = vector.broadcast %squeeze3A_413 : f32 to vector<16xf32>
          %mul3A_475 = arith.mulf %mul3A_474, %get3A_473 : vector<16xf32>
          %add3A_476 = arith.addf %add3A_402, %mul3A_475 : vector<16xf32>
          %add3A_477 = arith.constant 4 : i32
          %add3A_478 = arith.addi %mul3A_74, %add3A_477 : i32
          %get3A_479 = arith.index_cast %add3A_478 : i32 to index
          %get3A_480 = arith.constant 112 : index
          %get3A_481 = tpu.vector_load %arg9[%get3A_479, %get3A_480] {strides = array<i32>} : memref<128x128xf32, #tpu.memory_space<vmem>>, vector<1x16xf32>,
          %get3A_482 = vector.shape_cast %get3A_481 : vector<1x16xf32> to vector<16xf32>
          %mul3A_483 = vector.broadcast %squeeze3A_413 : f32 to vector<16xf32>
          %mul3A_484 = arith.mulf %mul3A_483, %get3A_482 : vector<16xf32>
          %add3A_485 = arith.addf %add3A_411, %mul3A_484 : vector<16xf32>
          %slice3A_486 = vector.extract_strided_slice %get3A_78 {offsets = [5], sizes = [1], strides = [1]} : vector<16xf32> to vector<1xf32>
          %squeeze3A_487 = vector.extract %slice3A_486[0] : f32 from vector<1xf32>
          %add3A_488 = arith.constant 5 : i32
          %add3A_489 = arith.addi %mul3A_74, %add3A_488 : i32
          %get3A_490 = arith.index_cast %add3A_489 : i32 to index
          %get3A_491 = arith.constant 0 : index
          %get3A_492 = tpu.vector_load %arg9[%get3A_490, %get3A_491] {strides = array<i32>} : memref<128x128xf32, #tpu.memory_space<vmem>>, vector<1x16xf32>,
          %get3A_493 = vector.shape_cast %get3A_492 : vector<1x16xf32> to vector<16xf32>
          %mul3A_494 = vector.broadcast %squeeze3A_487 : f32 to vector<16xf32>
          %mul3A_495 = arith.mulf %mul3A_494, %get3A_493 : vector<16xf32>
          %add3A_496 = arith.addf %add3A_422, %mul3A_495 : vector<16xf32>
          %add3A_497 = arith.constant 5 : i32
          %add3A_498 = arith.addi %mul3A_74, %add3A_497 : i32
          %get3A_499 = arith.index_cast %add3A_498 : i32 to index
          %get3A_500 = arith.constant 16 : index
          %get3A_501 = tpu.vector_load %arg9[%get3A_499, %get3A_500] {strides = array<i32>} : memref<128x128xf32, #tpu.memory_space<vmem>>, vector<1x16xf32>,
          %get3A_502 = vector.shape_cast %get3A_501 : vector<1x16xf32> to vector<16xf32>
          %mul3A_503 = vector.broadcast %squeeze3A_487 : f32 to vector<16xf32>
          %mul3A_504 = arith.mulf %mul3A_503, %get3A_502 : vector<16xf32>
          %add3A_505 = arith.addf %add3A_431, %mul3A_504 : vector<16xf32>
          %add3A_506 = arith.constant 5 : i32
          %add3A_507 = arith.addi %mul3A_74, %add3A_506 : i32
          %get3A_508 = arith.index_cast %add3A_507 : i32 to index
          %get3A_509 = arith.constant 32 : index
          %get3A_510 = tpu.vector_load %arg9[%get3A_508, %get3A_509] {strides = array<i32>} : memref<128x128xf32, #tpu.memory_space<vmem>>, vector<1x16xf32>,
          %get3A_511 = vector.shape_cast %get3A_510 : vector<1x16xf32> to vector<16xf32>
          %mul3A_512 = vector.broadcast %squeeze3A_487 : f32 to vector<16xf32>
          %mul3A_513 = arith.mulf %mul3A_512, %get3A_511 : vector<16xf32>
          %add3A_514 = arith.addf %add3A_440, %mul3A_513 : vector<16xf32>
          %add3A_515 = arith.constant 5 : i32
          %add3A_516 = arith.addi %mul3A_74, %add3A_515 : i32
          %get3A_517 = arith.index_cast %add3A_516 : i32 to index
          %get3A_518 = arith.constant 48 : index
          %get3A_519 = tpu.vector_load %arg9[%get3A_517, %get3A_518] {strides = array<i32>} : memref<128x128xf32, #tpu.memory_space<vmem>>, vector<1x16xf32>,
          %get3A_520 = vector.shape_cast %get3A_519 : vector<1x16xf32> to vector<16xf32>
          %mul3A_521 = vector.broadcast %squeeze3A_487 : f32 to vector<16xf32>
          %mul3A_522 = arith.mulf %mul3A_521, %get3A_520 : vector<16xf32>
          %add3A_523 = arith.addf %add3A_449, %mul3A_522 : vector<16xf32>
          %add3A_524 = arith.constant 5 : i32
          %add3A_525 = arith.addi %mul3A_74, %add3A_524 : i32
          %get3A_526 = arith.index_cast %add3A_525 : i32 to index
          %get3A_527 = arith.constant 64 : index
          %get3A_528 = tpu.vector_load %arg9[%get3A_526, %get3A_527] {strides = array<i32>} : memref<128x128xf32, #tpu.memory_space<vmem>>, vector<1x16xf32>,
          %get3A_529 = vector.shape_cast %get3A_528 : vector<1x16xf32> to vector<16xf32>
          %mul3A_530 = vector.broadcast %squeeze3A_487 : f32 to vector<16xf32>
          %mul3A_531 = arith.mulf %mul3A_530, %get3A_529 : vector<16xf32>
          %add3A_532 = arith.addf %add3A_458, %mul3A_531 : vector<16xf32>
          %add3A_533 = arith.constant 5 : i32
          %add3A_534 = arith.addi %mul3A_74, %add3A_533 : i32
          %get3A_535 = arith.index_cast %add3A_534 : i32 to index
          %get3A_536 = arith.constant 80 : index
          %get3A_537 = tpu.vector_load %arg9[%get3A_535, %get3A_536] {strides = array<i32>} : memref<128x128xf32, #tpu.memory_space<vmem>>, vector<1x16xf32>,
          %get3A_538 = vector.shape_cast %get3A_537 : vector<1x16xf32> to vector<16xf32>
          %mul3A_539 = vector.broadcast %squeeze3A_487 : f32 to vector<16xf32>
          %mul3A_540 = arith.mulf %mul3A_539, %get3A_538 : vector<16xf32>
          %add3A_541 = arith.addf %add3A_467, %mul3A_540 : vector<16xf32>
          %add3A_542 = arith.constant 5 : i32
          %add3A_543 = arith.addi %mul3A_74, %add3A_542 : i32
          %get3A_544 = arith.index_cast %add3A_543 : i32 to index
          %get3A_545 = arith.constant 96 : index
          %get3A_546 = tpu.vector_load %arg9[%get3A_544, %get3A_545] {strides = array<i32>} : memref<128x128xf32, #tpu.memory_space<vmem>>, vector<1x16xf32>,
          %get3A_547 = vector.shape_cast %get3A_546 : vector<1x16xf32> to vector<16xf32>
          %mul3A_548 = vector.broadcast %squeeze3A_487 : f32 to vector<16xf32>
          %mul3A_549 = arith.mulf %mul3A_548, %get3A_547 : vector<16xf32>
          %add3A_550 = arith.addf %add3A_476, %mul3A_549 : vector<16xf32>
          %add3A_551 = arith.constant 5 : i32
          %add3A_552 = arith.addi %mul3A_74, %add3A_551 : i32
          %get3A_553 = arith.index_cast %add3A_552 : i32 to index
          %get3A_554 = arith.constant 112 : index
          %get3A_555 = tpu.vector_load %arg9[%get3A_553, %get3A_554] {strides = array<i32>} : memref<128x128xf32, #tpu.memory_space<vmem>>, vector<1x16xf32>,
          %get3A_556 = vector.shape_cast %get3A_555 : vector<1x16xf32> to vector<16xf32>
          %mul3A_557 = vector.broadcast %squeeze3A_487 : f32 to vector<16xf32>
          %mul3A_558 = arith.mulf %mul3A_557, %get3A_556 : vector<16xf32>
          %add3A_559 = arith.addf %add3A_485, %mul3A_558 : vector<16xf32>
          %slice3A_560 = vector.extract_strided_slice %get3A_78 {offsets = [6], sizes = [1], strides = [1]} : vector<16xf32> to vector<1xf32>
          %squeeze3A_561 = vector.extract %slice3A_560[0] : f32 from vector<1xf32>
          %add3A_562 = arith.constant 6 : i32
          %add3A_563 = arith.addi %mul3A_74, %add3A_562 : i32
          %get3A_564 = arith.index_cast %add3A_563 : i32 to index
          %get3A_565 = arith.constant 0 : index
          %get3A_566 = tpu.vector_load %arg9[%get3A_564, %get3A_565] {strides = array<i32>} : memref<128x128xf32, #tpu.memory_space<vmem>>, vector<1x16xf32>,
          %get3A_567 = vector.shape_cast %get3A_566 : vector<1x16xf32> to vector<16xf32>
          %mul3A_568 = vector.broadcast %squeeze3A_561 : f32 to vector<16xf32>
          %mul3A_569 = arith.mulf %mul3A_568, %get3A_567 : vector<16xf32>
          %add3A_570 = arith.addf %add3A_496, %mul3A_569 : vector<16xf32>
          %add3A_571 = arith.constant 6 : i32
          %add3A_572 = arith.addi %mul3A_74, %add3A_571 : i32
          %get3A_573 = arith.index_cast %add3A_572 : i32 to index
          %get3A_574 = arith.constant 16 : index
          %get3A_575 = tpu.vector_load %arg9[%get3A_573, %get3A_574] {strides = array<i32>} : memref<128x128xf32, #tpu.memory_space<vmem>>, vector<1x16xf32>,
          %get3A_576 = vector.shape_cast %get3A_575 : vector<1x16xf32> to vector<16xf32>
          %mul3A_577 = vector.broadcast %squeeze3A_561 : f32 to vector<16xf32>
          %mul3A_578 = arith.mulf %mul3A_577, %get3A_576 : vector<16xf32>
          %add3A_579 = arith.addf %add3A_505, %mul3A_578 : vector<16xf32>
          %add3A_580 = arith.constant 6 : i32
          %add3A_581 = arith.addi %mul3A_74, %add3A_580 : i32
          %get3A_582 = arith.index_cast %add3A_581 : i32 to index
          %get3A_583 = arith.constant 32 : index
          %get3A_584 = tpu.vector_load %arg9[%get3A_582, %get3A_583] {strides = array<i32>} : memref<128x128xf32, #tpu.memory_space<vmem>>, vector<1x16xf32>,
          %get3A_585 = vector.shape_cast %get3A_584 : vector<1x16xf32> to vector<16xf32>
          %mul3A_586 = vector.broadcast %squeeze3A_561 : f32 to vector<16xf32>
          %mul3A_587 = arith.mulf %mul3A_586, %get3A_585 : vector<16xf32>
          %add3A_588 = arith.addf %add3A_514, %mul3A_587 : vector<16xf32>
          %add3A_589 = arith.constant 6 : i32
          %add3A_590 = arith.addi %mul3A_74, %add3A_589 : i32
          %get3A_591 = arith.index_cast %add3A_590 : i32 to index
          %get3A_592 = arith.constant 48 : index
          %get3A_593 = tpu.vector_load %arg9[%get3A_591, %get3A_592] {strides = array<i32>} : memref<128x128xf32, #tpu.memory_space<vmem>>, vector<1x16xf32>,
          %get3A_594 = vector.shape_cast %get3A_593 : vector<1x16xf32> to vector<16xf32>
          %mul3A_595 = vector.broadcast %squeeze3A_561 : f32 to vector<16xf32>
          %mul3A_596 = arith.mulf %mul3A_595, %get3A_594 : vector<16xf32>
          %add3A_597 = arith.addf %add3A_523, %mul3A_596 : vector<16xf32>
          %add3A_598 = arith.constant 6 : i32
          %add3A_599 = arith.addi %mul3A_74, %add3A_598 : i32
          %get3A_600 = arith.index_cast %add3A_599 : i32 to index
          %get3A_601 = arith.constant 64 : index
          %get3A_602 = tpu.vector_load %arg9[%get3A_600, %get3A_601] {strides = array<i32>} : memref<128x128xf32, #tpu.memory_space<vmem>>, vector<1x16xf32>,
          %get3A_603 = vector.shape_cast %get3A_602 : vector<1x16xf32> to vector<16xf32>
          %mul3A_604 = vector.broadcast %squeeze3A_561 : f32 to vector<16xf32>
          %mul3A_605 = arith.mulf %mul3A_604, %get3A_603 : vector<16xf32>
          %add3A_606 = arith.addf %add3A_532, %mul3A_605 : vector<16xf32>
          %add3A_607 = arith.constant 6 : i32
          %add3A_608 = arith.addi %mul3A_74, %add3A_607 : i32
          %get3A_609 = arith.index_cast %add3A_608 : i32 to index
          %get3A_610 = arith.constant 80 : index
          %get3A_611 = tpu.vector_load %arg9[%get3A_609, %get3A_610] {strides = array<i32>} : memref<128x128xf32, #tpu.memory_space<vmem>>, vector<1x16xf32>,
          %get3A_612 = vector.shape_cast %get3A_611 : vector<1x16xf32> to vector<16xf32>
          %mul3A_613 = vector.broadcast %squeeze3A_561 : f32 to vector<16xf32>
          %mul3A_614 = arith.mulf %mul3A_613, %get3A_612 : vector<16xf32>
          %add3A_615 = arith.addf %add3A_541, %mul3A_614 : vector<16xf32>
          %add3A_616 = arith.constant 6 : i32
          %add3A_617 = arith.addi %mul3A_74, %add3A_616 : i32
          %get3A_618 = arith.index_cast %add3A_617 : i32 to index
          %get3A_619 = arith.constant 96 : index
          %get3A_620 = tpu.vector_load %arg9[%get3A_618, %get3A_619] {strides = array<i32>} : memref<128x128xf32, #tpu.memory_space<vmem>>, vector<1x16xf32>,
          %get3A_621 = vector.shape_cast %get3A_620 : vector<1x16xf32> to vector<16xf32>
          %mul3A_622 = vector.broadcast %squeeze3A_561 : f32 to vector<16xf32>
          %mul3A_623 = arith.mulf %mul3A_622, %get3A_621 : vector<16xf32>
          %add3A_624 = arith.addf %add3A_550, %mul3A_623 : vector<16xf32>
          %add3A_625 = arith.constant 6 : i32
          %add3A_626 = arith.addi %mul3A_74, %add3A_625 : i32
          %get3A_627 = arith.index_cast %add3A_626 : i32 to index
          %get3A_628 = arith.constant 112 : index
          %get3A_629 = tpu.vector_load %arg9[%get3A_627, %get3A_628] {strides = array<i32>} : memref<128x128xf32, #tpu.memory_space<vmem>>, vector<1x16xf32>,
          %get3A_630 = vector.shape_cast %get3A_629 : vector<1x16xf32> to vector<16xf32>
          %mul3A_631 = vector.broadcast %squeeze3A_561 : f32 to vector<16xf32>
          %mul3A_632 = arith.mulf %mul3A_631, %get3A_630 : vector<16xf32>
          %add3A_633 = arith.addf %add3A_559, %mul3A_632 : vector<16xf32>
          %slice3A_634 = vector.extract_strided_slice %get3A_78 {offsets = [7], sizes = [1], strides = [1]} : vector<16xf32> to vector<1xf32>
          %squeeze3A_635 = vector.extract %slice3A_634[0] : f32 from vector<1xf32>
          %add3A_636 = arith.constant 7 : i32
          %add3A_637 = arith.addi %mul3A_74, %add3A_636 : i32
          %get3A_638 = arith.index_cast %add3A_637 : i32 to index
          %get3A_639 = arith.constant 0 : index
          %get3A_640 = tpu.vector_load %arg9[%get3A_638, %get3A_639] {strides = array<i32>} : memref<128x128xf32, #tpu.memory_space<vmem>>, vector<1x16xf32>,
          %get3A_641 = vector.shape_cast %get3A_640 : vector<1x16xf32> to vector<16xf32>
          %mul3A_642 = vector.broadcast %squeeze3A_635 : f32 to vector<16xf32>
          %mul3A_643 = arith.mulf %mul3A_642, %get3A_641 : vector<16xf32>
          %add3A_644 = arith.addf %add3A_570, %mul3A_643 : vector<16xf32>
          %add3A_645 = arith.constant 7 : i32
          %add3A_646 = arith.addi %mul3A_74, %add3A_645 : i32
          %get3A_647 = arith.index_cast %add3A_646 : i32 to index
          %get3A_648 = arith.constant 16 : index
          %get3A_649 = tpu.vector_load %arg9[%get3A_647, %get3A_648] {strides = array<i32>} : memref<128x128xf32, #tpu.memory_space<vmem>>, vector<1x16xf32>,
          %get3A_650 = vector.shape_cast %get3A_649 : vector<1x16xf32> to vector<16xf32>
          %mul3A_651 = vector.broadcast %squeeze3A_635 : f32 to vector<16xf32>
          %mul3A_652 = arith.mulf %mul3A_651, %get3A_650 : vector<16xf32>
          %add3A_653 = arith.addf %add3A_579, %mul3A_652 : vector<16xf32>
          %add3A_654 = arith.constant 7 : i32
          %add3A_655 = arith.addi %mul3A_74, %add3A_654 : i32
          %get3A_656 = arith.index_cast %add3A_655 : i32 to index
          %get3A_657 = arith.constant 32 : index
          %get3A_658 = tpu.vector_load %arg9[%get3A_656, %get3A_657] {strides = array<i32>} : memref<128x128xf32, #tpu.memory_space<vmem>>, vector<1x16xf32>,
          %get3A_659 = vector.shape_cast %get3A_658 : vector<1x16xf32> to vector<16xf32>
          %mul3A_660 = vector.broadcast %squeeze3A_635 : f32 to vector<16xf32>
          %mul3A_661 = arith.mulf %mul3A_660, %get3A_659 : vector<16xf32>
          %add3A_662 = arith.addf %add3A_588, %mul3A_661 : vector<16xf32>
          %add3A_663 = arith.constant 7 : i32
          %add3A_664 = arith.addi %mul3A_74, %add3A_663 : i32
          %get3A_665 = arith.index_cast %add3A_664 : i32 to index
          %get3A_666 = arith.constant 48 : index
          %get3A_667 = tpu.vector_load %arg9[%get3A_665, %get3A_666] {strides = array<i32>} : memref<128x128xf32, #tpu.memory_space<vmem>>, vector<1x16xf32>,
          %get3A_668 = vector.shape_cast %get3A_667 : vector<1x16xf32> to vector<16xf32>
          %mul3A_669 = vector.broadcast %squeeze3A_635 : f32 to vector<16xf32>
          %mul3A_670 = arith.mulf %mul3A_669, %get3A_668 : vector<16xf32>
          %add3A_671 = arith.addf %add3A_597, %mul3A_670 : vector<16xf32>
          %add3A_672 = arith.constant 7 : i32
          %add3A_673 = arith.addi %mul3A_74, %add3A_672 : i32
          %get3A_674 = arith.index_cast %add3A_673 : i32 to index
          %get3A_675 = arith.constant 64 : index
          %get3A_676 = tpu.vector_load %arg9[%get3A_674, %get3A_675] {strides = array<i32>} : memref<128x128xf32, #tpu.memory_space<vmem>>, vector<1x16xf32>,
          %get3A_677 = vector.shape_cast %get3A_676 : vector<1x16xf32> to vector<16xf32>
          %mul3A_678 = vector.broadcast %squeeze3A_635 : f32 to vector<16xf32>
          %mul3A_679 = arith.mulf %mul3A_678, %get3A_677 : vector<16xf32>
          %add3A_680 = arith.addf %add3A_606, %mul3A_679 : vector<16xf32>
          %add3A_681 = arith.constant 7 : i32
          %add3A_682 = arith.addi %mul3A_74, %add3A_681 : i32
          %get3A_683 = arith.index_cast %add3A_682 : i32 to index
          %get3A_684 = arith.constant 80 : index
          %get3A_685 = tpu.vector_load %arg9[%get3A_683, %get3A_684] {strides = array<i32>} : memref<128x128xf32, #tpu.memory_space<vmem>>, vector<1x16xf32>,
          %get3A_686 = vector.shape_cast %get3A_685 : vector<1x16xf32> to vector<16xf32>
          %mul3A_687 = vector.broadcast %squeeze3A_635 : f32 to vector<16xf32>
          %mul3A_688 = arith.mulf %mul3A_687, %get3A_686 : vector<16xf32>
          %add3A_689 = arith.addf %add3A_615, %mul3A_688 : vector<16xf32>
          %add3A_690 = arith.constant 7 : i32
          %add3A_691 = arith.addi %mul3A_74, %add3A_690 : i32
          %get3A_692 = arith.index_cast %add3A_691 : i32 to index
          %get3A_693 = arith.constant 96 : index
          %get3A_694 = tpu.vector_load %arg9[%get3A_692, %get3A_693] {strides = array<i32>} : memref<128x128xf32, #tpu.memory_space<vmem>>, vector<1x16xf32>,
          %get3A_695 = vector.shape_cast %get3A_694 : vector<1x16xf32> to vector<16xf32>
          %mul3A_696 = vector.broadcast %squeeze3A_635 : f32 to vector<16xf32>
          %mul3A_697 = arith.mulf %mul3A_696, %get3A_695 : vector<16xf32>
          %add3A_698 = arith.addf %add3A_624, %mul3A_697 : vector<16xf32>
          %add3A_699 = arith.constant 7 : i32
          %add3A_700 = arith.addi %mul3A_74, %add3A_699 : i32
          %get3A_701 = arith.index_cast %add3A_700 : i32 to index
          %get3A_702 = arith.constant 112 : index
          %get3A_703 = tpu.vector_load %arg9[%get3A_701, %get3A_702] {strides = array<i32>} : memref<128x128xf32, #tpu.memory_space<vmem>>, vector<1x16xf32>,
          %get3A_704 = vector.shape_cast %get3A_703 : vector<1x16xf32> to vector<16xf32>
          %mul3A_705 = vector.broadcast %squeeze3A_635 : f32 to vector<16xf32>
          %mul3A_706 = arith.mulf %mul3A_705, %get3A_704 : vector<16xf32>
          %add3A_707 = arith.addf %add3A_633, %mul3A_706 : vector<16xf32>
          %slice3A_708 = vector.extract_strided_slice %get3A_78 {offsets = [8], sizes = [1], strides = [1]} : vector<16xf32> to vector<1xf32>
          %squeeze3A_709 = vector.extract %slice3A_708[0] : f32 from vector<1xf32>
          %add3A_710 = arith.constant 8 : i32
          %add3A_711 = arith.addi %mul3A_74, %add3A_710 : i32
          %get3A_712 = arith.index_cast %add3A_711 : i32 to index
          %get3A_713 = arith.constant 0 : index
          %get3A_714 = tpu.vector_load %arg9[%get3A_712, %get3A_713] {strides = array<i32>} : memref<128x128xf32, #tpu.memory_space<vmem>>, vector<1x16xf32>,
          %get3A_715 = vector.shape_cast %get3A_714 : vector<1x16xf32> to vector<16xf32>
          %mul3A_716 = vector.broadcast %squeeze3A_709 : f32 to vector<16xf32>
          %mul3A_717 = arith.mulf %mul3A_716, %get3A_715 : vector<16xf32>
          %add3A_718 = arith.addf %add3A_644, %mul3A_717 : vector<16xf32>
          %add3A_719 = arith.constant 8 : i32
          %add3A_720 = arith.addi %mul3A_74, %add3A_719 : i32
          %get3A_721 = arith.index_cast %add3A_720 : i32 to index
          %get3A_722 = arith.constant 16 : index
          %get3A_723 = tpu.vector_load %arg9[%get3A_721, %get3A_722] {strides = array<i32>} : memref<128x128xf32, #tpu.memory_space<vmem>>, vector<1x16xf32>,
          %get3A_724 = vector.shape_cast %get3A_723 : vector<1x16xf32> to vector<16xf32>
          %mul3A_725 = vector.broadcast %squeeze3A_709 : f32 to vector<16xf32>
          %mul3A_726 = arith.mulf %mul3A_725, %get3A_724 : vector<16xf32>
          %add3A_727 = arith.addf %add3A_653, %mul3A_726 : vector<16xf32>
          %add3A_728 = arith.constant 8 : i32
          %add3A_729 = arith.addi %mul3A_74, %add3A_728 : i32
          %get3A_730 = arith.index_cast %add3A_729 : i32 to index
          %get3A_731 = arith.constant 32 : index
          %get3A_732 = tpu.vector_load %arg9[%get3A_730, %get3A_731] {strides = array<i32>} : memref<128x128xf32, #tpu.memory_space<vmem>>, vector<1x16xf32>,
          %get3A_733 = vector.shape_cast %get3A_732 : vector<1x16xf32> to vector<16xf32>
          %mul3A_734 = vector.broadcast %squeeze3A_709 : f32 to vector<16xf32>
          %mul3A_735 = arith.mulf %mul3A_734, %get3A_733 : vector<16xf32>
          %add3A_736 = arith.addf %add3A_662, %mul3A_735 : vector<16xf32>
          %add3A_737 = arith.constant 8 : i32
          %add3A_738 = arith.addi %mul3A_74, %add3A_737 : i32
          %get3A_739 = arith.index_cast %add3A_738 : i32 to index
          %get3A_740 = arith.constant 48 : index
          %get3A_741 = tpu.vector_load %arg9[%get3A_739, %get3A_740] {strides = array<i32>} : memref<128x128xf32, #tpu.memory_space<vmem>>, vector<1x16xf32>,
          %get3A_742 = vector.shape_cast %get3A_741 : vector<1x16xf32> to vector<16xf32>
          %mul3A_743 = vector.broadcast %squeeze3A_709 : f32 to vector<16xf32>
          %mul3A_744 = arith.mulf %mul3A_743, %get3A_742 : vector<16xf32>
          %add3A_745 = arith.addf %add3A_671, %mul3A_744 : vector<16xf32>
          %add3A_746 = arith.constant 8 : i32
          %add3A_747 = arith.addi %mul3A_74, %add3A_746 : i32
          %get3A_748 = arith.index_cast %add3A_747 : i32 to index
          %get3A_749 = arith.constant 64 : index
          %get3A_750 = tpu.vector_load %arg9[%get3A_748, %get3A_749] {strides = array<i32>} : memref<128x128xf32, #tpu.memory_space<vmem>>, vector<1x16xf32>,
          %get3A_751 = vector.shape_cast %get3A_750 : vector<1x16xf32> to vector<16xf32>
          %mul3A_752 = vector.broadcast %squeeze3A_709 : f32 to vector<16xf32>
          %mul3A_753 = arith.mulf %mul3A_752, %get3A_751 : vector<16xf32>
          %add3A_754 = arith.addf %add3A_680, %mul3A_753 : vector<16xf32>
          %add3A_755 = arith.constant 8 : i32
          %add3A_756 = arith.addi %mul3A_74, %add3A_755 : i32
          %get3A_757 = arith.index_cast %add3A_756 : i32 to index
          %get3A_758 = arith.constant 80 : index
          %get3A_759 = tpu.vector_load %arg9[%get3A_757, %get3A_758] {strides = array<i32>} : memref<128x128xf32, #tpu.memory_space<vmem>>, vector<1x16xf32>,
          %get3A_760 = vector.shape_cast %get3A_759 : vector<1x16xf32> to vector<16xf32>
          %mul3A_761 = vector.broadcast %squeeze3A_709 : f32 to vector<16xf32>
          %mul3A_762 = arith.mulf %mul3A_761, %get3A_760 : vector<16xf32>
          %add3A_763 = arith.addf %add3A_689, %mul3A_762 : vector<16xf32>
          %add3A_764 = arith.constant 8 : i32
          %add3A_765 = arith.addi %mul3A_74, %add3A_764 : i32
          %get3A_766 = arith.index_cast %add3A_765 : i32 to index
          %get3A_767 = arith.constant 96 : index
          %get3A_768 = tpu.vector_load %arg9[%get3A_766, %get3A_767] {strides = array<i32>} : memref<128x128xf32, #tpu.memory_space<vmem>>, vector<1x16xf32>,
          %get3A_769 = vector.shape_cast %get3A_768 : vector<1x16xf32> to vector<16xf32>
          %mul3A_770 = vector.broadcast %squeeze3A_709 : f32 to vector<16xf32>
          %mul3A_771 = arith.mulf %mul3A_770, %get3A_769 : vector<16xf32>
          %add3A_772 = arith.addf %add3A_698, %mul3A_771 : vector<16xf32>
          %add3A_773 = arith.constant 8 : i32
          %add3A_774 = arith.addi %mul3A_74, %add3A_773 : i32
          %get3A_775 = arith.index_cast %add3A_774 : i32 to index
          %get3A_776 = arith.constant 112 : index
          %get3A_777 = tpu.vector_load %arg9[%get3A_775, %get3A_776] {strides = array<i32>} : memref<128x128xf32, #tpu.memory_space<vmem>>, vector<1x16xf32>,
          %get3A_778 = vector.shape_cast %get3A_777 : vector<1x16xf32> to vector<16xf32>
          %mul3A_779 = vector.broadcast %squeeze3A_709 : f32 to vector<16xf32>
          %mul3A_780 = arith.mulf %mul3A_779, %get3A_778 : vector<16xf32>
          %add3A_781 = arith.addf %add3A_707, %mul3A_780 : vector<16xf32>
          %slice3A_782 = vector.extract_strided_slice %get3A_78 {offsets = [9], sizes = [1], strides = [1]} : vector<16xf32> to vector<1xf32>
          %squeeze3A_783 = vector.extract %slice3A_782[0] : f32 from vector<1xf32>
          %add3A_784 = arith.constant 9 : i32
          %add3A_785 = arith.addi %mul3A_74, %add3A_784 : i32
          %get3A_786 = arith.index_cast %add3A_785 : i32 to index
          %get3A_787 = arith.constant 0 : index
          %get3A_788 = tpu.vector_load %arg9[%get3A_786, %get3A_787] {strides = array<i32>} : memref<128x128xf32, #tpu.memory_space<vmem>>, vector<1x16xf32>,
          %get3A_789 = vector.shape_cast %get3A_788 : vector<1x16xf32> to vector<16xf32>
          %mul3A_790 = vector.broadcast %squeeze3A_783 : f32 to vector<16xf32>
          %mul3A_791 = arith.mulf %mul3A_790, %get3A_789 : vector<16xf32>
          %add3A_792 = arith.addf %add3A_718, %mul3A_791 : vector<16xf32>
          %add3A_793 = arith.constant 9 : i32
          %add3A_794 = arith.addi %mul3A_74, %add3A_793 : i32
          %get3A_795 = arith.index_cast %add3A_794 : i32 to index
          %get3A_796 = arith.constant 16 : index
          %get3A_797 = tpu.vector_load %arg9[%get3A_795, %get3A_796] {strides = array<i32>} : memref<128x128xf32, #tpu.memory_space<vmem>>, vector<1x16xf32>,
          %get3A_798 = vector.shape_cast %get3A_797 : vector<1x16xf32> to vector<16xf32>
          %mul3A_799 = vector.broadcast %squeeze3A_783 : f32 to vector<16xf32>
          %mul3A_800 = arith.mulf %mul3A_799, %get3A_798 : vector<16xf32>
          %add3A_801 = arith.addf %add3A_727, %mul3A_800 : vector<16xf32>
          %add3A_802 = arith.constant 9 : i32
          %add3A_803 = arith.addi %mul3A_74, %add3A_802 : i32
          %get3A_804 = arith.index_cast %add3A_803 : i32 to index
          %get3A_805 = arith.constant 32 : index
          %get3A_806 = tpu.vector_load %arg9[%get3A_804, %get3A_805] {strides = array<i32>} : memref<128x128xf32, #tpu.memory_space<vmem>>, vector<1x16xf32>,
          %get3A_807 = vector.shape_cast %get3A_806 : vector<1x16xf32> to vector<16xf32>
          %mul3A_808 = vector.broadcast %squeeze3A_783 : f32 to vector<16xf32>
          %mul3A_809 = arith.mulf %mul3A_808, %get3A_807 : vector<16xf32>
          %add3A_810 = arith.addf %add3A_736, %mul3A_809 : vector<16xf32>
          %add3A_811 = arith.constant 9 : i32
          %add3A_812 = arith.addi %mul3A_74, %add3A_811 : i32
          %get3A_813 = arith.index_cast %add3A_812 : i32 to index
          %get3A_814 = arith.constant 48 : index
          %get3A_815 = tpu.vector_load %arg9[%get3A_813, %get3A_814] {strides = array<i32>} : memref<128x128xf32, #tpu.memory_space<vmem>>, vector<1x16xf32>,
          %get3A_816 = vector.shape_cast %get3A_815 : vector<1x16xf32> to vector<16xf32>
          %mul3A_817 = vector.broadcast %squeeze3A_783 : f32 to vector<16xf32>
          %mul3A_818 = arith.mulf %mul3A_817, %get3A_816 : vector<16xf32>
          %add3A_819 = arith.addf %add3A_745, %mul3A_818 : vector<16xf32>
          %add3A_820 = arith.constant 9 : i32
          %add3A_821 = arith.addi %mul3A_74, %add3A_820 : i32
          %get3A_822 = arith.index_cast %add3A_821 : i32 to index
          %get3A_823 = arith.constant 64 : index
          %get3A_824 = tpu.vector_load %arg9[%get3A_822, %get3A_823] {strides = array<i32>} : memref<128x128xf32, #tpu.memory_space<vmem>>, vector<1x16xf32>,
          %get3A_825 = vector.shape_cast %get3A_824 : vector<1x16xf32> to vector<16xf32>
          %mul3A_826 = vector.broadcast %squeeze3A_783 : f32 to vector<16xf32>
          %mul3A_827 = arith.mulf %mul3A_826, %get3A_825 : vector<16xf32>
          %add3A_828 = arith.addf %add3A_754, %mul3A_827 : vector<16xf32>
          %add3A_829 = arith.constant 9 : i32
          %add3A_830 = arith.addi %mul3A_74, %add3A_829 : i32
          %get3A_831 = arith.index_cast %add3A_830 : i32 to index
          %get3A_832 = arith.constant 80 : index
          %get3A_833 = tpu.vector_load %arg9[%get3A_831, %get3A_832] {strides = array<i32>} : memref<128x128xf32, #tpu.memory_space<vmem>>, vector<1x16xf32>,
          %get3A_834 = vector.shape_cast %get3A_833 : vector<1x16xf32> to vector<16xf32>
          %mul3A_835 = vector.broadcast %squeeze3A_783 : f32 to vector<16xf32>
          %mul3A_836 = arith.mulf %mul3A_835, %get3A_834 : vector<16xf32>
          %add3A_837 = arith.addf %add3A_763, %mul3A_836 : vector<16xf32>
          %add3A_838 = arith.constant 9 : i32
          %add3A_839 = arith.addi %mul3A_74, %add3A_838 : i32
          %get3A_840 = arith.index_cast %add3A_839 : i32 to index
          %get3A_841 = arith.constant 96 : index
          %get3A_842 = tpu.vector_load %arg9[%get3A_840, %get3A_841] {strides = array<i32>} : memref<128x128xf32, #tpu.memory_space<vmem>>, vector<1x16xf32>,
          %get3A_843 = vector.shape_cast %get3A_842 : vector<1x16xf32> to vector<16xf32>
          %mul3A_844 = vector.broadcast %squeeze3A_783 : f32 to vector<16xf32>
          %mul3A_845 = arith.mulf %mul3A_844, %get3A_843 : vector<16xf32>
          %add3A_846 = arith.addf %add3A_772, %mul3A_845 : vector<16xf32>
          %add3A_847 = arith.constant 9 : i32
          %add3A_848 = arith.addi %mul3A_74, %add3A_847 : i32
          %get3A_849 = arith.index_cast %add3A_848 : i32 to index
          %get3A_850 = arith.constant 112 : index
          %get3A_851 = tpu.vector_load %arg9[%get3A_849, %get3A_850] {strides = array<i32>} : memref<128x128xf32, #tpu.memory_space<vmem>>, vector<1x16xf32>,
          %get3A_852 = vector.shape_cast %get3A_851 : vector<1x16xf32> to vector<16xf32>
          %mul3A_853 = vector.broadcast %squeeze3A_783 : f32 to vector<16xf32>
          %mul3A_854 = arith.mulf %mul3A_853, %get3A_852 : vector<16xf32>
          %add3A_855 = arith.addf %add3A_781, %mul3A_854 : vector<16xf32>
          %slice3A_856 = vector.extract_strided_slice %get3A_78 {offsets = [10], sizes = [1], strides = [1]} : vector<16xf32> to vector<1xf32>
          %squeeze3A_857 = vector.extract %slice3A_856[0] : f32 from vector<1xf32>
          %add3A_858 = arith.constant 10 : i32
          %add3A_859 = arith.addi %mul3A_74, %add3A_858 : i32
          %get3A_860 = arith.index_cast %add3A_859 : i32 to index
          %get3A_861 = arith.constant 0 : index
          %get3A_862 = tpu.vector_load %arg9[%get3A_860, %get3A_861] {strides = array<i32>} : memref<128x128xf32, #tpu.memory_space<vmem>>, vector<1x16xf32>,
          %get3A_863 = vector.shape_cast %get3A_862 : vector<1x16xf32> to vector<16xf32>
          %mul3A_864 = vector.broadcast %squeeze3A_857 : f32 to vector<16xf32>
          %mul3A_865 = arith.mulf %mul3A_864, %get3A_863 : vector<16xf32>
          %add3A_866 = arith.addf %add3A_792, %mul3A_865 : vector<16xf32>
          %add3A_867 = arith.constant 10 : i32
          %add3A_868 = arith.addi %mul3A_74, %add3A_867 : i32
          %get3A_869 = arith.index_cast %add3A_868 : i32 to index
          %get3A_870 = arith.constant 16 : index
          %get3A_871 = tpu.vector_load %arg9[%get3A_869, %get3A_870] {strides = array<i32>} : memref<128x128xf32, #tpu.memory_space<vmem>>, vector<1x16xf32>,
          %get3A_872 = vector.shape_cast %get3A_871 : vector<1x16xf32> to vector<16xf32>
          %mul3A_873 = vector.broadcast %squeeze3A_857 : f32 to vector<16xf32>
          %mul3A_874 = arith.mulf %mul3A_873, %get3A_872 : vector<16xf32>
          %add3A_875 = arith.addf %add3A_801, %mul3A_874 : vector<16xf32>
          %add3A_876 = arith.constant 10 : i32
          %add3A_877 = arith.addi %mul3A_74, %add3A_876 : i32
          %get3A_878 = arith.index_cast %add3A_877 : i32 to index
          %get3A_879 = arith.constant 32 : index
          %get3A_880 = tpu.vector_load %arg9[%get3A_878, %get3A_879] {strides = array<i32>} : memref<128x128xf32, #tpu.memory_space<vmem>>, vector<1x16xf32>,
          %get3A_881 = vector.shape_cast %get3A_880 : vector<1x16xf32> to vector<16xf32>
          %mul3A_882 = vector.broadcast %squeeze3A_857 : f32 to vector<16xf32>
          %mul3A_883 = arith.mulf %mul3A_882, %get3A_881 : vector<16xf32>
          %add3A_884 = arith.addf %add3A_810, %mul3A_883 : vector<16xf32>
          %add3A_885 = arith.constant 10 : i32
          %add3A_886 = arith.addi %mul3A_74, %add3A_885 : i32
          %get3A_887 = arith.index_cast %add3A_886 : i32 to index
          %get3A_888 = arith.constant 48 : index
          %get3A_889 = tpu.vector_load %arg9[%get3A_887, %get3A_888] {strides = array<i32>} : memref<128x128xf32, #tpu.memory_space<vmem>>, vector<1x16xf32>,
          %get3A_890 = vector.shape_cast %get3A_889 : vector<1x16xf32> to vector<16xf32>
          %mul3A_891 = vector.broadcast %squeeze3A_857 : f32 to vector<16xf32>
          %mul3A_892 = arith.mulf %mul3A_891, %get3A_890 : vector<16xf32>
          %add3A_893 = arith.addf %add3A_819, %mul3A_892 : vector<16xf32>
          %add3A_894 = arith.constant 10 : i32
          %add3A_895 = arith.addi %mul3A_74, %add3A_894 : i32
          %get3A_896 = arith.index_cast %add3A_895 : i32 to index
          %get3A_897 = arith.constant 64 : index
          %get3A_898 = tpu.vector_load %arg9[%get3A_896, %get3A_897] {strides = array<i32>} : memref<128x128xf32, #tpu.memory_space<vmem>>, vector<1x16xf32>,
          %get3A_899 = vector.shape_cast %get3A_898 : vector<1x16xf32> to vector<16xf32>
          %mul3A_900 = vector.broadcast %squeeze3A_857 : f32 to vector<16xf32>
          %mul3A_901 = arith.mulf %mul3A_900, %get3A_899 : vector<16xf32>
          %add3A_902 = arith.addf %add3A_828, %mul3A_901 : vector<16xf32>
          %add3A_903 = arith.constant 10 : i32
          %add3A_904 = arith.addi %mul3A_74, %add3A_903 : i32
          %get3A_905 = arith.index_cast %add3A_904 : i32 to index
          %get3A_906 = arith.constant 80 : index
          %get3A_907 = tpu.vector_load %arg9[%get3A_905, %get3A_906] {strides = array<i32>} : memref<128x128xf32, #tpu.memory_space<vmem>>, vector<1x16xf32>,
          %get3A_908 = vector.shape_cast %get3A_907 : vector<1x16xf32> to vector<16xf32>
          %mul3A_909 = vector.broadcast %squeeze3A_857 : f32 to vector<16xf32>
          %mul3A_910 = arith.mulf %mul3A_909, %get3A_908 : vector<16xf32>
          %add3A_911 = arith.addf %add3A_837, %mul3A_910 : vector<16xf32>
          %add3A_912 = arith.constant 10 : i32
          %add3A_913 = arith.addi %mul3A_74, %add3A_912 : i32
          %get3A_914 = arith.index_cast %add3A_913 : i32 to index
          %get3A_915 = arith.constant 96 : index
          %get3A_916 = tpu.vector_load %arg9[%get3A_914, %get3A_915] {strides = array<i32>} : memref<128x128xf32, #tpu.memory_space<vmem>>, vector<1x16xf32>,
          %get3A_917 = vector.shape_cast %get3A_916 : vector<1x16xf32> to vector<16xf32>
          %mul3A_918 = vector.broadcast %squeeze3A_857 : f32 to vector<16xf32>
          %mul3A_919 = arith.mulf %mul3A_918, %get3A_917 : vector<16xf32>
          %add3A_920 = arith.addf %add3A_846, %mul3A_919 : vector<16xf32>
          %add3A_921 = arith.constant 10 : i32
          %add3A_922 = arith.addi %mul3A_74, %add3A_921 : i32
          %get3A_923 = arith.index_cast %add3A_922 : i32 to index
          %get3A_924 = arith.constant 112 : index
          %get3A_925 = tpu.vector_load %arg9[%get3A_923, %get3A_924] {strides = array<i32>} : memref<128x128xf32, #tpu.memory_space<vmem>>, vector<1x16xf32>,
          %get3A_926 = vector.shape_cast %get3A_925 : vector<1x16xf32> to vector<16xf32>
          %mul3A_927 = vector.broadcast %squeeze3A_857 : f32 to vector<16xf32>
          %mul3A_928 = arith.mulf %mul3A_927, %get3A_926 : vector<16xf32>
          %add3A_929 = arith.addf %add3A_855, %mul3A_928 : vector<16xf32>
          %slice3A_930 = vector.extract_strided_slice %get3A_78 {offsets = [11], sizes = [1], strides = [1]} : vector<16xf32> to vector<1xf32>
          %squeeze3A_931 = vector.extract %slice3A_930[0] : f32 from vector<1xf32>
          %add3A_932 = arith.constant 11 : i32
          %add3A_933 = arith.addi %mul3A_74, %add3A_932 : i32
          %get3A_934 = arith.index_cast %add3A_933 : i32 to index
          %get3A_935 = arith.constant 0 : index
          %get3A_936 = tpu.vector_load %arg9[%get3A_934, %get3A_935] {strides = array<i32>} : memref<128x128xf32, #tpu.memory_space<vmem>>, vector<1x16xf32>,
          %get3A_937 = vector.shape_cast %get3A_936 : vector<1x16xf32> to vector<16xf32>
          %mul3A_938 = vector.broadcast %squeeze3A_931 : f32 to vector<16xf32>
          %mul3A_939 = arith.mulf %mul3A_938, %get3A_937 : vector<16xf32>
          %add3A_940 = arith.addf %add3A_866, %mul3A_939 : vector<16xf32>
          %add3A_941 = arith.constant 11 : i32
          %add3A_942 = arith.addi %mul3A_74, %add3A_941 : i32
          %get3A_943 = arith.index_cast %add3A_942 : i32 to index
          %get3A_944 = arith.constant 16 : index
          %get3A_945 = tpu.vector_load %arg9[%get3A_943, %get3A_944] {strides = array<i32>} : memref<128x128xf32, #tpu.memory_space<vmem>>, vector<1x16xf32>,
          %get3A_946 = vector.shape_cast %get3A_945 : vector<1x16xf32> to vector<16xf32>
          %mul3A_947 = vector.broadcast %squeeze3A_931 : f32 to vector<16xf32>
          %mul3A_948 = arith.mulf %mul3A_947, %get3A_946 : vector<16xf32>
          %add3A_949 = arith.addf %add3A_875, %mul3A_948 : vector<16xf32>
          %add3A_950 = arith.constant 11 : i32
          %add3A_951 = arith.addi %mul3A_74, %add3A_950 : i32
          %get3A_952 = arith.index_cast %add3A_951 : i32 to index
          %get3A_953 = arith.constant 32 : index
          %get3A_954 = tpu.vector_load %arg9[%get3A_952, %get3A_953] {strides = array<i32>} : memref<128x128xf32, #tpu.memory_space<vmem>>, vector<1x16xf32>,
          %get3A_955 = vector.shape_cast %get3A_954 : vector<1x16xf32> to vector<16xf32>
          %mul3A_956 = vector.broadcast %squeeze3A_931 : f32 to vector<16xf32>
          %mul3A_957 = arith.mulf %mul3A_956, %get3A_955 : vector<16xf32>
          %add3A_958 = arith.addf %add3A_884, %mul3A_957 : vector<16xf32>
          %add3A_959 = arith.constant 11 : i32
          %add3A_960 = arith.addi %mul3A_74, %add3A_959 : i32
          %get3A_961 = arith.index_cast %add3A_960 : i32 to index
          %get3A_962 = arith.constant 48 : index
          %get3A_963 = tpu.vector_load %arg9[%get3A_961, %get3A_962] {strides = array<i32>} : memref<128x128xf32, #tpu.memory_space<vmem>>, vector<1x16xf32>,
          %get3A_964 = vector.shape_cast %get3A_963 : vector<1x16xf32> to vector<16xf32>
          %mul3A_965 = vector.broadcast %squeeze3A_931 : f32 to vector<16xf32>
          %mul3A_966 = arith.mulf %mul3A_965, %get3A_964 : vector<16xf32>
          %add3A_967 = arith.addf %add3A_893, %mul3A_966 : vector<16xf32>
          %add3A_968 = arith.constant 11 : i32
          %add3A_969 = arith.addi %mul3A_74, %add3A_968 : i32
          %get3A_970 = arith.index_cast %add3A_969 : i32 to index
          %get3A_971 = arith.constant 64 : index
          %get3A_972 = tpu.vector_load %arg9[%get3A_970, %get3A_971] {strides = array<i32>} : memref<128x128xf32, #tpu.memory_space<vmem>>, vector<1x16xf32>,
          %get3A_973 = vector.shape_cast %get3A_972 : vector<1x16xf32> to vector<16xf32>
          %mul3A_974 = vector.broadcast %squeeze3A_931 : f32 to vector<16xf32>
          %mul3A_975 = arith.mulf %mul3A_974, %get3A_973 : vector<16xf32>
          %add3A_976 = arith.addf %add3A_902, %mul3A_975 : vector<16xf32>
          %add3A_977 = arith.constant 11 : i32
          %add3A_978 = arith.addi %mul3A_74, %add3A_977 : i32
          %get3A_979 = arith.index_cast %add3A_978 : i32 to index
          %get3A_980 = arith.constant 80 : index
          %get3A_981 = tpu.vector_load %arg9[%get3A_979, %get3A_980] {strides = array<i32>} : memref<128x128xf32, #tpu.memory_space<vmem>>, vector<1x16xf32>,
          %get3A_982 = vector.shape_cast %get3A_981 : vector<1x16xf32> to vector<16xf32>
          %mul3A_983 = vector.broadcast %squeeze3A_931 : f32 to vector<16xf32>
          %mul3A_984 = arith.mulf %mul3A_983, %get3A_982 : vector<16xf32>
          %add3A_985 = arith.addf %add3A_911, %mul3A_984 : vector<16xf32>
          %add3A_986 = arith.constant 11 : i32
          %add3A_987 = arith.addi %mul3A_74, %add3A_986 : i32
          %get3A_988 = arith.index_cast %add3A_987 : i32 to index
          %get3A_989 = arith.constant 96 : index
          %get3A_990 = tpu.vector_load %arg9[%get3A_988, %get3A_989] {strides = array<i32>} : memref<128x128xf32, #tpu.memory_space<vmem>>, vector<1x16xf32>,
          %get3A_991 = vector.shape_cast %get3A_990 : vector<1x16xf32> to vector<16xf32>
          %mul3A_992 = vector.broadcast %squeeze3A_931 : f32 to vector<16xf32>
          %mul3A_993 = arith.mulf %mul3A_992, %get3A_991 : vector<16xf32>
          %add3A_994 = arith.addf %add3A_920, %mul3A_993 : vector<16xf32>
          %add3A_995 = arith.constant 11 : i32
          %add3A_996 = arith.addi %mul3A_74, %add3A_995 : i32
          %get3A_997 = arith.index_cast %add3A_996 : i32 to index
          %get3A_998 = arith.constant 112 : index
          %get3A_999 = tpu.vector_load %arg9[%get3A_997, %get3A_998] {strides = array<i32>} : memref<128x128xf32, #tpu.memory_space<vmem>>, vector<1x16xf32>,
          %get3A_1000 = vector.shape_cast %get3A_999 : vector<1x16xf32> to vector<16xf32>
          %mul3A_1001 = vector.broadcast %squeeze3A_931 : f32 to vector<16xf32>
          %mul3A_1002 = arith.mulf %mul3A_1001, %get3A_1000 : vector<16xf32>
          %add3A_1003 = arith.addf %add3A_929, %mul3A_1002 : vector<16xf32>
          %slice3A_1004 = vector.extract_strided_slice %get3A_78 {offsets = [12], sizes = [1], strides = [1]} : vector<16xf32> to vector<1xf32>
          %squeeze3A_1005 = vector.extract %slice3A_1004[0] : f32 from vector<1xf32>
          %add3A_1006 = arith.constant 12 : i32
          %add3A_1007 = arith.addi %mul3A_74, %add3A_1006 : i32
          %get3A_1008 = arith.index_cast %add3A_1007 : i32 to index
          %get3A_1009 = arith.constant 0 : index
          %get3A_1010 = tpu.vector_load %arg9[%get3A_1008, %get3A_1009] {strides = array<i32>} : memref<128x128xf32, #tpu.memory_space<vmem>>, vector<1x16xf32>,
          %get3A_1011 = vector.shape_cast %get3A_1010 : vector<1x16xf32> to vector<16xf32>
          %mul3A_1012 = vector.broadcast %squeeze3A_1005 : f32 to vector<16xf32>
          %mul3A_1013 = arith.mulf %mul3A_1012, %get3A_1011 : vector<16xf32>
          %add3A_1014 = arith.addf %add3A_940, %mul3A_1013 : vector<16xf32>
          %add3A_1015 = arith.constant 12 : i32
          %add3A_1016 = arith.addi %mul3A_74, %add3A_1015 : i32
          %get3A_1017 = arith.index_cast %add3A_1016 : i32 to index
          %get3A_1018 = arith.constant 16 : index
          %get3A_1019 = tpu.vector_load %arg9[%get3A_1017, %get3A_1018] {strides = array<i32>} : memref<128x128xf32, #tpu.memory_space<vmem>>, vector<1x16xf32>,
          %get3A_1020 = vector.shape_cast %get3A_1019 : vector<1x16xf32> to vector<16xf32>
          %mul3A_1021 = vector.broadcast %squeeze3A_1005 : f32 to vector<16xf32>
          %mul3A_1022 = arith.mulf %mul3A_1021, %get3A_1020 : vector<16xf32>
          %add3A_1023 = arith.addf %add3A_949, %mul3A_1022 : vector<16xf32>
          %add3A_1024 = arith.constant 12 : i32
          %add3A_1025 = arith.addi %mul3A_74, %add3A_1024 : i32
          %get3A_1026 = arith.index_cast %add3A_1025 : i32 to index
          %get3A_1027 = arith.constant 32 : index
          %get3A_1028 = tpu.vector_load %arg9[%get3A_1026, %get3A_1027] {strides = array<i32>} : memref<128x128xf32, #tpu.memory_space<vmem>>, vector<1x16xf32>,
          %get3A_1029 = vector.shape_cast %get3A_1028 : vector<1x16xf32> to vector<16xf32>
          %mul3A_1030 = vector.broadcast %squeeze3A_1005 : f32 to vector<16xf32>
          %mul3A_1031 = arith.mulf %mul3A_1030, %get3A_1029 : vector<16xf32>
          %add3A_1032 = arith.addf %add3A_958, %mul3A_1031 : vector<16xf32>
          %add3A_1033 = arith.constant 12 : i32
          %add3A_1034 = arith.addi %mul3A_74, %add3A_1033 : i32
          %get3A_1035 = arith.index_cast %add3A_1034 : i32 to index
          %get3A_1036 = arith.constant 48 : index
          %get3A_1037 = tpu.vector_load %arg9[%get3A_1035, %get3A_1036] {strides = array<i32>} : memref<128x128xf32, #tpu.memory_space<vmem>>, vector<1x16xf32>,
          %get3A_1038 = vector.shape_cast %get3A_1037 : vector<1x16xf32> to vector<16xf32>
          %mul3A_1039 = vector.broadcast %squeeze3A_1005 : f32 to vector<16xf32>
          %mul3A_1040 = arith.mulf %mul3A_1039, %get3A_1038 : vector<16xf32>
          %add3A_1041 = arith.addf %add3A_967, %mul3A_1040 : vector<16xf32>
          %add3A_1042 = arith.constant 12 : i32
          %add3A_1043 = arith.addi %mul3A_74, %add3A_1042 : i32
          %get3A_1044 = arith.index_cast %add3A_1043 : i32 to index
          %get3A_1045 = arith.constant 64 : index
          %get3A_1046 = tpu.vector_load %arg9[%get3A_1044, %get3A_1045] {strides = array<i32>} : memref<128x128xf32, #tpu.memory_space<vmem>>, vector<1x16xf32>,
          %get3A_1047 = vector.shape_cast %get3A_1046 : vector<1x16xf32> to vector<16xf32>
          %mul3A_1048 = vector.broadcast %squeeze3A_1005 : f32 to vector<16xf32>
          %mul3A_1049 = arith.mulf %mul3A_1048, %get3A_1047 : vector<16xf32>
          %add3A_1050 = arith.addf %add3A_976, %mul3A_1049 : vector<16xf32>
          %add3A_1051 = arith.constant 12 : i32
          %add3A_1052 = arith.addi %mul3A_74, %add3A_1051 : i32
          %get3A_1053 = arith.index_cast %add3A_1052 : i32 to index
          %get3A_1054 = arith.constant 80 : index
          %get3A_1055 = tpu.vector_load %arg9[%get3A_1053, %get3A_1054] {strides = array<i32>} : memref<128x128xf32, #tpu.memory_space<vmem>>, vector<1x16xf32>,
          %get3A_1056 = vector.shape_cast %get3A_1055 : vector<1x16xf32> to vector<16xf32>
          %mul3A_1057 = vector.broadcast %squeeze3A_1005 : f32 to vector<16xf32>
          %mul3A_1058 = arith.mulf %mul3A_1057, %get3A_1056 : vector<16xf32>
          %add3A_1059 = arith.addf %add3A_985, %mul3A_1058 : vector<16xf32>
          %add3A_1060 = arith.constant 12 : i32
          %add3A_1061 = arith.addi %mul3A_74, %add3A_1060 : i32
          %get3A_1062 = arith.index_cast %add3A_1061 : i32 to index
          %get3A_1063 = arith.constant 96 : index
          %get3A_1064 = tpu.vector_load %arg9[%get3A_1062, %get3A_1063] {strides = array<i32>} : memref<128x128xf32, #tpu.memory_space<vmem>>, vector<1x16xf32>,
          %get3A_1065 = vector.shape_cast %get3A_1064 : vector<1x16xf32> to vector<16xf32>
          %mul3A_1066 = vector.broadcast %squeeze3A_1005 : f32 to vector<16xf32>
          %mul3A_1067 = arith.mulf %mul3A_1066, %get3A_1065 : vector<16xf32>
          %add3A_1068 = arith.addf %add3A_994, %mul3A_1067 : vector<16xf32>
          %add3A_1069 = arith.constant 12 : i32
          %add3A_1070 = arith.addi %mul3A_74, %add3A_1069 : i32
          %get3A_1071 = arith.index_cast %add3A_1070 : i32 to index
          %get3A_1072 = arith.constant 112 : index
          %get3A_1073 = tpu.vector_load %arg9[%get3A_1071, %get3A_1072] {strides = array<i32>} : memref<128x128xf32, #tpu.memory_space<vmem>>, vector<1x16xf32>,
          %get3A_1074 = vector.shape_cast %get3A_1073 : vector<1x16xf32> to vector<16xf32>
          %mul3A_1075 = vector.broadcast %squeeze3A_1005 : f32 to vector<16xf32>
          %mul3A_1076 = arith.mulf %mul3A_1075, %get3A_1074 : vector<16xf32>
          %add3A_1077 = arith.addf %add3A_1003, %mul3A_1076 : vector<16xf32>
          %slice3A_1078 = vector.extract_strided_slice %get3A_78 {offsets = [13], sizes = [1], strides = [1]} : vector<16xf32> to vector<1xf32>
          %squeeze3A_1079 = vector.extract %slice3A_1078[0] : f32 from vector<1xf32>
          %add3A_1080 = arith.constant 13 : i32
          %add3A_1081 = arith.addi %mul3A_74, %add3A_1080 : i32
          %get3A_1082 = arith.index_cast %add3A_1081 : i32 to index
          %get3A_1083 = arith.constant 0 : index
          %get3A_1084 = tpu.vector_load %arg9[%get3A_1082, %get3A_1083] {strides = array<i32>} : memref<128x128xf32, #tpu.memory_space<vmem>>, vector<1x16xf32>,
          %get3A_1085 = vector.shape_cast %get3A_1084 : vector<1x16xf32> to vector<16xf32>
          %mul3A_1086 = vector.broadcast %squeeze3A_1079 : f32 to vector<16xf32>
          %mul3A_1087 = arith.mulf %mul3A_1086, %get3A_1085 : vector<16xf32>
          %add3A_1088 = arith.addf %add3A_1014, %mul3A_1087 : vector<16xf32>
          %add3A_1089 = arith.constant 13 : i32
          %add3A_1090 = arith.addi %mul3A_74, %add3A_1089 : i32
          %get3A_1091 = arith.index_cast %add3A_1090 : i32 to index
          %get3A_1092 = arith.constant 16 : index
          %get3A_1093 = tpu.vector_load %arg9[%get3A_1091, %get3A_1092] {strides = array<i32>} : memref<128x128xf32, #tpu.memory_space<vmem>>, vector<1x16xf32>,
          %get3A_1094 = vector.shape_cast %get3A_1093 : vector<1x16xf32> to vector<16xf32>
          %mul3A_1095 = vector.broadcast %squeeze3A_1079 : f32 to vector<16xf32>
          %mul3A_1096 = arith.mulf %mul3A_1095, %get3A_1094 : vector<16xf32>
          %add3A_1097 = arith.addf %add3A_1023, %mul3A_1096 : vector<16xf32>
          %add3A_1098 = arith.constant 13 : i32
          %add3A_1099 = arith.addi %mul3A_74, %add3A_1098 : i32
          %get3A_1100 = arith.index_cast %add3A_1099 : i32 to index
          %get3A_1101 = arith.constant 32 : index
          %get3A_1102 = tpu.vector_load %arg9[%get3A_1100, %get3A_1101] {strides = array<i32>} : memref<128x128xf32, #tpu.memory_space<vmem>>, vector<1x16xf32>,
          %get3A_1103 = vector.shape_cast %get3A_1102 : vector<1x16xf32> to vector<16xf32>
          %mul3A_1104 = vector.broadcast %squeeze3A_1079 : f32 to vector<16xf32>
          %mul3A_1105 = arith.mulf %mul3A_1104, %get3A_1103 : vector<16xf32>
          %add3A_1106 = arith.addf %add3A_1032, %mul3A_1105 : vector<16xf32>
          %add3A_1107 = arith.constant 13 : i32
          %add3A_1108 = arith.addi %mul3A_74, %add3A_1107 : i32
          %get3A_1109 = arith.index_cast %add3A_1108 : i32 to index
          %get3A_1110 = arith.constant 48 : index
          %get3A_1111 = tpu.vector_load %arg9[%get3A_1109, %get3A_1110] {strides = array<i32>} : memref<128x128xf32, #tpu.memory_space<vmem>>, vector<1x16xf32>,
          %get3A_1112 = vector.shape_cast %get3A_1111 : vector<1x16xf32> to vector<16xf32>
          %mul3A_1113 = vector.broadcast %squeeze3A_1079 : f32 to vector<16xf32>
          %mul3A_1114 = arith.mulf %mul3A_1113, %get3A_1112 : vector<16xf32>
          %add3A_1115 = arith.addf %add3A_1041, %mul3A_1114 : vector<16xf32>
          %add3A_1116 = arith.constant 13 : i32
          %add3A_1117 = arith.addi %mul3A_74, %add3A_1116 : i32
          %get3A_1118 = arith.index_cast %add3A_1117 : i32 to index
          %get3A_1119 = arith.constant 64 : index
          %get3A_1120 = tpu.vector_load %arg9[%get3A_1118, %get3A_1119] {strides = array<i32>} : memref<128x128xf32, #tpu.memory_space<vmem>>, vector<1x16xf32>,
          %get3A_1121 = vector.shape_cast %get3A_1120 : vector<1x16xf32> to vector<16xf32>
          %mul3A_1122 = vector.broadcast %squeeze3A_1079 : f32 to vector<16xf32>
          %mul3A_1123 = arith.mulf %mul3A_1122, %get3A_1121 : vector<16xf32>
          %add3A_1124 = arith.addf %add3A_1050, %mul3A_1123 : vector<16xf32>
          %add3A_1125 = arith.constant 13 : i32
          %add3A_1126 = arith.addi %mul3A_74, %add3A_1125 : i32
          %get3A_1127 = arith.index_cast %add3A_1126 : i32 to index
          %get3A_1128 = arith.constant 80 : index
          %get3A_1129 = tpu.vector_load %arg9[%get3A_1127, %get3A_1128] {strides = array<i32>} : memref<128x128xf32, #tpu.memory_space<vmem>>, vector<1x16xf32>,
          %get3A_1130 = vector.shape_cast %get3A_1129 : vector<1x16xf32> to vector<16xf32>
          %mul3A_1131 = vector.broadcast %squeeze3A_1079 : f32 to vector<16xf32>
          %mul3A_1132 = arith.mulf %mul3A_1131, %get3A_1130 : vector<16xf32>
          %add3A_1133 = arith.addf %add3A_1059, %mul3A_1132 : vector<16xf32>
          %add3A_1134 = arith.constant 13 : i32
          %add3A_1135 = arith.addi %mul3A_74, %add3A_1134 : i32
          %get3A_1136 = arith.index_cast %add3A_1135 : i32 to index
          %get3A_1137 = arith.constant 96 : index
          %get3A_1138 = tpu.vector_load %arg9[%get3A_1136, %get3A_1137] {strides = array<i32>} : memref<128x128xf32, #tpu.memory_space<vmem>>, vector<1x16xf32>,
          %get3A_1139 = vector.shape_cast %get3A_1138 : vector<1x16xf32> to vector<16xf32>
          %mul3A_1140 = vector.broadcast %squeeze3A_1079 : f32 to vector<16xf32>
          %mul3A_1141 = arith.mulf %mul3A_1140, %get3A_1139 : vector<16xf32>
          %add3A_1142 = arith.addf %add3A_1068, %mul3A_1141 : vector<16xf32>
          %add3A_1143 = arith.constant 13 : i32
          %add3A_1144 = arith.addi %mul3A_74, %add3A_1143 : i32
          %get3A_1145 = arith.index_cast %add3A_1144 : i32 to index
          %get3A_1146 = arith.constant 112 : index
          %get3A_1147 = tpu.vector_load %arg9[%get3A_1145, %get3A_1146] {strides = array<i32>} : memref<128x128xf32, #tpu.memory_space<vmem>>, vector<1x16xf32>,
          %get3A_1148 = vector.shape_cast %get3A_1147 : vector<1x16xf32> to vector<16xf32>
          %mul3A_1149 = vector.broadcast %squeeze3A_1079 : f32 to vector<16xf32>
          %mul3A_1150 = arith.mulf %mul3A_1149, %get3A_1148 : vector<16xf32>
          %add3A_1151 = arith.addf %add3A_1077, %mul3A_1150 : vector<16xf32>
          %slice3A_1152 = vector.extract_strided_slice %get3A_78 {offsets = [14], sizes = [1], strides = [1]} : vector<16xf32> to vector<1xf32>
          %squeeze3A_1153 = vector.extract %slice3A_1152[0] : f32 from vector<1xf32>
          %add3A_1154 = arith.constant 14 : i32
          %add3A_1155 = arith.addi %mul3A_74, %add3A_1154 : i32
          %get3A_1156 = arith.index_cast %add3A_1155 : i32 to index
          %get3A_1157 = arith.constant 0 : index
          %get3A_1158 = tpu.vector_load %arg9[%get3A_1156, %get3A_1157] {strides = array<i32>} : memref<128x128xf32, #tpu.memory_space<vmem>>, vector<1x16xf32>,
          %get3A_1159 = vector.shape_cast %get3A_1158 : vector<1x16xf32> to vector<16xf32>
          %mul3A_1160 = vector.broadcast %squeeze3A_1153 : f32 to vector<16xf32>
          %mul3A_1161 = arith.mulf %mul3A_1160, %get3A_1159 : vector<16xf32>
          %add3A_1162 = arith.addf %add3A_1088, %mul3A_1161 : vector<16xf32>
          %add3A_1163 = arith.constant 14 : i32
          %add3A_1164 = arith.addi %mul3A_74, %add3A_1163 : i32
          %get3A_1165 = arith.index_cast %add3A_1164 : i32 to index
          %get3A_1166 = arith.constant 16 : index
          %get3A_1167 = tpu.vector_load %arg9[%get3A_1165, %get3A_1166] {strides = array<i32>} : memref<128x128xf32, #tpu.memory_space<vmem>>, vector<1x16xf32>,
          %get3A_1168 = vector.shape_cast %get3A_1167 : vector<1x16xf32> to vector<16xf32>
          %mul3A_1169 = vector.broadcast %squeeze3A_1153 : f32 to vector<16xf32>
          %mul3A_1170 = arith.mulf %mul3A_1169, %get3A_1168 : vector<16xf32>
          %add3A_1171 = arith.addf %add3A_1097, %mul3A_1170 : vector<16xf32>
          %add3A_1172 = arith.constant 14 : i32
          %add3A_1173 = arith.addi %mul3A_74, %add3A_1172 : i32
          %get3A_1174 = arith.index_cast %add3A_1173 : i32 to index
          %get3A_1175 = arith.constant 32 : index
          %get3A_1176 = tpu.vector_load %arg9[%get3A_1174, %get3A_1175] {strides = array<i32>} : memref<128x128xf32, #tpu.memory_space<vmem>>, vector<1x16xf32>,
          %get3A_1177 = vector.shape_cast %get3A_1176 : vector<1x16xf32> to vector<16xf32>
          %mul3A_1178 = vector.broadcast %squeeze3A_1153 : f32 to vector<16xf32>
          %mul3A_1179 = arith.mulf %mul3A_1178, %get3A_1177 : vector<16xf32>
          %add3A_1180 = arith.addf %add3A_1106, %mul3A_1179 : vector<16xf32>
          %add3A_1181 = arith.constant 14 : i32
          %add3A_1182 = arith.addi %mul3A_74, %add3A_1181 : i32
          %get3A_1183 = arith.index_cast %add3A_1182 : i32 to index
          %get3A_1184 = arith.constant 48 : index
          %get3A_1185 = tpu.vector_load %arg9[%get3A_1183, %get3A_1184] {strides = array<i32>} : memref<128x128xf32, #tpu.memory_space<vmem>>, vector<1x16xf32>,
          %get3A_1186 = vector.shape_cast %get3A_1185 : vector<1x16xf32> to vector<16xf32>
          %mul3A_1187 = vector.broadcast %squeeze3A_1153 : f32 to vector<16xf32>
          %mul3A_1188 = arith.mulf %mul3A_1187, %get3A_1186 : vector<16xf32>
          %add3A_1189 = arith.addf %add3A_1115, %mul3A_1188 : vector<16xf32>
          %add3A_1190 = arith.constant 14 : i32
          %add3A_1191 = arith.addi %mul3A_74, %add3A_1190 : i32
          %get3A_1192 = arith.index_cast %add3A_1191 : i32 to index
          %get3A_1193 = arith.constant 64 : index
          %get3A_1194 = tpu.vector_load %arg9[%get3A_1192, %get3A_1193] {strides = array<i32>} : memref<128x128xf32, #tpu.memory_space<vmem>>, vector<1x16xf32>,
          %get3A_1195 = vector.shape_cast %get3A_1194 : vector<1x16xf32> to vector<16xf32>
          %mul3A_1196 = vector.broadcast %squeeze3A_1153 : f32 to vector<16xf32>
          %mul3A_1197 = arith.mulf %mul3A_1196, %get3A_1195 : vector<16xf32>
          %add3A_1198 = arith.addf %add3A_1124, %mul3A_1197 : vector<16xf32>
          %add3A_1199 = arith.constant 14 : i32
          %add3A_1200 = arith.addi %mul3A_74, %add3A_1199 : i32
          %get3A_1201 = arith.index_cast %add3A_1200 : i32 to index
          %get3A_1202 = arith.constant 80 : index
          %get3A_1203 = tpu.vector_load %arg9[%get3A_1201, %get3A_1202] {strides = array<i32>} : memref<128x128xf32, #tpu.memory_space<vmem>>, vector<1x16xf32>,
          %get3A_1204 = vector.shape_cast %get3A_1203 : vector<1x16xf32> to vector<16xf32>
          %mul3A_1205 = vector.broadcast %squeeze3A_1153 : f32 to vector<16xf32>
          %mul3A_1206 = arith.mulf %mul3A_1205, %get3A_1204 : vector<16xf32>
          %add3A_1207 = arith.addf %add3A_1133, %mul3A_1206 : vector<16xf32>
          %add3A_1208 = arith.constant 14 : i32
          %add3A_1209 = arith.addi %mul3A_74, %add3A_1208 : i32
          %get3A_1210 = arith.index_cast %add3A_1209 : i32 to index
          %get3A_1211 = arith.constant 96 : index
          %get3A_1212 = tpu.vector_load %arg9[%get3A_1210, %get3A_1211] {strides = array<i32>} : memref<128x128xf32, #tpu.memory_space<vmem>>, vector<1x16xf32>,
          %get3A_1213 = vector.shape_cast %get3A_1212 : vector<1x16xf32> to vector<16xf32>
          %mul3A_1214 = vector.broadcast %squeeze3A_1153 : f32 to vector<16xf32>
          %mul3A_1215 = arith.mulf %mul3A_1214, %get3A_1213 : vector<16xf32>
          %add3A_1216 = arith.addf %add3A_1142, %mul3A_1215 : vector<16xf32>
          %add3A_1217 = arith.constant 14 : i32
          %add3A_1218 = arith.addi %mul3A_74, %add3A_1217 : i32
          %get3A_1219 = arith.index_cast %add3A_1218 : i32 to index
          %get3A_1220 = arith.constant 112 : index
          %get3A_1221 = tpu.vector_load %arg9[%get3A_1219, %get3A_1220] {strides = array<i32>} : memref<128x128xf32, #tpu.memory_space<vmem>>, vector<1x16xf32>,
          %get3A_1222 = vector.shape_cast %get3A_1221 : vector<1x16xf32> to vector<16xf32>
          %mul3A_1223 = vector.broadcast %squeeze3A_1153 : f32 to vector<16xf32>
          %mul3A_1224 = arith.mulf %mul3A_1223, %get3A_1222 : vector<16xf32>
          %add3A_1225 = arith.addf %add3A_1151, %mul3A_1224 : vector<16xf32>
          %slice3A_1226 = vector.extract_strided_slice %get3A_78 {offsets = [15], sizes = [1], strides = [1]} : vector<16xf32> to vector<1xf32>
          %squeeze3A_1227 = vector.extract %slice3A_1226[0] : f32 from vector<1xf32>
          %add3A_1228 = arith.constant 15 : i32
          %add3A_1229 = arith.addi %mul3A_74, %add3A_1228 : i32
          %get3A_1230 = arith.index_cast %add3A_1229 : i32 to index
          %get3A_1231 = arith.constant 0 : index
          %get3A_1232 = tpu.vector_load %arg9[%get3A_1230, %get3A_1231] {strides = array<i32>} : memref<128x128xf32, #tpu.memory_space<vmem>>, vector<1x16xf32>,
          %get3A_1233 = vector.shape_cast %get3A_1232 : vector<1x16xf32> to vector<16xf32>
          %mul3A_1234 = vector.broadcast %squeeze3A_1227 : f32 to vector<16xf32>
          %mul3A_1235 = arith.mulf %mul3A_1234, %get3A_1233 : vector<16xf32>
          %add3A_1236 = arith.addf %add3A_1162, %mul3A_1235 : vector<16xf32>
          %add3A_1237 = arith.constant 15 : i32
          %add3A_1238 = arith.addi %mul3A_74, %add3A_1237 : i32
          %get3A_1239 = arith.index_cast %add3A_1238 : i32 to index
          %get3A_1240 = arith.constant 16 : index
          %get3A_1241 = tpu.vector_load %arg9[%get3A_1239, %get3A_1240] {strides = array<i32>} : memref<128x128xf32, #tpu.memory_space<vmem>>, vector<1x16xf32>,
          %get3A_1242 = vector.shape_cast %get3A_1241 : vector<1x16xf32> to vector<16xf32>
          %mul3A_1243 = vector.broadcast %squeeze3A_1227 : f32 to vector<16xf32>
          %mul3A_1244 = arith.mulf %mul3A_1243, %get3A_1242 : vector<16xf32>
          %add3A_1245 = arith.addf %add3A_1171, %mul3A_1244 : vector<16xf32>
          %add3A_1246 = arith.constant 15 : i32
          %add3A_1247 = arith.addi %mul3A_74, %add3A_1246 : i32
          %get3A_1248 = arith.index_cast %add3A_1247 : i32 to index
          %get3A_1249 = arith.constant 32 : index
          %get3A_1250 = tpu.vector_load %arg9[%get3A_1248, %get3A_1249] {strides = array<i32>} : memref<128x128xf32, #tpu.memory_space<vmem>>, vector<1x16xf32>,
          %get3A_1251 = vector.shape_cast %get3A_1250 : vector<1x16xf32> to vector<16xf32>
          %mul3A_1252 = vector.broadcast %squeeze3A_1227 : f32 to vector<16xf32>
          %mul3A_1253 = arith.mulf %mul3A_1252, %get3A_1251 : vector<16xf32>
          %add3A_1254 = arith.addf %add3A_1180, %mul3A_1253 : vector<16xf32>
          %add3A_1255 = arith.constant 15 : i32
          %add3A_1256 = arith.addi %mul3A_74, %add3A_1255 : i32
          %get3A_1257 = arith.index_cast %add3A_1256 : i32 to index
          %get3A_1258 = arith.constant 48 : index
          %get3A_1259 = tpu.vector_load %arg9[%get3A_1257, %get3A_1258] {strides = array<i32>} : memref<128x128xf32, #tpu.memory_space<vmem>>, vector<1x16xf32>,
          %get3A_1260 = vector.shape_cast %get3A_1259 : vector<1x16xf32> to vector<16xf32>
          %mul3A_1261 = vector.broadcast %squeeze3A_1227 : f32 to vector<16xf32>
          %mul3A_1262 = arith.mulf %mul3A_1261, %get3A_1260 : vector<16xf32>
          %add3A_1263 = arith.addf %add3A_1189, %mul3A_1262 : vector<16xf32>
          %add3A_1264 = arith.constant 15 : i32
          %add3A_1265 = arith.addi %mul3A_74, %add3A_1264 : i32
          %get3A_1266 = arith.index_cast %add3A_1265 : i32 to index
          %get3A_1267 = arith.constant 64 : index
          %get3A_1268 = tpu.vector_load %arg9[%get3A_1266, %get3A_1267] {strides = array<i32>} : memref<128x128xf32, #tpu.memory_space<vmem>>, vector<1x16xf32>,
          %get3A_1269 = vector.shape_cast %get3A_1268 : vector<1x16xf32> to vector<16xf32>
          %mul3A_1270 = vector.broadcast %squeeze3A_1227 : f32 to vector<16xf32>
          %mul3A_1271 = arith.mulf %mul3A_1270, %get3A_1269 : vector<16xf32>
          %add3A_1272 = arith.addf %add3A_1198, %mul3A_1271 : vector<16xf32>
          %add3A_1273 = arith.constant 15 : i32
          %add3A_1274 = arith.addi %mul3A_74, %add3A_1273 : i32
          %get3A_1275 = arith.index_cast %add3A_1274 : i32 to index
          %get3A_1276 = arith.constant 80 : index
          %get3A_1277 = tpu.vector_load %arg9[%get3A_1275, %get3A_1276] {strides = array<i32>} : memref<128x128xf32, #tpu.memory_space<vmem>>, vector<1x16xf32>,
          %get3A_1278 = vector.shape_cast %get3A_1277 : vector<1x16xf32> to vector<16xf32>
          %mul3A_1279 = vector.broadcast %squeeze3A_1227 : f32 to vector<16xf32>
          %mul3A_1280 = arith.mulf %mul3A_1279, %get3A_1278 : vector<16xf32>
          %add3A_1281 = arith.addf %add3A_1207, %mul3A_1280 : vector<16xf32>
          %add3A_1282 = arith.constant 15 : i32
          %add3A_1283 = arith.addi %mul3A_74, %add3A_1282 : i32
          %get3A_1284 = arith.index_cast %add3A_1283 : i32 to index
          %get3A_1285 = arith.constant 96 : index
          %get3A_1286 = tpu.vector_load %arg9[%get3A_1284, %get3A_1285] {strides = array<i32>} : memref<128x128xf32, #tpu.memory_space<vmem>>, vector<1x16xf32>,
          %get3A_1287 = vector.shape_cast %get3A_1286 : vector<1x16xf32> to vector<16xf32>
          %mul3A_1288 = vector.broadcast %squeeze3A_1227 : f32 to vector<16xf32>
          %mul3A_1289 = arith.mulf %mul3A_1288, %get3A_1287 : vector<16xf32>
          %add3A_1290 = arith.addf %add3A_1216, %mul3A_1289 : vector<16xf32>
          %add3A_1291 = arith.constant 15 : i32
          %add3A_1292 = arith.addi %mul3A_74, %add3A_1291 : i32
          %get3A_1293 = arith.index_cast %add3A_1292 : i32 to index
          %get3A_1294 = arith.constant 112 : index
          %get3A_1295 = tpu.vector_load %arg9[%get3A_1293, %get3A_1294] {strides = array<i32>} : memref<128x128xf32, #tpu.memory_space<vmem>>, vector<1x16xf32>,
          %get3A_1296 = vector.shape_cast %get3A_1295 : vector<1x16xf32> to vector<16xf32>
          %mul3A_1297 = vector.broadcast %squeeze3A_1227 : f32 to vector<16xf32>
          %mul3A_1298 = arith.mulf %mul3A_1297, %get3A_1296 : vector<16xf32>
          %add3A_1299 = arith.addf %add3A_1225, %mul3A_1298 : vector<16xf32>
          %slice3A_1300 = vector.extract_strided_slice %get3A_85 {offsets = [0], sizes = [1], strides = [1]} : vector<16xf32> to vector<1xf32>
          %squeeze3A_1301 = vector.extract %slice3A_1300[0] : f32 from vector<1xf32>
          %add3A_1302 = arith.constant 16 : i32
          %add3A_1303 = arith.addi %mul3A_74, %add3A_1302 : i32
          %get3A_1304 = arith.index_cast %add3A_1303 : i32 to index
          %get3A_1305 = arith.constant 0 : index
          %get3A_1306 = tpu.vector_load %arg9[%get3A_1304, %get3A_1305] {strides = array<i32>} : memref<128x128xf32, #tpu.memory_space<vmem>>, vector<1x16xf32>,
          %get3A_1307 = vector.shape_cast %get3A_1306 : vector<1x16xf32> to vector<16xf32>
          %mul3A_1308 = vector.broadcast %squeeze3A_1301 : f32 to vector<16xf32>
          %mul3A_1309 = arith.mulf %mul3A_1308, %get3A_1307 : vector<16xf32>
          %add3A_1310 = arith.addf %add3A_1236, %mul3A_1309 : vector<16xf32>
          %add3A_1311 = arith.constant 16 : i32
          %add3A_1312 = arith.addi %mul3A_74, %add3A_1311 : i32
          %get3A_1313 = arith.index_cast %add3A_1312 : i32 to index
          %get3A_1314 = arith.constant 16 : index
          %get3A_1315 = tpu.vector_load %arg9[%get3A_1313, %get3A_1314] {strides = array<i32>} : memref<128x128xf32, #tpu.memory_space<vmem>>, vector<1x16xf32>,
          %get3A_1316 = vector.shape_cast %get3A_1315 : vector<1x16xf32> to vector<16xf32>
          %mul3A_1317 = vector.broadcast %squeeze3A_1301 : f32 to vector<16xf32>
          %mul3A_1318 = arith.mulf %mul3A_1317, %get3A_1316 : vector<16xf32>
          %add3A_1319 = arith.addf %add3A_1245, %mul3A_1318 : vector<16xf32>
          %add3A_1320 = arith.constant 16 : i32
          %add3A_1321 = arith.addi %mul3A_74, %add3A_1320 : i32
          %get3A_1322 = arith.index_cast %add3A_1321 : i32 to index
          %get3A_1323 = arith.constant 32 : index
          %get3A_1324 = tpu.vector_load %arg9[%get3A_1322, %get3A_1323] {strides = array<i32>} : memref<128x128xf32, #tpu.memory_space<vmem>>, vector<1x16xf32>,
          %get3A_1325 = vector.shape_cast %get3A_1324 : vector<1x16xf32> to vector<16xf32>
          %mul3A_1326 = vector.broadcast %squeeze3A_1301 : f32 to vector<16xf32>
          %mul3A_1327 = arith.mulf %mul3A_1326, %get3A_1325 : vector<16xf32>
          %add3A_1328 = arith.addf %add3A_1254, %mul3A_1327 : vector<16xf32>
          %add3A_1329 = arith.constant 16 : i32
          %add3A_1330 = arith.addi %mul3A_74, %add3A_1329 : i32
          %get3A_1331 = arith.index_cast %add3A_1330 : i32 to index
          %get3A_1332 = arith.constant 48 : index
          %get3A_1333 = tpu.vector_load %arg9[%get3A_1331, %get3A_1332] {strides = array<i32>} : memref<128x128xf32, #tpu.memory_space<vmem>>, vector<1x16xf32>,
          %get3A_1334 = vector.shape_cast %get3A_1333 : vector<1x16xf32> to vector<16xf32>
          %mul3A_1335 = vector.broadcast %squeeze3A_1301 : f32 to vector<16xf32>
          %mul3A_1336 = arith.mulf %mul3A_1335, %get3A_1334 : vector<16xf32>
          %add3A_1337 = arith.addf %add3A_1263, %mul3A_1336 : vector<16xf32>
          %add3A_1338 = arith.constant 16 : i32
          %add3A_1339 = arith.addi %mul3A_74, %add3A_1338 : i32
          %get3A_1340 = arith.index_cast %add3A_1339 : i32 to index
          %get3A_1341 = arith.constant 64 : index
          %get3A_1342 = tpu.vector_load %arg9[%get3A_1340, %get3A_1341] {strides = array<i32>} : memref<128x128xf32, #tpu.memory_space<vmem>>, vector<1x16xf32>,
          %get3A_1343 = vector.shape_cast %get3A_1342 : vector<1x16xf32> to vector<16xf32>
          %mul3A_1344 = vector.broadcast %squeeze3A_1301 : f32 to vector<16xf32>
          %mul3A_1345 = arith.mulf %mul3A_1344, %get3A_1343 : vector<16xf32>
          %add3A_1346 = arith.addf %add3A_1272, %mul3A_1345 : vector<16xf32>
          %add3A_1347 = arith.constant 16 : i32
          %add3A_1348 = arith.addi %mul3A_74, %add3A_1347 : i32
          %get3A_1349 = arith.index_cast %add3A_1348 : i32 to index
          %get3A_1350 = arith.constant 80 : index
          %get3A_1351 = tpu.vector_load %arg9[%get3A_1349, %get3A_1350] {strides = array<i32>} : memref<128x128xf32, #tpu.memory_space<vmem>>, vector<1x16xf32>,
          %get3A_1352 = vector.shape_cast %get3A_1351 : vector<1x16xf32> to vector<16xf32>
          %mul3A_1353 = vector.broadcast %squeeze3A_1301 : f32 to vector<16xf32>
          %mul3A_1354 = arith.mulf %mul3A_1353, %get3A_1352 : vector<16xf32>
          %add3A_1355 = arith.addf %add3A_1281, %mul3A_1354 : vector<16xf32>
          %add3A_1356 = arith.constant 16 : i32
          %add3A_1357 = arith.addi %mul3A_74, %add3A_1356 : i32
          %get3A_1358 = arith.index_cast %add3A_1357 : i32 to index
          %get3A_1359 = arith.constant 96 : index
          %get3A_1360 = tpu.vector_load %arg9[%get3A_1358, %get3A_1359] {strides = array<i32>} : memref<128x128xf32, #tpu.memory_space<vmem>>, vector<1x16xf32>,
          %get3A_1361 = vector.shape_cast %get3A_1360 : vector<1x16xf32> to vector<16xf32>
          %mul3A_1362 = vector.broadcast %squeeze3A_1301 : f32 to vector<16xf32>
          %mul3A_1363 = arith.mulf %mul3A_1362, %get3A_1361 : vector<16xf32>
          %add3A_1364 = arith.addf %add3A_1290, %mul3A_1363 : vector<16xf32>
          %add3A_1365 = arith.constant 16 : i32
          %add3A_1366 = arith.addi %mul3A_74, %add3A_1365 : i32
          %get3A_1367 = arith.index_cast %add3A_1366 : i32 to index
          %get3A_1368 = arith.constant 112 : index
          %get3A_1369 = tpu.vector_load %arg9[%get3A_1367, %get3A_1368] {strides = array<i32>} : memref<128x128xf32, #tpu.memory_space<vmem>>, vector<1x16xf32>,
          %get3A_1370 = vector.shape_cast %get3A_1369 : vector<1x16xf32> to vector<16xf32>
          %mul3A_1371 = vector.broadcast %squeeze3A_1301 : f32 to vector<16xf32>
          %mul3A_1372 = arith.mulf %mul3A_1371, %get3A_1370 : vector<16xf32>
          %add3A_1373 = arith.addf %add3A_1299, %mul3A_1372 : vector<16xf32>
          %slice3A_1374 = vector.extract_strided_slice %get3A_85 {offsets = [1], sizes = [1], strides = [1]} : vector<16xf32> to vector<1xf32>
          %squeeze3A_1375 = vector.extract %slice3A_1374[0] : f32 from vector<1xf32>
          %add3A_1376 = arith.constant 17 : i32
          %add3A_1377 = arith.addi %mul3A_74, %add3A_1376 : i32
          %get3A_1378 = arith.index_cast %add3A_1377 : i32 to index
          %get3A_1379 = arith.constant 0 : index
          %get3A_1380 = tpu.vector_load %arg9[%get3A_1378, %get3A_1379] {strides = array<i32>} : memref<128x128xf32, #tpu.memory_space<vmem>>, vector<1x16xf32>,
          %get3A_1381 = vector.shape_cast %get3A_1380 : vector<1x16xf32> to vector<16xf32>
          %mul3A_1382 = vector.broadcast %squeeze3A_1375 : f32 to vector<16xf32>
          %mul3A_1383 = arith.mulf %mul3A_1382, %get3A_1381 : vector<16xf32>
          %add3A_1384 = arith.addf %add3A_1310, %mul3A_1383 : vector<16xf32>
          %add3A_1385 = arith.constant 17 : i32
          %add3A_1386 = arith.addi %mul3A_74, %add3A_1385 : i32
          %get3A_1387 = arith.index_cast %add3A_1386 : i32 to index
          %get3A_1388 = arith.constant 16 : index
          %get3A_1389 = tpu.vector_load %arg9[%get3A_1387, %get3A_1388] {strides = array<i32>} : memref<128x128xf32, #tpu.memory_space<vmem>>, vector<1x16xf32>,
          %get3A_1390 = vector.shape_cast %get3A_1389 : vector<1x16xf32> to vector<16xf32>
          %mul3A_1391 = vector.broadcast %squeeze3A_1375 : f32 to vector<16xf32>
          %mul3A_1392 = arith.mulf %mul3A_1391, %get3A_1390 : vector<16xf32>
          %add3A_1393 = arith.addf %add3A_1319, %mul3A_1392 : vector<16xf32>
          %add3A_1394 = arith.constant 17 : i32
          %add3A_1395 = arith.addi %mul3A_74, %add3A_1394 : i32
          %get3A_1396 = arith.index_cast %add3A_1395 : i32 to index
          %get3A_1397 = arith.constant 32 : index
          %get3A_1398 = tpu.vector_load %arg9[%get3A_1396, %get3A_1397] {strides = array<i32>} : memref<128x128xf32, #tpu.memory_space<vmem>>, vector<1x16xf32>,
          %get3A_1399 = vector.shape_cast %get3A_1398 : vector<1x16xf32> to vector<16xf32>
          %mul3A_1400 = vector.broadcast %squeeze3A_1375 : f32 to vector<16xf32>
          %mul3A_1401 = arith.mulf %mul3A_1400, %get3A_1399 : vector<16xf32>
          %add3A_1402 = arith.addf %add3A_1328, %mul3A_1401 : vector<16xf32>
          %add3A_1403 = arith.constant 17 : i32
          %add3A_1404 = arith.addi %mul3A_74, %add3A_1403 : i32
          %get3A_1405 = arith.index_cast %add3A_1404 : i32 to index
          %get3A_1406 = arith.constant 48 : index
          %get3A_1407 = tpu.vector_load %arg9[%get3A_1405, %get3A_1406] {strides = array<i32>} : memref<128x128xf32, #tpu.memory_space<vmem>>, vector<1x16xf32>,
          %get3A_1408 = vector.shape_cast %get3A_1407 : vector<1x16xf32> to vector<16xf32>
          %mul3A_1409 = vector.broadcast %squeeze3A_1375 : f32 to vector<16xf32>
          %mul3A_1410 = arith.mulf %mul3A_1409, %get3A_1408 : vector<16xf32>
          %add3A_1411 = arith.addf %add3A_1337, %mul3A_1410 : vector<16xf32>
          %add3A_1412 = arith.constant 17 : i32
          %add3A_1413 = arith.addi %mul3A_74, %add3A_1412 : i32
          %get3A_1414 = arith.index_cast %add3A_1413 : i32 to index
          %get3A_1415 = arith.constant 64 : index
          %get3A_1416 = tpu.vector_load %arg9[%get3A_1414, %get3A_1415] {strides = array<i32>} : memref<128x128xf32, #tpu.memory_space<vmem>>, vector<1x16xf32>,
          %get3A_1417 = vector.shape_cast %get3A_1416 : vector<1x16xf32> to vector<16xf32>
          %mul3A_1418 = vector.broadcast %squeeze3A_1375 : f32 to vector<16xf32>
          %mul3A_1419 = arith.mulf %mul3A_1418, %get3A_1417 : vector<16xf32>
          %add3A_1420 = arith.addf %add3A_1346, %mul3A_1419 : vector<16xf32>
          %add3A_1421 = arith.constant 17 : i32
          %add3A_1422 = arith.addi %mul3A_74, %add3A_1421 : i32
          %get3A_1423 = arith.index_cast %add3A_1422 : i32 to index
          %get3A_1424 = arith.constant 80 : index
          %get3A_1425 = tpu.vector_load %arg9[%get3A_1423, %get3A_1424] {strides = array<i32>} : memref<128x128xf32, #tpu.memory_space<vmem>>, vector<1x16xf32>,
          %get3A_1426 = vector.shape_cast %get3A_1425 : vector<1x16xf32> to vector<16xf32>
          %mul3A_1427 = vector.broadcast %squeeze3A_1375 : f32 to vector<16xf32>
          %mul3A_1428 = arith.mulf %mul3A_1427, %get3A_1426 : vector<16xf32>
          %add3A_1429 = arith.addf %add3A_1355, %mul3A_1428 : vector<16xf32>
          %add3A_1430 = arith.constant 17 : i32
          %add3A_1431 = arith.addi %mul3A_74, %add3A_1430 : i32
          %get3A_1432 = arith.index_cast %add3A_1431 : i32 to index
          %get3A_1433 = arith.constant 96 : index
          %get3A_1434 = tpu.vector_load %arg9[%get3A_1432, %get3A_1433] {strides = array<i32>} : memref<128x128xf32, #tpu.memory_space<vmem>>, vector<1x16xf32>,
          %get3A_1435 = vector.shape_cast %get3A_1434 : vector<1x16xf32> to vector<16xf32>
          %mul3A_1436 = vector.broadcast %squeeze3A_1375 : f32 to vector<16xf32>
          %mul3A_1437 = arith.mulf %mul3A_1436, %get3A_1435 : vector<16xf32>
          %add3A_1438 = arith.addf %add3A_1364, %mul3A_1437 : vector<16xf32>
          %add3A_1439 = arith.constant 17 : i32
          %add3A_1440 = arith.addi %mul3A_74, %add3A_1439 : i32
          %get3A_1441 = arith.index_cast %add3A_1440 : i32 to index
          %get3A_1442 = arith.constant 112 : index
          %get3A_1443 = tpu.vector_load %arg9[%get3A_1441, %get3A_1442] {strides = array<i32>} : memref<128x128xf32, #tpu.memory_space<vmem>>, vector<1x16xf32>,
          %get3A_1444 = vector.shape_cast %get3A_1443 : vector<1x16xf32> to vector<16xf32>
          %mul3A_1445 = vector.broadcast %squeeze3A_1375 : f32 to vector<16xf32>
          %mul3A_1446 = arith.mulf %mul3A_1445, %get3A_1444 : vector<16xf32>
          %add3A_1447 = arith.addf %add3A_1373, %mul3A_1446 : vector<16xf32>
          %slice3A_1448 = vector.extract_strided_slice %get3A_85 {offsets = [2], sizes = [1], strides = [1]} : vector<16xf32> to vector<1xf32>
          %squeeze3A_1449 = vector.extract %slice3A_1448[0] : f32 from vector<1xf32>
          %add3A_1450 = arith.constant 18 : i32
          %add3A_1451 = arith.addi %mul3A_74, %add3A_1450 : i32
          %get3A_1452 = arith.index_cast %add3A_1451 : i32 to index
          %get3A_1453 = arith.constant 0 : index
          %get3A_1454 = tpu.vector_load %arg9[%get3A_1452, %get3A_1453] {strides = array<i32>} : memref<128x128xf32, #tpu.memory_space<vmem>>, vector<1x16xf32>,
          %get3A_1455 = vector.shape_cast %get3A_1454 : vector<1x16xf32> to vector<16xf32>
          %mul3A_1456 = vector.broadcast %squeeze3A_1449 : f32 to vector<16xf32>
          %mul3A_1457 = arith.mulf %mul3A_1456, %get3A_1455 : vector<16xf32>
          %add3A_1458 = arith.addf %add3A_1384, %mul3A_1457 : vector<16xf32>
          %add3A_1459 = arith.constant 18 : i32
          %add3A_1460 = arith.addi %mul3A_74, %add3A_1459 : i32
          %get3A_1461 = arith.index_cast %add3A_1460 : i32 to index
          %get3A_1462 = arith.constant 16 : index
          %get3A_1463 = tpu.vector_load %arg9[%get3A_1461, %get3A_1462] {strides = array<i32>} : memref<128x128xf32, #tpu.memory_space<vmem>>, vector<1x16xf32>,
          %get3A_1464 = vector.shape_cast %get3A_1463 : vector<1x16xf32> to vector<16xf32>
          %mul3A_1465 = vector.broadcast %squeeze3A_1449 : f32 to vector<16xf32>
          %mul3A_1466 = arith.mulf %mul3A_1465, %get3A_1464 : vector<16xf32>
          %add3A_1467 = arith.addf %add3A_1393, %mul3A_1466 : vector<16xf32>
          %add3A_1468 = arith.constant 18 : i32
          %add3A_1469 = arith.addi %mul3A_74, %add3A_1468 : i32
          %get3A_1470 = arith.index_cast %add3A_1469 : i32 to index
          %get3A_1471 = arith.constant 32 : index
          %get3A_1472 = tpu.vector_load %arg9[%get3A_1470, %get3A_1471] {strides = array<i32>} : memref<128x128xf32, #tpu.memory_space<vmem>>, vector<1x16xf32>,
          %get3A_1473 = vector.shape_cast %get3A_1472 : vector<1x16xf32> to vector<16xf32>
          %mul3A_1474 = vector.broadcast %squeeze3A_1449 : f32 to vector<16xf32>
          %mul3A_1475 = arith.mulf %mul3A_1474, %get3A_1473 : vector<16xf32>
          %add3A_1476 = arith.addf %add3A_1402, %mul3A_1475 : vector<16xf32>
          %add3A_1477 = arith.constant 18 : i32
          %add3A_1478 = arith.addi %mul3A_74, %add3A_1477 : i32
          %get3A_1479 = arith.index_cast %add3A_1478 : i32 to index
          %get3A_1480 = arith.constant 48 : index
          %get3A_1481 = tpu.vector_load %arg9[%get3A_1479, %get3A_1480] {strides = array<i32>} : memref<128x128xf32, #tpu.memory_space<vmem>>, vector<1x16xf32>,
          %get3A_1482 = vector.shape_cast %get3A_1481 : vector<1x16xf32> to vector<16xf32>
          %mul3A_1483 = vector.broadcast %squeeze3A_1449 : f32 to vector<16xf32>
          %mul3A_1484 = arith.mulf %mul3A_1483, %get3A_1482 : vector<16xf32>
          %add3A_1485 = arith.addf %add3A_1411, %mul3A_1484 : vector<16xf32>
          %add3A_1486 = arith.constant 18 : i32
          %add3A_1487 = arith.addi %mul3A_74, %add3A_1486 : i32
          %get3A_1488 = arith.index_cast %add3A_1487 : i32 to index
          %get3A_1489 = arith.constant 64 : index
          %get3A_1490 = tpu.vector_load %arg9[%get3A_1488, %get3A_1489] {strides = array<i32>} : memref<128x128xf32, #tpu.memory_space<vmem>>, vector<1x16xf32>,
          %get3A_1491 = vector.shape_cast %get3A_1490 : vector<1x16xf32> to vector<16xf32>
          %mul3A_1492 = vector.broadcast %squeeze3A_1449 : f32 to vector<16xf32>
          %mul3A_1493 = arith.mulf %mul3A_1492, %get3A_1491 : vector<16xf32>
          %add3A_1494 = arith.addf %add3A_1420, %mul3A_1493 : vector<16xf32>
          %add3A_1495 = arith.constant 18 : i32
          %add3A_1496 = arith.addi %mul3A_74, %add3A_1495 : i32
          %get3A_1497 = arith.index_cast %add3A_1496 : i32 to index
          %get3A_1498 = arith.constant 80 : index
          %get3A_1499 = tpu.vector_load %arg9[%get3A_1497, %get3A_1498] {strides = array<i32>} : memref<128x128xf32, #tpu.memory_space<vmem>>, vector<1x16xf32>,
          %get3A_1500 = vector.shape_cast %get3A_1499 : vector<1x16xf32> to vector<16xf32>
          %mul3A_1501 = vector.broadcast %squeeze3A_1449 : f32 to vector<16xf32>
          %mul3A_1502 = arith.mulf %mul3A_1501, %get3A_1500 : vector<16xf32>
          %add3A_1503 = arith.addf %add3A_1429, %mul3A_1502 : vector<16xf32>
          %add3A_1504 = arith.constant 18 : i32
          %add3A_1505 = arith.addi %mul3A_74, %add3A_1504 : i32
          %get3A_1506 = arith.index_cast %add3A_1505 : i32 to index
          %get3A_1507 = arith.constant 96 : index
          %get3A_1508 = tpu.vector_load %arg9[%get3A_1506, %get3A_1507] {strides = array<i32>} : memref<128x128xf32, #tpu.memory_space<vmem>>, vector<1x16xf32>,
          %get3A_1509 = vector.shape_cast %get3A_1508 : vector<1x16xf32> to vector<16xf32>
          %mul3A_1510 = vector.broadcast %squeeze3A_1449 : f32 to vector<16xf32>
          %mul3A_1511 = arith.mulf %mul3A_1510, %get3A_1509 : vector<16xf32>
          %add3A_1512 = arith.addf %add3A_1438, %mul3A_1511 : vector<16xf32>
          %add3A_1513 = arith.constant 18 : i32
          %add3A_1514 = arith.addi %mul3A_74, %add3A_1513 : i32
          %get3A_1515 = arith.index_cast %add3A_1514 : i32 to index
          %get3A_1516 = arith.constant 112 : index
          %get3A_1517 = tpu.vector_load %arg9[%get3A_1515, %get3A_1516] {strides = array<i32>} : memref<128x128xf32, #tpu.memory_space<vmem>>, vector<1x16xf32>,
          %get3A_1518 = vector.shape_cast %get3A_1517 : vector<1x16xf32> to vector<16xf32>
          %mul3A_1519 = vector.broadcast %squeeze3A_1449 : f32 to vector<16xf32>
          %mul3A_1520 = arith.mulf %mul3A_1519, %get3A_1518 : vector<16xf32>
          %add3A_1521 = arith.addf %add3A_1447, %mul3A_1520 : vector<16xf32>
          %slice3A_1522 = vector.extract_strided_slice %get3A_85 {offsets = [3], sizes = [1], strides = [1]} : vector<16xf32> to vector<1xf32>
          %squeeze3A_1523 = vector.extract %slice3A_1522[0] : f32 from vector<1xf32>
          %add3A_1524 = arith.constant 19 : i32
          %add3A_1525 = arith.addi %mul3A_74, %add3A_1524 : i32
          %get3A_1526 = arith.index_cast %add3A_1525 : i32 to index
          %get3A_1527 = arith.constant 0 : index
          %get3A_1528 = tpu.vector_load %arg9[%get3A_1526, %get3A_1527] {strides = array<i32>} : memref<128x128xf32, #tpu.memory_space<vmem>>, vector<1x16xf32>,
          %get3A_1529 = vector.shape_cast %get3A_1528 : vector<1x16xf32> to vector<16xf32>
          %mul3A_1530 = vector.broadcast %squeeze3A_1523 : f32 to vector<16xf32>
          %mul3A_1531 = arith.mulf %mul3A_1530, %get3A_1529 : vector<16xf32>
          %add3A_1532 = arith.addf %add3A_1458, %mul3A_1531 : vector<16xf32>
          %add3A_1533 = arith.constant 19 : i32
          %add3A_1534 = arith.addi %mul3A_74, %add3A_1533 : i32
          %get3A_1535 = arith.index_cast %add3A_1534 : i32 to index
          %get3A_1536 = arith.constant 16 : index
          %get3A_1537 = tpu.vector_load %arg9[%get3A_1535, %get3A_1536] {strides = array<i32>} : memref<128x128xf32, #tpu.memory_space<vmem>>, vector<1x16xf32>,
          %get3A_1538 = vector.shape_cast %get3A_1537 : vector<1x16xf32> to vector<16xf32>
          %mul3A_1539 = vector.broadcast %squeeze3A_1523 : f32 to vector<16xf32>
          %mul3A_1540 = arith.mulf %mul3A_1539, %get3A_1538 : vector<16xf32>
          %add3A_1541 = arith.addf %add3A_1467, %mul3A_1540 : vector<16xf32>
          %add3A_1542 = arith.constant 19 : i32
          %add3A_1543 = arith.addi %mul3A_74, %add3A_1542 : i32
          %get3A_1544 = arith.index_cast %add3A_1543 : i32 to index
          %get3A_1545 = arith.constant 32 : index
          %get3A_1546 = tpu.vector_load %arg9[%get3A_1544, %get3A_1545] {strides = array<i32>} : memref<128x128xf32, #tpu.memory_space<vmem>>, vector<1x16xf32>,
          %get3A_1547 = vector.shape_cast %get3A_1546 : vector<1x16xf32> to vector<16xf32>
          %mul3A_1548 = vector.broadcast %squeeze3A_1523 : f32 to vector<16xf32>
          %mul3A_1549 = arith.mulf %mul3A_1548, %get3A_1547 : vector<16xf32>
          %add3A_1550 = arith.addf %add3A_1476, %mul3A_1549 : vector<16xf32>
          %add3A_1551 = arith.constant 19 : i32
          %add3A_1552 = arith.addi %mul3A_74, %add3A_1551 : i32
          %get3A_1553 = arith.index_cast %add3A_1552 : i32 to index
          %get3A_1554 = arith.constant 48 : index
          %get3A_1555 = tpu.vector_load %arg9[%get3A_1553, %get3A_1554] {strides = array<i32>} : memref<128x128xf32, #tpu.memory_space<vmem>>, vector<1x16xf32>,
          %get3A_1556 = vector.shape_cast %get3A_1555 : vector<1x16xf32> to vector<16xf32>
          %mul3A_1557 = vector.broadcast %squeeze3A_1523 : f32 to vector<16xf32>
          %mul3A_1558 = arith.mulf %mul3A_1557, %get3A_1556 : vector<16xf32>
          %add3A_1559 = arith.addf %add3A_1485, %mul3A_1558 : vector<16xf32>
          %add3A_1560 = arith.constant 19 : i32
          %add3A_1561 = arith.addi %mul3A_74, %add3A_1560 : i32
          %get3A_1562 = arith.index_cast %add3A_1561 : i32 to index
          %get3A_1563 = arith.constant 64 : index
          %get3A_1564 = tpu.vector_load %arg9[%get3A_1562, %get3A_1563] {strides = array<i32>} : memref<128x128xf32, #tpu.memory_space<vmem>>, vector<1x16xf32>,
          %get3A_1565 = vector.shape_cast %get3A_1564 : vector<1x16xf32> to vector<16xf32>
          %mul3A_1566 = vector.broadcast %squeeze3A_1523 : f32 to vector<16xf32>
          %mul3A_1567 = arith.mulf %mul3A_1566, %get3A_1565 : vector<16xf32>
          %add3A_1568 = arith.addf %add3A_1494, %mul3A_1567 : vector<16xf32>
          %add3A_1569 = arith.constant 19 : i32
          %add3A_1570 = arith.addi %mul3A_74, %add3A_1569 : i32
          %get3A_1571 = arith.index_cast %add3A_1570 : i32 to index
          %get3A_1572 = arith.constant 80 : index
          %get3A_1573 = tpu.vector_load %arg9[%get3A_1571, %get3A_1572] {strides = array<i32>} : memref<128x128xf32, #tpu.memory_space<vmem>>, vector<1x16xf32>,
          %get3A_1574 = vector.shape_cast %get3A_1573 : vector<1x16xf32> to vector<16xf32>
          %mul3A_1575 = vector.broadcast %squeeze3A_1523 : f32 to vector<16xf32>
          %mul3A_1576 = arith.mulf %mul3A_1575, %get3A_1574 : vector<16xf32>
          %add3A_1577 = arith.addf %add3A_1503, %mul3A_1576 : vector<16xf32>
          %add3A_1578 = arith.constant 19 : i32
          %add3A_1579 = arith.addi %mul3A_74, %add3A_1578 : i32
          %get3A_1580 = arith.index_cast %add3A_1579 : i32 to index
          %get3A_1581 = arith.constant 96 : index
          %get3A_1582 = tpu.vector_load %arg9[%get3A_1580, %get3A_1581] {strides = array<i32>} : memref<128x128xf32, #tpu.memory_space<vmem>>, vector<1x16xf32>,
          %get3A_1583 = vector.shape_cast %get3A_1582 : vector<1x16xf32> to vector<16xf32>
          %mul3A_1584 = vector.broadcast %squeeze3A_1523 : f32 to vector<16xf32>
          %mul3A_1585 = arith.mulf %mul3A_1584, %get3A_1583 : vector<16xf32>
          %add3A_1586 = arith.addf %add3A_1512, %mul3A_1585 : vector<16xf32>
          %add3A_1587 = arith.constant 19 : i32
          %add3A_1588 = arith.addi %mul3A_74, %add3A_1587 : i32
          %get3A_1589 = arith.index_cast %add3A_1588 : i32 to index
          %get3A_1590 = arith.constant 112 : index
          %get3A_1591 = tpu.vector_load %arg9[%get3A_1589, %get3A_1590] {strides = array<i32>} : memref<128x128xf32, #tpu.memory_space<vmem>>, vector<1x16xf32>,
          %get3A_1592 = vector.shape_cast %get3A_1591 : vector<1x16xf32> to vector<16xf32>
          %mul3A_1593 = vector.broadcast %squeeze3A_1523 : f32 to vector<16xf32>
          %mul3A_1594 = arith.mulf %mul3A_1593, %get3A_1592 : vector<16xf32>
          %add3A_1595 = arith.addf %add3A_1521, %mul3A_1594 : vector<16xf32>
          %slice3A_1596 = vector.extract_strided_slice %get3A_85 {offsets = [4], sizes = [1], strides = [1]} : vector<16xf32> to vector<1xf32>
          %squeeze3A_1597 = vector.extract %slice3A_1596[0] : f32 from vector<1xf32>
          %add3A_1598 = arith.constant 20 : i32
          %add3A_1599 = arith.addi %mul3A_74, %add3A_1598 : i32
          %get3A_1600 = arith.index_cast %add3A_1599 : i32 to index
          %get3A_1601 = arith.constant 0 : index
          %get3A_1602 = tpu.vector_load %arg9[%get3A_1600, %get3A_1601] {strides = array<i32>} : memref<128x128xf32, #tpu.memory_space<vmem>>, vector<1x16xf32>,
          %get3A_1603 = vector.shape_cast %get3A_1602 : vector<1x16xf32> to vector<16xf32>
          %mul3A_1604 = vector.broadcast %squeeze3A_1597 : f32 to vector<16xf32>
          %mul3A_1605 = arith.mulf %mul3A_1604, %get3A_1603 : vector<16xf32>
          %add3A_1606 = arith.addf %add3A_1532, %mul3A_1605 : vector<16xf32>
          %add3A_1607 = arith.constant 20 : i32
          %add3A_1608 = arith.addi %mul3A_74, %add3A_1607 : i32
          %get3A_1609 = arith.index_cast %add3A_1608 : i32 to index
          %get3A_1610 = arith.constant 16 : index
          %get3A_1611 = tpu.vector_load %arg9[%get3A_1609, %get3A_1610] {strides = array<i32>} : memref<128x128xf32, #tpu.memory_space<vmem>>, vector<1x16xf32>,
          %get3A_1612 = vector.shape_cast %get3A_1611 : vector<1x16xf32> to vector<16xf32>
          %mul3A_1613 = vector.broadcast %squeeze3A_1597 : f32 to vector<16xf32>
          %mul3A_1614 = arith.mulf %mul3A_1613, %get3A_1612 : vector<16xf32>
          %add3A_1615 = arith.addf %add3A_1541, %mul3A_1614 : vector<16xf32>
          %add3A_1616 = arith.constant 20 : i32
          %add3A_1617 = arith.addi %mul3A_74, %add3A_1616 : i32
          %get3A_1618 = arith.index_cast %add3A_1617 : i32 to index
          %get3A_1619 = arith.constant 32 : index
          %get3A_1620 = tpu.vector_load %arg9[%get3A_1618, %get3A_1619] {strides = array<i32>} : memref<128x128xf32, #tpu.memory_space<vmem>>, vector<1x16xf32>,
          %get3A_1621 = vector.shape_cast %get3A_1620 : vector<1x16xf32> to vector<16xf32>
          %mul3A_1622 = vector.broadcast %squeeze3A_1597 : f32 to vector<16xf32>
          %mul3A_1623 = arith.mulf %mul3A_1622, %get3A_1621 : vector<16xf32>
          %add3A_1624 = arith.addf %add3A_1550, %mul3A_1623 : vector<16xf32>
          %add3A_1625 = arith.constant 20 : i32
          %add3A_1626 = arith.addi %mul3A_74, %add3A_1625 : i32
          %get3A_1627 = arith.index_cast %add3A_1626 : i32 to index
          %get3A_1628 = arith.constant 48 : index
          %get3A_1629 = tpu.vector_load %arg9[%get3A_1627, %get3A_1628] {strides = array<i32>} : memref<128x128xf32, #tpu.memory_space<vmem>>, vector<1x16xf32>,
          %get3A_1630 = vector.shape_cast %get3A_1629 : vector<1x16xf32> to vector<16xf32>
          %mul3A_1631 = vector.broadcast %squeeze3A_1597 : f32 to vector<16xf32>
          %mul3A_1632 = arith.mulf %mul3A_1631, %get3A_1630 : vector<16xf32>
          %add3A_1633 = arith.addf %add3A_1559, %mul3A_1632 : vector<16xf32>
          %add3A_1634 = arith.constant 20 : i32
          %add3A_1635 = arith.addi %mul3A_74, %add3A_1634 : i32
          %get3A_1636 = arith.index_cast %add3A_1635 : i32 to index
          %get3A_1637 = arith.constant 64 : index
          %get3A_1638 = tpu.vector_load %arg9[%get3A_1636, %get3A_1637] {strides = array<i32>} : memref<128x128xf32, #tpu.memory_space<vmem>>, vector<1x16xf32>,
          %get3A_1639 = vector.shape_cast %get3A_1638 : vector<1x16xf32> to vector<16xf32>
          %mul3A_1640 = vector.broadcast %squeeze3A_1597 : f32 to vector<16xf32>
          %mul3A_1641 = arith.mulf %mul3A_1640, %get3A_1639 : vector<16xf32>
          %add3A_1642 = arith.addf %add3A_1568, %mul3A_1641 : vector<16xf32>
          %add3A_1643 = arith.constant 20 : i32
          %add3A_1644 = arith.addi %mul3A_74, %add3A_1643 : i32
          %get3A_1645 = arith.index_cast %add3A_1644 : i32 to index
          %get3A_1646 = arith.constant 80 : index
          %get3A_1647 = tpu.vector_load %arg9[%get3A_1645, %get3A_1646] {strides = array<i32>} : memref<128x128xf32, #tpu.memory_space<vmem>>, vector<1x16xf32>,
          %get3A_1648 = vector.shape_cast %get3A_1647 : vector<1x16xf32> to vector<16xf32>
          %mul3A_1649 = vector.broadcast %squeeze3A_1597 : f32 to vector<16xf32>
          %mul3A_1650 = arith.mulf %mul3A_1649, %get3A_1648 : vector<16xf32>
          %add3A_1651 = arith.addf %add3A_1577, %mul3A_1650 : vector<16xf32>
          %add3A_1652 = arith.constant 20 : i32
          %add3A_1653 = arith.addi %mul3A_74, %add3A_1652 : i32
          %get3A_1654 = arith.index_cast %add3A_1653 : i32 to index
          %get3A_1655 = arith.constant 96 : index
          %get3A_1656 = tpu.vector_load %arg9[%get3A_1654, %get3A_1655] {strides = array<i32>} : memref<128x128xf32, #tpu.memory_space<vmem>>, vector<1x16xf32>,
          %get3A_1657 = vector.shape_cast %get3A_1656 : vector<1x16xf32> to vector<16xf32>
          %mul3A_1658 = vector.broadcast %squeeze3A_1597 : f32 to vector<16xf32>
          %mul3A_1659 = arith.mulf %mul3A_1658, %get3A_1657 : vector<16xf32>
          %add3A_1660 = arith.addf %add3A_1586, %mul3A_1659 : vector<16xf32>
          %add3A_1661 = arith.constant 20 : i32
          %add3A_1662 = arith.addi %mul3A_74, %add3A_1661 : i32
          %get3A_1663 = arith.index_cast %add3A_1662 : i32 to index
          %get3A_1664 = arith.constant 112 : index
          %get3A_1665 = tpu.vector_load %arg9[%get3A_1663, %get3A_1664] {strides = array<i32>} : memref<128x128xf32, #tpu.memory_space<vmem>>, vector<1x16xf32>,
          %get3A_1666 = vector.shape_cast %get3A_1665 : vector<1x16xf32> to vector<16xf32>
          %mul3A_1667 = vector.broadcast %squeeze3A_1597 : f32 to vector<16xf32>
          %mul3A_1668 = arith.mulf %mul3A_1667, %get3A_1666 : vector<16xf32>
          %add3A_1669 = arith.addf %add3A_1595, %mul3A_1668 : vector<16xf32>
          %slice3A_1670 = vector.extract_strided_slice %get3A_85 {offsets = [5], sizes = [1], strides = [1]} : vector<16xf32> to vector<1xf32>
          %squeeze3A_1671 = vector.extract %slice3A_1670[0] : f32 from vector<1xf32>
          %add3A_1672 = arith.constant 21 : i32
          %add3A_1673 = arith.addi %mul3A_74, %add3A_1672 : i32
          %get3A_1674 = arith.index_cast %add3A_1673 : i32 to index
          %get3A_1675 = arith.constant 0 : index
          %get3A_1676 = tpu.vector_load %arg9[%get3A_1674, %get3A_1675] {strides = array<i32>} : memref<128x128xf32, #tpu.memory_space<vmem>>, vector<1x16xf32>,
          %get3A_1677 = vector.shape_cast %get3A_1676 : vector<1x16xf32> to vector<16xf32>
          %mul3A_1678 = vector.broadcast %squeeze3A_1671 : f32 to vector<16xf32>
          %mul3A_1679 = arith.mulf %mul3A_1678, %get3A_1677 : vector<16xf32>
          %add3A_1680 = arith.addf %add3A_1606, %mul3A_1679 : vector<16xf32>
          %add3A_1681 = arith.constant 21 : i32
          %add3A_1682 = arith.addi %mul3A_74, %add3A_1681 : i32
          %get3A_1683 = arith.index_cast %add3A_1682 : i32 to index
          %get3A_1684 = arith.constant 16 : index
          %get3A_1685 = tpu.vector_load %arg9[%get3A_1683, %get3A_1684] {strides = array<i32>} : memref<128x128xf32, #tpu.memory_space<vmem>>, vector<1x16xf32>,
          %get3A_1686 = vector.shape_cast %get3A_1685 : vector<1x16xf32> to vector<16xf32>
          %mul3A_1687 = vector.broadcast %squeeze3A_1671 : f32 to vector<16xf32>
          %mul3A_1688 = arith.mulf %mul3A_1687, %get3A_1686 : vector<16xf32>
          %add3A_1689 = arith.addf %add3A_1615, %mul3A_1688 : vector<16xf32>
          %add3A_1690 = arith.constant 21 : i32
          %add3A_1691 = arith.addi %mul3A_74, %add3A_1690 : i32
          %get3A_1692 = arith.index_cast %add3A_1691 : i32 to index
          %get3A_1693 = arith.constant 32 : index
          %get3A_1694 = tpu.vector_load %arg9[%get3A_1692, %get3A_1693] {strides = array<i32>} : memref<128x128xf32, #tpu.memory_space<vmem>>, vector<1x16xf32>,
          %get3A_1695 = vector.shape_cast %get3A_1694 : vector<1x16xf32> to vector<16xf32>
          %mul3A_1696 = vector.broadcast %squeeze3A_1671 : f32 to vector<16xf32>
          %mul3A_1697 = arith.mulf %mul3A_1696, %get3A_1695 : vector<16xf32>
          %add3A_1698 = arith.addf %add3A_1624, %mul3A_1697 : vector<16xf32>
          %add3A_1699 = arith.constant 21 : i32
          %add3A_1700 = arith.addi %mul3A_74, %add3A_1699 : i32
          %get3A_1701 = arith.index_cast %add3A_1700 : i32 to index
          %get3A_1702 = arith.constant 48 : index
          %get3A_1703 = tpu.vector_load %arg9[%get3A_1701, %get3A_1702] {strides = array<i32>} : memref<128x128xf32, #tpu.memory_space<vmem>>, vector<1x16xf32>,
          %get3A_1704 = vector.shape_cast %get3A_1703 : vector<1x16xf32> to vector<16xf32>
          %mul3A_1705 = vector.broadcast %squeeze3A_1671 : f32 to vector<16xf32>
          %mul3A_1706 = arith.mulf %mul3A_1705, %get3A_1704 : vector<16xf32>
          %add3A_1707 = arith.addf %add3A_1633, %mul3A_1706 : vector<16xf32>
          %add3A_1708 = arith.constant 21 : i32
          %add3A_1709 = arith.addi %mul3A_74, %add3A_1708 : i32
          %get3A_1710 = arith.index_cast %add3A_1709 : i32 to index
          %get3A_1711 = arith.constant 64 : index
          %get3A_1712 = tpu.vector_load %arg9[%get3A_1710, %get3A_1711] {strides = array<i32>} : memref<128x128xf32, #tpu.memory_space<vmem>>, vector<1x16xf32>,
          %get3A_1713 = vector.shape_cast %get3A_1712 : vector<1x16xf32> to vector<16xf32>
          %mul3A_1714 = vector.broadcast %squeeze3A_1671 : f32 to vector<16xf32>
          %mul3A_1715 = arith.mulf %mul3A_1714, %get3A_1713 : vector<16xf32>
          %add3A_1716 = arith.addf %add3A_1642, %mul3A_1715 : vector<16xf32>
          %add3A_1717 = arith.constant 21 : i32
          %add3A_1718 = arith.addi %mul3A_74, %add3A_1717 : i32
          %get3A_1719 = arith.index_cast %add3A_1718 : i32 to index
          %get3A_1720 = arith.constant 80 : index
          %get3A_1721 = tpu.vector_load %arg9[%get3A_1719, %get3A_1720] {strides = array<i32>} : memref<128x128xf32, #tpu.memory_space<vmem>>, vector<1x16xf32>,
          %get3A_1722 = vector.shape_cast %get3A_1721 : vector<1x16xf32> to vector<16xf32>
          %mul3A_1723 = vector.broadcast %squeeze3A_1671 : f32 to vector<16xf32>
          %mul3A_1724 = arith.mulf %mul3A_1723, %get3A_1722 : vector<16xf32>
          %add3A_1725 = arith.addf %add3A_1651, %mul3A_1724 : vector<16xf32>
          %add3A_1726 = arith.constant 21 : i32
          %add3A_1727 = arith.addi %mul3A_74, %add3A_1726 : i32
          %get3A_1728 = arith.index_cast %add3A_1727 : i32 to index
          %get3A_1729 = arith.constant 96 : index
          %get3A_1730 = tpu.vector_load %arg9[%get3A_1728, %get3A_1729] {strides = array<i32>} : memref<128x128xf32, #tpu.memory_space<vmem>>, vector<1x16xf32>,
          %get3A_1731 = vector.shape_cast %get3A_1730 : vector<1x16xf32> to vector<16xf32>
          %mul3A_1732 = vector.broadcast %squeeze3A_1671 : f32 to vector<16xf32>
          %mul3A_1733 = arith.mulf %mul3A_1732, %get3A_1731 : vector<16xf32>
          %add3A_1734 = arith.addf %add3A_1660, %mul3A_1733 : vector<16xf32>
          %add3A_1735 = arith.constant 21 : i32
          %add3A_1736 = arith.addi %mul3A_74, %add3A_1735 : i32
          %get3A_1737 = arith.index_cast %add3A_1736 : i32 to index
          %get3A_1738 = arith.constant 112 : index
          %get3A_1739 = tpu.vector_load %arg9[%get3A_1737, %get3A_1738] {strides = array<i32>} : memref<128x128xf32, #tpu.memory_space<vmem>>, vector<1x16xf32>,
          %get3A_1740 = vector.shape_cast %get3A_1739 : vector<1x16xf32> to vector<16xf32>
          %mul3A_1741 = vector.broadcast %squeeze3A_1671 : f32 to vector<16xf32>
          %mul3A_1742 = arith.mulf %mul3A_1741, %get3A_1740 : vector<16xf32>
          %add3A_1743 = arith.addf %add3A_1669, %mul3A_1742 : vector<16xf32>
          %slice3A_1744 = vector.extract_strided_slice %get3A_85 {offsets = [6], sizes = [1], strides = [1]} : vector<16xf32> to vector<1xf32>
          %squeeze3A_1745 = vector.extract %slice3A_1744[0] : f32 from vector<1xf32>
          %add3A_1746 = arith.constant 22 : i32
          %add3A_1747 = arith.addi %mul3A_74, %add3A_1746 : i32
          %get3A_1748 = arith.index_cast %add3A_1747 : i32 to index
          %get3A_1749 = arith.constant 0 : index
          %get3A_1750 = tpu.vector_load %arg9[%get3A_1748, %get3A_1749] {strides = array<i32>} : memref<128x128xf32, #tpu.memory_space<vmem>>, vector<1x16xf32>,
          %get3A_1751 = vector.shape_cast %get3A_1750 : vector<1x16xf32> to vector<16xf32>
          %mul3A_1752 = vector.broadcast %squeeze3A_1745 : f32 to vector<16xf32>
          %mul3A_1753 = arith.mulf %mul3A_1752, %get3A_1751 : vector<16xf32>
          %add3A_1754 = arith.addf %add3A_1680, %mul3A_1753 : vector<16xf32>
          %add3A_1755 = arith.constant 22 : i32
          %add3A_1756 = arith.addi %mul3A_74, %add3A_1755 : i32
          %get3A_1757 = arith.index_cast %add3A_1756 : i32 to index
          %get3A_1758 = arith.constant 16 : index
          %get3A_1759 = tpu.vector_load %arg9[%get3A_1757, %get3A_1758] {strides = array<i32>} : memref<128x128xf32, #tpu.memory_space<vmem>>, vector<1x16xf32>,
          %get3A_1760 = vector.shape_cast %get3A_1759 : vector<1x16xf32> to vector<16xf32>
          %mul3A_1761 = vector.broadcast %squeeze3A_1745 : f32 to vector<16xf32>
          %mul3A_1762 = arith.mulf %mul3A_1761, %get3A_1760 : vector<16xf32>
          %add3A_1763 = arith.addf %add3A_1689, %mul3A_1762 : vector<16xf32>
          %add3A_1764 = arith.constant 22 : i32
          %add3A_1765 = arith.addi %mul3A_74, %add3A_1764 : i32
          %get3A_1766 = arith.index_cast %add3A_1765 : i32 to index
          %get3A_1767 = arith.constant 32 : index
          %get3A_1768 = tpu.vector_load %arg9[%get3A_1766, %get3A_1767] {strides = array<i32>} : memref<128x128xf32, #tpu.memory_space<vmem>>, vector<1x16xf32>,
          %get3A_1769 = vector.shape_cast %get3A_1768 : vector<1x16xf32> to vector<16xf32>
          %mul3A_1770 = vector.broadcast %squeeze3A_1745 : f32 to vector<16xf32>
          %mul3A_1771 = arith.mulf %mul3A_1770, %get3A_1769 : vector<16xf32>
          %add3A_1772 = arith.addf %add3A_1698, %mul3A_1771 : vector<16xf32>
          %add3A_1773 = arith.constant 22 : i32
          %add3A_1774 = arith.addi %mul3A_74, %add3A_1773 : i32
          %get3A_1775 = arith.index_cast %add3A_1774 : i32 to index
          %get3A_1776 = arith.constant 48 : index
          %get3A_1777 = tpu.vector_load %arg9[%get3A_1775, %get3A_1776] {strides = array<i32>} : memref<128x128xf32, #tpu.memory_space<vmem>>, vector<1x16xf32>,
          %get3A_1778 = vector.shape_cast %get3A_1777 : vector<1x16xf32> to vector<16xf32>
          %mul3A_1779 = vector.broadcast %squeeze3A_1745 : f32 to vector<16xf32>
          %mul3A_1780 = arith.mulf %mul3A_1779, %get3A_1778 : vector<16xf32>
          %add3A_1781 = arith.addf %add3A_1707, %mul3A_1780 : vector<16xf32>
          %add3A_1782 = arith.constant 22 : i32
          %add3A_1783 = arith.addi %mul3A_74, %add3A_1782 : i32
          %get3A_1784 = arith.index_cast %add3A_1783 : i32 to index
          %get3A_1785 = arith.constant 64 : index
          %get3A_1786 = tpu.vector_load %arg9[%get3A_1784, %get3A_1785] {strides = array<i32>} : memref<128x128xf32, #tpu.memory_space<vmem>>, vector<1x16xf32>,
          %get3A_1787 = vector.shape_cast %get3A_1786 : vector<1x16xf32> to vector<16xf32>
          %mul3A_1788 = vector.broadcast %squeeze3A_1745 : f32 to vector<16xf32>
          %mul3A_1789 = arith.mulf %mul3A_1788, %get3A_1787 : vector<16xf32>
          %add3A_1790 = arith.addf %add3A_1716, %mul3A_1789 : vector<16xf32>
          %add3A_1791 = arith.constant 22 : i32
          %add3A_1792 = arith.addi %mul3A_74, %add3A_1791 : i32
          %get3A_1793 = arith.index_cast %add3A_1792 : i32 to index
          %get3A_1794 = arith.constant 80 : index
          %get3A_1795 = tpu.vector_load %arg9[%get3A_1793, %get3A_1794] {strides = array<i32>} : memref<128x128xf32, #tpu.memory_space<vmem>>, vector<1x16xf32>,
          %get3A_1796 = vector.shape_cast %get3A_1795 : vector<1x16xf32> to vector<16xf32>
          %mul3A_1797 = vector.broadcast %squeeze3A_1745 : f32 to vector<16xf32>
          %mul3A_1798 = arith.mulf %mul3A_1797, %get3A_1796 : vector<16xf32>
          %add3A_1799 = arith.addf %add3A_1725, %mul3A_1798 : vector<16xf32>
          %add3A_1800 = arith.constant 22 : i32
          %add3A_1801 = arith.addi %mul3A_74, %add3A_1800 : i32
          %get3A_1802 = arith.index_cast %add3A_1801 : i32 to index
          %get3A_1803 = arith.constant 96 : index
          %get3A_1804 = tpu.vector_load %arg9[%get3A_1802, %get3A_1803] {strides = array<i32>} : memref<128x128xf32, #tpu.memory_space<vmem>>, vector<1x16xf32>,
          %get3A_1805 = vector.shape_cast %get3A_1804 : vector<1x16xf32> to vector<16xf32>
          %mul3A_1806 = vector.broadcast %squeeze3A_1745 : f32 to vector<16xf32>
          %mul3A_1807 = arith.mulf %mul3A_1806, %get3A_1805 : vector<16xf32>
          %add3A_1808 = arith.addf %add3A_1734, %mul3A_1807 : vector<16xf32>
          %add3A_1809 = arith.constant 22 : i32
          %add3A_1810 = arith.addi %mul3A_74, %add3A_1809 : i32
          %get3A_1811 = arith.index_cast %add3A_1810 : i32 to index
          %get3A_1812 = arith.constant 112 : index
          %get3A_1813 = tpu.vector_load %arg9[%get3A_1811, %get3A_1812] {strides = array<i32>} : memref<128x128xf32, #tpu.memory_space<vmem>>, vector<1x16xf32>,
          %get3A_1814 = vector.shape_cast %get3A_1813 : vector<1x16xf32> to vector<16xf32>
          %mul3A_1815 = vector.broadcast %squeeze3A_1745 : f32 to vector<16xf32>
          %mul3A_1816 = arith.mulf %mul3A_1815, %get3A_1814 : vector<16xf32>
          %add3A_1817 = arith.addf %add3A_1743, %mul3A_1816 : vector<16xf32>
          %slice3A_1818 = vector.extract_strided_slice %get3A_85 {offsets = [7], sizes = [1], strides = [1]} : vector<16xf32> to vector<1xf32>
          %squeeze3A_1819 = vector.extract %slice3A_1818[0] : f32 from vector<1xf32>
          %add3A_1820 = arith.constant 23 : i32
          %add3A_1821 = arith.addi %mul3A_74, %add3A_1820 : i32
          %get3A_1822 = arith.index_cast %add3A_1821 : i32 to index
          %get3A_1823 = arith.constant 0 : index
          %get3A_1824 = tpu.vector_load %arg9[%get3A_1822, %get3A_1823] {strides = array<i32>} : memref<128x128xf32, #tpu.memory_space<vmem>>, vector<1x16xf32>,
          %get3A_1825 = vector.shape_cast %get3A_1824 : vector<1x16xf32> to vector<16xf32>
          %mul3A_1826 = vector.broadcast %squeeze3A_1819 : f32 to vector<16xf32>
          %mul3A_1827 = arith.mulf %mul3A_1826, %get3A_1825 : vector<16xf32>
          %add3A_1828 = arith.addf %add3A_1754, %mul3A_1827 : vector<16xf32>
          %add3A_1829 = arith.constant 23 : i32
          %add3A_1830 = arith.addi %mul3A_74, %add3A_1829 : i32
          %get3A_1831 = arith.index_cast %add3A_1830 : i32 to index
          %get3A_1832 = arith.constant 16 : index
          %get3A_1833 = tpu.vector_load %arg9[%get3A_1831, %get3A_1832] {strides = array<i32>} : memref<128x128xf32, #tpu.memory_space<vmem>>, vector<1x16xf32>,
          %get3A_1834 = vector.shape_cast %get3A_1833 : vector<1x16xf32> to vector<16xf32>
          %mul3A_1835 = vector.broadcast %squeeze3A_1819 : f32 to vector<16xf32>
          %mul3A_1836 = arith.mulf %mul3A_1835, %get3A_1834 : vector<16xf32>
          %add3A_1837 = arith.addf %add3A_1763, %mul3A_1836 : vector<16xf32>
          %add3A_1838 = arith.constant 23 : i32
          %add3A_1839 = arith.addi %mul3A_74, %add3A_1838 : i32
          %get3A_1840 = arith.index_cast %add3A_1839 : i32 to index
          %get3A_1841 = arith.constant 32 : index
          %get3A_1842 = tpu.vector_load %arg9[%get3A_1840, %get3A_1841] {strides = array<i32>} : memref<128x128xf32, #tpu.memory_space<vmem>>, vector<1x16xf32>,
          %get3A_1843 = vector.shape_cast %get3A_1842 : vector<1x16xf32> to vector<16xf32>
          %mul3A_1844 = vector.broadcast %squeeze3A_1819 : f32 to vector<16xf32>
          %mul3A_1845 = arith.mulf %mul3A_1844, %get3A_1843 : vector<16xf32>
          %add3A_1846 = arith.addf %add3A_1772, %mul3A_1845 : vector<16xf32>
          %add3A_1847 = arith.constant 23 : i32
          %add3A_1848 = arith.addi %mul3A_74, %add3A_1847 : i32
          %get3A_1849 = arith.index_cast %add3A_1848 : i32 to index
          %get3A_1850 = arith.constant 48 : index
          %get3A_1851 = tpu.vector_load %arg9[%get3A_1849, %get3A_1850] {strides = array<i32>} : memref<128x128xf32, #tpu.memory_space<vmem>>, vector<1x16xf32>,
          %get3A_1852 = vector.shape_cast %get3A_1851 : vector<1x16xf32> to vector<16xf32>
          %mul3A_1853 = vector.broadcast %squeeze3A_1819 : f32 to vector<16xf32>
          %mul3A_1854 = arith.mulf %mul3A_1853, %get3A_1852 : vector<16xf32>
          %add3A_1855 = arith.addf %add3A_1781, %mul3A_1854 : vector<16xf32>
          %add3A_1856 = arith.constant 23 : i32
          %add3A_1857 = arith.addi %mul3A_74, %add3A_1856 : i32
          %get3A_1858 = arith.index_cast %add3A_1857 : i32 to index
          %get3A_1859 = arith.constant 64 : index
          %get3A_1860 = tpu.vector_load %arg9[%get3A_1858, %get3A_1859] {strides = array<i32>} : memref<128x128xf32, #tpu.memory_space<vmem>>, vector<1x16xf32>,
          %get3A_1861 = vector.shape_cast %get3A_1860 : vector<1x16xf32> to vector<16xf32>
          %mul3A_1862 = vector.broadcast %squeeze3A_1819 : f32 to vector<16xf32>
          %mul3A_1863 = arith.mulf %mul3A_1862, %get3A_1861 : vector<16xf32>
          %add3A_1864 = arith.addf %add3A_1790, %mul3A_1863 : vector<16xf32>
          %add3A_1865 = arith.constant 23 : i32
          %add3A_1866 = arith.addi %mul3A_74, %add3A_1865 : i32
          %get3A_1867 = arith.index_cast %add3A_1866 : i32 to index
          %get3A_1868 = arith.constant 80 : index
          %get3A_1869 = tpu.vector_load %arg9[%get3A_1867, %get3A_1868] {strides = array<i32>} : memref<128x128xf32, #tpu.memory_space<vmem>>, vector<1x16xf32>,
          %get3A_1870 = vector.shape_cast %get3A_1869 : vector<1x16xf32> to vector<16xf32>
          %mul3A_1871 = vector.broadcast %squeeze3A_1819 : f32 to vector<16xf32>
          %mul3A_1872 = arith.mulf %mul3A_1871, %get3A_1870 : vector<16xf32>
          %add3A_1873 = arith.addf %add3A_1799, %mul3A_1872 : vector<16xf32>
          %add3A_1874 = arith.constant 23 : i32
          %add3A_1875 = arith.addi %mul3A_74, %add3A_1874 : i32
          %get3A_1876 = arith.index_cast %add3A_1875 : i32 to index
          %get3A_1877 = arith.constant 96 : index
          %get3A_1878 = tpu.vector_load %arg9[%get3A_1876, %get3A_1877] {strides = array<i32>} : memref<128x128xf32, #tpu.memory_space<vmem>>, vector<1x16xf32>,
          %get3A_1879 = vector.shape_cast %get3A_1878 : vector<1x16xf32> to vector<16xf32>
          %mul3A_1880 = vector.broadcast %squeeze3A_1819 : f32 to vector<16xf32>
          %mul3A_1881 = arith.mulf %mul3A_1880, %get3A_1879 : vector<16xf32>
          %add3A_1882 = arith.addf %add3A_1808, %mul3A_1881 : vector<16xf32>
          %add3A_1883 = arith.constant 23 : i32
          %add3A_1884 = arith.addi %mul3A_74, %add3A_1883 : i32
          %get3A_1885 = arith.index_cast %add3A_1884 : i32 to index
          %get3A_1886 = arith.constant 112 : index
          %get3A_1887 = tpu.vector_load %arg9[%get3A_1885, %get3A_1886] {strides = array<i32>} : memref<128x128xf32, #tpu.memory_space<vmem>>, vector<1x16xf32>,
          %get3A_1888 = vector.shape_cast %get3A_1887 : vector<1x16xf32> to vector<16xf32>
          %mul3A_1889 = vector.broadcast %squeeze3A_1819 : f32 to vector<16xf32>
          %mul3A_1890 = arith.mulf %mul3A_1889, %get3A_1888 : vector<16xf32>
          %add3A_1891 = arith.addf %add3A_1817, %mul3A_1890 : vector<16xf32>
          %slice3A_1892 = vector.extract_strided_slice %get3A_85 {offsets = [8], sizes = [1], strides = [1]} : vector<16xf32> to vector<1xf32>
          %squeeze3A_1893 = vector.extract %slice3A_1892[0] : f32 from vector<1xf32>
          %add3A_1894 = arith.constant 24 : i32
          %add3A_1895 = arith.addi %mul3A_74, %add3A_1894 : i32
          %get3A_1896 = arith.index_cast %add3A_1895 : i32 to index
          %get3A_1897 = arith.constant 0 : index
          %get3A_1898 = tpu.vector_load %arg9[%get3A_1896, %get3A_1897] {strides = array<i32>} : memref<128x128xf32, #tpu.memory_space<vmem>>, vector<1x16xf32>,
          %get3A_1899 = vector.shape_cast %get3A_1898 : vector<1x16xf32> to vector<16xf32>
          %mul3A_1900 = vector.broadcast %squeeze3A_1893 : f32 to vector<16xf32>
          %mul3A_1901 = arith.mulf %mul3A_1900, %get3A_1899 : vector<16xf32>
          %add3A_1902 = arith.addf %add3A_1828, %mul3A_1901 : vector<16xf32>
          %add3A_1903 = arith.constant 24 : i32
          %add3A_1904 = arith.addi %mul3A_74, %add3A_1903 : i32
          %get3A_1905 = arith.index_cast %add3A_1904 : i32 to index
          %get3A_1906 = arith.constant 16 : index
          %get3A_1907 = tpu.vector_load %arg9[%get3A_1905, %get3A_1906] {strides = array<i32>} : memref<128x128xf32, #tpu.memory_space<vmem>>, vector<1x16xf32>,
          %get3A_1908 = vector.shape_cast %get3A_1907 : vector<1x16xf32> to vector<16xf32>
          %mul3A_1909 = vector.broadcast %squeeze3A_1893 : f32 to vector<16xf32>
          %mul3A_1910 = arith.mulf %mul3A_1909, %get3A_1908 : vector<16xf32>
          %add3A_1911 = arith.addf %add3A_1837, %mul3A_1910 : vector<16xf32>
          %add3A_1912 = arith.constant 24 : i32
          %add3A_1913 = arith.addi %mul3A_74, %add3A_1912 : i32
          %get3A_1914 = arith.index_cast %add3A_1913 : i32 to index
          %get3A_1915 = arith.constant 32 : index
          %get3A_1916 = tpu.vector_load %arg9[%get3A_1914, %get3A_1915] {strides = array<i32>} : memref<128x128xf32, #tpu.memory_space<vmem>>, vector<1x16xf32>,
          %get3A_1917 = vector.shape_cast %get3A_1916 : vector<1x16xf32> to vector<16xf32>
          %mul3A_1918 = vector.broadcast %squeeze3A_1893 : f32 to vector<16xf32>
          %mul3A_1919 = arith.mulf %mul3A_1918, %get3A_1917 : vector<16xf32>
          %add3A_1920 = arith.addf %add3A_1846, %mul3A_1919 : vector<16xf32>
          %add3A_1921 = arith.constant 24 : i32
          %add3A_1922 = arith.addi %mul3A_74, %add3A_1921 : i32
          %get3A_1923 = arith.index_cast %add3A_1922 : i32 to index
          %get3A_1924 = arith.constant 48 : index
          %get3A_1925 = tpu.vector_load %arg9[%get3A_1923, %get3A_1924] {strides = array<i32>} : memref<128x128xf32, #tpu.memory_space<vmem>>, vector<1x16xf32>,
          %get3A_1926 = vector.shape_cast %get3A_1925 : vector<1x16xf32> to vector<16xf32>
          %mul3A_1927 = vector.broadcast %squeeze3A_1893 : f32 to vector<16xf32>
          %mul3A_1928 = arith.mulf %mul3A_1927, %get3A_1926 : vector<16xf32>
          %add3A_1929 = arith.addf %add3A_1855, %mul3A_1928 : vector<16xf32>
          %add3A_1930 = arith.constant 24 : i32
          %add3A_1931 = arith.addi %mul3A_74, %add3A_1930 : i32
          %get3A_1932 = arith.index_cast %add3A_1931 : i32 to index
          %get3A_1933 = arith.constant 64 : index
          %get3A_1934 = tpu.vector_load %arg9[%get3A_1932, %get3A_1933] {strides = array<i32>} : memref<128x128xf32, #tpu.memory_space<vmem>>, vector<1x16xf32>,
          %get3A_1935 = vector.shape_cast %get3A_1934 : vector<1x16xf32> to vector<16xf32>
          %mul3A_1936 = vector.broadcast %squeeze3A_1893 : f32 to vector<16xf32>
          %mul3A_1937 = arith.mulf %mul3A_1936, %get3A_1935 : vector<16xf32>
          %add3A_1938 = arith.addf %add3A_1864, %mul3A_1937 : vector<16xf32>
          %add3A_1939 = arith.constant 24 : i32
          %add3A_1940 = arith.addi %mul3A_74, %add3A_1939 : i32
          %get3A_1941 = arith.index_cast %add3A_1940 : i32 to index
          %get3A_1942 = arith.constant 80 : index
          %get3A_1943 = tpu.vector_load %arg9[%get3A_1941, %get3A_1942] {strides = array<i32>} : memref<128x128xf32, #tpu.memory_space<vmem>>, vector<1x16xf32>,
          %get3A_1944 = vector.shape_cast %get3A_1943 : vector<1x16xf32> to vector<16xf32>
          %mul3A_1945 = vector.broadcast %squeeze3A_1893 : f32 to vector<16xf32>
          %mul3A_1946 = arith.mulf %mul3A_1945, %get3A_1944 : vector<16xf32>
          %add3A_1947 = arith.addf %add3A_1873, %mul3A_1946 : vector<16xf32>
          %add3A_1948 = arith.constant 24 : i32
          %add3A_1949 = arith.addi %mul3A_74, %add3A_1948 : i32
          %get3A_1950 = arith.index_cast %add3A_1949 : i32 to index
          %get3A_1951 = arith.constant 96 : index
          %get3A_1952 = tpu.vector_load %arg9[%get3A_1950, %get3A_1951] {strides = array<i32>} : memref<128x128xf32, #tpu.memory_space<vmem>>, vector<1x16xf32>,
          %get3A_1953 = vector.shape_cast %get3A_1952 : vector<1x16xf32> to vector<16xf32>
          %mul3A_1954 = vector.broadcast %squeeze3A_1893 : f32 to vector<16xf32>
          %mul3A_1955 = arith.mulf %mul3A_1954, %get3A_1953 : vector<16xf32>
          %add3A_1956 = arith.addf %add3A_1882, %mul3A_1955 : vector<16xf32>
          %add3A_1957 = arith.constant 24 : i32
          %add3A_1958 = arith.addi %mul3A_74, %add3A_1957 : i32
          %get3A_1959 = arith.index_cast %add3A_1958 : i32 to index
          %get3A_1960 = arith.constant 112 : index
          %get3A_1961 = tpu.vector_load %arg9[%get3A_1959, %get3A_1960] {strides = array<i32>} : memref<128x128xf32, #tpu.memory_space<vmem>>, vector<1x16xf32>,
          %get3A_1962 = vector.shape_cast %get3A_1961 : vector<1x16xf32> to vector<16xf32>
          %mul3A_1963 = vector.broadcast %squeeze3A_1893 : f32 to vector<16xf32>
          %mul3A_1964 = arith.mulf %mul3A_1963, %get3A_1962 : vector<16xf32>
          %add3A_1965 = arith.addf %add3A_1891, %mul3A_1964 : vector<16xf32>
          %slice3A_1966 = vector.extract_strided_slice %get3A_85 {offsets = [9], sizes = [1], strides = [1]} : vector<16xf32> to vector<1xf32>
          %squeeze3A_1967 = vector.extract %slice3A_1966[0] : f32 from vector<1xf32>
          %add3A_1968 = arith.constant 25 : i32
          %add3A_1969 = arith.addi %mul3A_74, %add3A_1968 : i32
          %get3A_1970 = arith.index_cast %add3A_1969 : i32 to index
          %get3A_1971 = arith.constant 0 : index
          %get3A_1972 = tpu.vector_load %arg9[%get3A_1970, %get3A_1971] {strides = array<i32>} : memref<128x128xf32, #tpu.memory_space<vmem>>, vector<1x16xf32>,
          %get3A_1973 = vector.shape_cast %get3A_1972 : vector<1x16xf32> to vector<16xf32>
          %mul3A_1974 = vector.broadcast %squeeze3A_1967 : f32 to vector<16xf32>
          %mul3A_1975 = arith.mulf %mul3A_1974, %get3A_1973 : vector<16xf32>
          %add3A_1976 = arith.addf %add3A_1902, %mul3A_1975 : vector<16xf32>
          %add3A_1977 = arith.constant 25 : i32
          %add3A_1978 = arith.addi %mul3A_74, %add3A_1977 : i32
          %get3A_1979 = arith.index_cast %add3A_1978 : i32 to index
          %get3A_1980 = arith.constant 16 : index
          %get3A_1981 = tpu.vector_load %arg9[%get3A_1979, %get3A_1980] {strides = array<i32>} : memref<128x128xf32, #tpu.memory_space<vmem>>, vector<1x16xf32>,
          %get3A_1982 = vector.shape_cast %get3A_1981 : vector<1x16xf32> to vector<16xf32>
          %mul3A_1983 = vector.broadcast %squeeze3A_1967 : f32 to vector<16xf32>
          %mul3A_1984 = arith.mulf %mul3A_1983, %get3A_1982 : vector<16xf32>
          %add3A_1985 = arith.addf %add3A_1911, %mul3A_1984 : vector<16xf32>
          %add3A_1986 = arith.constant 25 : i32
          %add3A_1987 = arith.addi %mul3A_74, %add3A_1986 : i32
          %get3A_1988 = arith.index_cast %add3A_1987 : i32 to index
          %get3A_1989 = arith.constant 32 : index
          %get3A_1990 = tpu.vector_load %arg9[%get3A_1988, %get3A_1989] {strides = array<i32>} : memref<128x128xf32, #tpu.memory_space<vmem>>, vector<1x16xf32>,
          %get3A_1991 = vector.shape_cast %get3A_1990 : vector<1x16xf32> to vector<16xf32>
          %mul3A_1992 = vector.broadcast %squeeze3A_1967 : f32 to vector<16xf32>
          %mul3A_1993 = arith.mulf %mul3A_1992, %get3A_1991 : vector<16xf32>
          %add3A_1994 = arith.addf %add3A_1920, %mul3A_1993 : vector<16xf32>
          %add3A_1995 = arith.constant 25 : i32
          %add3A_1996 = arith.addi %mul3A_74, %add3A_1995 : i32
          %get3A_1997 = arith.index_cast %add3A_1996 : i32 to index
          %get3A_1998 = arith.constant 48 : index
          %get3A_1999 = tpu.vector_load %arg9[%get3A_1997, %get3A_1998] {strides = array<i32>} : memref<128x128xf32, #tpu.memory_space<vmem>>, vector<1x16xf32>,
          %get3A_2000 = vector.shape_cast %get3A_1999 : vector<1x16xf32> to vector<16xf32>
          %mul3A_2001 = vector.broadcast %squeeze3A_1967 : f32 to vector<16xf32>
          %mul3A_2002 = arith.mulf %mul3A_2001, %get3A_2000 : vector<16xf32>
          %add3A_2003 = arith.addf %add3A_1929, %mul3A_2002 : vector<16xf32>
          %add3A_2004 = arith.constant 25 : i32
          %add3A_2005 = arith.addi %mul3A_74, %add3A_2004 : i32
          %get3A_2006 = arith.index_cast %add3A_2005 : i32 to index
          %get3A_2007 = arith.constant 64 : index
          %get3A_2008 = tpu.vector_load %arg9[%get3A_2006, %get3A_2007] {strides = array<i32>} : memref<128x128xf32, #tpu.memory_space<vmem>>, vector<1x16xf32>,
          %get3A_2009 = vector.shape_cast %get3A_2008 : vector<1x16xf32> to vector<16xf32>
          %mul3A_2010 = vector.broadcast %squeeze3A_1967 : f32 to vector<16xf32>
          %mul3A_2011 = arith.mulf %mul3A_2010, %get3A_2009 : vector<16xf32>
          %add3A_2012 = arith.addf %add3A_1938, %mul3A_2011 : vector<16xf32>
          %add3A_2013 = arith.constant 25 : i32
          %add3A_2014 = arith.addi %mul3A_74, %add3A_2013 : i32
          %get3A_2015 = arith.index_cast %add3A_2014 : i32 to index
          %get3A_2016 = arith.constant 80 : index
          %get3A_2017 = tpu.vector_load %arg9[%get3A_2015, %get3A_2016] {strides = array<i32>} : memref<128x128xf32, #tpu.memory_space<vmem>>, vector<1x16xf32>,
          %get3A_2018 = vector.shape_cast %get3A_2017 : vector<1x16xf32> to vector<16xf32>
          %mul3A_2019 = vector.broadcast %squeeze3A_1967 : f32 to vector<16xf32>
          %mul3A_2020 = arith.mulf %mul3A_2019, %get3A_2018 : vector<16xf32>
          %add3A_2021 = arith.addf %add3A_1947, %mul3A_2020 : vector<16xf32>
          %add3A_2022 = arith.constant 25 : i32
          %add3A_2023 = arith.addi %mul3A_74, %add3A_2022 : i32
          %get3A_2024 = arith.index_cast %add3A_2023 : i32 to index
          %get3A_2025 = arith.constant 96 : index
          %get3A_2026 = tpu.vector_load %arg9[%get3A_2024, %get3A_2025] {strides = array<i32>} : memref<128x128xf32, #tpu.memory_space<vmem>>, vector<1x16xf32>,
          %get3A_2027 = vector.shape_cast %get3A_2026 : vector<1x16xf32> to vector<16xf32>
          %mul3A_2028 = vector.broadcast %squeeze3A_1967 : f32 to vector<16xf32>
          %mul3A_2029 = arith.mulf %mul3A_2028, %get3A_2027 : vector<16xf32>
          %add3A_2030 = arith.addf %add3A_1956, %mul3A_2029 : vector<16xf32>
          %add3A_2031 = arith.constant 25 : i32
          %add3A_2032 = arith.addi %mul3A_74, %add3A_2031 : i32
          %get3A_2033 = arith.index_cast %add3A_2032 : i32 to index
          %get3A_2034 = arith.constant 112 : index
          %get3A_2035 = tpu.vector_load %arg9[%get3A_2033, %get3A_2034] {strides = array<i32>} : memref<128x128xf32, #tpu.memory_space<vmem>>, vector<1x16xf32>,
          %get3A_2036 = vector.shape_cast %get3A_2035 : vector<1x16xf32> to vector<16xf32>
          %mul3A_2037 = vector.broadcast %squeeze3A_1967 : f32 to vector<16xf32>
          %mul3A_2038 = arith.mulf %mul3A_2037, %get3A_2036 : vector<16xf32>
          %add3A_2039 = arith.addf %add3A_1965, %mul3A_2038 : vector<16xf32>
          %slice3A_2040 = vector.extract_strided_slice %get3A_85 {offsets = [10], sizes = [1], strides = [1]} : vector<16xf32> to vector<1xf32>
          %squeeze3A_2041 = vector.extract %slice3A_2040[0] : f32 from vector<1xf32>
          %add3A_2042 = arith.constant 26 : i32
          %add3A_2043 = arith.addi %mul3A_74, %add3A_2042 : i32
          %get3A_2044 = arith.index_cast %add3A_2043 : i32 to index
          %get3A_2045 = arith.constant 0 : index
          %get3A_2046 = tpu.vector_load %arg9[%get3A_2044, %get3A_2045] {strides = array<i32>} : memref<128x128xf32, #tpu.memory_space<vmem>>, vector<1x16xf32>,
          %get3A_2047 = vector.shape_cast %get3A_2046 : vector<1x16xf32> to vector<16xf32>
          %mul3A_2048 = vector.broadcast %squeeze3A_2041 : f32 to vector<16xf32>
          %mul3A_2049 = arith.mulf %mul3A_2048, %get3A_2047 : vector<16xf32>
          %add3A_2050 = arith.addf %add3A_1976, %mul3A_2049 : vector<16xf32>
          %add3A_2051 = arith.constant 26 : i32
          %add3A_2052 = arith.addi %mul3A_74, %add3A_2051 : i32
          %get3A_2053 = arith.index_cast %add3A_2052 : i32 to index
          %get3A_2054 = arith.constant 16 : index
          %get3A_2055 = tpu.vector_load %arg9[%get3A_2053, %get3A_2054] {strides = array<i32>} : memref<128x128xf32, #tpu.memory_space<vmem>>, vector<1x16xf32>,
          %get3A_2056 = vector.shape_cast %get3A_2055 : vector<1x16xf32> to vector<16xf32>
          %mul3A_2057 = vector.broadcast %squeeze3A_2041 : f32 to vector<16xf32>
          %mul3A_2058 = arith.mulf %mul3A_2057, %get3A_2056 : vector<16xf32>
          %add3A_2059 = arith.addf %add3A_1985, %mul3A_2058 : vector<16xf32>
          %add3A_2060 = arith.constant 26 : i32
          %add3A_2061 = arith.addi %mul3A_74, %add3A_2060 : i32
          %get3A_2062 = arith.index_cast %add3A_2061 : i32 to index
          %get3A_2063 = arith.constant 32 : index
          %get3A_2064 = tpu.vector_load %arg9[%get3A_2062, %get3A_2063] {strides = array<i32>} : memref<128x128xf32, #tpu.memory_space<vmem>>, vector<1x16xf32>,
          %get3A_2065 = vector.shape_cast %get3A_2064 : vector<1x16xf32> to vector<16xf32>
          %mul3A_2066 = vector.broadcast %squeeze3A_2041 : f32 to vector<16xf32>
          %mul3A_2067 = arith.mulf %mul3A_2066, %get3A_2065 : vector<16xf32>
          %add3A_2068 = arith.addf %add3A_1994, %mul3A_2067 : vector<16xf32>
          %add3A_2069 = arith.constant 26 : i32
          %add3A_2070 = arith.addi %mul3A_74, %add3A_2069 : i32
          %get3A_2071 = arith.index_cast %add3A_2070 : i32 to index
          %get3A_2072 = arith.constant 48 : index
          %get3A_2073 = tpu.vector_load %arg9[%get3A_2071, %get3A_2072] {strides = array<i32>} : memref<128x128xf32, #tpu.memory_space<vmem>>, vector<1x16xf32>,
          %get3A_2074 = vector.shape_cast %get3A_2073 : vector<1x16xf32> to vector<16xf32>
          %mul3A_2075 = vector.broadcast %squeeze3A_2041 : f32 to vector<16xf32>
          %mul3A_2076 = arith.mulf %mul3A_2075, %get3A_2074 : vector<16xf32>
          %add3A_2077 = arith.addf %add3A_2003, %mul3A_2076 : vector<16xf32>
          %add3A_2078 = arith.constant 26 : i32
          %add3A_2079 = arith.addi %mul3A_74, %add3A_2078 : i32
          %get3A_2080 = arith.index_cast %add3A_2079 : i32 to index
          %get3A_2081 = arith.constant 64 : index
          %get3A_2082 = tpu.vector_load %arg9[%get3A_2080, %get3A_2081] {strides = array<i32>} : memref<128x128xf32, #tpu.memory_space<vmem>>, vector<1x16xf32>,
          %get3A_2083 = vector.shape_cast %get3A_2082 : vector<1x16xf32> to vector<16xf32>
          %mul3A_2084 = vector.broadcast %squeeze3A_2041 : f32 to vector<16xf32>
          %mul3A_2085 = arith.mulf %mul3A_2084, %get3A_2083 : vector<16xf32>
          %add3A_2086 = arith.addf %add3A_2012, %mul3A_2085 : vector<16xf32>
          %add3A_2087 = arith.constant 26 : i32
          %add3A_2088 = arith.addi %mul3A_74, %add3A_2087 : i32
          %get3A_2089 = arith.index_cast %add3A_2088 : i32 to index
          %get3A_2090 = arith.constant 80 : index
          %get3A_2091 = tpu.vector_load %arg9[%get3A_2089, %get3A_2090] {strides = array<i32>} : memref<128x128xf32, #tpu.memory_space<vmem>>, vector<1x16xf32>,
          %get3A_2092 = vector.shape_cast %get3A_2091 : vector<1x16xf32> to vector<16xf32>
          %mul3A_2093 = vector.broadcast %squeeze3A_2041 : f32 to vector<16xf32>
          %mul3A_2094 = arith.mulf %mul3A_2093, %get3A_2092 : vector<16xf32>
          %add3A_2095 = arith.addf %add3A_2021, %mul3A_2094 : vector<16xf32>
          %add3A_2096 = arith.constant 26 : i32
          %add3A_2097 = arith.addi %mul3A_74, %add3A_2096 : i32
          %get3A_2098 = arith.index_cast %add3A_2097 : i32 to index
          %get3A_2099 = arith.constant 96 : index
          %get3A_2100 = tpu.vector_load %arg9[%get3A_2098, %get3A_2099] {strides = array<i32>} : memref<128x128xf32, #tpu.memory_space<vmem>>, vector<1x16xf32>,
          %get3A_2101 = vector.shape_cast %get3A_2100 : vector<1x16xf32> to vector<16xf32>
          %mul3A_2102 = vector.broadcast %squeeze3A_2041 : f32 to vector<16xf32>
          %mul3A_2103 = arith.mulf %mul3A_2102, %get3A_2101 : vector<16xf32>
          %add3A_2104 = arith.addf %add3A_2030, %mul3A_2103 : vector<16xf32>
          %add3A_2105 = arith.constant 26 : i32
          %add3A_2106 = arith.addi %mul3A_74, %add3A_2105 : i32
          %get3A_2107 = arith.index_cast %add3A_2106 : i32 to index
          %get3A_2108 = arith.constant 112 : index
          %get3A_2109 = tpu.vector_load %arg9[%get3A_2107, %get3A_2108] {strides = array<i32>} : memref<128x128xf32, #tpu.memory_space<vmem>>, vector<1x16xf32>,
          %get3A_2110 = vector.shape_cast %get3A_2109 : vector<1x16xf32> to vector<16xf32>
          %mul3A_2111 = vector.broadcast %squeeze3A_2041 : f32 to vector<16xf32>
          %mul3A_2112 = arith.mulf %mul3A_2111, %get3A_2110 : vector<16xf32>
          %add3A_2113 = arith.addf %add3A_2039, %mul3A_2112 : vector<16xf32>
          %slice3A_2114 = vector.extract_strided_slice %get3A_85 {offsets = [11], sizes = [1], strides = [1]} : vector<16xf32> to vector<1xf32>
          %squeeze3A_2115 = vector.extract %slice3A_2114[0] : f32 from vector<1xf32>
          %add3A_2116 = arith.constant 27 : i32
          %add3A_2117 = arith.addi %mul3A_74, %add3A_2116 : i32
          %get3A_2118 = arith.index_cast %add3A_2117 : i32 to index
          %get3A_2119 = arith.constant 0 : index
          %get3A_2120 = tpu.vector_load %arg9[%get3A_2118, %get3A_2119] {strides = array<i32>} : memref<128x128xf32, #tpu.memory_space<vmem>>, vector<1x16xf32>,
          %get3A_2121 = vector.shape_cast %get3A_2120 : vector<1x16xf32> to vector<16xf32>
          %mul3A_2122 = vector.broadcast %squeeze3A_2115 : f32 to vector<16xf32>
          %mul3A_2123 = arith.mulf %mul3A_2122, %get3A_2121 : vector<16xf32>
          %add3A_2124 = arith.addf %add3A_2050, %mul3A_2123 : vector<16xf32>
          %add3A_2125 = arith.constant 27 : i32
          %add3A_2126 = arith.addi %mul3A_74, %add3A_2125 : i32
          %get3A_2127 = arith.index_cast %add3A_2126 : i32 to index
          %get3A_2128 = arith.constant 16 : index
          %get3A_2129 = tpu.vector_load %arg9[%get3A_2127, %get3A_2128] {strides = array<i32>} : memref<128x128xf32, #tpu.memory_space<vmem>>, vector<1x16xf32>,
          %get3A_2130 = vector.shape_cast %get3A_2129 : vector<1x16xf32> to vector<16xf32>
          %mul3A_2131 = vector.broadcast %squeeze3A_2115 : f32 to vector<16xf32>
          %mul3A_2132 = arith.mulf %mul3A_2131, %get3A_2130 : vector<16xf32>
          %add3A_2133 = arith.addf %add3A_2059, %mul3A_2132 : vector<16xf32>
          %add3A_2134 = arith.constant 27 : i32
          %add3A_2135 = arith.addi %mul3A_74, %add3A_2134 : i32
          %get3A_2136 = arith.index_cast %add3A_2135 : i32 to index
          %get3A_2137 = arith.constant 32 : index
          %get3A_2138 = tpu.vector_load %arg9[%get3A_2136, %get3A_2137] {strides = array<i32>} : memref<128x128xf32, #tpu.memory_space<vmem>>, vector<1x16xf32>,
          %get3A_2139 = vector.shape_cast %get3A_2138 : vector<1x16xf32> to vector<16xf32>
          %mul3A_2140 = vector.broadcast %squeeze3A_2115 : f32 to vector<16xf32>
          %mul3A_2141 = arith.mulf %mul3A_2140, %get3A_2139 : vector<16xf32>
          %add3A_2142 = arith.addf %add3A_2068, %mul3A_2141 : vector<16xf32>
          %add3A_2143 = arith.constant 27 : i32
          %add3A_2144 = arith.addi %mul3A_74, %add3A_2143 : i32
          %get3A_2145 = arith.index_cast %add3A_2144 : i32 to index
          %get3A_2146 = arith.constant 48 : index
          %get3A_2147 = tpu.vector_load %arg9[%get3A_2145, %get3A_2146] {strides = array<i32>} : memref<128x128xf32, #tpu.memory_space<vmem>>, vector<1x16xf32>,
          %get3A_2148 = vector.shape_cast %get3A_2147 : vector<1x16xf32> to vector<16xf32>
          %mul3A_2149 = vector.broadcast %squeeze3A_2115 : f32 to vector<16xf32>
          %mul3A_2150 = arith.mulf %mul3A_2149, %get3A_2148 : vector<16xf32>
          %add3A_2151 = arith.addf %add3A_2077, %mul3A_2150 : vector<16xf32>
          %add3A_2152 = arith.constant 27 : i32
          %add3A_2153 = arith.addi %mul3A_74, %add3A_2152 : i32
          %get3A_2154 = arith.index_cast %add3A_2153 : i32 to index
          %get3A_2155 = arith.constant 64 : index
          %get3A_2156 = tpu.vector_load %arg9[%get3A_2154, %get3A_2155] {strides = array<i32>} : memref<128x128xf32, #tpu.memory_space<vmem>>, vector<1x16xf32>,
          %get3A_2157 = vector.shape_cast %get3A_2156 : vector<1x16xf32> to vector<16xf32>
          %mul3A_2158 = vector.broadcast %squeeze3A_2115 : f32 to vector<16xf32>
          %mul3A_2159 = arith.mulf %mul3A_2158, %get3A_2157 : vector<16xf32>
          %add3A_2160 = arith.addf %add3A_2086, %mul3A_2159 : vector<16xf32>
          %add3A_2161 = arith.constant 27 : i32
          %add3A_2162 = arith.addi %mul3A_74, %add3A_2161 : i32
          %get3A_2163 = arith.index_cast %add3A_2162 : i32 to index
          %get3A_2164 = arith.constant 80 : index
          %get3A_2165 = tpu.vector_load %arg9[%get3A_2163, %get3A_2164] {strides = array<i32>} : memref<128x128xf32, #tpu.memory_space<vmem>>, vector<1x16xf32>,
          %get3A_2166 = vector.shape_cast %get3A_2165 : vector<1x16xf32> to vector<16xf32>
          %mul3A_2167 = vector.broadcast %squeeze3A_2115 : f32 to vector<16xf32>
          %mul3A_2168 = arith.mulf %mul3A_2167, %get3A_2166 : vector<16xf32>
          %add3A_2169 = arith.addf %add3A_2095, %mul3A_2168 : vector<16xf32>
          %add3A_2170 = arith.constant 27 : i32
          %add3A_2171 = arith.addi %mul3A_74, %add3A_2170 : i32
          %get3A_2172 = arith.index_cast %add3A_2171 : i32 to index
          %get3A_2173 = arith.constant 96 : index
          %get3A_2174 = tpu.vector_load %arg9[%get3A_2172, %get3A_2173] {strides = array<i32>} : memref<128x128xf32, #tpu.memory_space<vmem>>, vector<1x16xf32>,
          %get3A_2175 = vector.shape_cast %get3A_2174 : vector<1x16xf32> to vector<16xf32>
          %mul3A_2176 = vector.broadcast %squeeze3A_2115 : f32 to vector<16xf32>
          %mul3A_2177 = arith.mulf %mul3A_2176, %get3A_2175 : vector<16xf32>
          %add3A_2178 = arith.addf %add3A_2104, %mul3A_2177 : vector<16xf32>
          %add3A_2179 = arith.constant 27 : i32
          %add3A_2180 = arith.addi %mul3A_74, %add3A_2179 : i32
          %get3A_2181 = arith.index_cast %add3A_2180 : i32 to index
          %get3A_2182 = arith.constant 112 : index
          %get3A_2183 = tpu.vector_load %arg9[%get3A_2181, %get3A_2182] {strides = array<i32>} : memref<128x128xf32, #tpu.memory_space<vmem>>, vector<1x16xf32>,
          %get3A_2184 = vector.shape_cast %get3A_2183 : vector<1x16xf32> to vector<16xf32>
          %mul3A_2185 = vector.broadcast %squeeze3A_2115 : f32 to vector<16xf32>
          %mul3A_2186 = arith.mulf %mul3A_2185, %get3A_2184 : vector<16xf32>
          %add3A_2187 = arith.addf %add3A_2113, %mul3A_2186 : vector<16xf32>
          %slice3A_2188 = vector.extract_strided_slice %get3A_85 {offsets = [12], sizes = [1], strides = [1]} : vector<16xf32> to vector<1xf32>
          %squeeze3A_2189 = vector.extract %slice3A_2188[0] : f32 from vector<1xf32>
          %add3A_2190 = arith.constant 28 : i32
          %add3A_2191 = arith.addi %mul3A_74, %add3A_2190 : i32
          %get3A_2192 = arith.index_cast %add3A_2191 : i32 to index
          %get3A_2193 = arith.constant 0 : index
          %get3A_2194 = tpu.vector_load %arg9[%get3A_2192, %get3A_2193] {strides = array<i32>} : memref<128x128xf32, #tpu.memory_space<vmem>>, vector<1x16xf32>,
          %get3A_2195 = vector.shape_cast %get3A_2194 : vector<1x16xf32> to vector<16xf32>
          %mul3A_2196 = vector.broadcast %squeeze3A_2189 : f32 to vector<16xf32>
          %mul3A_2197 = arith.mulf %mul3A_2196, %get3A_2195 : vector<16xf32>
          %add3A_2198 = arith.addf %add3A_2124, %mul3A_2197 : vector<16xf32>
          %add3A_2199 = arith.constant 28 : i32
          %add3A_2200 = arith.addi %mul3A_74, %add3A_2199 : i32
          %get3A_2201 = arith.index_cast %add3A_2200 : i32 to index
          %get3A_2202 = arith.constant 16 : index
          %get3A_2203 = tpu.vector_load %arg9[%get3A_2201, %get3A_2202] {strides = array<i32>} : memref<128x128xf32, #tpu.memory_space<vmem>>, vector<1x16xf32>,
          %get3A_2204 = vector.shape_cast %get3A_2203 : vector<1x16xf32> to vector<16xf32>
          %mul3A_2205 = vector.broadcast %squeeze3A_2189 : f32 to vector<16xf32>
          %mul3A_2206 = arith.mulf %mul3A_2205, %get3A_2204 : vector<16xf32>
          %add3A_2207 = arith.addf %add3A_2133, %mul3A_2206 : vector<16xf32>
          %add3A_2208 = arith.constant 28 : i32
          %add3A_2209 = arith.addi %mul3A_74, %add3A_2208 : i32
          %get3A_2210 = arith.index_cast %add3A_2209 : i32 to index
          %get3A_2211 = arith.constant 32 : index
          %get3A_2212 = tpu.vector_load %arg9[%get3A_2210, %get3A_2211] {strides = array<i32>} : memref<128x128xf32, #tpu.memory_space<vmem>>, vector<1x16xf32>,
          %get3A_2213 = vector.shape_cast %get3A_2212 : vector<1x16xf32> to vector<16xf32>
          %mul3A_2214 = vector.broadcast %squeeze3A_2189 : f32 to vector<16xf32>
          %mul3A_2215 = arith.mulf %mul3A_2214, %get3A_2213 : vector<16xf32>
          %add3A_2216 = arith.addf %add3A_2142, %mul3A_2215 : vector<16xf32>
          %add3A_2217 = arith.constant 28 : i32
          %add3A_2218 = arith.addi %mul3A_74, %add3A_2217 : i32
          %get3A_2219 = arith.index_cast %add3A_2218 : i32 to index
          %get3A_2220 = arith.constant 48 : index
          %get3A_2221 = tpu.vector_load %arg9[%get3A_2219, %get3A_2220] {strides = array<i32>} : memref<128x128xf32, #tpu.memory_space<vmem>>, vector<1x16xf32>,
          %get3A_2222 = vector.shape_cast %get3A_2221 : vector<1x16xf32> to vector<16xf32>
          %mul3A_2223 = vector.broadcast %squeeze3A_2189 : f32 to vector<16xf32>
          %mul3A_2224 = arith.mulf %mul3A_2223, %get3A_2222 : vector<16xf32>
          %add3A_2225 = arith.addf %add3A_2151, %mul3A_2224 : vector<16xf32>
          %add3A_2226 = arith.constant 28 : i32
          %add3A_2227 = arith.addi %mul3A_74, %add3A_2226 : i32
          %get3A_2228 = arith.index_cast %add3A_2227 : i32 to index
          %get3A_2229 = arith.constant 64 : index
          %get3A_2230 = tpu.vector_load %arg9[%get3A_2228, %get3A_2229] {strides = array<i32>} : memref<128x128xf32, #tpu.memory_space<vmem>>, vector<1x16xf32>,
          %get3A_2231 = vector.shape_cast %get3A_2230 : vector<1x16xf32> to vector<16xf32>
          %mul3A_2232 = vector.broadcast %squeeze3A_2189 : f32 to vector<16xf32>
          %mul3A_2233 = arith.mulf %mul3A_2232, %get3A_2231 : vector<16xf32>
          %add3A_2234 = arith.addf %add3A_2160, %mul3A_2233 : vector<16xf32>
          %add3A_2235 = arith.constant 28 : i32
          %add3A_2236 = arith.addi %mul3A_74, %add3A_2235 : i32
          %get3A_2237 = arith.index_cast %add3A_2236 : i32 to index
          %get3A_2238 = arith.constant 80 : index
          %get3A_2239 = tpu.vector_load %arg9[%get3A_2237, %get3A_2238] {strides = array<i32>} : memref<128x128xf32, #tpu.memory_space<vmem>>, vector<1x16xf32>,
          %get3A_2240 = vector.shape_cast %get3A_2239 : vector<1x16xf32> to vector<16xf32>
          %mul3A_2241 = vector.broadcast %squeeze3A_2189 : f32 to vector<16xf32>
          %mul3A_2242 = arith.mulf %mul3A_2241, %get3A_2240 : vector<16xf32>
          %add3A_2243 = arith.addf %add3A_2169, %mul3A_2242 : vector<16xf32>
          %add3A_2244 = arith.constant 28 : i32
          %add3A_2245 = arith.addi %mul3A_74, %add3A_2244 : i32
          %get3A_2246 = arith.index_cast %add3A_2245 : i32 to index
          %get3A_2247 = arith.constant 96 : index
          %get3A_2248 = tpu.vector_load %arg9[%get3A_2246, %get3A_2247] {strides = array<i32>} : memref<128x128xf32, #tpu.memory_space<vmem>>, vector<1x16xf32>,
          %get3A_2249 = vector.shape_cast %get3A_2248 : vector<1x16xf32> to vector<16xf32>
          %mul3A_2250 = vector.broadcast %squeeze3A_2189 : f32 to vector<16xf32>
          %mul3A_2251 = arith.mulf %mul3A_2250, %get3A_2249 : vector<16xf32>
          %add3A_2252 = arith.addf %add3A_2178, %mul3A_2251 : vector<16xf32>
          %add3A_2253 = arith.constant 28 : i32
          %add3A_2254 = arith.addi %mul3A_74, %add3A_2253 : i32
          %get3A_2255 = arith.index_cast %add3A_2254 : i32 to index
          %get3A_2256 = arith.constant 112 : index
          %get3A_2257 = tpu.vector_load %arg9[%get3A_2255, %get3A_2256] {strides = array<i32>} : memref<128x128xf32, #tpu.memory_space<vmem>>, vector<1x16xf32>,
          %get3A_2258 = vector.shape_cast %get3A_2257 : vector<1x16xf32> to vector<16xf32>
          %mul3A_2259 = vector.broadcast %squeeze3A_2189 : f32 to vector<16xf32>
          %mul3A_2260 = arith.mulf %mul3A_2259, %get3A_2258 : vector<16xf32>
          %add3A_2261 = arith.addf %add3A_2187, %mul3A_2260 : vector<16xf32>
          %slice3A_2262 = vector.extract_strided_slice %get3A_85 {offsets = [13], sizes = [1], strides = [1]} : vector<16xf32> to vector<1xf32>
          %squeeze3A_2263 = vector.extract %slice3A_2262[0] : f32 from vector<1xf32>
          %add3A_2264 = arith.constant 29 : i32
          %add3A_2265 = arith.addi %mul3A_74, %add3A_2264 : i32
          %get3A_2266 = arith.index_cast %add3A_2265 : i32 to index
          %get3A_2267 = arith.constant 0 : index
          %get3A_2268 = tpu.vector_load %arg9[%get3A_2266, %get3A_2267] {strides = array<i32>} : memref<128x128xf32, #tpu.memory_space<vmem>>, vector<1x16xf32>,
          %get3A_2269 = vector.shape_cast %get3A_2268 : vector<1x16xf32> to vector<16xf32>
          %mul3A_2270 = vector.broadcast %squeeze3A_2263 : f32 to vector<16xf32>
          %mul3A_2271 = arith.mulf %mul3A_2270, %get3A_2269 : vector<16xf32>
          %add3A_2272 = arith.addf %add3A_2198, %mul3A_2271 : vector<16xf32>
          %add3A_2273 = arith.constant 29 : i32
          %add3A_2274 = arith.addi %mul3A_74, %add3A_2273 : i32
          %get3A_2275 = arith.index_cast %add3A_2274 : i32 to index
          %get3A_2276 = arith.constant 16 : index
          %get3A_2277 = tpu.vector_load %arg9[%get3A_2275, %get3A_2276] {strides = array<i32>} : memref<128x128xf32, #tpu.memory_space<vmem>>, vector<1x16xf32>,
          %get3A_2278 = vector.shape_cast %get3A_2277 : vector<1x16xf32> to vector<16xf32>
          %mul3A_2279 = vector.broadcast %squeeze3A_2263 : f32 to vector<16xf32>
          %mul3A_2280 = arith.mulf %mul3A_2279, %get3A_2278 : vector<16xf32>
          %add3A_2281 = arith.addf %add3A_2207, %mul3A_2280 : vector<16xf32>
          %add3A_2282 = arith.constant 29 : i32
          %add3A_2283 = arith.addi %mul3A_74, %add3A_2282 : i32
          %get3A_2284 = arith.index_cast %add3A_2283 : i32 to index
          %get3A_2285 = arith.constant 32 : index
          %get3A_2286 = tpu.vector_load %arg9[%get3A_2284, %get3A_2285] {strides = array<i32>} : memref<128x128xf32, #tpu.memory_space<vmem>>, vector<1x16xf32>,
          %get3A_2287 = vector.shape_cast %get3A_2286 : vector<1x16xf32> to vector<16xf32>
          %mul3A_2288 = vector.broadcast %squeeze3A_2263 : f32 to vector<16xf32>
          %mul3A_2289 = arith.mulf %mul3A_2288, %get3A_2287 : vector<16xf32>
          %add3A_2290 = arith.addf %add3A_2216, %mul3A_2289 : vector<16xf32>
          %add3A_2291 = arith.constant 29 : i32
          %add3A_2292 = arith.addi %mul3A_74, %add3A_2291 : i32
          %get3A_2293 = arith.index_cast %add3A_2292 : i32 to index
          %get3A_2294 = arith.constant 48 : index
          %get3A_2295 = tpu.vector_load %arg9[%get3A_2293, %get3A_2294] {strides = array<i32>} : memref<128x128xf32, #tpu.memory_space<vmem>>, vector<1x16xf32>,
          %get3A_2296 = vector.shape_cast %get3A_2295 : vector<1x16xf32> to vector<16xf32>
          %mul3A_2297 = vector.broadcast %squeeze3A_2263 : f32 to vector<16xf32>
          %mul3A_2298 = arith.mulf %mul3A_2297, %get3A_2296 : vector<16xf32>
          %add3A_2299 = arith.addf %add3A_2225, %mul3A_2298 : vector<16xf32>
          %add3A_2300 = arith.constant 29 : i32
          %add3A_2301 = arith.addi %mul3A_74, %add3A_2300 : i32
          %get3A_2302 = arith.index_cast %add3A_2301 : i32 to index
          %get3A_2303 = arith.constant 64 : index
          %get3A_2304 = tpu.vector_load %arg9[%get3A_2302, %get3A_2303] {strides = array<i32>} : memref<128x128xf32, #tpu.memory_space<vmem>>, vector<1x16xf32>,
          %get3A_2305 = vector.shape_cast %get3A_2304 : vector<1x16xf32> to vector<16xf32>
          %mul3A_2306 = vector.broadcast %squeeze3A_2263 : f32 to vector<16xf32>
          %mul3A_2307 = arith.mulf %mul3A_2306, %get3A_2305 : vector<16xf32>
          %add3A_2308 = arith.addf %add3A_2234, %mul3A_2307 : vector<16xf32>
          %add3A_2309 = arith.constant 29 : i32
          %add3A_2310 = arith.addi %mul3A_74, %add3A_2309 : i32
          %get3A_2311 = arith.index_cast %add3A_2310 : i32 to index
          %get3A_2312 = arith.constant 80 : index
          %get3A_2313 = tpu.vector_load %arg9[%get3A_2311, %get3A_2312] {strides = array<i32>} : memref<128x128xf32, #tpu.memory_space<vmem>>, vector<1x16xf32>,
          %get3A_2314 = vector.shape_cast %get3A_2313 : vector<1x16xf32> to vector<16xf32>
          %mul3A_2315 = vector.broadcast %squeeze3A_2263 : f32 to vector<16xf32>
          %mul3A_2316 = arith.mulf %mul3A_2315, %get3A_2314 : vector<16xf32>
          %add3A_2317 = arith.addf %add3A_2243, %mul3A_2316 : vector<16xf32>
          %add3A_2318 = arith.constant 29 : i32
          %add3A_2319 = arith.addi %mul3A_74, %add3A_2318 : i32
          %get3A_2320 = arith.index_cast %add3A_2319 : i32 to index
          %get3A_2321 = arith.constant 96 : index
          %get3A_2322 = tpu.vector_load %arg9[%get3A_2320, %get3A_2321] {strides = array<i32>} : memref<128x128xf32, #tpu.memory_space<vmem>>, vector<1x16xf32>,
          %get3A_2323 = vector.shape_cast %get3A_2322 : vector<1x16xf32> to vector<16xf32>
          %mul3A_2324 = vector.broadcast %squeeze3A_2263 : f32 to vector<16xf32>
          %mul3A_2325 = arith.mulf %mul3A_2324, %get3A_2323 : vector<16xf32>
          %add3A_2326 = arith.addf %add3A_2252, %mul3A_2325 : vector<16xf32>
          %add3A_2327 = arith.constant 29 : i32
          %add3A_2328 = arith.addi %mul3A_74, %add3A_2327 : i32
          %get3A_2329 = arith.index_cast %add3A_2328 : i32 to index
          %get3A_2330 = arith.constant 112 : index
          %get3A_2331 = tpu.vector_load %arg9[%get3A_2329, %get3A_2330] {strides = array<i32>} : memref<128x128xf32, #tpu.memory_space<vmem>>, vector<1x16xf32>,
          %get3A_2332 = vector.shape_cast %get3A_2331 : vector<1x16xf32> to vector<16xf32>
          %mul3A_2333 = vector.broadcast %squeeze3A_2263 : f32 to vector<16xf32>
          %mul3A_2334 = arith.mulf %mul3A_2333, %get3A_2332 : vector<16xf32>
          %add3A_2335 = arith.addf %add3A_2261, %mul3A_2334 : vector<16xf32>
          %slice3A_2336 = vector.extract_strided_slice %get3A_85 {offsets = [14], sizes = [1], strides = [1]} : vector<16xf32> to vector<1xf32>
          %squeeze3A_2337 = vector.extract %slice3A_2336[0] : f32 from vector<1xf32>
          %add3A_2338 = arith.constant 30 : i32
          %add3A_2339 = arith.addi %mul3A_74, %add3A_2338 : i32
          %get3A_2340 = arith.index_cast %add3A_2339 : i32 to index
          %get3A_2341 = arith.constant 0 : index
          %get3A_2342 = tpu.vector_load %arg9[%get3A_2340, %get3A_2341] {strides = array<i32>} : memref<128x128xf32, #tpu.memory_space<vmem>>, vector<1x16xf32>,
          %get3A_2343 = vector.shape_cast %get3A_2342 : vector<1x16xf32> to vector<16xf32>
          %mul3A_2344 = vector.broadcast %squeeze3A_2337 : f32 to vector<16xf32>
          %mul3A_2345 = arith.mulf %mul3A_2344, %get3A_2343 : vector<16xf32>
          %add3A_2346 = arith.addf %add3A_2272, %mul3A_2345 : vector<16xf32>
          %add3A_2347 = arith.constant 30 : i32
          %add3A_2348 = arith.addi %mul3A_74, %add3A_2347 : i32
          %get3A_2349 = arith.index_cast %add3A_2348 : i32 to index
          %get3A_2350 = arith.constant 16 : index
          %get3A_2351 = tpu.vector_load %arg9[%get3A_2349, %get3A_2350] {strides = array<i32>} : memref<128x128xf32, #tpu.memory_space<vmem>>, vector<1x16xf32>,
          %get3A_2352 = vector.shape_cast %get3A_2351 : vector<1x16xf32> to vector<16xf32>
          %mul3A_2353 = vector.broadcast %squeeze3A_2337 : f32 to vector<16xf32>
          %mul3A_2354 = arith.mulf %mul3A_2353, %get3A_2352 : vector<16xf32>
          %add3A_2355 = arith.addf %add3A_2281, %mul3A_2354 : vector<16xf32>
          %add3A_2356 = arith.constant 30 : i32
          %add3A_2357 = arith.addi %mul3A_74, %add3A_2356 : i32
          %get3A_2358 = arith.index_cast %add3A_2357 : i32 to index
          %get3A_2359 = arith.constant 32 : index
          %get3A_2360 = tpu.vector_load %arg9[%get3A_2358, %get3A_2359] {strides = array<i32>} : memref<128x128xf32, #tpu.memory_space<vmem>>, vector<1x16xf32>,
          %get3A_2361 = vector.shape_cast %get3A_2360 : vector<1x16xf32> to vector<16xf32>
          %mul3A_2362 = vector.broadcast %squeeze3A_2337 : f32 to vector<16xf32>
          %mul3A_2363 = arith.mulf %mul3A_2362, %get3A_2361 : vector<16xf32>
          %add3A_2364 = arith.addf %add3A_2290, %mul3A_2363 : vector<16xf32>
          %add3A_2365 = arith.constant 30 : i32
          %add3A_2366 = arith.addi %mul3A_74, %add3A_2365 : i32
          %get3A_2367 = arith.index_cast %add3A_2366 : i32 to index
          %get3A_2368 = arith.constant 48 : index
          %get3A_2369 = tpu.vector_load %arg9[%get3A_2367, %get3A_2368] {strides = array<i32>} : memref<128x128xf32, #tpu.memory_space<vmem>>, vector<1x16xf32>,
          %get3A_2370 = vector.shape_cast %get3A_2369 : vector<1x16xf32> to vector<16xf32>
          %mul3A_2371 = vector.broadcast %squeeze3A_2337 : f32 to vector<16xf32>
          %mul3A_2372 = arith.mulf %mul3A_2371, %get3A_2370 : vector<16xf32>
          %add3A_2373 = arith.addf %add3A_2299, %mul3A_2372 : vector<16xf32>
          %add3A_2374 = arith.constant 30 : i32
          %add3A_2375 = arith.addi %mul3A_74, %add3A_2374 : i32
          %get3A_2376 = arith.index_cast %add3A_2375 : i32 to index
          %get3A_2377 = arith.constant 64 : index
          %get3A_2378 = tpu.vector_load %arg9[%get3A_2376, %get3A_2377] {strides = array<i32>} : memref<128x128xf32, #tpu.memory_space<vmem>>, vector<1x16xf32>,
          %get3A_2379 = vector.shape_cast %get3A_2378 : vector<1x16xf32> to vector<16xf32>
          %mul3A_2380 = vector.broadcast %squeeze3A_2337 : f32 to vector<16xf32>
          %mul3A_2381 = arith.mulf %mul3A_2380, %get3A_2379 : vector<16xf32>
          %add3A_2382 = arith.addf %add3A_2308, %mul3A_2381 : vector<16xf32>
          %add3A_2383 = arith.constant 30 : i32
          %add3A_2384 = arith.addi %mul3A_74, %add3A_2383 : i32
          %get3A_2385 = arith.index_cast %add3A_2384 : i32 to index
          %get3A_2386 = arith.constant 80 : index
          %get3A_2387 = tpu.vector_load %arg9[%get3A_2385, %get3A_2386] {strides = array<i32>} : memref<128x128xf32, #tpu.memory_space<vmem>>, vector<1x16xf32>,
          %get3A_2388 = vector.shape_cast %get3A_2387 : vector<1x16xf32> to vector<16xf32>
          %mul3A_2389 = vector.broadcast %squeeze3A_2337 : f32 to vector<16xf32>
          %mul3A_2390 = arith.mulf %mul3A_2389, %get3A_2388 : vector<16xf32>
          %add3A_2391 = arith.addf %add3A_2317, %mul3A_2390 : vector<16xf32>
          %add3A_2392 = arith.constant 30 : i32
          %add3A_2393 = arith.addi %mul3A_74, %add3A_2392 : i32
          %get3A_2394 = arith.index_cast %add3A_2393 : i32 to index
          %get3A_2395 = arith.constant 96 : index
          %get3A_2396 = tpu.vector_load %arg9[%get3A_2394, %get3A_2395] {strides = array<i32>} : memref<128x128xf32, #tpu.memory_space<vmem>>, vector<1x16xf32>,
          %get3A_2397 = vector.shape_cast %get3A_2396 : vector<1x16xf32> to vector<16xf32>
          %mul3A_2398 = vector.broadcast %squeeze3A_2337 : f32 to vector<16xf32>
          %mul3A_2399 = arith.mulf %mul3A_2398, %get3A_2397 : vector<16xf32>
          %add3A_2400 = arith.addf %add3A_2326, %mul3A_2399 : vector<16xf32>
          %add3A_2401 = arith.constant 30 : i32
          %add3A_2402 = arith.addi %mul3A_74, %add3A_2401 : i32
          %get3A_2403 = arith.index_cast %add3A_2402 : i32 to index
          %get3A_2404 = arith.constant 112 : index
          %get3A_2405 = tpu.vector_load %arg9[%get3A_2403, %get3A_2404] {strides = array<i32>} : memref<128x128xf32, #tpu.memory_space<vmem>>, vector<1x16xf32>,
          %get3A_2406 = vector.shape_cast %get3A_2405 : vector<1x16xf32> to vector<16xf32>
          %mul3A_2407 = vector.broadcast %squeeze3A_2337 : f32 to vector<16xf32>
          %mul3A_2408 = arith.mulf %mul3A_2407, %get3A_2406 : vector<16xf32>
          %add3A_2409 = arith.addf %add3A_2335, %mul3A_2408 : vector<16xf32>
          %slice3A_2410 = vector.extract_strided_slice %get3A_85 {offsets = [15], sizes = [1], strides = [1]} : vector<16xf32> to vector<1xf32>
          %squeeze3A_2411 = vector.extract %slice3A_2410[0] : f32 from vector<1xf32>
          %add3A_2412 = arith.constant 31 : i32
          %add3A_2413 = arith.addi %mul3A_74, %add3A_2412 : i32
          %get3A_2414 = arith.index_cast %add3A_2413 : i32 to index
          %get3A_2415 = arith.constant 0 : index
          %get3A_2416 = tpu.vector_load %arg9[%get3A_2414, %get3A_2415] {strides = array<i32>} : memref<128x128xf32, #tpu.memory_space<vmem>>, vector<1x16xf32>,
          %get3A_2417 = vector.shape_cast %get3A_2416 : vector<1x16xf32> to vector<16xf32>
          %mul3A_2418 = vector.broadcast %squeeze3A_2411 : f32 to vector<16xf32>
          %mul3A_2419 = arith.mulf %mul3A_2418, %get3A_2417 : vector<16xf32>
          %add3A_2420 = arith.addf %add3A_2346, %mul3A_2419 : vector<16xf32>
          %add3A_2421 = arith.constant 31 : i32
          %add3A_2422 = arith.addi %mul3A_74, %add3A_2421 : i32
          %get3A_2423 = arith.index_cast %add3A_2422 : i32 to index
          %get3A_2424 = arith.constant 16 : index
          %get3A_2425 = tpu.vector_load %arg9[%get3A_2423, %get3A_2424] {strides = array<i32>} : memref<128x128xf32, #tpu.memory_space<vmem>>, vector<1x16xf32>,
          %get3A_2426 = vector.shape_cast %get3A_2425 : vector<1x16xf32> to vector<16xf32>
          %mul3A_2427 = vector.broadcast %squeeze3A_2411 : f32 to vector<16xf32>
          %mul3A_2428 = arith.mulf %mul3A_2427, %get3A_2426 : vector<16xf32>
          %add3A_2429 = arith.addf %add3A_2355, %mul3A_2428 : vector<16xf32>
          %add3A_2430 = arith.constant 31 : i32
          %add3A_2431 = arith.addi %mul3A_74, %add3A_2430 : i32
          %get3A_2432 = arith.index_cast %add3A_2431 : i32 to index
          %get3A_2433 = arith.constant 32 : index
          %get3A_2434 = tpu.vector_load %arg9[%get3A_2432, %get3A_2433] {strides = array<i32>} : memref<128x128xf32, #tpu.memory_space<vmem>>, vector<1x16xf32>,
          %get3A_2435 = vector.shape_cast %get3A_2434 : vector<1x16xf32> to vector<16xf32>
          %mul3A_2436 = vector.broadcast %squeeze3A_2411 : f32 to vector<16xf32>
          %mul3A_2437 = arith.mulf %mul3A_2436, %get3A_2435 : vector<16xf32>
          %add3A_2438 = arith.addf %add3A_2364, %mul3A_2437 : vector<16xf32>
          %add3A_2439 = arith.constant 31 : i32
          %add3A_2440 = arith.addi %mul3A_74, %add3A_2439 : i32
          %get3A_2441 = arith.index_cast %add3A_2440 : i32 to index
          %get3A_2442 = arith.constant 48 : index
          %get3A_2443 = tpu.vector_load %arg9[%get3A_2441, %get3A_2442] {strides = array<i32>} : memref<128x128xf32, #tpu.memory_space<vmem>>, vector<1x16xf32>,
          %get3A_2444 = vector.shape_cast %get3A_2443 : vector<1x16xf32> to vector<16xf32>
          %mul3A_2445 = vector.broadcast %squeeze3A_2411 : f32 to vector<16xf32>
          %mul3A_2446 = arith.mulf %mul3A_2445, %get3A_2444 : vector<16xf32>
          %add3A_2447 = arith.addf %add3A_2373, %mul3A_2446 : vector<16xf32>
          %add3A_2448 = arith.constant 31 : i32
          %add3A_2449 = arith.addi %mul3A_74, %add3A_2448 : i32
          %get3A_2450 = arith.index_cast %add3A_2449 : i32 to index
          %get3A_2451 = arith.constant 64 : index
          %get3A_2452 = tpu.vector_load %arg9[%get3A_2450, %get3A_2451] {strides = array<i32>} : memref<128x128xf32, #tpu.memory_space<vmem>>, vector<1x16xf32>,
          %get3A_2453 = vector.shape_cast %get3A_2452 : vector<1x16xf32> to vector<16xf32>
          %mul3A_2454 = vector.broadcast %squeeze3A_2411 : f32 to vector<16xf32>
          %mul3A_2455 = arith.mulf %mul3A_2454, %get3A_2453 : vector<16xf32>
          %add3A_2456 = arith.addf %add3A_2382, %mul3A_2455 : vector<16xf32>
          %add3A_2457 = arith.constant 31 : i32
          %add3A_2458 = arith.addi %mul3A_74, %add3A_2457 : i32
          %get3A_2459 = arith.index_cast %add3A_2458 : i32 to index
          %get3A_2460 = arith.constant 80 : index
          %get3A_2461 = tpu.vector_load %arg9[%get3A_2459, %get3A_2460] {strides = array<i32>} : memref<128x128xf32, #tpu.memory_space<vmem>>, vector<1x16xf32>,
          %get3A_2462 = vector.shape_cast %get3A_2461 : vector<1x16xf32> to vector<16xf32>
          %mul3A_2463 = vector.broadcast %squeeze3A_2411 : f32 to vector<16xf32>
          %mul3A_2464 = arith.mulf %mul3A_2463, %get3A_2462 : vector<16xf32>
          %add3A_2465 = arith.addf %add3A_2391, %mul3A_2464 : vector<16xf32>
          %add3A_2466 = arith.constant 31 : i32
          %add3A_2467 = arith.addi %mul3A_74, %add3A_2466 : i32
          %get3A_2468 = arith.index_cast %add3A_2467 : i32 to index
          %get3A_2469 = arith.constant 96 : index
          %get3A_2470 = tpu.vector_load %arg9[%get3A_2468, %get3A_2469] {strides = array<i32>} : memref<128x128xf32, #tpu.memory_space<vmem>>, vector<1x16xf32>,
          %get3A_2471 = vector.shape_cast %get3A_2470 : vector<1x16xf32> to vector<16xf32>
          %mul3A_2472 = vector.broadcast %squeeze3A_2411 : f32 to vector<16xf32>
          %mul3A_2473 = arith.mulf %mul3A_2472, %get3A_2471 : vector<16xf32>
          %add3A_2474 = arith.addf %add3A_2400, %mul3A_2473 : vector<16xf32>
          %add3A_2475 = arith.constant 31 : i32
          %add3A_2476 = arith.addi %mul3A_74, %add3A_2475 : i32
          %get3A_2477 = arith.index_cast %add3A_2476 : i32 to index
          %get3A_2478 = arith.constant 112 : index
          %get3A_2479 = tpu.vector_load %arg9[%get3A_2477, %get3A_2478] {strides = array<i32>} : memref<128x128xf32, #tpu.memory_space<vmem>>, vector<1x16xf32>,
          %get3A_2480 = vector.shape_cast %get3A_2479 : vector<1x16xf32> to vector<16xf32>
          %mul3A_2481 = vector.broadcast %squeeze3A_2411 : f32 to vector<16xf32>
          %mul3A_2482 = arith.mulf %mul3A_2481, %get3A_2480 : vector<16xf32>
          %add3A_2483 = arith.addf %add3A_2409, %mul3A_2482 : vector<16xf32>
          %swap3A = arith.index_cast %add3A_72 : i32 to index
          %swap3A_2484 = arith.constant 0 : index
          %swap3A_2485 = tpu.vector_load %arg10[%swap3A, %swap3A_2484] {strides = array<i32>} : memref<256x128xf32, #tpu.memory_space<vmem>>, vector<1x16xf32>,
          %swap3A_2486 = vector.shape_cast %swap3A_2485 : vector<1x16xf32> to vector<16xf32>
          %swap3A_2487 = vector.shape_cast %add3A_2420 : vector<16xf32> to vector<1x16xf32>
          tpu.vector_store %arg10[%swap3A, %swap3A_2484], %swap3A_2487 {strides = array<i32>} : memref<256x128xf32, #tpu.memory_space<vmem>>, vector<1x16xf32>,
          %swap3A_2488 = arith.index_cast %add3A_72 : i32 to index
          %swap3A_2489 = arith.constant 16 : index
          %swap3A_2490 = tpu.vector_load %arg10[%swap3A_2488, %swap3A_2489] {strides = array<i32>} : memref<256x128xf32, #tpu.memory_space<vmem>>, vector<1x16xf32>,
          %swap3A_2491 = vector.shape_cast %swap3A_2490 : vector<1x16xf32> to vector<16xf32>
          %swap3A_2492 = vector.shape_cast %add3A_2429 : vector<16xf32> to vector<1x16xf32>
          tpu.vector_store %arg10[%swap3A_2488, %swap3A_2489], %swap3A_2492 {strides = array<i32>} : memref<256x128xf32, #tpu.memory_space<vmem>>, vector<1x16xf32>,
          %swap3A_2493 = arith.index_cast %add3A_72 : i32 to index
          %swap3A_2494 = arith.constant 32 : index
          %swap3A_2495 = tpu.vector_load %arg10[%swap3A_2493, %swap3A_2494] {strides = array<i32>} : memref<256x128xf32, #tpu.memory_space<vmem>>, vector<1x16xf32>,
          %swap3A_2496 = vector.shape_cast %swap3A_2495 : vector<1x16xf32> to vector<16xf32>
          %swap3A_2497 = vector.shape_cast %add3A_2438 : vector<16xf32> to vector<1x16xf32>
          tpu.vector_store %arg10[%swap3A_2493, %swap3A_2494], %swap3A_2497 {strides = array<i32>} : memref<256x128xf32, #tpu.memory_space<vmem>>, vector<1x16xf32>,
          %swap3A_2498 = arith.index_cast %add3A_72 : i32 to index
          %swap3A_2499 = arith.constant 48 : index
          %swap3A_2500 = tpu.vector_load %arg10[%swap3A_2498, %swap3A_2499] {strides = array<i32>} : memref<256x128xf32, #tpu.memory_space<vmem>>, vector<1x16xf32>,
          %swap3A_2501 = vector.shape_cast %swap3A_2500 : vector<1x16xf32> to vector<16xf32>
          %swap3A_2502 = vector.shape_cast %add3A_2447 : vector<16xf32> to vector<1x16xf32>
          tpu.vector_store %arg10[%swap3A_2498, %swap3A_2499], %swap3A_2502 {strides = array<i32>} : memref<256x128xf32, #tpu.memory_space<vmem>>, vector<1x16xf32>,
          %swap3A_2503 = arith.index_cast %add3A_72 : i32 to index
          %swap3A_2504 = arith.constant 64 : index
          %swap3A_2505 = tpu.vector_load %arg10[%swap3A_2503, %swap3A_2504] {strides = array<i32>} : memref<256x128xf32, #tpu.memory_space<vmem>>, vector<1x16xf32>,
          %swap3A_2506 = vector.shape_cast %swap3A_2505 : vector<1x16xf32> to vector<16xf32>
          %swap3A_2507 = vector.shape_cast %add3A_2456 : vector<16xf32> to vector<1x16xf32>
          tpu.vector_store %arg10[%swap3A_2503, %swap3A_2504], %swap3A_2507 {strides = array<i32>} : memref<256x128xf32, #tpu.memory_space<vmem>>, vector<1x16xf32>,
          %swap3A_2508 = arith.index_cast %add3A_72 : i32 to index
          %swap3A_2509 = arith.constant 80 : index
          %swap3A_2510 = tpu.vector_load %arg10[%swap3A_2508, %swap3A_2509] {strides = array<i32>} : memref<256x128xf32, #tpu.memory_space<vmem>>, vector<1x16xf32>,
          %swap3A_2511 = vector.shape_cast %swap3A_2510 : vector<1x16xf32> to vector<16xf32>
          %swap3A_2512 = vector.shape_cast %add3A_2465 : vector<16xf32> to vector<1x16xf32>
          tpu.vector_store %arg10[%swap3A_2508, %swap3A_2509], %swap3A_2512 {strides = array<i32>} : memref<256x128xf32, #tpu.memory_space<vmem>>, vector<1x16xf32>,
          %swap3A_2513 = arith.index_cast %add3A_72 : i32 to index
          %swap3A_2514 = arith.constant 96 : index
          %swap3A_2515 = tpu.vector_load %arg10[%swap3A_2513, %swap3A_2514] {strides = array<i32>} : memref<256x128xf32, #tpu.memory_space<vmem>>, vector<1x16xf32>,
          %swap3A_2516 = vector.shape_cast %swap3A_2515 : vector<1x16xf32> to vector<16xf32>
          %swap3A_2517 = vector.shape_cast %add3A_2474 : vector<16xf32> to vector<1x16xf32>
          tpu.vector_store %arg10[%swap3A_2513, %swap3A_2514], %swap3A_2517 {strides = array<i32>} : memref<256x128xf32, #tpu.memory_space<vmem>>, vector<1x16xf32>,
          %swap3A_2518 = arith.index_cast %add3A_72 : i32 to index
          %swap3A_2519 = arith.constant 112 : index
          %swap3A_2520 = tpu.vector_load %arg10[%swap3A_2518, %swap3A_2519] {strides = array<i32>} : memref<256x128xf32, #tpu.memory_space<vmem>>, vector<1x16xf32>,
          %swap3A_2521 = vector.shape_cast %swap3A_2520 : vector<1x16xf32> to vector<16xf32>
          %swap3A_2522 = vector.shape_cast %add3A_2483 : vector<16xf32> to vector<1x16xf32>
          tpu.vector_store %arg10[%swap3A_2518, %swap3A_2519], %swap3A_2522 {strides = array<i32>} : memref<256x128xf32, #tpu.memory_space<vmem>>, vector<1x16xf32>,
        }
        %scan3A_68 = arith.constant 4 : i32
      }
      %scan3A_26 = arith.constant 32 : i32
      "tpu.region"() ({
        %run_scoped3A = tpu.sem_alloc : memref<!tpu.dma_semaphore, #tpu.memory_space<semaphore_mem>>
        %dma_start3A_27 = arith.constant 0 : i32
        %dma_start3A_28 = tpu.memref_slice %arg5[%add3A_14, %dma_start3A_27] : memref<16384x128xf32, #tpu.memory_space<hbm>> -> memref<256x128xf32, #tpu.memory_space<hbm>>
        %dma_start3A_29 = arith.constant 0 : i32
        %dma_start3A_30 = tpu.memref_slice %arg5[%add3A_14, %dma_start3A_29] : memref<16384x128xf32, #tpu.memory_space<hbm>> -> memref<256x128xf32, #tpu.memory_space<hbm>>
        tpu.enqueue_dma source(%arg10 : memref<256x128xf32, #tpu.memory_space<vmem>>) target(%dma_start3A_30 : memref<256x128xf32, #tpu.memory_space<hbm>>) target_semaphore(%run_scoped3A : memref<!tpu.dma_semaphore, #tpu.memory_space<semaphore_mem>>)
        %dma_wait3A = arith.constant 0 : i32
        %dma_wait3A_31 = tpu.memref_slice %arg5[%add3A_14, %dma_wait3A] : memref<16384x128xf32, #tpu.memory_space<hbm>> -> memref<256x128xf32, #tpu.memory_space<hbm>>
        %dma_wait3A_32 = arith.constant 0 : i32
        %dma_wait3A_33 = tpu.memref_slice %arg5[%add3A_14, %dma_wait3A_32] : memref<16384x128xf32, #tpu.memory_space<hbm>> -> memref<256x128xf32, #tpu.memory_space<hbm>>
        tpu.wait_dma2 semaphore(%run_scoped3A : memref<!tpu.dma_semaphore, #tpu.memory_space<semaphore_mem>>) src(%arg10 : memref<256x128xf32, #tpu.memory_space<vmem>>) dst(%dma_wait3A_33 : memref<256x128xf32, #tpu.memory_space<hbm>>)
        tpu.yield
      }) : () -> ()
    }
    %scan3A_5 = arith.constant 2 : i32
    return
  }
}

module attributes {stable_mosaic.version = 14 : i64} {
  func.func @_softmax_body(%arg0: i32, %arg1: memref<2048x32xf32, #tpu.memory_space<vmem>>, %arg2: memref<2048x32xf32, #tpu.memory_space<vmem>>) attributes {dimension_semantics = [#tpu.dimension_semantics<arbitrary>], iteration_bounds = array<i64: 8>, scalar_prefetch = 0 : i64, scratch_operands = 0 : i64, tpu.core_type = #tpu.core_type<tc>, window_params = [{transform_indices = @transform_0, window_bounds = array<i64: 2048, 32>}, {transform_indices = @transform_1, window_bounds = array<i64: 2048, 32>}]} {
    %get3A = arith.constant 0 : index
    %get3A_0 = arith.constant 0 : index
    %get3A_1 = vector.load %arg1[%get3A, %get3A_0] : memref<2048x32xf32, #tpu.memory_space<vmem>>, vector<2048x32xf32>
    %reduce_max3A = arith.constant dense<0xFF800000> : vector<2048xf32>
    %reduce_max3A_2 = vector.multi_reduction <maximumf>, %get3A_1, %reduce_max3A [1] : vector<2048x32xf32> to vector<2048xf32>
    %broadcast_in_dim3A = vector.shape_cast %reduce_max3A_2 : vector<2048xf32> to vector<2048x1xf32>
    %sub3A = vector.broadcast %broadcast_in_dim3A : vector<2048x1xf32> to vector<2048x32xf32>
    %sub3A_3 = arith.subf %get3A_1, %sub3A : vector<2048x32xf32>
    %exp3A = math.exp %sub3A_3 : vector<2048x32xf32>
    %reduce_sum3A = arith.constant dense<0.000000e+00> : vector<2048xf32>
    %reduce_sum3A_4 = vector.multi_reduction <add>, %exp3A, %reduce_sum3A [1] : vector<2048x32xf32> to vector<2048xf32>
    %broadcast_in_dim3A_5 = vector.shape_cast %reduce_sum3A_4 : vector<2048xf32> to vector<2048x1xf32>
    %div3A = vector.broadcast %broadcast_in_dim3A_5 : vector<2048x1xf32> to vector<2048x32xf32>
    %div3A_6 = arith.divf %exp3A, %div3A : vector<2048x32xf32>
    %swap3A = arith.constant 0 : index
    %swap3A_7 = arith.constant 0 : index
    %swap3A_8 = vector.load %arg2[%swap3A, %swap3A_7] : memref<2048x32xf32, #tpu.memory_space<vmem>>, vector<2048x32xf32>
    tpu.vector_store %arg2[%swap3A, %swap3A_7], %div3A_6 {strides = array<i32>} : memref<2048x32xf32, #tpu.memory_space<vmem>>, vector<2048x32xf32>,
    return
  }
  func.func @transform_0(%arg0: i32) -> (i32, i32) {
    %c0_i32 = arith.constant 0 : i32
    %c0_i32_0 = arith.constant 0 : i32
    return %arg0, %c0_i32 : i32, i32
  }
  func.func @transform_1(%arg0: i32) -> (i32, i32) {
    %c0_i32 = arith.constant 0 : i32
    %c0_i32_0 = arith.constant 0 : i32
    return %arg0, %c0_i32 : i32, i32
  }
}

</mosaic_0001>

<sc_bundles>
// kernel: kernel.4.cloned.1.call-start
scs
__scs_entry_jumppad:
0x0: {  	(pc) =	sbr.rel $0x88, $3  }
0x1: {  	(tag) =	ssettag $0x0;
	lr =	simm.s32 $0x1  }
0x2: {  	[smem:$0x3F9E] =	sst lr;
	_ =	strace $0xD0000000  }
0x3: {  	_ = 	snop  }
0x4: {  	_ = 	snop  }
0x5: {  	_ = 	snop  }
0x6: {  	_ = 	snop  }
0x7: {  	_ = 	snop  }
__scs_overlays_trampoline_lowered:
0x8: {  	[smem:$0x3FAD] =	sst s0  }
0x9: {  	[smem:$0x3FAE] =	sst s1  }
0xa: {  	[smem:$0x3FAF] =	sst s2  }
0xb: {  	[smem:$0x3FB0] =	sst s3  }
0xc: {  	[smem:$0x3FB1] =	sst s4  }
0xd: {  	[smem:$0x3FB2] =	sst s5  }
0xe: {  	[smem:$0x3FB3] =	sst s6  }
0xf: {  	[smem:$0x3FB4] =	sst s7  }
0x10: {  	[smem:$0x3FB5] =	sst s8  }
0x11: {  	[smem:$0x3FB6] =	sst s9;
	s0 =	simm.s32 @!p0 $0x0  }
0x12: {  	s1 =	sld [smem:$0x3F9C];
	s0 =	simm.s32 @p0 $0x1  }
0x13: {  	[smem:$0x3FB7] =	sst s0;
	s0 =	simm.s32 @!p1 $0x0  }
0x14: {  	s2 =	sld [smem:$0x3F9B];
	s0 =	simm.s32 @p1 $0x1  }
0x15: {  	[smem:$0x3FB8] =	sst s0;
	s0 =	simm.s32 @!p2 $0x0  }
0x16: {  	s3 =	sld [smem:$0x3FDB];
	s0 =	simm.s32 @p2 $0x1  }
0x17: {  	s4 =	simm.s32 $0x1BF5;
	[smem:$0x3FBA] =	sst s0  }
0x18: {  	s0 =	sld [smem:$0x3F9D];
	_ =	swait.ge [sflag:s4], $0x0  }
0x19: {  	s7 =	sld [smem:$0x3F9E]  }
0x1a: {  	s8 =	sadd.s32 $0xFFFFE003, lr  }
0x1b: {  	s9 =	sadd.s32 $0xFFFFFEF7, lr;
	s5 =	simm.s32 $0xFFFFFFFF;
	p2 =	slt.u32 s8, $0xFFFFF086  }
0x1c: {  	p1 =	slt.u32 s9, $0xF7A;
	s5 =	simm.s32 @!p2 $0x0  }
0x1d: {  	s5 =	simm.s32 @p1 $0x1;
	p0 =	seq.s32 s7, s2  }
0x1e: {  	s7 =	smul.u32 @!p0 $0xF7A, s2;
	p2 =	seq.s32 @!p0 s5, $0x0  }
0x1f: {  	s9 =	smul.u32 $0xF7A, s1;
	s8 =	simm.s32 @!p0 $0x1BF5;
	p2 =	por !p2, p0  }
0x20: {  	[sflag:s8] =	ssyncset.s32 @!p0 $0xFFFFF086;
	s6 =	sadd.s32 @!p0 s3, s7;
	s7 =	simm.s32 @!p0 $0x108  }
0x21: {  	s3 =	sadd.s32 s3, s9;
	s6 =	sadd.s32 @!p0 $0x88, s6;
	s7 =	simm.s32 @p2 $0x1082  }
0x22: {  	[simem:s7], [sflag:s8] =	dma.local @!p0 [hbm:s6], $0xF7A  }
0x23: {  	s9 =	sor.u32 $0xD0000000, s2;
	s6 =	simm.s32 $0x108;
	_ =	swait.ge @!p0 [sflag:s8], $0x0  }
0x24: {  	s3 =	sadd.s32 $0x88, s3;
	s6 =	simm.s32 @!p1 $0x1082;
	[sflag:s4] =	ssyncset.s32 $0xFFFFF086  }
0x25: {  	[simem:s6], [sflag:s4] =	dma.local [hbm:s3], $0xF7A  }
0x26: {  	[smem:$0x3F9E] =	sst s1;
	(tag) =	ssettag s2;
	_ =	strace s9  }
0x27: {  	s1 =	sld [smem:$0x3FAE]  }
0x28: {  	s2 =	sld [smem:$0x3FAF]  }
0x29: {  	s4 =	sld [smem:$0x3FB1]  }
0x2a: {  	p0 =	seq.s32 s5, $0x0;
	s5 =	sld [smem:$0x3FB2]  }
0x2b: {  	s6 =	sld [smem:$0x3FB3]  }
0x2c: {  	s7 =	sld [smem:$0x3FB4]  }
0x2d: {  	s3 =	simm.s32 $0x108;
	s8 =	sld [smem:$0x3FB5]  }
0x2e: {  	s3 =	simm.s32 @!p0 $0x1082;
	s9 =	sld [smem:$0x3FB6]  }
0x2f: {  	lr =	sadd.s32 s0, s3;
	s0 =	sld [smem:$0x3FAD]  }
0x30: {  	s3 =	sld [smem:$0x3FB0]  }
0x31: {  	[smem:$0x3FB9] =	sst s10  }
0x32: {  	s10 =	sld [smem:$0x3FB7];
	_ =	sdelay $0x3  }
0x33: {  	p0 =	seq.s32 s10, $0x1;
	s10 =	sld [smem:$0x3FB9];
	_ =	sdelay $0x3  }
0x34: {  	[smem:$0x3FB9] =	sst s10  }
0x35: {  	s10 =	sld [smem:$0x3FB8];
	_ =	sdelay $0x3  }
0x36: {  	p1 =	seq.s32 s10, $0x1;
	s10 =	sld [smem:$0x3FB9];
	_ =	sdelay $0x3  }
0x37: {  	[smem:$0x3FB9] =	sst s10  }
0x38: {  	s10 =	sld [smem:$0x3FBA]  }
0x39: {  	_ = 	snop;
	(pc) =	sbr.ind lr, $3  }
0x3a: {  	_ = 	snop  }
0x3b: {  	_ = 	snop  }
0x3c: {  	p2 =	seq.s32 s10, $0x1;
	s10 =	sld [smem:$0x3FB9]  }
0x3d: {  	_ =	shalt  }
0x3e: {  	_ =	shalt  }
0x3f: {  	_ =	shalt  }
0x40: {  	_ =	shalt  }
0x41: {  	_ =	shalt  }
0x42: {  	_ =	shalt  }
0x43: {  	_ =	shalt  }
0x44: {  	_ =	shalt  }
0x45: {  	_ =	shalt  }
0x46: {  	_ =	shalt  }
0x47: {  	_ =	shalt  }
0x48: {  	_ =	shalt  }
0x49: {  	_ =	shalt  }
0x4a: {  	_ =	shalt  }
0x4b: {  	_ =	shalt  }
0x4c: {  	_ =	shalt  }
0x4d: {  	_ =	shalt  }
0x4e: {  	_ =	shalt  }
0x4f: {  	_ =	shalt  }
0x50: {  	_ =	shalt  }
0x51: {  	_ =	shalt  }
0x52: {  	_ =	shalt  }
0x53: {  	_ =	shalt  }
0x54: {  	_ =	shalt  }
0x55: {  	_ =	shalt  }
0x56: {  	_ =	shalt  }
0x57: {  	_ =	shalt  }
0x58: {  	_ =	shalt  }
0x59: {  	_ =	shalt  }
0x5a: {  	_ =	shalt  }
0x5b: {  	_ =	shalt  }
0x5c: {  	_ =	shalt  }
0x5d: {  	_ =	shalt  }
0x5e: {  	_ =	shalt  }
0x5f: {  	_ =	shalt  }
0x60: {  	_ =	shalt  }
0x61: {  	_ =	shalt  }
0x62: {  	_ =	shalt  }
0x63: {  	_ =	shalt  }
0x64: {  	_ =	shalt  }
0x65: {  	_ =	shalt  }
0x66: {  	_ =	shalt  }
0x67: {  	_ =	shalt  }
0x68: {  	_ =	shalt  }
0x69: {  	_ =	shalt  }
0x6a: {  	_ =	shalt  }
0x6b: {  	_ =	shalt  }
0x6c: {  	_ =	shalt  }
0x6d: {  	_ =	shalt  }
0x6e: {  	_ =	shalt  }
0x6f: {  	_ =	shalt  }
0x70: {  	_ =	shalt  }
0x71: {  	_ =	shalt  }
0x72: {  	_ =	shalt  }
0x73: {  	_ =	shalt  }
0x74: {  	_ =	shalt  }
0x75: {  	_ =	shalt  }
0x76: {  	_ =	shalt  }
0x77: {  	_ =	shalt  }
0x78: {  	_ =	shalt  }
0x79: {  	_ =	shalt  }
0x7a: {  	_ =	shalt  }
0x7b: {  	_ =	shalt  }
0x7c: {  	_ =	shalt  }
0x7d: {  	_ =	shalt  }
0x7e: {  	_ =	shalt  }
0x7f: {  	_ =	shalt  }
0x80: {  	_ =	shalt  }
0x81: {  	_ =	shalt  }
0x82: {  	_ =	shalt  }
0x83: {  	_ =	shalt  }
0x84: {  	_ =	shalt  }
0x85: {  	_ =	shalt  }
0x86: {  	_ =	shalt  }
0x87: {  	_ =	shalt  }
.Lfunc_end0:
.L_simem_size_0:
called_computation_lowered:
.L_overlay_start_0:
0x88: {  	s2 =	sld [smem:$0x3FD9]  }
0x89: {  	s3 =	sld [smem:$0x3FFE];
	_ =	sdelay $0x1  }
0x8a: {  	s1 =	srdreg.scid  }
0x8b: {  	s0 =	sand.u32 $0x1, s1  }
0x8c: {  	s17 =	sshll.u32 s0, $0xA;
	s2 =	sadd.s32 s3, s2  }
0x8d: {  	s2 =	sadd.s32 s2, s17  }
0x8e: {  	[smem:$0x3FC5] =	sst s2  }
0x8f: {  	_ = 	snop  }
0x90: {  	s2 =	sld [smem:$0x3FC8]  }
0x91: {  	s18 =	sld [smem:$0x3FD0];
	(tm) =	ssettm $0x1  }
0x92: {  	s4 =	sld [smem:$0x3FFB];
	_ =	sdelay $0x3  }
0x93: {  	_ =	strace s4  }
0x94: {  	s4 =	sld [smem:$0x3FFC];
	_ =	sdelay $0x3  }
0x95: {  	_ =	strace s4  }
0x96: {  	s4 =	sld [smem:$0x3FFD];
	_ =	sdelay $0x3  }
0x97: {  	_ =	strace s4  }
0x98: {  	_ =	strace $0x8FFFFFFF  }
0x99: {  	s19 =	sld [smem:$0x3FDB];
	_ =	sdelay $0x1  }
0x9a: {  	s5 =	simm.s32 $_scs_section_size  }
0x9b: {  	s6 =	simm.s32 $_size__tile_overlayer_lowered;
	s7 =	simm.s32 $_tile_overlayer_lowered  }
0x9c: {  	s22 =	simm.s32 $0x1BFF;
	s21 =	sshll.u32 s7, $0x1;
	s4 =	sadd.s32 s5, s19  }
0x9d: {  	s8 =	simm.s32 $0x0;
	s20 =	sshll.u32 s6, $0x1;
	s6 =	sadd.s32 s21, s4  }
0x9e: {  	[timem:s8], [sflag:s22] =	dma.local [hbm:s6], s20  }
0x9f: {  	_ =	swait.ge [sflag:s22], s20  }
0xa0: {  	s5 =	ssub.s32 $0x0, s20;
	[sflag:s22] =	ssyncset.done $0x0  }
0xa1: {  	[sflag:s22] =	ssyncadd.s32 s5;
	_ =	sdelay $0x1  }
0xa2: {  	s23 =	simm.s32 $0x1B8B  }
0xa3: {  	_ =	swait.ge [sflag:s23], $0x1  }
0xa4: {  	[sflag:s23] =	ssyncset.done $0x0  }
0xa5: {  	s25 =	simm.s32 $0x1B8E;
	s24 =	sld [smem:$0x3FFE];
	[sflag:s23] =	ssyncadd.s32 $0xFFFFFFFF  }
0xa6: {  	s26 =	simm.s32 $execute0_lowered;
	[smem:$0x3FD2] =	sst s25  }
0xa7: {  	s6 =	sshll.u32 s26, $0x1;
	_ =	strace $0x80000046;
	[dreg:$0x1] =	wrdreg $0xFFFFFFFF  }
0xa8: {  	s28 =	simm.s32 $_size_execute0_lowered;
	s4 =	sadd.s32 s4, s6;
	[dreg:$0x0] =	wrdreg $0x0  }
0xa9: {  	s6 =	sshll.u32 s28, $0x1;
	[dreg:$0x2] =	wrdreg s4  }
0xaa: {  	[dreg:$0x3] =	wrdreg s6  }
0xab: {  	[dreg:$0x4] =	wrdreg $0xC0  }
0xac: {  	_ =	task [dreg:s8], $0x5FFFF  }
0xad: {  	[dreg:$0x1] =	wrdreg $0xFFFFFFFF  }
0xae: {  	[dreg:$0x0] =	wrdreg $0x60  }
0xaf: {  	[dreg:$0x2] =	wrdreg s24  }
0xb0: {  	[dreg:$0x3] =	wrdreg s2  }
0xb1: {  	[dreg:$0x4] =	wrdreg s18  }
0xb2: {  	[dreg:$0x5] =	wrdreg $0x9  }
0xb3: {  	_ =	task.clear_ibuf [dreg:s8], $0x6FFFF;
	_ =	strace $0x90000046  }
0xb4: {  	s29 =	simm.s32 $0x9;
	_ =	strace $0x80000048  }
0xb5: {  	_ =	swait.ge [sflag:s29], $0x1  }
0xb6: {  	[sflag:s29] =	ssyncadd.s32 $0xFFFFFFFF  }
0xb7: {  	_ =	strace $0x90000048  }
0xb8: {  	_ =	sfence  }
0xb9: {  	s30 =	sld [smem:$0x0];
	_ =	sdelay $0x2  }
0xba: {  	s31 =	sshll.u32 s1, $0xD;
	s1 =	sshrl.u32 s1, $0x2  }
0xbb: {  	s3 =	sand.u32 $0x4000, s31;
	s1 =	sadd.s32 s1, s30  }
0xbc: {  	s0 =	sor.u32 s3, s0;
	s1 =	sshll.u32 s1, $0x11  }
0xbd: {  	s0 =	sor.u32 s1, s0  }
0xbe: {  	s0 =	sadd.s32 $0x8F2B, s0  }
0xbf: {  	[sflag:s0] =	ssyncadd.remote.s32 $0x1  }
0xc0: {  	_ =	sfence.sel $0xFFFF  }
0xc1: {  	[dreg:$0x0] =	wrdreg $0xFFFFFFFF;
	(pc) =	sbr.abs _section_cstart, $3  }
0xc2: {  	[dreg:$0x1] =	wrdreg $0xFFFFFFFF  }
0xc3: {  	_ =	task.clear_ibuf [dreg:s8], $0x2FFFF;
	_ =	strace $0x9FFFFFFF  }
0xc4: {  	(tm) =	ssettm $0x7FFFFFFF  }
0xc5: {  	_ =	shalt  }
tec
execute0_lowered:
.L_overlay_start_1:
0x0: {  	(tag) =	ssettag $0x1  }
0x1: {  	s6 =	rddreg [dreg:$0x0]  }
0x2: {  	s1 =	rddreg [dreg:$0x1]  }
0x3: {  	s2 =	rddreg [dreg:$0x2]  }
0x4: {  	s0 =	rddreg [dreg:$0x3];
	s4 =	simm.s32 $0x0;
	s3 =	stileid.u32  }
0x5: {  	s7 =	srdreg.scid;
	s11 =	simm.s32 $0x80;
	s12 =	simm.s32 $0x400  }
0x6: {  	s13 =	simm.s32 $0x2000;
	s14 =	simm.s32 $0xC000;
	s15 =	simm.s32 $0x4000  }
0x7: {  	s16 =	simm.s32 $0x8000;
	s17 =	simm.s32 $0x1;
	s18 =	simm.s32 $0x2  }
0x8: {  	s19 =	simm.s32 $0x0;
	[smem:$0x7FF] =	sst s4;
	s5 =	sadd.s32 $0x10600, s6  }
0x9: {  	s8 =	sshll.u32 s3, $0xC;
	s7 =	sand.u32 $0x1, s7;
	s10 =	sshll.u32 s3, $0x1  }
0xa: {  	_ =	strace $0x80000047;
	s8 =	sand.u32 $0xE000, s8;
	s9 =	ssub.s32 $0x2, s7  }
0xb: {  	s7 =	sor.u32 s7, s10;
	s10 =	simm.s32 $0x3;
	s31 =	sshrl.u32 s9, $0x1  }
0xc: {  	s8 =	sadd.s32 s8, s6;
	s6 =	sshll.u32 s7, $0xD;
	s9 =	ssub.s32 s9, s31  }
0xd: {  	s7 =	sshll.u32 s7, $0x1;
	s8 =	sadd.s32 $0x600, s8;
	s9 =	smax.u32 s9, $0x1  }
.LBB2_1:
0xe: {  	p1 =	por $0x1, $0x1;
	s21 =	simm.s32 $0x0  }
.LBB2_2:
0xf: {  	s22 =	sor.u32 s7, s21  }
0x10: {  	s20 =	sshll.u32 s22, $0xA  }
0x11: {  	s23 =	sadd.s32 s5, s20;
	s20 =	simm.s32 $0x0  }
0x12: {  	[tilespmem:s20], [sflag:$0x3] =	stream.linear.gather [hbm4b:s23+s20], $0x2000, $0x38;
	[tilespmem:$0x14000] =	vst v63  }
0x13: {  	s22 =	sshll.u32 s22, $0x4;
	_ =	swait.ge [sflag:s10], $0x2000  }
0x14: {  	s22 =	sand.u32 $0x70, s22;
	[sflag:s10] =	ssyncset.done $0x0  }
0x15: {  	s22 =	sadd.s32 s22, s8;
	[sflag:s10] =	ssyncadd.s32 $0xFFFFE000  }
0x16: {  	[tilespmem:s13], [sflag:$0x3] =	stream.strided.gather [hbm4b:s22+s11], $0x2000, s12, s11, $0x38;
	[tilespmem:$0x14000] =	vst v63  }
0x17: {  	s30 =	sshll.u32 s21, $0xC;
	_ =	swait.ge [sflag:s10], $0x2000  }
0x18: {  	s21 =	sor.u32 s6, s30;
	[sflag:s10] =	ssyncset.done $0x0  }
0x19: {  	s31 =	sadd.s32 s1, s21;
	[sflag:s10] =	ssyncadd.s32 $0xFFFFE000  }
0x1a: {  	[tilespmem:s14], [sflag:$0x3] =	stream.linear.gather [hbm4b:s31+s20], $0x8000, $0x38;
	[tilespmem:$0x14000] =	vst v63  }
0x1b: {  	_ =	swait.ge [sflag:s10], $0x8000  }
0x1c: {  	[sflag:s10] =	ssyncset.done $0x0  }
0x1d: {  	p0 =	por p1, p1;
	[sflag:s10] =	ssyncadd.s32 $0xFFFF8000  }
0x1e: {  	[tilespmem:s15], [sflag:$0x1] =	stream.indirect.gather [hbm4b:s1+s11], $0x80, s20, s11, $0xb8;
	[tilespmem:$0x14000] =	vst v63  }
.LBB2_3:
0x1f: {  	s22 =	sshllo.u32 s20, $0x1  }
0x20: {  	s23 =	sshll.u32 s22, $0x7  }
0x21: {  	s23 =	sand.u32 $0x3FFFFF80, s23  }
0x22: {  	[tilespmem:s16], [sflag:$0x2] =	stream.indirect.gather [hbm4b:s1+s11], $0x80, s23, s11, $0xb8;
	[tilespmem:$0x14000] =	vst v63  }
0x23: {  	_ =	swait.ge [sflag:s17], $0x4000  }
0x24: {  	[sflag:s17] =	ssyncset.done $0x0  }
0x25: {  	s24 =	simm.s32 $0x0;
	s23 =	sshll.u32 s20, $0x3;
	[sflag:s17] =	ssyncadd.s32 $0xFFFFC000  }
.LBB2_4:
0x26: {  	s25 =	sadd.s32 s23, s24  }
0x27: {  	s25 =	sshll.u32 s25, $0x7  }
0x28: {  	s26 =	sshra.s32 s25, $0x2  }
0x29: {  	s31 =	sshll.u32 s24, $0xC;
	v20 =	vld [tilespmem:s26+$0x2000]  }
0x2a: {  	v21 =	vld [tilespmem:s26+$0x2010];
	s26 =	sand.u32 $0x3FFFF000, s31  }
0x2b: {  	v62 =	vld [tilespmem:s26+$0x4350];
	_ =	sdelay $0x4  }
0x2c: {  	[tilespmem:$0x1FD50] =	vst v62;
	v62 =	vld [tilespmem:s26+$0x4360];
	_ =	sdelay $0x4  }
0x2d: {  	[tilespmem:$0x1FD60] =	vst v62;
	v62 =	vld [tilespmem:s26+$0x4370];
	_ =	sdelay $0x4  }
0x2e: {  	[tilespmem:$0x1FD70] =	vst v62;
	v62 =	vld [tilespmem:s26+$0x4380];
	_ =	sdelay $0x4  }
0x2f: {  	[tilespmem:$0x1FD80] =	vst v62;
	v62 =	vld [tilespmem:s26+$0x4390];
	_ =	sdelay $0x4  }
0x30: {  	[tilespmem:$0x1FD90] =	vst v62;
	v62 =	vld [tilespmem:s26+$0x43A0];
	_ =	sdelay $0x4  }
0x31: {  	[tilespmem:$0x1FDA0] =	vst v62;
	v62 =	vld [tilespmem:s26+$0x43B0];
	_ =	sdelay $0x4  }
0x32: {  	[tilespmem:$0x1FDB0] =	vst v62;
	v62 =	vld [tilespmem:s26+$0x43C0];
	_ =	sdelay $0x4  }
0x33: {  	[tilespmem:$0x1FDC0] =	vst v62;
	v62 =	vld [tilespmem:s26+$0x43D0];
	_ =	sdelay $0x4  }
0x34: {  	[tilespmem:$0x1FDD0] =	vst v62;
	v62 =	vld [tilespmem:s26+$0x43E0];
	_ =	sdelay $0x4  }
0x35: {  	[tilespmem:$0x1FDE0] =	vst v62;
	v62 =	vld [tilespmem:s26+$0x43F0];
	_ =	sdelay $0x4  }
0x36: {  	[tilespmem:$0x1FDF0] =	vst v62;
	v62 =	vld [tilespmem:s26+$0x4400];
	_ =	sdelay $0x4  }
0x37: {  	[tilespmem:$0x1FE00] =	vst v62;
	v62 =	vld [tilespmem:s26+$0x4410];
	_ =	sdelay $0x1  }
0x38: {  	s25 =	sand.u32 $0x3FFFFF80, s25  }
0x39: {  	v15 =	vld [tilespmem:s25+$0xC000]  }
0x3a: {  	v16 =	vld [tilespmem:s25+$0xC010]  }
0x3b: {  	[tilespmem:$0x1FE10] =	vst v62;
	v62 =	vld [tilespmem:s26+$0x4420]  }
0x3c: {  	v18 =	vld [tilespmem:s25+$0xC020]  }
0x3d: {  	v19 =	vld [tilespmem:s25+$0xC030]  }
0x3e: {  	v1 =	vld [tilespmem:s25+$0xC040]  }
0x3f: {  	v2 =	vld [tilespmem:s25+$0xC050]  }
0x40: {  	[tilespmem:$0x1FE20] =	vst v62;
	v62 =	vld [tilespmem:s26+$0x4430]  }
0x41: {  	v22 =	vld [tilespmem:s25+$0xC060]  }
0x42: {  	v27 =	vld [tilespmem:s25+$0xC070]  }
0x43: {  	v28 =	vld [tilespmem:s26+$0x4000]  }
0x44: {  	v30 =	vld [tilespmem:s26+$0x4010]  }
0x45: {  	[tilespmem:$0x1FE30] =	vst v62;
	v62 =	vld [tilespmem:s26+$0x4440]  }
0x46: {  	v31 =	vld [tilespmem:s26+$0x4020]  }
0x47: {  	v32 =	vld [tilespmem:s26+$0x4030]  }
0x48: {  	v3 =	vld [tilespmem:s26+$0x4040]  }
0x49: {  	v4 =	vld [tilespmem:s26+$0x4050]  }
0x4a: {  	[tilespmem:$0x1FE40] =	vst v62;
	v62 =	vld [tilespmem:s26+$0x4450]  }
0x4b: {  	v5 =	vld [tilespmem:s26+$0x4060]  }
0x4c: {  	v7 =	vld [tilespmem:s26+$0x4070]  }
0x4d: {  	v6 =	vld [tilespmem:s26+$0x4080]  }
0x4e: {  	v9 =	vld [tilespmem:s26+$0x4090]  }
0x4f: {  	[tilespmem:$0x1FE50] =	vst v62;
	v62 =	vld [tilespmem:s26+$0x4460]  }
0x50: {  	v8 =	vld [tilespmem:s26+$0x40A0]  }
0x51: {  	v10 =	vld [tilespmem:s26+$0x40B0]  }
0x52: {  	v11 =	vld [tilespmem:s26+$0x40C0]  }
0x53: {  	v12 =	vld [tilespmem:s26+$0x40D0]  }
0x54: {  	[tilespmem:$0x1FE60] =	vst v62;
	v62 =	vld [tilespmem:s26+$0x4470]  }
0x55: {  	v14 =	vld [tilespmem:s26+$0x40E0]  }
0x56: {  	v13 =	vld [tilespmem:s26+$0x40F0]  }
0x57: {  	v23 =	vld [tilespmem:s26+$0x4100]  }
0x58: {  	v17 =	vld [tilespmem:s26+$0x4110]  }
0x59: {  	[tilespmem:$0x1FE70] =	vst v62;
	v62 =	vld [tilespmem:s26+$0x4480]  }
0x5a: {  	v24 =	vld [tilespmem:s26+$0x4120]  }
0x5b: {  	v25 =	vld [tilespmem:s26+$0x4130]  }
0x5c: {  	v26 =	vld [tilespmem:s26+$0x4140]  }
0x5d: {  	v33 =	vld [tilespmem:s26+$0x4150]  }
0x5e: {  	[tilespmem:$0x1FE80] =	vst v62;
	v62 =	vld [tilespmem:s26+$0x4490]  }
0x5f: {  	v29 =	vld [tilespmem:s26+$0x4160]  }
0x60: {  	v35 =	vld [tilespmem:s26+$0x4170]  }
0x61: {  	v34 =	vld [tilespmem:s26+$0x4180]  }
0x62: {  	v36 =	vld [tilespmem:s26+$0x4190]  }
0x63: {  	[tilespmem:$0x1FE90] =	vst v62;
	v62 =	vld [tilespmem:s26+$0x44A0]  }
0x64: {  	v37 =	vld [tilespmem:s26+$0x41A0]  }
0x65: {  	v38 =	vld [tilespmem:s26+$0x41B0]  }
0x66: {  	v39 =	vld [tilespmem:s26+$0x41C0]  }
0x67: {  	v40 =	vld [tilespmem:s26+$0x41D0]  }
0x68: {  	[tilespmem:$0x1FEA0] =	vst v62;
	v62 =	vld [tilespmem:s26+$0x44B0]  }
0x69: {  	v41 =	vld [tilespmem:s26+$0x41E0]  }
0x6a: {  	v42 =	vld [tilespmem:s26+$0x41F0]  }
0x6b: {  	v43 =	vld [tilespmem:s26+$0x4200]  }
0x6c: {  	v45 =	vld [tilespmem:s26+$0x4210]  }
0x6d: {  	[tilespmem:$0x1FEB0] =	vst v62;
	v62 =	vld [tilespmem:s26+$0x44C0]  }
0x6e: {  	v44 =	vld [tilespmem:s26+$0x4220]  }
0x6f: {  	v46 =	vld [tilespmem:s26+$0x4230]  }
0x70: {  	v47 =	vld [tilespmem:s26+$0x4240]  }
0x71: {  	v48 =	vld [tilespmem:s26+$0x4250]  }
0x72: {  	[tilespmem:$0x1FEC0] =	vst v62;
	v62 =	vld [tilespmem:s26+$0x44D0]  }
0x73: {  	v50 =	vld [tilespmem:s26+$0x4260]  }
0x74: {  	v49 =	vld [tilespmem:s26+$0x4270]  }
0x75: {  	v51 =	vld [tilespmem:s26+$0x4280]  }
0x76: {  	v52 =	vld [tilespmem:s26+$0x4290]  }
0x77: {  	[tilespmem:$0x1FED0] =	vst v62;
	v62 =	vld [tilespmem:s26+$0x44E0]  }
0x78: {  	v53 =	vld [tilespmem:s26+$0x42A0]  }
0x79: {  	v54 =	vld [tilespmem:s26+$0x42B0]  }
0x7a: {  	v0 =	vld [tilespmem:s26+$0x4340]  }
0x7b: {  	v55 =	vld [tilespmem:s26+$0x42C0]  }
0x7c: {  	[tilespmem:$0x1FEE0] =	vst v62;
	v62 =	vld [tilespmem:s26+$0x44F0]  }
0x7d: {  	v57 =	vld [tilespmem:s26+$0x42D0]  }
0x7e: {  	v56 =	vld [tilespmem:s26+$0x42E0]  }
0x7f: {  	v58 =	vld [tilespmem:s26+$0x42F0];
	[tilespmem:$0x1FD40] =	vst v0;
	v0 =	vbroadcast v20, $0x0  }
0x80: {  	v59 =	vld [tilespmem:s26+$0x4300]  }
0x81: {  	v28 =	vmul.f32 v28, v0;
	[tilespmem:$0x1FEF0] =	vst v62;
	v62 =	vld [tilespmem:s26+$0x4500]  }
0x82: {  	v60 =	vld [tilespmem:s26+$0x4310];
	v30 =	vmul.f32 v30, v0  }
0x83: {  	v61 =	vld [tilespmem:s26+$0x4320];
	v15 =	vadd.f32 v28, v15;
	v28 =	vmul.f32 v31, v0  }
0x84: {  	v63 =	vld [tilespmem:s26+$0x4330];
	v3 =	vmul.f32 v3, v0;
	v4 =	vmul.f32 v4, v0;
	v16 =	vadd.f32 v30, v16  }
0x85: {  	v30 =	vmul.f32 v32, v0;
	v32 =	vld [tilespmem:s26+$0x4550];
	v18 =	vadd.f32 v28, v18;
	v28 =	vbroadcast v20, $0x1  }
0x86: {  	v5 =	vmul.f32 v5, v0;
	v0 =	vmul.f32 v7, v0;
	[tilespmem:$0x1FF00] =	vst v62;
	v62 =	vld [tilespmem:s26+$0x4510]  }
0x87: {  	v3 =	vadd.f32 v3, v1;
	v31 =	vld [tilespmem:s26+$0x4540];
	v6 =	vmul.f32 v6, v28  }
0x88: {  	v19 =	vadd.f32 v30, v19;
	v0 =	vadd.f32 v0, v27;
	v27 =	vld [tilespmem:s26+$0x4570];
	v30 =	vmul.f32 v11, v28  }
0x89: {  	v6 =	vadd.f32 v6, v15;
	v15 =	vld [tilespmem:s26+$0x4580]  }
0x8a: {  	v8 =	vmul.f32 v8, v28;
	[tilespmem:$0x1FF50] =	vst v32;
	v3 =	vadd.f32 v30, v3;
	v30 =	vld [tilespmem:s26+$0x45D0]  }
0x8b: {  	v5 =	vadd.f32 v5, v22;
	v13 =	vmul.f32 v13, v28;
	v32 =	vmul.f32 v14, v28;
	[tilespmem:$0x1FF10] =	vst v62;
	v62 =	vld [tilespmem:s26+$0x4520]  }
0x8c: {  	[tilespmem:$0x1FF40] =	vst v31;
	v31 =	vmul.f32 v12, v28;
	v12 =	vbroadcast v20, $0x2;
	v8 =	vadd.f32 v8, v18;
	v18 =	vld [tilespmem:s26+$0x4590]  }
0x8d: {  	v4 =	vadd.f32 v4, v2;
	v5 =	vadd.f32 v32, v5;
	v32 =	vld [tilespmem:s26+$0x45E0]  }
0x8e: {  	v0 =	vadd.f32 v13, v0;
	[tilespmem:$0x1FF70] =	vst v27;
	v27 =	vmul.f32 v24, v12;
	v24 =	vld [tilespmem:s26+$0x45F0]  }
0x8f: {  	v13 =	vbroadcast v20, $0x3;
	v4 =	vadd.f32 v31, v4;
	v31 =	vmul.f32 v26, v12;
	[tilespmem:$0x1FF90] =	vst v30;
	v30 =	vld [tilespmem:s26+$0x4620]  }
0x90: {  	[tilespmem:$0x1FF20] =	vst v62;
	v62 =	vld [tilespmem:s26+$0x4530]  }
0x91: {  	v3 =	vadd.f32 v31, v3;
	v31 =	vmul.f32 v38, v13;
	v38 =	vld [tilespmem:s26+$0x4650]  }
0x92: {  	v8 =	vadd.f32 v27, v8;
	v27 =	vmul.f32 v36, v13;
	v36 =	vld [tilespmem:s26+$0x46D0];
	[tilespmem:$0x1FFA0] =	vst v32;
	v32 =	vmul.f32 v39, v13  }
0x93: {  	v39 =	vld [tilespmem:s26+$0x4690]  }
0x94: {  	v3 =	vadd.f32 v32, v3;
	v32 =	vld [tilespmem:s26+$0x46B0];
	[tilespmem:$0x1FFD0] =	vst v30  }
0x95: {  	v22 =	vmul.f32 v10, v28;
	v30 =	vld [tilespmem:s26+$0x4680];
	[tilespmem:$0x1FF30] =	vst v62;
	v62 =	vmul.f32 v9, v28  }
0x96: {  	v26 =	vmul.f32 v34, v13;
	v9 =	vld [tilespmem:s26+$0x4560];
	v28 =	vmul.f32 v25, v12  }
0x97: {  	v25 =	vmul.f32 v35, v12;
	v35 =	vbroadcast v20, $0x4;
	v7 =	vadd.f32 v62, v16;
	v16 =	vld [tilespmem:s26+$0x45A0]  }
0x98: {  	v34 =	vmul.f32 v40, v13;
	v62 =	vmul.f32 v23, v12;
	v23 =	vld [tilespmem:s26+$0x45B0]  }
0x99: {  	[tilespmem:$0x1FFB0] =	vst v24;
	v24 =	vmul.f32 v47, v35;
	v40 =	vmul.f32 v50, v35;
	v50 =	vld [tilespmem:s26+$0x4770]  }
0x9a: {  	v0 =	vadd.f32 v25, v0;
	v25 =	vmul.f32 v48, v35;
	v47 =	vbroadcast v20, $0x6;
	v48 =	vld [tilespmem:$0x1FD90]  }
0x9b: {  	v6 =	vadd.f32 v62, v6;
	v62 =	vmul.f32 v33, v12;
	v33 =	vld [tilespmem:s26+$0x4630]  }
0x9c: {  	v3 =	vadd.f32 v24, v3;
	v24 =	vmul.f32 v60, v47;
	v60 =	vld [tilespmem:s26+$0x4730]  }
0x9d: {  	[tilespmem:$0x1FF60] =	vst v9;
	v9 =	vadd.f32 v22, v19;
	v22 =	vmul.f32 v17, v12;
	v19 =	vld [tilespmem:s26+$0x45C0]  }
0x9e: {  	v17 =	vmul.f32 v29, v12;
	v29 =	vmul.f32 v37, v13;
	v37 =	vld [tilespmem:s26+$0x46E0]  }
0x9f: {  	v41 =	vmul.f32 v41, v13;
	v42 =	vmul.f32 v42, v13;
	v13 =	vld [tilespmem:$0x1FDB0]  }
0xa0: {  	v7 =	vadd.f32 v22, v7;
	v22 =	vld [tilespmem:s26+$0x4600]  }
0xa1: {  	v9 =	vadd.f32 v28, v9;
	v28 =	vld [tilespmem:s26+$0x4610]  }
0xa2: {  	v4 =	vadd.f32 v62, v4;
	v5 =	vadd.f32 v17, v5;
	v17 =	vld [tilespmem:s26+$0x4670]  }
0xa3: {  	v6 =	vadd.f32 v26, v6;
	v26 =	vbroadcast v20, $0x5;
	v8 =	vadd.f32 v29, v8;
	v29 =	vld [tilespmem:$0x1FD40]  }
0xa4: {  	v43 =	vmul.f32 v43, v35;
	v4 =	vadd.f32 v34, v4;
	v34 =	vld [tilespmem:s26+$0x46C0]  }
0xa5: {  	v62 =	vmul.f32 v44, v35;
	v44 =	vmul.f32 v53, v26;
	v53 =	vld [tilespmem:s26+$0x46F0]  }
0xa6: {  	[tilespmem:$0x1FF80] =	vst v23;
	v23 =	vmul.f32 v46, v35;
	v46 =	vmul.f32 v55, v26;
	v55 =	vld [tilespmem:s26+$0x4700]  }
0xa7: {  	v0 =	vadd.f32 v42, v0;
	v42 =	vmul.f32 v51, v26;
	v51 =	vmul.f32 v57, v26;
	v57 =	vld [tilespmem:$0x1FDA0]  }
0xa8: {  	v6 =	vadd.f32 v43, v6;
	v43 =	vmul.f32 v52, v26;
	v52 =	vld [tilespmem:s26+$0x47A0]  }
0xa9: {  	v7 =	vadd.f32 v27, v7;
	v27 =	vld [tilespmem:s26+$0x4640]  }
0xaa: {  	v9 =	vadd.f32 v31, v9;
	v31 =	vld [tilespmem:s26+$0x46A0]  }
0xab: {  	v45 =	vmul.f32 v45, v35;
	v5 =	vadd.f32 v41, v5;
	v41 =	vmul.f32 v49, v35;
	v35 =	vld [tilespmem:$0x1FD50]  }
0xac: {  	v8 =	vadd.f32 v62, v8;
	v62 =	vmul.f32 v56, v26;
	v56 =	vld [tilespmem:s26+$0x4780]  }
0xad: {  	v4 =	vadd.f32 v25, v4;
	v25 =	vmul.f32 v61, v47;
	v61 =	vld [tilespmem:s26+$0x4740]  }
0xae: {  	v6 =	vadd.f32 v42, v6;
	v42 =	vld [tilespmem:$0x1FD60]  }
0xaf: {  	v3 =	vadd.f32 v46, v3;
	v46 =	vld [tilespmem:$0x1FD80]  }
0xb0: {  	v9 =	vadd.f32 v23, v9;
	v23 =	vmul.f32 v59, v47;
	v59 =	vld [tilespmem:s26+$0x4720]  }
0xb1: {  	v8 =	vadd.f32 v44, v8;
	v44 =	vld [tilespmem:$0x1FD70]  }
0xb2: {  	v7 =	vadd.f32 v45, v7;
	v45 =	vmul.f32 v54, v26;
	v54 =	vld [tilespmem:s26+$0x4790]  }
0xb3: {  	[tilespmem:$0x1FFC0] =	vst v28;
	v28 =	vld [tilespmem:s26+$0x4660]  }
0xb4: {  	v5 =	vadd.f32 v40, v5;
	[tilespmem:$0x1FFF0] =	vst v17;
	v17 =	vmul.f32 v58, v26;
	v58 =	vld [tilespmem:s26+$0x4710]  }
0xb5: {  	v0 =	vadd.f32 v41, v0;
	v4 =	vadd.f32 v51, v4;
	v51 =	vld [tilespmem:s26+$0x4760]  }
0xb6: {  	[tilespmem:$0x1FFE0] =	vst v33;
	v33 =	vmul.f32 v29, v47;
	v29 =	vld [tilespmem:$0x1FDD0]  }
0xb7: {  	v5 =	vadd.f32 v62, v5;
	v62 =	vld [tilespmem:s26+$0x4750];
	v11 =	vadd.f32 v17, v0;
	v17 =	vbroadcast v20, $0x7  }
0xb8: {  	v8 =	vadd.f32 v25, v8;
	v25 =	vld [tilespmem:$0x1FDC0]  }
0xb9: {  	v26 =	vmul.f32 v63, v47;
	v63 =	vmul.f32 v57, v17;
	v57 =	vld [tilespmem:$0x1FE10]  }
0xba: {  	v7 =	vadd.f32 v43, v7;
	v40 =	vmul.f32 v35, v47;
	v35 =	vld [tilespmem:$0x1FDE0]  }
0xbb: {  	v9 =	vadd.f32 v45, v9;
	v6 =	vadd.f32 v23, v6;
	v43 =	vmul.f32 v42, v47;
	v42 =	vld [tilespmem:$0x1FE00]  }
0xbc: {  	v23 =	vbroadcast v20, $0x8;
	v41 =	vadd.f32 v33, v3;
	v49 =	vmul.f32 v48, v17;
	v48 =	vld [tilespmem:s26+$0x47C0]  }
0xbd: {  	v7 =	vadd.f32 v24, v7;
	v45 =	vmul.f32 v44, v47;
	v47 =	vmul.f32 v46, v17;
	v46 =	vld [tilespmem:s26+$0x47F0]  }
0xbe: {  	v9 =	vadd.f32 v26, v9;
	v8 =	vadd.f32 v63, v8;
	v63 =	vmul.f32 v57, v23;
	v57 =	vld [tilespmem:$0x1FE40]  }
0xbf: {  	v14 =	vadd.f32 v40, v4;
	v7 =	vadd.f32 v49, v7;
	v26 =	vmul.f32 v25, v17;
	v49 =	vld [tilespmem:s26+$0x47B0]  }
0xc0: {  	v5 =	vadd.f32 v43, v5;
	v33 =	vmul.f32 v29, v17;
	v11 =	vadd.f32 v45, v11;
	v45 =	vld [tilespmem:s26+$0x47D0]  }
0xc1: {  	v6 =	vadd.f32 v47, v6;
	v10 =	vadd.f32 v26, v41;
	v41 =	vld [tilespmem:$0x1FDF0];
	v43 =	vmul.f32 v42, v23  }
0xc2: {  	v24 =	vmul.f32 v13, v17;
	v13 =	vadd.f32 v33, v14;
	v26 =	vld [tilespmem:$0x1FE20]  }
0xc3: {  	v14 =	vadd.f32 v43, v6;
	v43 =	vld [tilespmem:$0x1FE60];
	v7 =	vadd.f32 v63, v7;
	v63 =	vmul.f32 v57, v23  }
0xc4: {  	v47 =	vld [tilespmem:s26+$0x47E0]  }
0xc5: {  	v40 =	vmul.f32 v35, v17;
	v10 =	vadd.f32 v63, v10;
	v63 =	vld [tilespmem:$0x1FE80]  }
0xc6: {  	v33 =	vld [tilespmem:$0x1FE30];
	v17 =	vmul.f32 v41, v17  }
0xc7: {  	v12 =	vadd.f32 v40, v5;
	v29 =	vmul.f32 v26, v23;
	v26 =	vld [tilespmem:$0x1FE50]  }
0xc8: {  	v5 =	vld [tilespmem:$0x1FE90];
	v11 =	vadd.f32 v17, v11;
	v17 =	vbroadcast v20, $0x9;
	v44 =	vmul.f32 v43, v23  }
0xc9: {  	v57 =	vld [tilespmem:$0x1FE70]  }
0xca: {  	v43 =	vadd.f32 v44, v12;
	v44 =	vld [tilespmem:$0x1FEA0];
	v4 =	vmul.f32 v63, v17  }
0xcb: {  	v25 =	vld [tilespmem:s26+$0x4850]  }
0xcc: {  	v8 =	vadd.f32 v29, v8;
	v29 =	vmul.f32 v26, v23;
	v26 =	vadd.f32 v4, v14;
	v4 =	vld [tilespmem:$0x1FEC0]  }
0xcd: {  	v42 =	vld [tilespmem:s26+$0x4800];
	v6 =	vmul.f32 v5, v17  }
0xce: {  	v35 =	vmul.f32 v33, v23;
	v41 =	vadd.f32 v29, v13;
	v13 =	vld [tilespmem:$0x1FEE0]  }
0xcf: {  	v23 =	vmul.f32 v57, v23;
	v57 =	vmul.f32 v44, v17;
	v44 =	vadd.f32 v6, v7;
	v6 =	vld [tilespmem:$0x1FED0]  }
0xd0: {  	v40 =	vld [tilespmem:s26+$0x4810]  }
0xd1: {  	v63 =	vld [tilespmem:$0x1FEB0];
	v5 =	vmul.f32 v4, v17  }
0xd2: {  	v9 =	vadd.f32 v24, v9;
	v4 =	vld [tilespmem:$0x1FF30]  }
0xd3: {  	v11 =	vadd.f32 v23, v11;
	v23 =	vmul.f32 v13, v17;
	v3 =	vadd.f32 v5, v10;
	v5 =	vld [tilespmem:$0x1FEF0]  }
0xd4: {  	v24 =	vadd.f32 v35, v9;
	v9 =	vmul.f32 v6, v17;
	v6 =	vld [tilespmem:$0x1FF00]  }
0xd5: {  	v43 =	vadd.f32 v23, v43;
	v23 =	vld [tilespmem:$0x1FF20]  }
0xd6: {  	v33 =	vld [tilespmem:s26+$0x4840];
	v7 =	vmul.f32 v63, v17;
	v63 =	vbroadcast v20, $0xA  }
0xd7: {  	v41 =	vadd.f32 v9, v41;
	v9 =	vld [tilespmem:$0x1FF10]  }
0xd8: {  	v10 =	vmul.f32 v5, v17;
	v5 =	vmul.f32 v4, v63;
	v4 =	vld [tilespmem:$0x1FF50]  }
0xd9: {  	v8 =	vadd.f32 v57, v8;
	v57 =	vmul.f32 v6, v63;
	v6 =	vld [tilespmem:$0x1FF40]  }
0xda: {  	v35 =	vld [tilespmem:s26+$0x4820];
	v24 =	vadd.f32 v7, v24;
	v0 =	vmul.f32 v23, v63  }
0xdb: {  	v29 =	vld [tilespmem:s26+$0x4830]  }
0xdc: {  	v12 =	vmul.f32 v9, v63;
	v2 =	vadd.f32 v0, v8;
	v24 =	vadd.f32 v5, v24;
	v5 =	vld [tilespmem:$0x1FF60]  }
0xdd: {  	v14 =	vld [tilespmem:s26+$0x4860];
	v0 =	vbroadcast v20, $0xB;
	v10 =	vadd.f32 v10, v11;
	v11 =	vmul.f32 v4, v63  }
0xde: {  	v13 =	vld [tilespmem:s26+$0x4870];
	v26 =	vadd.f32 v57, v26;
	v44 =	vadd.f32 v12, v44;
	v7 =	vmul.f32 v6, v63  }
0xdf: {  	v23 =	vld [tilespmem:s26+$0x4890];
	v18 =	vmul.f32 v18, v0;
	v11 =	vadd.f32 v11, v41;
	v41 =	vmul.f32 v15, v0  }
0xe0: {  	v6 =	vadd.f32 v7, v3;
	v7 =	vld [tilespmem:$0x1FF70]  }
0xe1: {  	v3 =	vmul.f32 v5, v63;
	v26 =	vadd.f32 v41, v26;
	v41 =	vadd.f32 v18, v44;
	v44 =	vld [tilespmem:$0x1FF80]  }
0xe2: {  	v57 =	vld [tilespmem:s26+$0x48A0]  }
0xe3: {  	v4 =	vadd.f32 v3, v43;
	v43 =	vld [tilespmem:$0x1FF90]  }
0xe4: {  	v9 =	vld [tilespmem:s26+$0x48C0]  }
0xe5: {  	v17 =	vld [tilespmem:s26+$0x4880]  }
0xe6: {  	v12 =	vld [tilespmem:s26+$0x48B0];
	v1 =	vmul.f32 v7, v63;
	v7 =	vmul.f32 v44, v0  }
0xe7: {  	v8 =	vmul.f32 v16, v0;
	v16 =	vld [tilespmem:s26+$0x48F0]  }
0xe8: {  	v5 =	vadd.f32 v7, v24;
	v24 =	vmul.f32 v43, v0;
	v7 =	vld [tilespmem:$0x1FFA0]  }
0xe9: {  	v15 =	vld [tilespmem:s26+$0x48E0]  }
0xea: {  	v44 =	vadd.f32 v8, v2;
	v8 =	vmul.f32 v19, v0;
	v11 =	vadd.f32 v24, v11;
	v24 =	vld [tilespmem:$0x1FFC0]  }
0xeb: {  	v63 =	vld [tilespmem:s26+$0x48D0]  }
0xec: {  	v6 =	vadd.f32 v8, v6;
	v8 =	vld [tilespmem:$0x1FFB0]  }
0xed: {  	v18 =	vld [tilespmem:s26+$0x4900];
	v2 =	vbroadcast v20, $0xC;
	v3 =	vmul.f32 v7, v0  }
0xee: {  	v19 =	vld [tilespmem:s26+$0x4910]  }
0xef: {  	v3 =	vadd.f32 v3, v4;
	v4 =	vmul.f32 v24, v2;
	v24 =	vld [tilespmem:$0x1FFE0]  }
0xf0: {  	v10 =	vadd.f32 v1, v10;
	v43 =	vld [tilespmem:s26+$0x4920];
	v1 =	vmul.f32 v22, v2  }
0xf1: {  	v22 =	vld [tilespmem:s26+$0x4940];
	v27 =	vmul.f32 v27, v2;
	v0 =	vmul.f32 v8, v0  }
0xf2: {  	v1 =	vadd.f32 v1, v26;
	v26 =	vld [tilespmem:s26+$0x4950]  }
0xf3: {  	v38 =	vmul.f32 v38, v2;
	v6 =	vadd.f32 v27, v6;
	v7 =	vadd.f32 v0, v10;
	v10 =	vld [tilespmem:$0x1FFD0]  }
0xf4: {  	v27 =	vmul.f32 v28, v2;
	v28 =	vld [tilespmem:s26+$0x4980];
	v4 =	vadd.f32 v4, v41;
	v41 =	vmul.f32 v24, v2  }
0xf5: {  	v8 =	vld [tilespmem:s26+$0x4930];
	v0 =	vbroadcast v20, $0xD  }
0xf6: {  	v11 =	vadd.f32 v38, v11;
	v5 =	vadd.f32 v41, v5;
	v41 =	vld [tilespmem:$0x1FFF0]  }
0xf7: {  	v38 =	vmul.f32 v30, v0;
	v30 =	vld [tilespmem:s26+$0x4990];
	v3 =	vadd.f32 v27, v3;
	v27 =	vmul.f32 v39, v0  }
0xf8: {  	v39 =	vmul.f32 v31, v0;
	v31 =	vld [tilespmem:s26+$0x49A0];
	v10 =	vmul.f32 v10, v2  }
0xf9: {  	v1 =	vadd.f32 v38, v1;
	v38 =	vmul.f32 v34, v0;
	v34 =	vld [tilespmem:s26+$0x49C0]  }
0xfa: {  	v24 =	vld [tilespmem:s26+$0x4960];
	v44 =	vadd.f32 v10, v44  }
0xfb: {  	v6 =	vadd.f32 v38, v6;
	v38 =	vld [tilespmem:s26+$0x49F0];
	v2 =	vmul.f32 v41, v2;
	v41 =	vmul.f32 v32, v0  }
0xfc: {  	v4 =	vadd.f32 v27, v4;
	v10 =	vld [tilespmem:s26+$0x4970];
	v27 =	vadd.f32 v39, v44;
	v39 =	vmul.f32 v37, v0  }
0xfd: {  	v44 =	vmul.f32 v36, v0;
	v36 =	vld [tilespmem:s26+$0x49D0];
	v5 =	vadd.f32 v41, v5;
	v41 =	vbroadcast v20, $0xE  }
0xfe: {  	v37 =	vld [tilespmem:s26+$0x49E0];
	v3 =	vadd.f32 v39, v3;
	v0 =	vmul.f32 v53, v0;
	v20 =	vbroadcast v20, $0xF  }
0xff: {  	v39 =	vld [tilespmem:s26+$0x4A00];
	v2 =	vadd.f32 v2, v7;
	v55 =	vmul.f32 v55, v41;
	v58 =	vmul.f32 v58, v41  }
0x100: {  	v32 =	vld [tilespmem:s26+$0x49B0];
	v7 =	vadd.f32 v44, v11;
	v59 =	vmul.f32 v59, v41;
	v60 =	vmul.f32 v60, v41  }
0x101: {  	v53 =	vld [tilespmem:s26+$0x4A20];
	v0 =	vadd.f32 v0, v2;
	v61 =	vmul.f32 v61, v41;
	v62 =	vmul.f32 v62, v41  }
0x102: {  	v44 =	vld [tilespmem:s26+$0x4A10];
	v51 =	vmul.f32 v51, v41;
	v1 =	vadd.f32 v55, v1;
	v4 =	vadd.f32 v58, v4  }
0x103: {  	v11 =	vld [tilespmem:s26+$0x4BB0];
	v48 =	vmul.f32 v48, v20;
	v2 =	vadd.f32 v59, v27;
	v5 =	vadd.f32 v60, v5  }
0x104: {  	v55 =	vld [tilespmem:s26+$0x4A30];
	v6 =	vadd.f32 v61, v6;
	v58 =	vmul.f32 v50, v41;
	v59 =	vmul.f32 v56, v20  }
0x105: {  	v50 =	vld [tilespmem:s26+$0x4A40];
	v7 =	vadd.f32 v62, v7;
	v60 =	vmul.f32 v54, v20;
	v61 =	vmul.f32 v52, v20  }
0x106: {  	v3 =	vadd.f32 v51, v3;
	v51 =	vld [tilespmem:s26+$0x4A50];
	v62 =	vmul.f32 v49, v20;
	v56 =	vmul.f32 v45, v20  }
0x107: {  	v41 =	vld [tilespmem:s26+$0x4A60];
	v54 =	vbroadcast v21, $0x1;
	v0 =	vadd.f32 v58, v0;
	v1 =	vadd.f32 v59, v1  }
0x108: {  	v49 =	vld [tilespmem:s26+$0x4A70];
	v4 =	vadd.f32 v60, v4;
	v58 =	vbroadcast v21, $0x0;
	v59 =	vmul.f32 v47, v20  }
0x109: {  	v52 =	vld [tilespmem:s26+$0x4A80];
	v2 =	vadd.f32 v61, v2;
	v20 =	vmul.f32 v46, v20;
	v17 =	vmul.f32 v17, v54  }
0x10a: {  	v27 =	vld [tilespmem:s26+$0x4AC0];
	v5 =	vadd.f32 v62, v5;
	v12 =	vmul.f32 v12, v54;
	v9 =	vmul.f32 v9, v54  }
0x10b: {  	v6 =	vadd.f32 v48, v6;
	v47 =	vld [tilespmem:s26+$0x4A90];
	v15 =	vmul.f32 v15, v54;
	v60 =	vmul.f32 v42, v58  }
0x10c: {  	v7 =	vadd.f32 v56, v7;
	v42 =	vld [tilespmem:s26+$0x4AA0];
	v61 =	vmul.f32 v40, v58;
	v35 =	vmul.f32 v35, v58  }
0x10d: {  	v3 =	vadd.f32 v59, v3;
	v40 =	vld [tilespmem:s26+$0x4AB0];
	v62 =	vmul.f32 v29, v58;
	v46 =	vmul.f32 v33, v58  }
0x10e: {  	v0 =	vadd.f32 v20, v0;
	v29 =	vld [tilespmem:s26+$0x4AD0];
	v48 =	vmul.f32 v25, v58;
	v56 =	vmul.f32 v14, v58  }
0x10f: {  	v33 =	vld [tilespmem:s26+$0x4AE0];
	v13 =	vmul.f32 v13, v58;
	v1 =	vadd.f32 v60, v1;
	v4 =	vadd.f32 v61, v4  }
0x110: {  	v14 =	vld [tilespmem:s26+$0x4AF0];
	v58 =	vmul.f32 v23, v54;
	v2 =	vadd.f32 v35, v2;
	v5 =	vadd.f32 v62, v5  }
0x111: {  	v23 =	vld [tilespmem:s26+$0x4B00];
	v59 =	vmul.f32 v57, v54;
	v6 =	vadd.f32 v46, v6;
	v7 =	vadd.f32 v48, v7  }
0x112: {  	v20 =	vld [tilespmem:s26+$0x4B30];
	v3 =	vadd.f32 v56, v3;
	v60 =	vbroadcast v21, $0x2;
	v61 =	vmul.f32 v63, v54  }
0x113: {  	v0 =	vadd.f32 v13, v0;
	v13 =	vld [tilespmem:s26+$0x4B10];
	v62 =	vmul.f32 v16, v54;
	v48 =	vbroadcast v21, $0x3  }
0x114: {  	v35 =	vld [tilespmem:s26+$0x4B40];
	v1 =	vadd.f32 v17, v1;
	v4 =	vadd.f32 v58, v4;
	v63 =	vmul.f32 v18, v60  }
0x115: {  	v16 =	vld [tilespmem:s26+$0x4B70];
	v2 =	vadd.f32 v59, v2;
	v25 =	vmul.f32 v19, v60;
	v43 =	vmul.f32 v43, v60  }
0x116: {  	v17 =	vld [tilespmem:s26+$0x4B20];
	v5 =	vadd.f32 v12, v5;
	v8 =	vmul.f32 v8, v60;
	v45 =	vmul.f32 v22, v60  }
0x117: {  	v6 =	vadd.f32 v9, v6;
	v18 =	vld [tilespmem:s26+$0x4B50];
	v46 =	vmul.f32 v26, v60;
	v54 =	vmul.f32 v24, v60  }
0x118: {  	v3 =	vadd.f32 v15, v3;
	v15 =	vld [tilespmem:s26+$0x4B60];
	v56 =	vmul.f32 v10, v60;
	v57 =	vmul.f32 v28, v48  }
0x119: {  	v7 =	vadd.f32 v61, v7;
	v19 =	vld [tilespmem:s26+$0x4B80];
	v58 =	vmul.f32 v30, v48;
	v59 =	vmul.f32 v31, v48  }
0x11a: {  	v0 =	vadd.f32 v62, v0;
	v12 =	vld [tilespmem:s26+$0x4BA0];
	v60 =	vmul.f32 v32, v48;
	v61 =	vmul.f32 v34, v48  }
0x11b: {  	v26 =	vld [tilespmem:s26+$0x4BC0];
	v62 =	vmul.f32 v36, v48;
	v1 =	vadd.f32 v63, v1;
	v4 =	vadd.f32 v25, v4  }
0x11c: {  	v10 =	vld [tilespmem:s26+$0x4BD0];
	v37 =	vmul.f32 v37, v48;
	v2 =	vadd.f32 v43, v2;
	v5 =	vadd.f32 v8, v5  }
0x11d: {  	v24 =	vld [tilespmem:s26+$0x4BE0];
	v6 =	vadd.f32 v45, v6;
	v7 =	vadd.f32 v46, v7;
	v63 =	vbroadcast v21, $0x4  }
0x11e: {  	v30 =	vld [tilespmem:s26+$0x4BF0];
	v22 =	vmul.f32 v38, v48;
	v3 =	vadd.f32 v54, v3;
	v0 =	vadd.f32 v56, v0  }
0x11f: {  	v31 =	vld [tilespmem:s26+$0x4C00];
	v54 =	vbroadcast v21, $0x5;
	v1 =	vadd.f32 v57, v1;
	v43 =	vmul.f32 v39, v63  }
0x120: {  	v34 =	vld [tilespmem:s26+$0x4C10];
	v4 =	vadd.f32 v58, v4;
	v45 =	vmul.f32 v44, v63;
	v46 =	vmul.f32 v53, v63  }
0x121: {  	v32 =	vld [tilespmem:s26+$0x4C30];
	v2 =	vadd.f32 v59, v2;
	v48 =	vmul.f32 v55, v63;
	v53 =	vmul.f32 v50, v63  }
0x122: {  	v38 =	vld [tilespmem:s26+$0x4C70];
	v5 =	vadd.f32 v60, v5;
	v55 =	vmul.f32 v51, v63;
	v56 =	vmul.f32 v41, v63  }
0x123: {  	v28 =	vld [tilespmem:s26+$0x4C80];
	v6 =	vadd.f32 v61, v6;
	v57 =	vmul.f32 v49, v63;
	v58 =	vmul.f32 v52, v54  }
0x124: {  	v25 =	vld [tilespmem:s26+$0x4B90];
	v7 =	vadd.f32 v62, v7;
	v59 =	vmul.f32 v47, v54;
	v60 =	vmul.f32 v42, v54  }
0x125: {  	v0 =	vadd.f32 v22, v0;
	v22 =	vld [tilespmem:s26+$0x4C20];
	v61 =	vmul.f32 v40, v54;
	v27 =	vmul.f32 v27, v54  }
0x126: {  	v3 =	vadd.f32 v37, v3;
	v37 =	vld [tilespmem:s26+$0x4C40];
	v62 =	vmul.f32 v29, v54;
	v63 =	vbroadcast v21, $0x6  }
0x127: {  	v39 =	vld [tilespmem:s26+$0x4C50];
	v33 =	vmul.f32 v33, v54;
	v36 =	vmul.f32 v14, v54  }
0x128: {  	v41 =	vld [tilespmem:s26+$0x4C60];
	v49 =	vbroadcast v21, $0x7;
	v1 =	vadd.f32 v43, v1;
	v4 =	vadd.f32 v45, v4  }
0x129: {  	v40 =	vld [tilespmem:s26+$0x4C90];
	v2 =	vadd.f32 v46, v2;
	v43 =	vmul.f32 v23, v63;
	v44 =	vmul.f32 v13, v63  }
0x12a: {  	v42 =	vld [tilespmem:s26+$0x4CA0];
	v5 =	vadd.f32 v48, v5;
	v45 =	vmul.f32 v17, v63;
	v46 =	vmul.f32 v20, v63  }
0x12b: {  	v14 =	vld [tilespmem:s26+$0x4CE0];
	v6 =	vadd.f32 v53, v6;
	v47 =	vmul.f32 v35, v63;
	v48 =	vmul.f32 v18, v63  }
0x12c: {  	v29 =	vld [tilespmem:s26+$0x4DA0];
	v7 =	vadd.f32 v55, v7;
	v50 =	vmul.f32 v15, v63;
	v51 =	vmul.f32 v16, v63  }
0x12d: {  	v3 =	vadd.f32 v56, v3;
	v23 =	vld [tilespmem:s26+$0x4CC0];
	v52 =	vmul.f32 v19, v49;
	v54 =	vmul.f32 v12, v49  }
0x12e: {  	v0 =	vadd.f32 v57, v0;
	v17 =	vld [tilespmem:s26+$0x4CD0];
	v55 =	vmul.f32 v11, v49;
	v56 =	vmul.f32 v26, v49  }
0x12f: {  	v13 =	vld [tilespmem:s26+$0x4CF0];
	v57 =	vbroadcast v21, $0x8;
	v1 =	vadd.f32 v58, v1;
	v4 =	vadd.f32 v59, v4  }
0x130: {  	v20 =	vld [tilespmem:s26+$0x4D00];
	v53 =	vmul.f32 v25, v49;
	v2 =	vadd.f32 v60, v2;
	v5 =	vadd.f32 v61, v5  }
0x131: {  	v16 =	vld [tilespmem:s26+$0x4D10];
	v6 =	vadd.f32 v27, v6;
	v58 =	vmul.f32 v10, v49;
	v59 =	vmul.f32 v24, v49  }
0x132: {  	v12 =	vld [tilespmem:s26+$0x4D30];
	v7 =	vadd.f32 v62, v7;
	v60 =	vmul.f32 v30, v49;
	v61 =	vmul.f32 v31, v57  }
0x133: {  	v11 =	vld [tilespmem:s26+$0x4D40];
	v3 =	vadd.f32 v33, v3;
	v62 =	vmul.f32 v34, v57;
	v33 =	vmul.f32 v32, v57  }
0x134: {  	v19 =	vld [tilespmem:s26+$0x4D50];
	v0 =	vadd.f32 v36, v0;
	v36 =	vbroadcast v21, $0x9;
	v63 =	vmul.f32 v22, v57  }
0x135: {  	v26 =	vld [tilespmem:s26+$0x4D70];
	v34 =	vmul.f32 v37, v57;
	v35 =	vmul.f32 v39, v57;
	v1 =	vadd.f32 v43, v1  }
0x136: {  	v18 =	vld [tilespmem:s26+$0x4D90];
	v37 =	vmul.f32 v41, v57;
	v4 =	vadd.f32 v44, v4;
	v2 =	vadd.f32 v45, v2  }
0x137: {  	v15 =	vld [tilespmem:s26+$0x4DF0];
	v39 =	vmul.f32 v38, v57;
	v5 =	vadd.f32 v46, v5;
	v6 =	vadd.f32 v47, v6  }
0x138: {  	v25 =	vld [tilespmem:s26+$0x4D20];
	v7 =	vadd.f32 v48, v7;
	v3 =	vadd.f32 v50, v3;
	v41 =	vmul.f32 v28, v36  }
0x139: {  	v27 =	vld [tilespmem:s26+$0x4CB0];
	v0 =	vadd.f32 v51, v0;
	v44 =	vmul.f32 v40, v36;
	v45 =	vmul.f32 v42, v36  }
0x13a: {  	v24 =	vld [tilespmem:s26+$0x4D60];
	v50 =	vbroadcast v21, $0xA;
	v48 =	vmul.f32 v23, v36;
	v1 =	vadd.f32 v52, v1  }
0x13b: {  	v10 =	vld [tilespmem:s26+$0x4D80];
	v49 =	vmul.f32 v17, v36;
	v4 =	vadd.f32 v53, v4;
	v2 =	vadd.f32 v54, v2  }
0x13c: {  	v31 =	vld [tilespmem:s26+$0x4DB0];
	v13 =	vmul.f32 v13, v36;
	v5 =	vadd.f32 v55, v5;
	v6 =	vadd.f32 v56, v6  }
0x13d: {  	v32 =	vld [tilespmem:s26+$0x4E70];
	v7 =	vadd.f32 v58, v7;
	v3 =	vadd.f32 v59, v3;
	v52 =	vmul.f32 v14, v36  }
0x13e: {  	v22 =	vld [tilespmem:s26+$0x4DC0];
	v0 =	vadd.f32 v60, v0;
	v54 =	vmul.f32 v20, v50;
	v16 =	vmul.f32 v16, v50  }
0x13f: {  	v57 =	vld [tilespmem:s26+$0x4E40];
	v56 =	vmul.f32 v25, v50;
	v58 =	vmul.f32 v12, v50;
	v1 =	vadd.f32 v61, v1  }
0x140: {  	v43 =	vld [tilespmem:s26+$0x4DD0];
	v60 =	vmul.f32 v11, v50;
	v4 =	vadd.f32 v62, v4;
	v2 =	vadd.f32 v63, v2  }
0x141: {  	v46 =	vld [tilespmem:s26+$0x4DE0];
	v47 =	vmul.f32 v27, v36;
	v5 =	vadd.f32 v33, v5;
	v6 =	vadd.f32 v34, v6  }
0x142: {  	v51 =	vld [tilespmem:s26+$0x4E10];
	v30 =	vmul.f32 v24, v50;
	v7 =	vadd.f32 v35, v7;
	v3 =	vadd.f32 v37, v3  }
0x143: {  	v42 =	vld [tilespmem:s26+$0x4EB0];
	v0 =	vadd.f32 v39, v0;
	v61 =	vbroadcast v21, $0xB;
	v1 =	vadd.f32 v41, v1  }
0x144: {  	v28 =	vld [tilespmem:s26+$0x4F50];
	v63 =	vmul.f32 v19, v50;
	v4 =	vadd.f32 v44, v4;
	v2 =	vadd.f32 v45, v2  }
0x145: {  	v23 =	vld [tilespmem:s26+$0x4E00];
	v34 =	vmul.f32 v26, v50;
	v5 =	vadd.f32 v47, v5;
	v6 =	vadd.f32 v48, v6  }
0x146: {  	v53 =	vld [tilespmem:s26+$0x4E20];
	v7 =	vadd.f32 v49, v7;
	v10 =	vmul.f32 v10, v61;
	v36 =	vmul.f32 v18, v61  }
0x147: {  	v55 =	vld [tilespmem:s26+$0x4E30];
	v3 =	vadd.f32 v52, v3;
	v38 =	vmul.f32 v29, v61;
	v40 =	vmul.f32 v31, v61  }
0x148: {  	v59 =	vld [tilespmem:s26+$0x4E50];
	v0 =	vadd.f32 v13, v0;
	v41 =	vmul.f32 v22, v61;
	v43 =	vmul.f32 v43, v61  }
0x149: {  	v25 =	vld [tilespmem:s26+$0x4F40];
	v44 =	vbroadcast v21, $0xC;
	v46 =	vmul.f32 v46, v61;
	v1 =	vadd.f32 v54, v1  }
0x14a: {  	v62 =	vld [tilespmem:s26+$0x4E60];
	v48 =	vmul.f32 v15, v61;
	v4 =	vadd.f32 v16, v4;
	v2 =	vadd.f32 v56, v2  }
0x14b: {  	v35 =	vld [tilespmem:s26+$0x4E80];
	v5 =	vadd.f32 v58, v5;
	v6 =	vadd.f32 v60, v6;
	v49 =	vmul.f32 v23, v44  }
0x14c: {  	v37 =	vld [tilespmem:s26+$0x4E90];
	v7 =	vadd.f32 v63, v7;
	v51 =	vmul.f32 v51, v44;
	v14 =	vmul.f32 v53, v44  }
0x14d: {  	v39 =	vld [tilespmem:s26+$0x4EA0];
	v3 =	vadd.f32 v30, v3;
	v53 =	vmul.f32 v55, v44;
	v55 =	vmul.f32 v57, v44  }
0x14e: {  	v50 =	vld [tilespmem:s26+$0x4EE0];
	v0 =	vadd.f32 v34, v0;
	v57 =	vmul.f32 v59, v44;
	v58 =	vbroadcast v21, $0xD  }
0x14f: {  	v33 =	vld [tilespmem:s26+$0x4F70];
	v61 =	vmul.f32 v32, v44;
	v1 =	vadd.f32 v10, v1;
	v4 =	vadd.f32 v36, v4  }
0x150: {  	v45 =	vld [tilespmem:s26+$0x4EC0];
	v60 =	vmul.f32 v62, v44;
	v2 =	vadd.f32 v38, v2;
	v5 =	vadd.f32 v40, v5  }
0x151: {  	v47 =	vld [tilespmem:s26+$0x4ED0];
	v6 =	vadd.f32 v41, v6;
	v7 =	vadd.f32 v43, v7;
	v63 =	vmul.f32 v35, v58  }
0x152: {  	v52 =	vld [tilespmem:s26+$0x4EF0];
	v3 =	vadd.f32 v46, v3;
	v24 =	vmul.f32 v37, v58;
	v27 =	vmul.f32 v39, v58  }
0x153: {  	v54 =	vld [tilespmem:s26+$0x4F00];
	v0 =	vadd.f32 v48, v0;
	v29 =	vmul.f32 v42, v58;
	v34 =	vmul.f32 v50, v58  }
0x154: {  	v56 =	vld [tilespmem:s26+$0x4F10];
	v35 =	vbroadcast v21, $0xE;
	v43 =	vbroadcast v21, $0xF;
	v1 =	vadd.f32 v49, v1  }
0x155: {  	v59 =	vld [tilespmem:s26+$0x4F20];
	v31 =	vmul.f32 v45, v58;
	v4 =	vadd.f32 v51, v4;
	v2 =	vadd.f32 v14, v2  }
0x156: {  	v30 =	vld [tilespmem:s26+$0x4F60];
	v32 =	vmul.f32 v47, v58;
	v5 =	vadd.f32 v53, v5;
	v6 =	vadd.f32 v55, v6  }
0x157: {  	v62 =	vld [tilespmem:s26+$0x4F30];
	v37 =	vmul.f32 v52, v58;
	v7 =	vadd.f32 v57, v7;
	v3 =	vadd.f32 v60, v3  }
0x158: {  	v36 =	vld [tilespmem:s26+$0x4F80];
	v0 =	vadd.f32 v61, v0;
	v47 =	vmul.f32 v25, v35;
	v50 =	vmul.f32 v28, v35  }
0x159: {  	v38 =	vld [tilespmem:s26+$0x4F90];
	v58 =	vmul.f32 v33, v35;
	v39 =	vmul.f32 v54, v35;
	v1 =	vadd.f32 v63, v1  }
0x15a: {  	v41 =	vld [tilespmem:s26+$0x4FA0];
	v40 =	vmul.f32 v56, v35;
	v4 =	vadd.f32 v24, v4;
	v2 =	vadd.f32 v27, v2  }
0x15b: {  	v44 =	vld [tilespmem:s26+$0x4FB0];
	v42 =	vmul.f32 v59, v35;
	v5 =	vadd.f32 v29, v5;
	v6 =	vadd.f32 v31, v6  }
0x15c: {  	v46 =	vld [tilespmem:s26+$0x4FC0];
	v56 =	vmul.f32 v30, v35;
	v7 =	vadd.f32 v32, v7;
	v3 =	vadd.f32 v34, v3  }
0x15d: {  	v49 =	vld [tilespmem:s26+$0x4FD0];
	v0 =	vadd.f32 v37, v0;
	v48 =	vmul.f32 v36, v43;
	v1 =	vadd.f32 v39, v1  }
0x15e: {  	v54 =	vld [tilespmem:s26+$0x4FF0];
	v45 =	vmul.f32 v62, v35;
	v51 =	vmul.f32 v38, v43;
	v4 =	vadd.f32 v40, v4  }
0x15f: {  	v52 =	vld [tilespmem:s26+$0x4FE0];
	v53 =	vmul.f32 v41, v43;
	v2 =	vadd.f32 v42, v2;
	v1 =	vadd.f32 v48, v1  }
0x160: {  	v55 =	vmul.f32 v44, v43;
	v5 =	vadd.f32 v45, v5;
	v4 =	vadd.f32 v51, v4  }
0x161: {  	v57 =	vmul.f32 v46, v43;
	v6 =	vadd.f32 v47, v6;
	v2 =	vadd.f32 v53, v2;
	[tilespmem:s25+$0xC000] =	vst v1  }
0x162: {  	v7 =	vadd.f32 v50, v7;
	v59 =	vmul.f32 v49, v43;
	v5 =	vadd.f32 v55, v5;
	[tilespmem:s25+$0xC010] =	vst v4  }
0x163: {  	p1 =	sne.s32 s24, $0x3;
	v0 =	vadd.f32 v58, v0;
	v60 =	vadd.f32 v57, v6;
	v63 =	vmul.f32 v54, v43;
	[tilespmem:s25+$0xC020] =	vst v2  }
.Ltmp0:
0x164: {  	v61 =	vmul.f32 v52, v43;
	v62 =	vadd.f32 v59, v7;
	v1 =	vadd.f32 v56, v3;
	[tilespmem:s25+$0xC030] =	vst v5;
	(pc) =	sbr.rel @p1 .LBB2_4-.Ltmp0, $4  }
0x165: {  	[tilespmem:s25+$0xC040] =	vst v60;
	v0 =	vadd.f32 v63, v0  }
0x166: {  	[tilespmem:s25+$0xC050] =	vst v62;
	v1 =	vadd.f32 v61, v1  }
0x167: {  	[tilespmem:s25+$0xC070] =	vst v0  }
0x168: {  	s24 =	sadd.s32 $0x1, s24;
	[tilespmem:s25+$0xC060] =	vst v1  }
0x169: {  	p1 =	seq.s32 s20, $0x1F  }
0x16a: {  	s23 =	sshll.u32 @!p1 s20, $0x8  }
0x16b: {  	s23 =	sand.u32 @!p1 $0x3FFFFF00, s23  }
0x16c: {  	s24 =	simm.s32 @!p1 $0x80;
	s25 =	simm.s32 @!p1 $0x4000;
	s23 =	sadd.s32 @!p1 $0x100, s23  }
0x16d: {  	[tilespmem:s25], [sflag:$0x1] =	stream.indirect.gather @!p1 [hbm4b:s1+s24], $0x80, s23, s24, $0xb8;
	[tilespmem:$0x14000] =	vst v63  }
0x16e: {  	_ =	swait.ge [sflag:s18], $0x4000  }
0x16f: {  	[sflag:s18] =	ssyncset.done $0x0  }
0x170: {  	s22 =	sshll.u32 s22, $0x2;
	s23 =	simm.s32 $0x0;
	[sflag:s18] =	ssyncadd.s32 $0xFFFFC000  }
.LBB2_6:
0x171: {  	s24 =	sadd.s32 s22, s23  }
0x172: {  	s24 =	sshll.u32 s24, $0x7  }
0x173: {  	s25 =	sshra.s32 s24, $0x2  }
0x174: {  	s31 =	sshll.u32 s23, $0xC;
	v20 =	vld [tilespmem:s25+$0x2000]  }
0x175: {  	v21 =	vld [tilespmem:s25+$0x2010];
	s25 =	sand.u32 $0x3FFFF000, s31  }
0x176: {  	v62 =	vld [tilespmem:s25+$0x8350];
	_ =	sdelay $0x4  }
0x177: {  	[tilespmem:$0x1FA90] =	vst v62;
	v62 =	vld [tilespmem:s25+$0x8360];
	_ =	sdelay $0x4  }
0x178: {  	[tilespmem:$0x1FAA0] =	vst v62;
	v62 =	vld [tilespmem:s25+$0x8370];
	_ =	sdelay $0x4  }
0x179: {  	[tilespmem:$0x1FAB0] =	vst v62;
	v62 =	vld [tilespmem:s25+$0x8380];
	_ =	sdelay $0x4  }
0x17a: {  	[tilespmem:$0x1FAC0] =	vst v62;
	v62 =	vld [tilespmem:s25+$0x8390];
	_ =	sdelay $0x4  }
0x17b: {  	[tilespmem:$0x1FAD0] =	vst v62;
	v62 =	vld [tilespmem:s25+$0x83A0];
	_ =	sdelay $0x4  }
0x17c: {  	[tilespmem:$0x1FAE0] =	vst v62;
	v62 =	vld [tilespmem:s25+$0x83B0];
	_ =	sdelay $0x4  }
0x17d: {  	[tilespmem:$0x1FAF0] =	vst v62;
	v62 =	vld [tilespmem:s25+$0x83C0];
	_ =	sdelay $0x4  }
0x17e: {  	[tilespmem:$0x1FB00] =	vst v62;
	v62 =	vld [tilespmem:s25+$0x83D0];
	_ =	sdelay $0x4  }
0x17f: {  	[tilespmem:$0x1FB10] =	vst v62;
	v62 =	vld [tilespmem:s25+$0x83E0];
	_ =	sdelay $0x4  }
0x180: {  	[tilespmem:$0x1FB20] =	vst v62;
	v62 =	vld [tilespmem:s25+$0x83F0];
	_ =	sdelay $0x4  }
0x181: {  	[tilespmem:$0x1FB30] =	vst v62;
	v62 =	vld [tilespmem:s25+$0x8400];
	_ =	sdelay $0x4  }
0x182: {  	[tilespmem:$0x1FB40] =	vst v62;
	v62 =	vld [tilespmem:s25+$0x8410];
	_ =	sdelay $0x1  }
0x183: {  	s24 =	sand.u32 $0x3FFFFF80, s24  }
0x184: {  	v15 =	vld [tilespmem:s24+$0xC000]  }
0x185: {  	v16 =	vld [tilespmem:s24+$0xC010]  }
0x186: {  	[tilespmem:$0x1FB50] =	vst v62;
	v62 =	vld [tilespmem:s25+$0x8420]  }
0x187: {  	v18 =	vld [tilespmem:s24+$0xC020]  }
0x188: {  	v19 =	vld [tilespmem:s24+$0xC030]  }
0x189: {  	v1 =	vld [tilespmem:s24+$0xC040]  }
0x18a: {  	v2 =	vld [tilespmem:s24+$0xC050]  }
0x18b: {  	[tilespmem:$0x1FB60] =	vst v62;
	v62 =	vld [tilespmem:s25+$0x8430]  }
0x18c: {  	v22 =	vld [tilespmem:s24+$0xC060]  }
0x18d: {  	v27 =	vld [tilespmem:s24+$0xC070]  }
0x18e: {  	v28 =	vld [tilespmem:s25+$0x8000]  }
0x18f: {  	v30 =	vld [tilespmem:s25+$0x8010]  }
0x190: {  	[tilespmem:$0x1FB70] =	vst v62;
	v62 =	vld [tilespmem:s25+$0x8440]  }
0x191: {  	v31 =	vld [tilespmem:s25+$0x8020]  }
0x192: {  	v32 =	vld [tilespmem:s25+$0x8030]  }
0x193: {  	v3 =	vld [tilespmem:s25+$0x8040]  }
0x194: {  	v4 =	vld [tilespmem:s25+$0x8050]  }
0x195: {  	[tilespmem:$0x1FB80] =	vst v62;
	v62 =	vld [tilespmem:s25+$0x8450]  }
0x196: {  	v5 =	vld [tilespmem:s25+$0x8060]  }
0x197: {  	v7 =	vld [tilespmem:s25+$0x8070]  }
0x198: {  	v6 =	vld [tilespmem:s25+$0x8080]  }
0x199: {  	v9 =	vld [tilespmem:s25+$0x8090]  }
0x19a: {  	[tilespmem:$0x1FB90] =	vst v62;
	v62 =	vld [tilespmem:s25+$0x8460]  }
0x19b: {  	v8 =	vld [tilespmem:s25+$0x80A0]  }
0x19c: {  	v10 =	vld [tilespmem:s25+$0x80B0]  }
0x19d: {  	v11 =	vld [tilespmem:s25+$0x80C0]  }
0x19e: {  	v12 =	vld [tilespmem:s25+$0x80D0]  }
0x19f: {  	[tilespmem:$0x1FBA0] =	vst v62;
	v62 =	vld [tilespmem:s25+$0x8470]  }
0x1a0: {  	v14 =	vld [tilespmem:s25+$0x80E0]  }
0x1a1: {  	v13 =	vld [tilespmem:s25+$0x80F0]  }
0x1a2: {  	v23 =	vld [tilespmem:s25+$0x8100]  }
0x1a3: {  	v17 =	vld [tilespmem:s25+$0x8110]  }
0x1a4: {  	[tilespmem:$0x1FBB0] =	vst v62;
	v62 =	vld [tilespmem:s25+$0x8480]  }
0x1a5: {  	v24 =	vld [tilespmem:s25+$0x8120]  }
0x1a6: {  	v25 =	vld [tilespmem:s25+$0x8130]  }
0x1a7: {  	v26 =	vld [tilespmem:s25+$0x8140]  }
0x1a8: {  	v33 =	vld [tilespmem:s25+$0x8150]  }
0x1a9: {  	[tilespmem:$0x1FBC0] =	vst v62;
	v62 =	vld [tilespmem:s25+$0x8490]  }
0x1aa: {  	v29 =	vld [tilespmem:s25+$0x8160]  }
0x1ab: {  	v35 =	vld [tilespmem:s25+$0x8170]  }
0x1ac: {  	v34 =	vld [tilespmem:s25+$0x8180]  }
0x1ad: {  	v36 =	vld [tilespmem:s25+$0x8190]  }
0x1ae: {  	[tilespmem:$0x1FBD0] =	vst v62;
	v62 =	vld [tilespmem:s25+$0x84A0]  }
0x1af: {  	v37 =	vld [tilespmem:s25+$0x81A0]  }
0x1b0: {  	v38 =	vld [tilespmem:s25+$0x81B0]  }
0x1b1: {  	v39 =	vld [tilespmem:s25+$0x81C0]  }
0x1b2: {  	v40 =	vld [tilespmem:s25+$0x81D0]  }
0x1b3: {  	[tilespmem:$0x1FBE0] =	vst v62;
	v62 =	vld [tilespmem:s25+$0x84B0]  }
0x1b4: {  	v41 =	vld [tilespmem:s25+$0x81E0]  }
0x1b5: {  	v42 =	vld [tilespmem:s25+$0x81F0]  }
0x1b6: {  	v43 =	vld [tilespmem:s25+$0x8200]  }
0x1b7: {  	v45 =	vld [tilespmem:s25+$0x8210]  }
0x1b8: {  	[tilespmem:$0x1FBF0] =	vst v62;
	v62 =	vld [tilespmem:s25+$0x84C0]  }
0x1b9: {  	v44 =	vld [tilespmem:s25+$0x8220]  }
0x1ba: {  	v46 =	vld [tilespmem:s25+$0x8230]  }
0x1bb: {  	v47 =	vld [tilespmem:s25+$0x8240]  }
0x1bc: {  	v48 =	vld [tilespmem:s25+$0x8250]  }
0x1bd: {  	[tilespmem:$0x1FC00] =	vst v62;
	v62 =	vld [tilespmem:s25+$0x84D0]  }
0x1be: {  	v50 =	vld [tilespmem:s25+$0x8260]  }
0x1bf: {  	v49 =	vld [tilespmem:s25+$0x8270]  }
0x1c0: {  	v51 =	vld [tilespmem:s25+$0x8280]  }
0x1c1: {  	v52 =	vld [tilespmem:s25+$0x8290]  }
0x1c2: {  	[tilespmem:$0x1FC10] =	vst v62;
	v62 =	vld [tilespmem:s25+$0x84E0]  }
0x1c3: {  	v53 =	vld [tilespmem:s25+$0x82A0]  }
0x1c4: {  	v54 =	vld [tilespmem:s25+$0x82B0]  }
0x1c5: {  	v0 =	vld [tilespmem:s25+$0x8340]  }
0x1c6: {  	v55 =	vld [tilespmem:s25+$0x82C0]  }
0x1c7: {  	[tilespmem:$0x1FC20] =	vst v62;
	v62 =	vld [tilespmem:s25+$0x84F0]  }
0x1c8: {  	v57 =	vld [tilespmem:s25+$0x82D0]  }
0x1c9: {  	v56 =	vld [tilespmem:s25+$0x82E0]  }
0x1ca: {  	v58 =	vld [tilespmem:s25+$0x82F0];
	[tilespmem:$0x1FA80] =	vst v0;
	v0 =	vbroadcast v20, $0x0  }
0x1cb: {  	v59 =	vld [tilespmem:s25+$0x8300]  }
0x1cc: {  	v28 =	vmul.f32 v28, v0;
	[tilespmem:$0x1FC30] =	vst v62;
	v62 =	vld [tilespmem:s25+$0x8500]  }
0x1cd: {  	v60 =	vld [tilespmem:s25+$0x8310];
	v30 =	vmul.f32 v30, v0  }
0x1ce: {  	v61 =	vld [tilespmem:s25+$0x8320];
	v15 =	vadd.f32 v28, v15;
	v28 =	vmul.f32 v31, v0  }
0x1cf: {  	v63 =	vld [tilespmem:s25+$0x8330];
	v3 =	vmul.f32 v3, v0;
	v4 =	vmul.f32 v4, v0;
	v16 =	vadd.f32 v30, v16  }
0x1d0: {  	v30 =	vmul.f32 v32, v0;
	v32 =	vld [tilespmem:s25+$0x8550];
	v18 =	vadd.f32 v28, v18;
	v28 =	vbroadcast v20, $0x1  }
0x1d1: {  	v5 =	vmul.f32 v5, v0;
	v0 =	vmul.f32 v7, v0;
	[tilespmem:$0x1FC40] =	vst v62;
	v62 =	vld [tilespmem:s25+$0x8510]  }
0x1d2: {  	v3 =	vadd.f32 v3, v1;
	v31 =	vld [tilespmem:s25+$0x8540];
	v6 =	vmul.f32 v6, v28  }
0x1d3: {  	v19 =	vadd.f32 v30, v19;
	v0 =	vadd.f32 v0, v27;
	v27 =	vld [tilespmem:s25+$0x8570];
	v30 =	vmul.f32 v11, v28  }
0x1d4: {  	v6 =	vadd.f32 v6, v15;
	v15 =	vld [tilespmem:s25+$0x8580]  }
0x1d5: {  	v8 =	vmul.f32 v8, v28;
	[tilespmem:$0x1FC90] =	vst v32;
	v3 =	vadd.f32 v30, v3;
	v30 =	vld [tilespmem:s25+$0x85D0]  }
0x1d6: {  	v5 =	vadd.f32 v5, v22;
	v13 =	vmul.f32 v13, v28;
	v32 =	vmul.f32 v14, v28;
	[tilespmem:$0x1FC50] =	vst v62;
	v62 =	vld [tilespmem:s25+$0x8520]  }
0x1d7: {  	[tilespmem:$0x1FC80] =	vst v31;
	v31 =	vmul.f32 v12, v28;
	v12 =	vbroadcast v20, $0x2;
	v8 =	vadd.f32 v8, v18;
	v18 =	vld [tilespmem:s25+$0x8590]  }
0x1d8: {  	v4 =	vadd.f32 v4, v2;
	v5 =	vadd.f32 v32, v5;
	v32 =	vld [tilespmem:s25+$0x85E0]  }
0x1d9: {  	v0 =	vadd.f32 v13, v0;
	[tilespmem:$0x1FCB0] =	vst v27;
	v27 =	vmul.f32 v24, v12;
	v24 =	vld [tilespmem:s25+$0x85F0]  }
0x1da: {  	v13 =	vbroadcast v20, $0x3;
	v4 =	vadd.f32 v31, v4;
	v31 =	vmul.f32 v26, v12;
	[tilespmem:$0x1FCD0] =	vst v30;
	v30 =	vld [tilespmem:s25+$0x8620]  }
0x1db: {  	[tilespmem:$0x1FC60] =	vst v62;
	v62 =	vld [tilespmem:s25+$0x8530]  }
0x1dc: {  	v3 =	vadd.f32 v31, v3;
	v31 =	vmul.f32 v38, v13;
	v38 =	vld [tilespmem:s25+$0x8650]  }
0x1dd: {  	v8 =	vadd.f32 v27, v8;
	v27 =	vmul.f32 v36, v13;
	v36 =	vld [tilespmem:s25+$0x86D0];
	[tilespmem:$0x1FCE0] =	vst v32;
	v32 =	vmul.f32 v39, v13  }
0x1de: {  	v39 =	vld [tilespmem:s25+$0x8690]  }
0x1df: {  	v3 =	vadd.f32 v32, v3;
	v32 =	vld [tilespmem:s25+$0x86B0];
	[tilespmem:$0x1FD10] =	vst v30  }
0x1e0: {  	v22 =	vmul.f32 v10, v28;
	v30 =	vld [tilespmem:s25+$0x8680];
	[tilespmem:$0x1FC70] =	vst v62;
	v62 =	vmul.f32 v9, v28  }
0x1e1: {  	v26 =	vmul.f32 v34, v13;
	v9 =	vld [tilespmem:s25+$0x8560];
	v28 =	vmul.f32 v25, v12  }
0x1e2: {  	v25 =	vmul.f32 v35, v12;
	v35 =	vbroadcast v20, $0x4;
	v7 =	vadd.f32 v62, v16;
	v16 =	vld [tilespmem:s25+$0x85A0]  }
0x1e3: {  	v34 =	vmul.f32 v40, v13;
	v62 =	vmul.f32 v23, v12;
	v23 =	vld [tilespmem:s25+$0x85B0]  }
0x1e4: {  	[tilespmem:$0x1FCF0] =	vst v24;
	v24 =	vmul.f32 v47, v35;
	v40 =	vmul.f32 v50, v35;
	v50 =	vld [tilespmem:s25+$0x8770]  }
0x1e5: {  	v0 =	vadd.f32 v25, v0;
	v25 =	vmul.f32 v48, v35;
	v47 =	vbroadcast v20, $0x6;
	v48 =	vld [tilespmem:$0x1FAD0]  }
0x1e6: {  	v6 =	vadd.f32 v62, v6;
	v62 =	vmul.f32 v33, v12;
	v33 =	vld [tilespmem:s25+$0x8630]  }
0x1e7: {  	v3 =	vadd.f32 v24, v3;
	v24 =	vmul.f32 v60, v47;
	v60 =	vld [tilespmem:s25+$0x8730]  }
0x1e8: {  	[tilespmem:$0x1FCA0] =	vst v9;
	v9 =	vadd.f32 v22, v19;
	v22 =	vmul.f32 v17, v12;
	v19 =	vld [tilespmem:s25+$0x85C0]  }
0x1e9: {  	v17 =	vmul.f32 v29, v12;
	v29 =	vmul.f32 v37, v13;
	v37 =	vld [tilespmem:s25+$0x86E0]  }
0x1ea: {  	v41 =	vmul.f32 v41, v13;
	v42 =	vmul.f32 v42, v13;
	v13 =	vld [tilespmem:$0x1FAF0]  }
0x1eb: {  	v7 =	vadd.f32 v22, v7;
	v22 =	vld [tilespmem:s25+$0x8600]  }
0x1ec: {  	v9 =	vadd.f32 v28, v9;
	v28 =	vld [tilespmem:s25+$0x8610]  }
0x1ed: {  	v4 =	vadd.f32 v62, v4;
	v5 =	vadd.f32 v17, v5;
	v17 =	vld [tilespmem:s25+$0x8670]  }
0x1ee: {  	v6 =	vadd.f32 v26, v6;
	v26 =	vbroadcast v20, $0x5;
	v8 =	vadd.f32 v29, v8;
	v29 =	vld [tilespmem:$0x1FA80]  }
0x1ef: {  	v43 =	vmul.f32 v43, v35;
	v4 =	vadd.f32 v34, v4;
	v34 =	vld [tilespmem:s25+$0x86C0]  }
0x1f0: {  	v62 =	vmul.f32 v44, v35;
	v44 =	vmul.f32 v53, v26;
	v53 =	vld [tilespmem:s25+$0x86F0]  }
0x1f1: {  	[tilespmem:$0x1FCC0] =	vst v23;
	v23 =	vmul.f32 v46, v35;
	v46 =	vmul.f32 v55, v26;
	v55 =	vld [tilespmem:s25+$0x8700]  }
0x1f2: {  	v0 =	vadd.f32 v42, v0;
	v42 =	vmul.f32 v51, v26;
	v51 =	vmul.f32 v57, v26;
	v57 =	vld [tilespmem:$0x1FAE0]  }
0x1f3: {  	v6 =	vadd.f32 v43, v6;
	v43 =	vmul.f32 v52, v26;
	v52 =	vld [tilespmem:s25+$0x87A0]  }
0x1f4: {  	v7 =	vadd.f32 v27, v7;
	v27 =	vld [tilespmem:s25+$0x8640]  }
0x1f5: {  	v9 =	vadd.f32 v31, v9;
	v31 =	vld [tilespmem:s25+$0x86A0]  }
0x1f6: {  	v45 =	vmul.f32 v45, v35;
	v5 =	vadd.f32 v41, v5;
	v41 =	vmul.f32 v49, v35;
	v35 =	vld [tilespmem:$0x1FA90]  }
0x1f7: {  	v8 =	vadd.f32 v62, v8;
	v62 =	vmul.f32 v56, v26;
	v56 =	vld [tilespmem:s25+$0x8780]  }
0x1f8: {  	v4 =	vadd.f32 v25, v4;
	v25 =	vmul.f32 v61, v47;
	v61 =	vld [tilespmem:s25+$0x8740]  }
0x1f9: {  	v6 =	vadd.f32 v42, v6;
	v42 =	vld [tilespmem:$0x1FAA0]  }
0x1fa: {  	v3 =	vadd.f32 v46, v3;
	v46 =	vld [tilespmem:$0x1FAC0]  }
0x1fb: {  	v9 =	vadd.f32 v23, v9;
	v23 =	vmul.f32 v59, v47;
	v59 =	vld [tilespmem:s25+$0x8720]  }
0x1fc: {  	v8 =	vadd.f32 v44, v8;
	v44 =	vld [tilespmem:$0x1FAB0]  }
0x1fd: {  	v7 =	vadd.f32 v45, v7;
	v45 =	vmul.f32 v54, v26;
	v54 =	vld [tilespmem:s25+$0x8790]  }
0x1fe: {  	[tilespmem:$0x1FD00] =	vst v28;
	v28 =	vld [tilespmem:s25+$0x8660]  }
0x1ff: {  	v5 =	vadd.f32 v40, v5;
	[tilespmem:$0x1FD30] =	vst v17;
	v17 =	vmul.f32 v58, v26;
	v58 =	vld [tilespmem:s25+$0x8710]  }
0x200: {  	v0 =	vadd.f32 v41, v0;
	v4 =	vadd.f32 v51, v4;
	v51 =	vld [tilespmem:s25+$0x8760]  }
0x201: {  	[tilespmem:$0x1FD20] =	vst v33;
	v33 =	vmul.f32 v29, v47;
	v29 =	vld [tilespmem:$0x1FB10]  }
0x202: {  	v5 =	vadd.f32 v62, v5;
	v62 =	vld [tilespmem:s25+$0x8750];
	v11 =	vadd.f32 v17, v0;
	v17 =	vbroadcast v20, $0x7  }
0x203: {  	v8 =	vadd.f32 v25, v8;
	v25 =	vld [tilespmem:$0x1FB00]  }
0x204: {  	v26 =	vmul.f32 v63, v47;
	v63 =	vmul.f32 v57, v17;
	v57 =	vld [tilespmem:$0x1FB50]  }
0x205: {  	v7 =	vadd.f32 v43, v7;
	v40 =	vmul.f32 v35, v47;
	v35 =	vld [tilespmem:$0x1FB20]  }
0x206: {  	v9 =	vadd.f32 v45, v9;
	v6 =	vadd.f32 v23, v6;
	v43 =	vmul.f32 v42, v47;
	v42 =	vld [tilespmem:$0x1FB40]  }
0x207: {  	v23 =	vbroadcast v20, $0x8;
	v41 =	vadd.f32 v33, v3;
	v49 =	vmul.f32 v48, v17;
	v48 =	vld [tilespmem:s25+$0x87C0]  }
0x208: {  	v7 =	vadd.f32 v24, v7;
	v45 =	vmul.f32 v44, v47;
	v47 =	vmul.f32 v46, v17;
	v46 =	vld [tilespmem:s25+$0x87F0]  }
0x209: {  	v9 =	vadd.f32 v26, v9;
	v8 =	vadd.f32 v63, v8;
	v63 =	vmul.f32 v57, v23;
	v57 =	vld [tilespmem:$0x1FB80]  }
0x20a: {  	v14 =	vadd.f32 v40, v4;
	v7 =	vadd.f32 v49, v7;
	v26 =	vmul.f32 v25, v17;
	v49 =	vld [tilespmem:s25+$0x87B0]  }
0x20b: {  	v5 =	vadd.f32 v43, v5;
	v33 =	vmul.f32 v29, v17;
	v11 =	vadd.f32 v45, v11;
	v45 =	vld [tilespmem:s25+$0x87D0]  }
0x20c: {  	v6 =	vadd.f32 v47, v6;
	v10 =	vadd.f32 v26, v41;
	v41 =	vld [tilespmem:$0x1FB30];
	v43 =	vmul.f32 v42, v23  }
0x20d: {  	v24 =	vmul.f32 v13, v17;
	v13 =	vadd.f32 v33, v14;
	v26 =	vld [tilespmem:$0x1FB60]  }
0x20e: {  	v14 =	vadd.f32 v43, v6;
	v43 =	vld [tilespmem:$0x1FBA0];
	v7 =	vadd.f32 v63, v7;
	v63 =	vmul.f32 v57, v23  }
0x20f: {  	v47 =	vld [tilespmem:s25+$0x87E0]  }
0x210: {  	v40 =	vmul.f32 v35, v17;
	v10 =	vadd.f32 v63, v10;
	v63 =	vld [tilespmem:$0x1FBC0]  }
0x211: {  	v33 =	vld [tilespmem:$0x1FB70];
	v17 =	vmul.f32 v41, v17  }
0x212: {  	v12 =	vadd.f32 v40, v5;
	v29 =	vmul.f32 v26, v23;
	v26 =	vld [tilespmem:$0x1FB90]  }
0x213: {  	v5 =	vld [tilespmem:$0x1FBD0];
	v11 =	vadd.f32 v17, v11;
	v17 =	vbroadcast v20, $0x9;
	v44 =	vmul.f32 v43, v23  }
0x214: {  	v57 =	vld [tilespmem:$0x1FBB0]  }
0x215: {  	v43 =	vadd.f32 v44, v12;
	v44 =	vld [tilespmem:$0x1FBE0];
	v4 =	vmul.f32 v63, v17  }
0x216: {  	v25 =	vld [tilespmem:s25+$0x8850]  }
0x217: {  	v8 =	vadd.f32 v29, v8;
	v29 =	vmul.f32 v26, v23;
	v26 =	vadd.f32 v4, v14;
	v4 =	vld [tilespmem:$0x1FC00]  }
0x218: {  	v42 =	vld [tilespmem:s25+$0x8800];
	v6 =	vmul.f32 v5, v17  }
0x219: {  	v35 =	vmul.f32 v33, v23;
	v41 =	vadd.f32 v29, v13;
	v13 =	vld [tilespmem:$0x1FC20]  }
0x21a: {  	v23 =	vmul.f32 v57, v23;
	v57 =	vmul.f32 v44, v17;
	v44 =	vadd.f32 v6, v7;
	v6 =	vld [tilespmem:$0x1FC10]  }
0x21b: {  	v40 =	vld [tilespmem:s25+$0x8810]  }
0x21c: {  	v63 =	vld [tilespmem:$0x1FBF0];
	v5 =	vmul.f32 v4, v17  }
0x21d: {  	v9 =	vadd.f32 v24, v9;
	v4 =	vld [tilespmem:$0x1FC70]  }
0x21e: {  	v11 =	vadd.f32 v23, v11;
	v23 =	vmul.f32 v13, v17;
	v3 =	vadd.f32 v5, v10;
	v5 =	vld [tilespmem:$0x1FC30]  }
0x21f: {  	v24 =	vadd.f32 v35, v9;
	v9 =	vmul.f32 v6, v17;
	v6 =	vld [tilespmem:$0x1FC40]  }
0x220: {  	v43 =	vadd.f32 v23, v43;
	v23 =	vld [tilespmem:$0x1FC60]  }
0x221: {  	v33 =	vld [tilespmem:s25+$0x8840];
	v7 =	vmul.f32 v63, v17;
	v63 =	vbroadcast v20, $0xA  }
0x222: {  	v41 =	vadd.f32 v9, v41;
	v9 =	vld [tilespmem:$0x1FC50]  }
0x223: {  	v10 =	vmul.f32 v5, v17;
	v5 =	vmul.f32 v4, v63;
	v4 =	vld [tilespmem:$0x1FC90]  }
0x224: {  	v8 =	vadd.f32 v57, v8;
	v57 =	vmul.f32 v6, v63;
	v6 =	vld [tilespmem:$0x1FC80]  }
0x225: {  	v35 =	vld [tilespmem:s25+$0x8820];
	v24 =	vadd.f32 v7, v24;
	v0 =	vmul.f32 v23, v63  }
0x226: {  	v29 =	vld [tilespmem:s25+$0x8830]  }
0x227: {  	v12 =	vmul.f32 v9, v63;
	v2 =	vadd.f32 v0, v8;
	v24 =	vadd.f32 v5, v24;
	v5 =	vld [tilespmem:$0x1FCA0]  }
0x228: {  	v14 =	vld [tilespmem:s25+$0x8860];
	v0 =	vbroadcast v20, $0xB;
	v10 =	vadd.f32 v10, v11;
	v11 =	vmul.f32 v4, v63  }
0x229: {  	v13 =	vld [tilespmem:s25+$0x8870];
	v26 =	vadd.f32 v57, v26;
	v44 =	vadd.f32 v12, v44;
	v7 =	vmul.f32 v6, v63  }
0x22a: {  	v23 =	vld [tilespmem:s25+$0x8890];
	v18 =	vmul.f32 v18, v0;
	v11 =	vadd.f32 v11, v41;
	v41 =	vmul.f32 v15, v0  }
0x22b: {  	v6 =	vadd.f32 v7, v3;
	v7 =	vld [tilespmem:$0x1FCB0]  }
0x22c: {  	v3 =	vmul.f32 v5, v63;
	v26 =	vadd.f32 v41, v26;
	v41 =	vadd.f32 v18, v44;
	v44 =	vld [tilespmem:$0x1FCC0]  }
0x22d: {  	v57 =	vld [tilespmem:s25+$0x88A0]  }
0x22e: {  	v4 =	vadd.f32 v3, v43;
	v43 =	vld [tilespmem:$0x1FCD0]  }
0x22f: {  	v9 =	vld [tilespmem:s25+$0x88C0]  }
0x230: {  	v17 =	vld [tilespmem:s25+$0x8880]  }
0x231: {  	v12 =	vld [tilespmem:s25+$0x88B0];
	v1 =	vmul.f32 v7, v63;
	v7 =	vmul.f32 v44, v0  }
0x232: {  	v8 =	vmul.f32 v16, v0;
	v16 =	vld [tilespmem:s25+$0x88F0]  }
0x233: {  	v5 =	vadd.f32 v7, v24;
	v24 =	vmul.f32 v43, v0;
	v7 =	vld [tilespmem:$0x1FCE0]  }
0x234: {  	v15 =	vld [tilespmem:s25+$0x88E0]  }
0x235: {  	v44 =	vadd.f32 v8, v2;
	v8 =	vmul.f32 v19, v0;
	v11 =	vadd.f32 v24, v11;
	v24 =	vld [tilespmem:$0x1FD00]  }
0x236: {  	v63 =	vld [tilespmem:s25+$0x88D0]  }
0x237: {  	v6 =	vadd.f32 v8, v6;
	v8 =	vld [tilespmem:$0x1FCF0]  }
0x238: {  	v18 =	vld [tilespmem:s25+$0x8900];
	v2 =	vbroadcast v20, $0xC;
	v3 =	vmul.f32 v7, v0  }
0x239: {  	v19 =	vld [tilespmem:s25+$0x8910]  }
0x23a: {  	v3 =	vadd.f32 v3, v4;
	v4 =	vmul.f32 v24, v2;
	v24 =	vld [tilespmem:$0x1FD20]  }
0x23b: {  	v10 =	vadd.f32 v1, v10;
	v43 =	vld [tilespmem:s25+$0x8920];
	v1 =	vmul.f32 v22, v2  }
0x23c: {  	v22 =	vld [tilespmem:s25+$0x8940];
	v27 =	vmul.f32 v27, v2;
	v0 =	vmul.f32 v8, v0  }
0x23d: {  	v1 =	vadd.f32 v1, v26;
	v26 =	vld [tilespmem:s25+$0x8950]  }
0x23e: {  	v38 =	vmul.f32 v38, v2;
	v6 =	vadd.f32 v27, v6;
	v7 =	vadd.f32 v0, v10;
	v10 =	vld [tilespmem:$0x1FD10]  }
0x23f: {  	v27 =	vmul.f32 v28, v2;
	v28 =	vld [tilespmem:s25+$0x8980];
	v4 =	vadd.f32 v4, v41;
	v41 =	vmul.f32 v24, v2  }
0x240: {  	v8 =	vld [tilespmem:s25+$0x8930];
	v0 =	vbroadcast v20, $0xD  }
0x241: {  	v11 =	vadd.f32 v38, v11;
	v5 =	vadd.f32 v41, v5;
	v41 =	vld [tilespmem:$0x1FD30]  }
0x242: {  	v38 =	vmul.f32 v30, v0;
	v30 =	vld [tilespmem:s25+$0x8990];
	v3 =	vadd.f32 v27, v3;
	v27 =	vmul.f32 v39, v0  }
0x243: {  	v39 =	vmul.f32 v31, v0;
	v31 =	vld [tilespmem:s25+$0x89A0];
	v10 =	vmul.f32 v10, v2  }
0x244: {  	v1 =	vadd.f32 v38, v1;
	v38 =	vmul.f32 v34, v0;
	v34 =	vld [tilespmem:s25+$0x89C0]  }
0x245: {  	v24 =	vld [tilespmem:s25+$0x8960];
	v44 =	vadd.f32 v10, v44  }
0x246: {  	v6 =	vadd.f32 v38, v6;
	v38 =	vld [tilespmem:s25+$0x89F0];
	v2 =	vmul.f32 v41, v2;
	v41 =	vmul.f32 v32, v0  }
0x247: {  	v4 =	vadd.f32 v27, v4;
	v10 =	vld [tilespmem:s25+$0x8970];
	v27 =	vadd.f32 v39, v44;
	v39 =	vmul.f32 v37, v0  }
0x248: {  	v44 =	vmul.f32 v36, v0;
	v36 =	vld [tilespmem:s25+$0x89D0];
	v5 =	vadd.f32 v41, v5;
	v41 =	vbroadcast v20, $0xE  }
0x249: {  	v37 =	vld [tilespmem:s25+$0x89E0];
	v3 =	vadd.f32 v39, v3;
	v0 =	vmul.f32 v53, v0;
	v20 =	vbroadcast v20, $0xF  }
0x24a: {  	v39 =	vld [tilespmem:s25+$0x8A00];
	v2 =	vadd.f32 v2, v7;
	v55 =	vmul.f32 v55, v41;
	v58 =	vmul.f32 v58, v41  }
0x24b: {  	v32 =	vld [tilespmem:s25+$0x89B0];
	v7 =	vadd.f32 v44, v11;
	v59 =	vmul.f32 v59, v41;
	v60 =	vmul.f32 v60, v41  }
0x24c: {  	v53 =	vld [tilespmem:s25+$0x8A20];
	v0 =	vadd.f32 v0, v2;
	v61 =	vmul.f32 v61, v41;
	v62 =	vmul.f32 v62, v41  }
0x24d: {  	v44 =	vld [tilespmem:s25+$0x8A10];
	v51 =	vmul.f32 v51, v41;
	v1 =	vadd.f32 v55, v1;
	v4 =	vadd.f32 v58, v4  }
0x24e: {  	v11 =	vld [tilespmem:s25+$0x8BB0];
	v48 =	vmul.f32 v48, v20;
	v2 =	vadd.f32 v59, v27;
	v5 =	vadd.f32 v60, v5  }
0x24f: {  	v55 =	vld [tilespmem:s25+$0x8A30];
	v6 =	vadd.f32 v61, v6;
	v58 =	vmul.f32 v50, v41;
	v59 =	vmul.f32 v56, v20  }
0x250: {  	v50 =	vld [tilespmem:s25+$0x8A40];
	v7 =	vadd.f32 v62, v7;
	v60 =	vmul.f32 v54, v20;
	v61 =	vmul.f32 v52, v20  }
0x251: {  	v3 =	vadd.f32 v51, v3;
	v51 =	vld [tilespmem:s25+$0x8A50];
	v62 =	vmul.f32 v49, v20;
	v56 =	vmul.f32 v45, v20  }
0x252: {  	v41 =	vld [tilespmem:s25+$0x8A60];
	v54 =	vbroadcast v21, $0x1;
	v0 =	vadd.f32 v58, v0;
	v1 =	vadd.f32 v59, v1  }
0x253: {  	v49 =	vld [tilespmem:s25+$0x8A70];
	v4 =	vadd.f32 v60, v4;
	v58 =	vbroadcast v21, $0x0;
	v59 =	vmul.f32 v47, v20  }
0x254: {  	v52 =	vld [tilespmem:s25+$0x8A80];
	v2 =	vadd.f32 v61, v2;
	v20 =	vmul.f32 v46, v20;
	v17 =	vmul.f32 v17, v54  }
0x255: {  	v27 =	vld [tilespmem:s25+$0x8AC0];
	v5 =	vadd.f32 v62, v5;
	v12 =	vmul.f32 v12, v54;
	v9 =	vmul.f32 v9, v54  }
0x256: {  	v6 =	vadd.f32 v48, v6;
	v47 =	vld [tilespmem:s25+$0x8A90];
	v15 =	vmul.f32 v15, v54;
	v60 =	vmul.f32 v42, v58  }
0x257: {  	v7 =	vadd.f32 v56, v7;
	v42 =	vld [tilespmem:s25+$0x8AA0];
	v61 =	vmul.f32 v40, v58;
	v35 =	vmul.f32 v35, v58  }
0x258: {  	v3 =	vadd.f32 v59, v3;
	v40 =	vld [tilespmem:s25+$0x8AB0];
	v62 =	vmul.f32 v29, v58;
	v46 =	vmul.f32 v33, v58  }
0x259: {  	v0 =	vadd.f32 v20, v0;
	v29 =	vld [tilespmem:s25+$0x8AD0];
	v48 =	vmul.f32 v25, v58;
	v56 =	vmul.f32 v14, v58  }
0x25a: {  	v33 =	vld [tilespmem:s25+$0x8AE0];
	v13 =	vmul.f32 v13, v58;
	v1 =	vadd.f32 v60, v1;
	v4 =	vadd.f32 v61, v4  }
0x25b: {  	v14 =	vld [tilespmem:s25+$0x8AF0];
	v58 =	vmul.f32 v23, v54;
	v2 =	vadd.f32 v35, v2;
	v5 =	vadd.f32 v62, v5  }
0x25c: {  	v23 =	vld [tilespmem:s25+$0x8B00];
	v59 =	vmul.f32 v57, v54;
	v6 =	vadd.f32 v46, v6;
	v7 =	vadd.f32 v48, v7  }
0x25d: {  	v20 =	vld [tilespmem:s25+$0x8B30];
	v3 =	vadd.f32 v56, v3;
	v60 =	vbroadcast v21, $0x2;
	v61 =	vmul.f32 v63, v54  }
0x25e: {  	v0 =	vadd.f32 v13, v0;
	v13 =	vld [tilespmem:s25+$0x8B10];
	v62 =	vmul.f32 v16, v54;
	v48 =	vbroadcast v21, $0x3  }
0x25f: {  	v35 =	vld [tilespmem:s25+$0x8B40];
	v1 =	vadd.f32 v17, v1;
	v4 =	vadd.f32 v58, v4;
	v63 =	vmul.f32 v18, v60  }
0x260: {  	v16 =	vld [tilespmem:s25+$0x8B70];
	v2 =	vadd.f32 v59, v2;
	v25 =	vmul.f32 v19, v60;
	v43 =	vmul.f32 v43, v60  }
0x261: {  	v17 =	vld [tilespmem:s25+$0x8B20];
	v5 =	vadd.f32 v12, v5;
	v8 =	vmul.f32 v8, v60;
	v45 =	vmul.f32 v22, v60  }
0x262: {  	v6 =	vadd.f32 v9, v6;
	v18 =	vld [tilespmem:s25+$0x8B50];
	v46 =	vmul.f32 v26, v60;
	v54 =	vmul.f32 v24, v60  }
0x263: {  	v3 =	vadd.f32 v15, v3;
	v15 =	vld [tilespmem:s25+$0x8B60];
	v56 =	vmul.f32 v10, v60;
	v57 =	vmul.f32 v28, v48  }
0x264: {  	v7 =	vadd.f32 v61, v7;
	v19 =	vld [tilespmem:s25+$0x8B80];
	v58 =	vmul.f32 v30, v48;
	v59 =	vmul.f32 v31, v48  }
0x265: {  	v0 =	vadd.f32 v62, v0;
	v12 =	vld [tilespmem:s25+$0x8BA0];
	v60 =	vmul.f32 v32, v48;
	v61 =	vmul.f32 v34, v48  }
0x266: {  	v26 =	vld [tilespmem:s25+$0x8BC0];
	v62 =	vmul.f32 v36, v48;
	v1 =	vadd.f32 v63, v1;
	v4 =	vadd.f32 v25, v4  }
0x267: {  	v10 =	vld [tilespmem:s25+$0x8BD0];
	v37 =	vmul.f32 v37, v48;
	v2 =	vadd.f32 v43, v2;
	v5 =	vadd.f32 v8, v5  }
0x268: {  	v24 =	vld [tilespmem:s25+$0x8BE0];
	v6 =	vadd.f32 v45, v6;
	v7 =	vadd.f32 v46, v7;
	v63 =	vbroadcast v21, $0x4  }
0x269: {  	v30 =	vld [tilespmem:s25+$0x8BF0];
	v22 =	vmul.f32 v38, v48;
	v3 =	vadd.f32 v54, v3;
	v0 =	vadd.f32 v56, v0  }
0x26a: {  	v31 =	vld [tilespmem:s25+$0x8C00];
	v54 =	vbroadcast v21, $0x5;
	v1 =	vadd.f32 v57, v1;
	v43 =	vmul.f32 v39, v63  }
0x26b: {  	v34 =	vld [tilespmem:s25+$0x8C10];
	v4 =	vadd.f32 v58, v4;
	v45 =	vmul.f32 v44, v63;
	v46 =	vmul.f32 v53, v63  }
0x26c: {  	v32 =	vld [tilespmem:s25+$0x8C30];
	v2 =	vadd.f32 v59, v2;
	v48 =	vmul.f32 v55, v63;
	v53 =	vmul.f32 v50, v63  }
0x26d: {  	v38 =	vld [tilespmem:s25+$0x8C70];
	v5 =	vadd.f32 v60, v5;
	v55 =	vmul.f32 v51, v63;
	v56 =	vmul.f32 v41, v63  }
0x26e: {  	v28 =	vld [tilespmem:s25+$0x8C80];
	v6 =	vadd.f32 v61, v6;
	v57 =	vmul.f32 v49, v63;
	v58 =	vmul.f32 v52, v54  }
0x26f: {  	v25 =	vld [tilespmem:s25+$0x8B90];
	v7 =	vadd.f32 v62, v7;
	v59 =	vmul.f32 v47, v54;
	v60 =	vmul.f32 v42, v54  }
0x270: {  	v0 =	vadd.f32 v22, v0;
	v22 =	vld [tilespmem:s25+$0x8C20];
	v61 =	vmul.f32 v40, v54;
	v27 =	vmul.f32 v27, v54  }
0x271: {  	v3 =	vadd.f32 v37, v3;
	v37 =	vld [tilespmem:s25+$0x8C40];
	v62 =	vmul.f32 v29, v54;
	v63 =	vbroadcast v21, $0x6  }
0x272: {  	v39 =	vld [tilespmem:s25+$0x8C50];
	v33 =	vmul.f32 v33, v54;
	v36 =	vmul.f32 v14, v54  }
0x273: {  	v41 =	vld [tilespmem:s25+$0x8C60];
	v49 =	vbroadcast v21, $0x7;
	v1 =	vadd.f32 v43, v1;
	v4 =	vadd.f32 v45, v4  }
0x274: {  	v40 =	vld [tilespmem:s25+$0x8C90];
	v2 =	vadd.f32 v46, v2;
	v43 =	vmul.f32 v23, v63;
	v44 =	vmul.f32 v13, v63  }
0x275: {  	v42 =	vld [tilespmem:s25+$0x8CA0];
	v5 =	vadd.f32 v48, v5;
	v45 =	vmul.f32 v17, v63;
	v46 =	vmul.f32 v20, v63  }
0x276: {  	v14 =	vld [tilespmem:s25+$0x8CE0];
	v6 =	vadd.f32 v53, v6;
	v47 =	vmul.f32 v35, v63;
	v48 =	vmul.f32 v18, v63  }
0x277: {  	v29 =	vld [tilespmem:s25+$0x8DA0];
	v7 =	vadd.f32 v55, v7;
	v50 =	vmul.f32 v15, v63;
	v51 =	vmul.f32 v16, v63  }
0x278: {  	v3 =	vadd.f32 v56, v3;
	v23 =	vld [tilespmem:s25+$0x8CC0];
	v52 =	vmul.f32 v19, v49;
	v54 =	vmul.f32 v12, v49  }
0x279: {  	v0 =	vadd.f32 v57, v0;
	v17 =	vld [tilespmem:s25+$0x8CD0];
	v55 =	vmul.f32 v11, v49;
	v56 =	vmul.f32 v26, v49  }
0x27a: {  	v13 =	vld [tilespmem:s25+$0x8CF0];
	v57 =	vbroadcast v21, $0x8;
	v1 =	vadd.f32 v58, v1;
	v4 =	vadd.f32 v59, v4  }
0x27b: {  	v20 =	vld [tilespmem:s25+$0x8D00];
	v53 =	vmul.f32 v25, v49;
	v2 =	vadd.f32 v60, v2;
	v5 =	vadd.f32 v61, v5  }
0x27c: {  	v16 =	vld [tilespmem:s25+$0x8D10];
	v6 =	vadd.f32 v27, v6;
	v58 =	vmul.f32 v10, v49;
	v59 =	vmul.f32 v24, v49  }
0x27d: {  	v12 =	vld [tilespmem:s25+$0x8D30];
	v7 =	vadd.f32 v62, v7;
	v60 =	vmul.f32 v30, v49;
	v61 =	vmul.f32 v31, v57  }
0x27e: {  	v11 =	vld [tilespmem:s25+$0x8D40];
	v3 =	vadd.f32 v33, v3;
	v62 =	vmul.f32 v34, v57;
	v33 =	vmul.f32 v32, v57  }
0x27f: {  	v19 =	vld [tilespmem:s25+$0x8D50];
	v0 =	vadd.f32 v36, v0;
	v36 =	vbroadcast v21, $0x9;
	v63 =	vmul.f32 v22, v57  }
0x280: {  	v26 =	vld [tilespmem:s25+$0x8D70];
	v34 =	vmul.f32 v37, v57;
	v35 =	vmul.f32 v39, v57;
	v1 =	vadd.f32 v43, v1  }
0x281: {  	v18 =	vld [tilespmem:s25+$0x8D90];
	v37 =	vmul.f32 v41, v57;
	v4 =	vadd.f32 v44, v4;
	v2 =	vadd.f32 v45, v2  }
0x282: {  	v15 =	vld [tilespmem:s25+$0x8DF0];
	v39 =	vmul.f32 v38, v57;
	v5 =	vadd.f32 v46, v5;
	v6 =	vadd.f32 v47, v6  }
0x283: {  	v25 =	vld [tilespmem:s25+$0x8D20];
	v7 =	vadd.f32 v48, v7;
	v3 =	vadd.f32 v50, v3;
	v41 =	vmul.f32 v28, v36  }
0x284: {  	v27 =	vld [tilespmem:s25+$0x8CB0];
	v0 =	vadd.f32 v51, v0;
	v44 =	vmul.f32 v40, v36;
	v45 =	vmul.f32 v42, v36  }
0x285: {  	v24 =	vld [tilespmem:s25+$0x8D60];
	v50 =	vbroadcast v21, $0xA;
	v48 =	vmul.f32 v23, v36;
	v1 =	vadd.f32 v52, v1  }
0x286: {  	v10 =	vld [tilespmem:s25+$0x8D80];
	v49 =	vmul.f32 v17, v36;
	v4 =	vadd.f32 v53, v4;
	v2 =	vadd.f32 v54, v2  }
0x287: {  	v31 =	vld [tilespmem:s25+$0x8DB0];
	v13 =	vmul.f32 v13, v36;
	v5 =	vadd.f32 v55, v5;
	v6 =	vadd.f32 v56, v6  }
0x288: {  	v32 =	vld [tilespmem:s25+$0x8E70];
	v7 =	vadd.f32 v58, v7;
	v3 =	vadd.f32 v59, v3;
	v52 =	vmul.f32 v14, v36  }
0x289: {  	v22 =	vld [tilespmem:s25+$0x8DC0];
	v0 =	vadd.f32 v60, v0;
	v54 =	vmul.f32 v20, v50;
	v16 =	vmul.f32 v16, v50  }
0x28a: {  	v57 =	vld [tilespmem:s25+$0x8E40];
	v56 =	vmul.f32 v25, v50;
	v58 =	vmul.f32 v12, v50;
	v1 =	vadd.f32 v61, v1  }
0x28b: {  	v43 =	vld [tilespmem:s25+$0x8DD0];
	v60 =	vmul.f32 v11, v50;
	v4 =	vadd.f32 v62, v4;
	v2 =	vadd.f32 v63, v2  }
0x28c: {  	v46 =	vld [tilespmem:s25+$0x8DE0];
	v47 =	vmul.f32 v27, v36;
	v5 =	vadd.f32 v33, v5;
	v6 =	vadd.f32 v34, v6  }
0x28d: {  	v51 =	vld [tilespmem:s25+$0x8E10];
	v30 =	vmul.f32 v24, v50;
	v7 =	vadd.f32 v35, v7;
	v3 =	vadd.f32 v37, v3  }
0x28e: {  	v42 =	vld [tilespmem:s25+$0x8EB0];
	v0 =	vadd.f32 v39, v0;
	v61 =	vbroadcast v21, $0xB;
	v1 =	vadd.f32 v41, v1  }
0x28f: {  	v28 =	vld [tilespmem:s25+$0x8F50];
	v63 =	vmul.f32 v19, v50;
	v4 =	vadd.f32 v44, v4;
	v2 =	vadd.f32 v45, v2  }
0x290: {  	v23 =	vld [tilespmem:s25+$0x8E00];
	v34 =	vmul.f32 v26, v50;
	v5 =	vadd.f32 v47, v5;
	v6 =	vadd.f32 v48, v6  }
0x291: {  	v53 =	vld [tilespmem:s25+$0x8E20];
	v7 =	vadd.f32 v49, v7;
	v10 =	vmul.f32 v10, v61;
	v36 =	vmul.f32 v18, v61  }
0x292: {  	v55 =	vld [tilespmem:s25+$0x8E30];
	v3 =	vadd.f32 v52, v3;
	v38 =	vmul.f32 v29, v61;
	v40 =	vmul.f32 v31, v61  }
0x293: {  	v59 =	vld [tilespmem:s25+$0x8E50];
	v0 =	vadd.f32 v13, v0;
	v41 =	vmul.f32 v22, v61;
	v43 =	vmul.f32 v43, v61  }
0x294: {  	v25 =	vld [tilespmem:s25+$0x8F40];
	v44 =	vbroadcast v21, $0xC;
	v46 =	vmul.f32 v46, v61;
	v1 =	vadd.f32 v54, v1  }
0x295: {  	v62 =	vld [tilespmem:s25+$0x8E60];
	v48 =	vmul.f32 v15, v61;
	v4 =	vadd.f32 v16, v4;
	v2 =	vadd.f32 v56, v2  }
0x296: {  	v35 =	vld [tilespmem:s25+$0x8E80];
	v5 =	vadd.f32 v58, v5;
	v6 =	vadd.f32 v60, v6;
	v49 =	vmul.f32 v23, v44  }
0x297: {  	v37 =	vld [tilespmem:s25+$0x8E90];
	v7 =	vadd.f32 v63, v7;
	v51 =	vmul.f32 v51, v44;
	v14 =	vmul.f32 v53, v44  }
0x298: {  	v39 =	vld [tilespmem:s25+$0x8EA0];
	v3 =	vadd.f32 v30, v3;
	v53 =	vmul.f32 v55, v44;
	v55 =	vmul.f32 v57, v44  }
0x299: {  	v50 =	vld [tilespmem:s25+$0x8EE0];
	v0 =	vadd.f32 v34, v0;
	v57 =	vmul.f32 v59, v44;
	v58 =	vbroadcast v21, $0xD  }
0x29a: {  	v33 =	vld [tilespmem:s25+$0x8F70];
	v61 =	vmul.f32 v32, v44;
	v1 =	vadd.f32 v10, v1;
	v4 =	vadd.f32 v36, v4  }
0x29b: {  	v45 =	vld [tilespmem:s25+$0x8EC0];
	v60 =	vmul.f32 v62, v44;
	v2 =	vadd.f32 v38, v2;
	v5 =	vadd.f32 v40, v5  }
0x29c: {  	v47 =	vld [tilespmem:s25+$0x8ED0];
	v6 =	vadd.f32 v41, v6;
	v7 =	vadd.f32 v43, v7;
	v63 =	vmul.f32 v35, v58  }
0x29d: {  	v52 =	vld [tilespmem:s25+$0x8EF0];
	v3 =	vadd.f32 v46, v3;
	v24 =	vmul.f32 v37, v58;
	v27 =	vmul.f32 v39, v58  }
0x29e: {  	v54 =	vld [tilespmem:s25+$0x8F00];
	v0 =	vadd.f32 v48, v0;
	v29 =	vmul.f32 v42, v58;
	v34 =	vmul.f32 v50, v58  }
0x29f: {  	v56 =	vld [tilespmem:s25+$0x8F10];
	v35 =	vbroadcast v21, $0xE;
	v43 =	vbroadcast v21, $0xF;
	v1 =	vadd.f32 v49, v1  }
0x2a0: {  	v59 =	vld [tilespmem:s25+$0x8F20];
	v31 =	vmul.f32 v45, v58;
	v4 =	vadd.f32 v51, v4;
	v2 =	vadd.f32 v14, v2  }
0x2a1: {  	v30 =	vld [tilespmem:s25+$0x8F60];
	v32 =	vmul.f32 v47, v58;
	v5 =	vadd.f32 v53, v5;
	v6 =	vadd.f32 v55, v6  }
0x2a2: {  	v62 =	vld [tilespmem:s25+$0x8F30];
	v37 =	vmul.f32 v52, v58;
	v7 =	vadd.f32 v57, v7;
	v3 =	vadd.f32 v60, v3  }
0x2a3: {  	v36 =	vld [tilespmem:s25+$0x8F80];
	v0 =	vadd.f32 v61, v0;
	v47 =	vmul.f32 v25, v35;
	v50 =	vmul.f32 v28, v35  }
0x2a4: {  	v38 =	vld [tilespmem:s25+$0x8F90];
	v58 =	vmul.f32 v33, v35;
	v39 =	vmul.f32 v54, v35;
	v1 =	vadd.f32 v63, v1  }
0x2a5: {  	v41 =	vld [tilespmem:s25+$0x8FA0];
	v40 =	vmul.f32 v56, v35;
	v4 =	vadd.f32 v24, v4;
	v2 =	vadd.f32 v27, v2  }
0x2a6: {  	v44 =	vld [tilespmem:s25+$0x8FB0];
	v42 =	vmul.f32 v59, v35;
	v5 =	vadd.f32 v29, v5;
	v6 =	vadd.f32 v31, v6  }
0x2a7: {  	v46 =	vld [tilespmem:s25+$0x8FC0];
	v56 =	vmul.f32 v30, v35;
	v7 =	vadd.f32 v32, v7;
	v3 =	vadd.f32 v34, v3  }
0x2a8: {  	v49 =	vld [tilespmem:s25+$0x8FD0];
	v0 =	vadd.f32 v37, v0;
	v48 =	vmul.f32 v36, v43;
	v1 =	vadd.f32 v39, v1  }
0x2a9: {  	v54 =	vld [tilespmem:s25+$0x8FF0];
	v45 =	vmul.f32 v62, v35;
	v51 =	vmul.f32 v38, v43;
	v4 =	vadd.f32 v40, v4  }
0x2aa: {  	v52 =	vld [tilespmem:s25+$0x8FE0];
	v53 =	vmul.f32 v41, v43;
	v2 =	vadd.f32 v42, v2;
	v1 =	vadd.f32 v48, v1  }
0x2ab: {  	v55 =	vmul.f32 v44, v43;
	v5 =	vadd.f32 v45, v5;
	v4 =	vadd.f32 v51, v4  }
0x2ac: {  	v57 =	vmul.f32 v46, v43;
	v6 =	vadd.f32 v47, v6;
	v2 =	vadd.f32 v53, v2;
	[tilespmem:s24+$0xC000] =	vst v1  }
0x2ad: {  	v7 =	vadd.f32 v50, v7;
	v59 =	vmul.f32 v49, v43;
	v5 =	vadd.f32 v55, v5;
	[tilespmem:s24+$0xC010] =	vst v4  }
0x2ae: {  	p1 =	sne.s32 s23, $0x3;
	v0 =	vadd.f32 v58, v0;
	v60 =	vadd.f32 v57, v6;
	v63 =	vmul.f32 v54, v43;
	[tilespmem:s24+$0xC020] =	vst v2  }
.Ltmp1:
0x2af: {  	v61 =	vmul.f32 v52, v43;
	v62 =	vadd.f32 v59, v7;
	v1 =	vadd.f32 v56, v3;
	[tilespmem:s24+$0xC030] =	vst v5;
	(pc) =	sbr.rel @p1 .LBB2_6-.Ltmp1, $4  }
0x2b0: {  	[tilespmem:s24+$0xC040] =	vst v60;
	v0 =	vadd.f32 v63, v0  }
0x2b1: {  	[tilespmem:s24+$0xC050] =	vst v62;
	v1 =	vadd.f32 v61, v1  }
0x2b2: {  	[tilespmem:s24+$0xC070] =	vst v0  }
0x2b3: {  	s23 =	sadd.s32 $0x1, s23;
	[tilespmem:s24+$0xC060] =	vst v1  }
0x2b4: {  	s20 =	sadd.s32 $0x1, s20  }
0x2b5: {  	p1 =	sne.s32 s20, $0x20  }
.Ltmp2:
0x2b6: {  	_ = 	snop;
	(pc) =	sbr.rel @p1 .LBB2_3-.Ltmp2, $1  }
0x2b7: {  	_ =	sdelay $0x3  }
.Ltmp3:
0x2b8: {  	s20 =	sadd.s32 s2, s21;
	(pc) =	sbr.rel @p0 .LBB2_2-.Ltmp3, $4  }
0x2b9: {  	[hbm4b:s20+s4] =	stream.linear.scatter [tilespmem:s14], [sflag:$0x3], $0x8000, $0x38;
	[tilespmem:$0x14000] =	vst v63  }
0x2ba: {  	_ =	swait.ge [sflag:s10], $0x8000  }
0x2bb: {  	[sflag:s10] =	ssyncset.done $0x0  }
0x2bc: {  	s21 =	simm.s32 $0x1;
	p1 =	por $0x0, $0x0;
	[sflag:s10] =	ssyncadd.s32 $0xFFFF8000  }
0x2bd: {  	s19 =	sadd.s32 $0x1, s19  }
0x2be: {  	p0 =	sne.s32 s19, s9  }
.Ltmp4:
0x2bf: {  	_ = 	snop;
	(pc) =	sbr.rel @p0 .LBB2_1-.Ltmp4, $1  }
0x2c0: {  	_ =	sdelay $0x3  }
0x2c1: {  	_ =	sfence.sel $0x180000  }
0x2c2: {  	[bflag:$0x0] =	sbarrier.arrive $0xFFFF  }
0x2c3: {  	p0 =	sne.s32 s3, $0x0;
	_ =	strace $0x90000047  }
0x2c4: {  	s0 =	sadd.s32 @!p0 $0x100000, s0;
	[bflag:$0x2] =	sbarrier.arrive $0xFFFF  }
0x2c5: {  	[sflag:s0] =	ssyncadd.tile.s32 @!p0 $0x1;
	_ =	shalt  }
.Lfunc_end2:
_tile_overlayer_lowered:
.L_overlay_start_2:
0x2c6: {  	(tag) =	ssettag $0x2  }
0x2c7: {  	s0 =	rddreg [dreg:$0x0];
	s2 =	stileid.u32  }
0x2c8: {  	s1 =	rddreg [dreg:$0x1];
	p0 =	sne.s32 s2, $0x0  }
0x2c9: {  	s3 =	rddreg [dreg:$0x2];
	[bflag:$0x3] =	sbarrier.arrive $0xFFFF;
	s2 =	simm.s32 @!p0 $0x1C03  }
0x2ca: {  	[timem:s3], [sflag:s2] =	dma.local @!p0 [hbm:s0], s1  }
0x2cb: {  	s0 =	simm.s32 @!p0 $0x3  }
0x2cc: {  	_ =	swait.ge @!p0 [sflag:s0], s1  }
0x2cd: {  	s1 =	ssub.s32 @!p0 $0x0, s1;
	[sflag:s0] =	ssyncset.done @!p0 $0x0  }
0x2ce: {  	[sflag:s0] =	ssyncadd.s32 @!p0 s1  }
0x2cf: {  	[bflag:$0x3] =	sbarrier.arrive $0xFFFF  }
0x2d0: {  	_ =	shalt  }

</sc_bundles>
